<compile_context>
chip_gen: v7x
topology: tpu7x:2x2x1
jax: 0.10.2.dev20260603
libtpu: 0.0.44.dev20260713+nightly
codegen_flags: <defaults>
</compile_context>

<pallas_src>
import functools

import jax
import jax.numpy as jnp
from jax import lax
from jax.experimental import pallas as pl
from jax.experimental.pallas import tpu as pltpu
from jax.experimental.pallas import tpu_sc as plsc

_D = 768
_SEQ = 77
_BATCH = 1024
_NC = 2
_NS = 16
_NW = _NC * _NS
_BPW = _BATCH // _NW
_LANES = 16
_PPW = _D // (2 * _LANES)


def _sc_embed(ids_w, tok_w, pos_pk):
  mesh = plsc.VectorSubcoreMesh(core_axis_name="c", subcore_axis_name="s")

  @functools.partial(
      pl.kernel,
      mesh=mesh,
      out_type=jax.ShapeDtypeStruct((_SEQ, _BATCH, _D), jnp.float32),
      scratch_types=[
          pltpu.VMEM((_SEQ * _BPW,), jnp.int32),
          pltpu.VMEM((_SEQ, _D), jnp.float32),
          pltpu.VMEM((_BPW, _D), jnp.float32),
          pltpu.VMEM((_BPW, _D), jnp.float32),
          pltpu.SemaphoreType.DMA,
          pltpu.SemaphoreType.DMA,
          pltpu.SemaphoreType.DMA,
          pltpu.SemaphoreType.DMA,
          pltpu.SemaphoreType.DMA,
      ],
  )
  def k(ids_hbm, tab_hbm, pos_hbm, out_hbm, idx_v, pos_v, buf_a, buf_b,
        gsem_a, gsem_b, wsem_a, wsem_b, psem):
    wid = lax.axis_index("s") * _NC + lax.axis_index("c")
    b0 = wid * _BPW
    pltpu.sync_copy(ids_hbm.at[pl.ds(wid * _SEQ * _BPW, _SEQ * _BPW)], idx_v)
    pos_copy = pltpu.async_copy(pos_hbm, pos_v, psem)

    def g_start(s, buf, gsem):
      pltpu.async_copy(tab_hbm.at[idx_v.at[pl.ds(s * _BPW, _BPW)]], buf, gsem)

    def g_wait(s, buf, gsem):
      pltpu.make_async_copy(
          tab_hbm.at[idx_v.at[pl.ds(s * _BPW, _BPW)]], buf, gsem).wait()

    def w_start(s, buf, wsem):
      pltpu.async_copy(buf, out_hbm.at[s, pl.ds(b0, _BPW)], wsem)

    def w_wait(s, buf, wsem):
      pltpu.make_async_copy(buf, out_hbm.at[s, pl.ds(b0, _BPW)], wsem).wait()

    def add_pos(s, buf):
      pchunks = [
          pos_v[s, pl.ds(c * _LANES, _LANES)]
          for c in range(_D // _LANES)
      ]

      @plsc.parallel_loop(0, _BPW)
      def _(i):
        for c in range(_D // _LANES):
          sl = pl.ds(c * _LANES, _LANES)
          buf[i, sl] = buf[i, sl] + pchunks[c]

    g_start(0, buf_a, gsem_a)
    g_start(1, buf_b, gsem_b)
    pos_copy.wait()

    npair = _SEQ // 2

    def pair_body(t, carry):
      s = 2 * t
      g_wait(s, buf_a, gsem_a)
      add_pos(s, buf_a)
      w_start(s, buf_a, wsem_a)
      g_wait(s + 1, buf_b, gsem_b)
      add_pos(s + 1, buf_b)
      w_start(s + 1, buf_b, wsem_b)

      @pl.when(s + 2 < _SEQ)
      def _():
        w_wait(s, buf_a, wsem_a)
        g_start(s + 2, buf_a, gsem_a)

      @pl.when(s + 3 < _SEQ)
      def _():
        w_wait(s + 1, buf_b, wsem_b)
        g_start(s + 3, buf_b, gsem_b)

      return carry

    lax.fori_loop(0, npair, pair_body, 0)

    s_last = _SEQ - 1
    g_wait(s_last, buf_a, gsem_a)
    add_pos(s_last, buf_a)
    w_start(s_last, buf_a, wsem_a)
    w_wait(s_last, buf_a, wsem_a)
    w_wait(s_last - 1, buf_b, wsem_b)

  return k(ids_w, tok_w, pos_pk)


def kernel(input_ids, token_embedding_weight, position_embedding_weight):
  ids = input_ids.astype(jnp.int32)
  ids_w = ids.reshape(_NW, _BPW, _SEQ).transpose(0, 2, 1).reshape(-1)
  out_t = _sc_embed(ids_w, token_embedding_weight,
                    position_embedding_weight)
  return out_t.transpose(1, 0, 2)

# --- scband reference (transcript-rebuilt; emitter-appended) ---
"""Pipeline reference for scband-persona-cliptext-embeddings-91328184582182 (READ-ONLY COPY).

The authoritative reference and input builder live on the scoring server;
editing this copy changes nothing except your own understanding.
"""

import jax, jax.numpy as jnp
import numpy as np

VOCAB_SIZE = 49408
HIDDEN = 768
MAX_POS = 77
BATCH = 1024
SEQ = 77


def setup_inputs(seed: int = 0) -> dict:
    key = jax.random.key(seed)
    k1, k2, k3 = jax.random.split(key, 3)
    input_ids = jax.random.randint(k1, (BATCH, SEQ), 0, VOCAB_SIZE, dtype=jnp.int64 if jax.config.jax_enable_x64 else jnp.int32)
    token_embedding_weight = jax.random.normal(k2, (VOCAB_SIZE, HIDDEN), dtype=jnp.float32) * 0.02
    position_embedding_weight = jax.random.normal(k3, (MAX_POS, HIDDEN), dtype=jnp.float32) * 0.02
    return {
        "input_ids": input_ids,
        "token_embedding_weight": token_embedding_weight,
        "position_embedding_weight": position_embedding_weight,
    }


def reference(input_ids, token_embedding_weight, position_embedding_weight):
    # Faithful translation of PersonaCLIPTextEmbeddings.forward with
    # batch=None, position_ids=None, inputs_embeds=None (mapper path unused).
    seq_length = input_ids.shape[-1]
    position_ids = jnp.arange(seq_length)[None, :]  # registered buffer, sliced to seq_length
    inputs_embeds = jnp.take(token_embedding_weight, input_ids, axis=0)  # token_embedding(input_ids)
    position_embeddings = jnp.take(position_embedding_weight, position_ids, axis=0)  # position_embedding(position_ids)
    embeddings = inputs_embeds + position_embeddings  # broadcast over batch
    bypass_outputs = None
    return embeddings

if __name__ == "__main__":
    import jax
    _d = setup_inputs()
    print(jax.jit(kernel)(*tuple(_d.values())))

</pallas_src>

<mosaic_0001>
#map = affine_map<(d0, d1) -> (0)>
#map1 = affine_map<(d0, d1) -> (0, 0)>
#map2 = affine_map<(d0, d1) -> (0, 0, 0)>
module attributes {stable_mosaic.version = 14 : i64} {
  func.func @k(%arg0: i32, %arg1: i32, %arg2: memref<78848xi32, #tpu.memory_space<hbm>>, %arg3: memref<49408x768xf32, #tpu.memory_space<hbm>>, %arg4: memref<77x768xf32, #tpu.memory_space<hbm>>, %arg5: memref<77x1024x768xf32, #tpu.memory_space<hbm>>, %arg6: memref<2464xi32, #tpu.memory_space<vmem>>, %arg7: memref<77x768xf32, #tpu.memory_space<vmem>>, %arg8: memref<32x768xf32, #tpu.memory_space<vmem>>, %arg9: memref<32x768xf32, #tpu.memory_space<vmem>>, %arg10: memref<!tpu.dma_semaphore, #tpu.memory_space<semaphore_mem>>, %arg11: memref<!tpu.dma_semaphore, #tpu.memory_space<semaphore_mem>>, %arg12: memref<!tpu.dma_semaphore, #tpu.memory_space<semaphore_mem>>, %arg13: memref<!tpu.dma_semaphore, #tpu.memory_space<semaphore_mem>>, %arg14: memref<!tpu.dma_semaphore, #tpu.memory_space<semaphore_mem>>) attributes {dimension_semantics = [#tpu.dimension_semantics<core_parallel>, #tpu.dimension_semantics<subcore_parallel>], iteration_bounds = array<i64: 2, 16>, scalar_prefetch = 0 : i64, scratch_operands = 9 : i64, tpu.core_type = #tpu.core_type<sc_vector_subcore>, window_params = [{transform_indices = #map}, {transform_indices = #map1}, {transform_indices = #map1}, {transform_indices = #map2}]} {
    %mul3A = arith.constant 2 : i32
    %mul3A_0 = arith.muli %arg1, %mul3A : i32
    %add3A = arith.addi %mul3A_0, %arg0 : i32
    %mul3A_1 = arith.constant 32 : i32
    %mul3A_2 = arith.muli %add3A, %mul3A_1 : i32
    %mul3A_3 = arith.constant 77 : i32
    %mul3A_4 = arith.muli %add3A, %mul3A_3 : i32
    %mul3A_5 = arith.constant 32 : i32
    %mul3A_6 = arith.muli %mul3A_4, %mul3A_5 : i32
    "tpu.region"() ({
      %run_scoped3A = tpu.sem_alloc : memref<!tpu.dma_semaphore, #tpu.memory_space<semaphore_mem>>
      %dma_start3A_287 = tpu.memref_slice %arg2[%mul3A_6] : memref<78848xi32, #tpu.memory_space<hbm>> -> memref<2464xi32, #tpu.memory_space<hbm>>
      %dma_start3A_288 = tpu.memref_slice %arg2[%mul3A_6] : memref<78848xi32, #tpu.memory_space<hbm>> -> memref<2464xi32, #tpu.memory_space<hbm>>
      tpu.enqueue_dma source(%dma_start3A_288 : memref<2464xi32, #tpu.memory_space<hbm>>) target(%arg6 : memref<2464xi32, #tpu.memory_space<vmem>>) target_semaphore(%run_scoped3A : memref<!tpu.dma_semaphore, #tpu.memory_space<semaphore_mem>>)
      %dma_wait3A_289 = tpu.memref_slice %arg2[%mul3A_6] : memref<78848xi32, #tpu.memory_space<hbm>> -> memref<2464xi32, #tpu.memory_space<hbm>>
      %dma_wait3A_290 = tpu.memref_slice %arg2[%mul3A_6] : memref<78848xi32, #tpu.memory_space<hbm>> -> memref<2464xi32, #tpu.memory_space<hbm>>
      tpu.wait_dma2 semaphore(%run_scoped3A : memref<!tpu.dma_semaphore, #tpu.memory_space<semaphore_mem>>) src(%dma_wait3A_290 : memref<2464xi32, #tpu.memory_space<hbm>>) dst(%arg6 : memref<2464xi32, #tpu.memory_space<vmem>>)
      tpu.yield
    }) : () -> ()
    tpu.enqueue_dma source(%arg4 : memref<77x768xf32, #tpu.memory_space<hbm>>) target(%arg7 : memref<77x768xf32, #tpu.memory_space<vmem>>) target_semaphore(%arg14 : memref<!tpu.dma_semaphore, #tpu.memory_space<semaphore_mem>>)
    %dma_start3A = arith.constant 0 : i32
    %dma_start3A_7 = tpu.memref_slice %arg6[%dma_start3A] : memref<2464xi32, #tpu.memory_space<vmem>> -> memref<32xi32, #tpu.memory_space<vmem>>
    %dma_start3A_8 = arith.constant 0 : i32
    %dma_start3A_9 = arith.constant 0 : i32
    %dma_start3A_10 = tpu.memref_slice %arg3[%dma_start3A_8, %dma_start3A_9] : memref<49408x768xf32, #tpu.memory_space<hbm>> -> memref<49408x768xf32, #tpu.memory_space<hbm>>
    tpu.enqueue_indirect_dma source(%dma_start3A_10 : memref<49408x768xf32, #tpu.memory_space<hbm>>) target(%arg8 : memref<32x768xf32, #tpu.memory_space<vmem>>) offsets(%dma_start3A_7 : memref<32xi32, #tpu.memory_space<vmem>>) semaphore(%arg10 : memref<!tpu.dma_semaphore, #tpu.memory_space<semaphore_mem>>)
    %dma_start3A_11 = arith.constant 32 : i32
    %dma_start3A_12 = tpu.memref_slice %arg6[%dma_start3A_11] : memref<2464xi32, #tpu.memory_space<vmem>> -> memref<32xi32, #tpu.memory_space<vmem>>
    %dma_start3A_13 = arith.constant 0 : i32
    %dma_start3A_14 = arith.constant 0 : i32
    %dma_start3A_15 = tpu.memref_slice %arg3[%dma_start3A_13, %dma_start3A_14] : memref<49408x768xf32, #tpu.memory_space<hbm>> -> memref<49408x768xf32, #tpu.memory_space<hbm>>
    tpu.enqueue_indirect_dma source(%dma_start3A_15 : memref<49408x768xf32, #tpu.memory_space<hbm>>) target(%arg9 : memref<32x768xf32, #tpu.memory_space<vmem>>) offsets(%dma_start3A_12 : memref<32xi32, #tpu.memory_space<vmem>>) semaphore(%arg11 : memref<!tpu.dma_semaphore, #tpu.memory_space<semaphore_mem>>)
    tpu.wait_dma2 semaphore(%arg14 : memref<!tpu.dma_semaphore, #tpu.memory_space<semaphore_mem>>) src(%arg4 : memref<77x768xf32, #tpu.memory_space<hbm>>) dst(%arg7 : memref<77x768xf32, #tpu.memory_space<vmem>>)
    %scan3A = arith.constant 0 : i32
    %scan3A_16 = arith.constant 0 : i32
    %scan3A_17 = arith.constant 38 : i32
    %scan3A_18 = arith.addi %scan3A_16, %scan3A_17 : i32
    %scan3A_19 = arith.constant 1 : i32
    scf.for %scan3A_287 = %scan3A_16 to %scan3A_18 step %scan3A_19  : i32 {
      %mul3A_288 = arith.constant 2 : i32
      %mul3A_289 = arith.muli %mul3A_288, %scan3A_287 : i32
      %mul3A_290 = arith.constant 32 : i32
      %mul3A_291 = arith.muli %mul3A_289, %mul3A_290 : i32
      %dma_wait3A_292 = tpu.memref_slice %arg6[%mul3A_291] : memref<2464xi32, #tpu.memory_space<vmem>> -> memref<32xi32, #tpu.memory_space<vmem>>
      %dma_wait3A_293 = arith.constant 0 : i32
      %dma_wait3A_294 = arith.constant 0 : i32
      %dma_wait3A_295 = tpu.memref_slice %arg3[%dma_wait3A_293, %dma_wait3A_294] : memref<49408x768xf32, #tpu.memory_space<hbm>> -> memref<49408x768xf32, #tpu.memory_space<hbm>>
      tpu.wait_indirect_dma semaphore(%arg10 : memref<!tpu.dma_semaphore, #tpu.memory_space<semaphore_mem>>) src(%dma_wait3A_295 : memref<49408x768xf32, #tpu.memory_space<hbm>>) dst(%arg8 : memref<32x768xf32, #tpu.memory_space<vmem>>)
      %get3A_296 = arith.index_cast %mul3A_289 : i32 to index
      %get3A_297 = arith.constant 0 : index
      %get3A_298 = tpu.vector_load %arg7[%get3A_296, %get3A_297] {strides = array<i32>} : memref<77x768xf32, #tpu.memory_space<vmem>>, vector<1x16xf32>,
      %get3A_299 = vector.shape_cast %get3A_298 : vector<1x16xf32> to vector<16xf32>
      %get3A_300 = arith.index_cast %mul3A_289 : i32 to index
      %get3A_301 = arith.constant 16 : index
      %get3A_302 = tpu.vector_load %arg7[%get3A_300, %get3A_301] {strides = array<i32>} : memref<77x768xf32, #tpu.memory_space<vmem>>, vector<1x16xf32>,
      %get3A_303 = vector.shape_cast %get3A_302 : vector<1x16xf32> to vector<16xf32>
      %get3A_304 = arith.index_cast %mul3A_289 : i32 to index
      %get3A_305 = arith.constant 32 : index
      %get3A_306 = tpu.vector_load %arg7[%get3A_304, %get3A_305] {strides = array<i32>} : memref<77x768xf32, #tpu.memory_space<vmem>>, vector<1x16xf32>,
      %get3A_307 = vector.shape_cast %get3A_306 : vector<1x16xf32> to vector<16xf32>
      %get3A_308 = arith.index_cast %mul3A_289 : i32 to index
      %get3A_309 = arith.constant 48 : index
      %get3A_310 = tpu.vector_load %arg7[%get3A_308, %get3A_309] {strides = array<i32>} : memref<77x768xf32, #tpu.memory_space<vmem>>, vector<1x16xf32>,
      %get3A_311 = vector.shape_cast %get3A_310 : vector<1x16xf32> to vector<16xf32>
      %get3A_312 = arith.index_cast %mul3A_289 : i32 to index
      %get3A_313 = arith.constant 64 : index
      %get3A_314 = tpu.vector_load %arg7[%get3A_312, %get3A_313] {strides = array<i32>} : memref<77x768xf32, #tpu.memory_space<vmem>>, vector<1x16xf32>,
      %get3A_315 = vector.shape_cast %get3A_314 : vector<1x16xf32> to vector<16xf32>
      %get3A_316 = arith.index_cast %mul3A_289 : i32 to index
      %get3A_317 = arith.constant 80 : index
      %get3A_318 = tpu.vector_load %arg7[%get3A_316, %get3A_317] {strides = array<i32>} : memref<77x768xf32, #tpu.memory_space<vmem>>, vector<1x16xf32>,
      %get3A_319 = vector.shape_cast %get3A_318 : vector<1x16xf32> to vector<16xf32>
      %get3A_320 = arith.index_cast %mul3A_289 : i32 to index
      %get3A_321 = arith.constant 96 : index
      %get3A_322 = tpu.vector_load %arg7[%get3A_320, %get3A_321] {strides = array<i32>} : memref<77x768xf32, #tpu.memory_space<vmem>>, vector<1x16xf32>,
      %get3A_323 = vector.shape_cast %get3A_322 : vector<1x16xf32> to vector<16xf32>
      %get3A_324 = arith.index_cast %mul3A_289 : i32 to index
      %get3A_325 = arith.constant 112 : index
      %get3A_326 = tpu.vector_load %arg7[%get3A_324, %get3A_325] {strides = array<i32>} : memref<77x768xf32, #tpu.memory_space<vmem>>, vector<1x16xf32>,
      %get3A_327 = vector.shape_cast %get3A_326 : vector<1x16xf32> to vector<16xf32>
      %get3A_328 = arith.index_cast %mul3A_289 : i32 to index
      %get3A_329 = arith.constant 128 : index
      %get3A_330 = tpu.vector_load %arg7[%get3A_328, %get3A_329] {strides = array<i32>} : memref<77x768xf32, #tpu.memory_space<vmem>>, vector<1x16xf32>,
      %get3A_331 = vector.shape_cast %get3A_330 : vector<1x16xf32> to vector<16xf32>
      %get3A_332 = arith.index_cast %mul3A_289 : i32 to index
      %get3A_333 = arith.constant 144 : index
      %get3A_334 = tpu.vector_load %arg7[%get3A_332, %get3A_333] {strides = array<i32>} : memref<77x768xf32, #tpu.memory_space<vmem>>, vector<1x16xf32>,
      %get3A_335 = vector.shape_cast %get3A_334 : vector<1x16xf32> to vector<16xf32>
      %get3A_336 = arith.index_cast %mul3A_289 : i32 to index
      %get3A_337 = arith.constant 160 : index
      %get3A_338 = tpu.vector_load %arg7[%get3A_336, %get3A_337] {strides = array<i32>} : memref<77x768xf32, #tpu.memory_space<vmem>>, vector<1x16xf32>,
      %get3A_339 = vector.shape_cast %get3A_338 : vector<1x16xf32> to vector<16xf32>
      %get3A_340 = arith.index_cast %mul3A_289 : i32 to index
      %get3A_341 = arith.constant 176 : index
      %get3A_342 = tpu.vector_load %arg7[%get3A_340, %get3A_341] {strides = array<i32>} : memref<77x768xf32, #tpu.memory_space<vmem>>, vector<1x16xf32>,
      %get3A_343 = vector.shape_cast %get3A_342 : vector<1x16xf32> to vector<16xf32>
      %get3A_344 = arith.index_cast %mul3A_289 : i32 to index
      %get3A_345 = arith.constant 192 : index
      %get3A_346 = tpu.vector_load %arg7[%get3A_344, %get3A_345] {strides = array<i32>} : memref<77x768xf32, #tpu.memory_space<vmem>>, vector<1x16xf32>,
      %get3A_347 = vector.shape_cast %get3A_346 : vector<1x16xf32> to vector<16xf32>
      %get3A_348 = arith.index_cast %mul3A_289 : i32 to index
      %get3A_349 = arith.constant 208 : index
      %get3A_350 = tpu.vector_load %arg7[%get3A_348, %get3A_349] {strides = array<i32>} : memref<77x768xf32, #tpu.memory_space<vmem>>, vector<1x16xf32>,
      %get3A_351 = vector.shape_cast %get3A_350 : vector<1x16xf32> to vector<16xf32>
      %get3A_352 = arith.index_cast %mul3A_289 : i32 to index
      %get3A_353 = arith.constant 224 : index
      %get3A_354 = tpu.vector_load %arg7[%get3A_352, %get3A_353] {strides = array<i32>} : memref<77x768xf32, #tpu.memory_space<vmem>>, vector<1x16xf32>,
      %get3A_355 = vector.shape_cast %get3A_354 : vector<1x16xf32> to vector<16xf32>
      %get3A_356 = arith.index_cast %mul3A_289 : i32 to index
      %get3A_357 = arith.constant 240 : index
      %get3A_358 = tpu.vector_load %arg7[%get3A_356, %get3A_357] {strides = array<i32>} : memref<77x768xf32, #tpu.memory_space<vmem>>, vector<1x16xf32>,
      %get3A_359 = vector.shape_cast %get3A_358 : vector<1x16xf32> to vector<16xf32>
      %get3A_360 = arith.index_cast %mul3A_289 : i32 to index
      %get3A_361 = arith.constant 256 : index
      %get3A_362 = tpu.vector_load %arg7[%get3A_360, %get3A_361] {strides = array<i32>} : memref<77x768xf32, #tpu.memory_space<vmem>>, vector<1x16xf32>,
      %get3A_363 = vector.shape_cast %get3A_362 : vector<1x16xf32> to vector<16xf32>
      %get3A_364 = arith.index_cast %mul3A_289 : i32 to index
      %get3A_365 = arith.constant 272 : index
      %get3A_366 = tpu.vector_load %arg7[%get3A_364, %get3A_365] {strides = array<i32>} : memref<77x768xf32, #tpu.memory_space<vmem>>, vector<1x16xf32>,
      %get3A_367 = vector.shape_cast %get3A_366 : vector<1x16xf32> to vector<16xf32>
      %get3A_368 = arith.index_cast %mul3A_289 : i32 to index
      %get3A_369 = arith.constant 288 : index
      %get3A_370 = tpu.vector_load %arg7[%get3A_368, %get3A_369] {strides = array<i32>} : memref<77x768xf32, #tpu.memory_space<vmem>>, vector<1x16xf32>,
      %get3A_371 = vector.shape_cast %get3A_370 : vector<1x16xf32> to vector<16xf32>
      %get3A_372 = arith.index_cast %mul3A_289 : i32 to index
      %get3A_373 = arith.constant 304 : index
      %get3A_374 = tpu.vector_load %arg7[%get3A_372, %get3A_373] {strides = array<i32>} : memref<77x768xf32, #tpu.memory_space<vmem>>, vector<1x16xf32>,
      %get3A_375 = vector.shape_cast %get3A_374 : vector<1x16xf32> to vector<16xf32>
      %get3A_376 = arith.index_cast %mul3A_289 : i32 to index
      %get3A_377 = arith.constant 320 : index
      %get3A_378 = tpu.vector_load %arg7[%get3A_376, %get3A_377] {strides = array<i32>} : memref<77x768xf32, #tpu.memory_space<vmem>>, vector<1x16xf32>,
      %get3A_379 = vector.shape_cast %get3A_378 : vector<1x16xf32> to vector<16xf32>
      %get3A_380 = arith.index_cast %mul3A_289 : i32 to index
      %get3A_381 = arith.constant 336 : index
      %get3A_382 = tpu.vector_load %arg7[%get3A_380, %get3A_381] {strides = array<i32>} : memref<77x768xf32, #tpu.memory_space<vmem>>, vector<1x16xf32>,
      %get3A_383 = vector.shape_cast %get3A_382 : vector<1x16xf32> to vector<16xf32>
      %get3A_384 = arith.index_cast %mul3A_289 : i32 to index
      %get3A_385 = arith.constant 352 : index
      %get3A_386 = tpu.vector_load %arg7[%get3A_384, %get3A_385] {strides = array<i32>} : memref<77x768xf32, #tpu.memory_space<vmem>>, vector<1x16xf32>,
      %get3A_387 = vector.shape_cast %get3A_386 : vector<1x16xf32> to vector<16xf32>
      %get3A_388 = arith.index_cast %mul3A_289 : i32 to index
      %get3A_389 = arith.constant 368 : index
      %get3A_390 = tpu.vector_load %arg7[%get3A_388, %get3A_389] {strides = array<i32>} : memref<77x768xf32, #tpu.memory_space<vmem>>, vector<1x16xf32>,
      %get3A_391 = vector.shape_cast %get3A_390 : vector<1x16xf32> to vector<16xf32>
      %get3A_392 = arith.index_cast %mul3A_289 : i32 to index
      %get3A_393 = arith.constant 384 : index
      %get3A_394 = tpu.vector_load %arg7[%get3A_392, %get3A_393] {strides = array<i32>} : memref<77x768xf32, #tpu.memory_space<vmem>>, vector<1x16xf32>,
      %get3A_395 = vector.shape_cast %get3A_394 : vector<1x16xf32> to vector<16xf32>
      %get3A_396 = arith.index_cast %mul3A_289 : i32 to index
      %get3A_397 = arith.constant 400 : index
      %get3A_398 = tpu.vector_load %arg7[%get3A_396, %get3A_397] {strides = array<i32>} : memref<77x768xf32, #tpu.memory_space<vmem>>, vector<1x16xf32>,
      %get3A_399 = vector.shape_cast %get3A_398 : vector<1x16xf32> to vector<16xf32>
      %get3A_400 = arith.index_cast %mul3A_289 : i32 to index
      %get3A_401 = arith.constant 416 : index
      %get3A_402 = tpu.vector_load %arg7[%get3A_400, %get3A_401] {strides = array<i32>} : memref<77x768xf32, #tpu.memory_space<vmem>>, vector<1x16xf32>,
      %get3A_403 = vector.shape_cast %get3A_402 : vector<1x16xf32> to vector<16xf32>
      %get3A_404 = arith.index_cast %mul3A_289 : i32 to index
      %get3A_405 = arith.constant 432 : index
      %get3A_406 = tpu.vector_load %arg7[%get3A_404, %get3A_405] {strides = array<i32>} : memref<77x768xf32, #tpu.memory_space<vmem>>, vector<1x16xf32>,
      %get3A_407 = vector.shape_cast %get3A_406 : vector<1x16xf32> to vector<16xf32>
      %get3A_408 = arith.index_cast %mul3A_289 : i32 to index
      %get3A_409 = arith.constant 448 : index
      %get3A_410 = tpu.vector_load %arg7[%get3A_408, %get3A_409] {strides = array<i32>} : memref<77x768xf32, #tpu.memory_space<vmem>>, vector<1x16xf32>,
      %get3A_411 = vector.shape_cast %get3A_410 : vector<1x16xf32> to vector<16xf32>
      %get3A_412 = arith.index_cast %mul3A_289 : i32 to index
      %get3A_413 = arith.constant 464 : index
      %get3A_414 = tpu.vector_load %arg7[%get3A_412, %get3A_413] {strides = array<i32>} : memref<77x768xf32, #tpu.memory_space<vmem>>, vector<1x16xf32>,
      %get3A_415 = vector.shape_cast %get3A_414 : vector<1x16xf32> to vector<16xf32>
      %get3A_416 = arith.index_cast %mul3A_289 : i32 to index
      %get3A_417 = arith.constant 480 : index
      %get3A_418 = tpu.vector_load %arg7[%get3A_416, %get3A_417] {strides = array<i32>} : memref<77x768xf32, #tpu.memory_space<vmem>>, vector<1x16xf32>,
      %get3A_419 = vector.shape_cast %get3A_418 : vector<1x16xf32> to vector<16xf32>
      %get3A_420 = arith.index_cast %mul3A_289 : i32 to index
      %get3A_421 = arith.constant 496 : index
      %get3A_422 = tpu.vector_load %arg7[%get3A_420, %get3A_421] {strides = array<i32>} : memref<77x768xf32, #tpu.memory_space<vmem>>, vector<1x16xf32>,
      %get3A_423 = vector.shape_cast %get3A_422 : vector<1x16xf32> to vector<16xf32>
      %get3A_424 = arith.index_cast %mul3A_289 : i32 to index
      %get3A_425 = arith.constant 512 : index
      %get3A_426 = tpu.vector_load %arg7[%get3A_424, %get3A_425] {strides = array<i32>} : memref<77x768xf32, #tpu.memory_space<vmem>>, vector<1x16xf32>,
      %get3A_427 = vector.shape_cast %get3A_426 : vector<1x16xf32> to vector<16xf32>
      %get3A_428 = arith.index_cast %mul3A_289 : i32 to index
      %get3A_429 = arith.constant 528 : index
      %get3A_430 = tpu.vector_load %arg7[%get3A_428, %get3A_429] {strides = array<i32>} : memref<77x768xf32, #tpu.memory_space<vmem>>, vector<1x16xf32>,
      %get3A_431 = vector.shape_cast %get3A_430 : vector<1x16xf32> to vector<16xf32>
      %get3A_432 = arith.index_cast %mul3A_289 : i32 to index
      %get3A_433 = arith.constant 544 : index
      %get3A_434 = tpu.vector_load %arg7[%get3A_432, %get3A_433] {strides = array<i32>} : memref<77x768xf32, #tpu.memory_space<vmem>>, vector<1x16xf32>,
      %get3A_435 = vector.shape_cast %get3A_434 : vector<1x16xf32> to vector<16xf32>
      %get3A_436 = arith.index_cast %mul3A_289 : i32 to index
      %get3A_437 = arith.constant 560 : index
      %get3A_438 = tpu.vector_load %arg7[%get3A_436, %get3A_437] {strides = array<i32>} : memref<77x768xf32, #tpu.memory_space<vmem>>, vector<1x16xf32>,
      %get3A_439 = vector.shape_cast %get3A_438 : vector<1x16xf32> to vector<16xf32>
      %get3A_440 = arith.index_cast %mul3A_289 : i32 to index
      %get3A_441 = arith.constant 576 : index
      %get3A_442 = tpu.vector_load %arg7[%get3A_440, %get3A_441] {strides = array<i32>} : memref<77x768xf32, #tpu.memory_space<vmem>>, vector<1x16xf32>,
      %get3A_443 = vector.shape_cast %get3A_442 : vector<1x16xf32> to vector<16xf32>
      %get3A_444 = arith.index_cast %mul3A_289 : i32 to index
      %get3A_445 = arith.constant 592 : index
      %get3A_446 = tpu.vector_load %arg7[%get3A_444, %get3A_445] {strides = array<i32>} : memref<77x768xf32, #tpu.memory_space<vmem>>, vector<1x16xf32>,
      %get3A_447 = vector.shape_cast %get3A_446 : vector<1x16xf32> to vector<16xf32>
      %get3A_448 = arith.index_cast %mul3A_289 : i32 to index
      %get3A_449 = arith.constant 608 : index
      %get3A_450 = tpu.vector_load %arg7[%get3A_448, %get3A_449] {strides = array<i32>} : memref<77x768xf32, #tpu.memory_space<vmem>>, vector<1x16xf32>,
      %get3A_451 = vector.shape_cast %get3A_450 : vector<1x16xf32> to vector<16xf32>
      %get3A_452 = arith.index_cast %mul3A_289 : i32 to index
      %get3A_453 = arith.constant 624 : index
      %get3A_454 = tpu.vector_load %arg7[%get3A_452, %get3A_453] {strides = array<i32>} : memref<77x768xf32, #tpu.memory_space<vmem>>, vector<1x16xf32>,
      %get3A_455 = vector.shape_cast %get3A_454 : vector<1x16xf32> to vector<16xf32>
      %get3A_456 = arith.index_cast %mul3A_289 : i32 to index
      %get3A_457 = arith.constant 640 : index
      %get3A_458 = tpu.vector_load %arg7[%get3A_456, %get3A_457] {strides = array<i32>} : memref<77x768xf32, #tpu.memory_space<vmem>>, vector<1x16xf32>,
      %get3A_459 = vector.shape_cast %get3A_458 : vector<1x16xf32> to vector<16xf32>
      %get3A_460 = arith.index_cast %mul3A_289 : i32 to index
      %get3A_461 = arith.constant 656 : index
      %get3A_462 = tpu.vector_load %arg7[%get3A_460, %get3A_461] {strides = array<i32>} : memref<77x768xf32, #tpu.memory_space<vmem>>, vector<1x16xf32>,
      %get3A_463 = vector.shape_cast %get3A_462 : vector<1x16xf32> to vector<16xf32>
      %get3A_464 = arith.index_cast %mul3A_289 : i32 to index
      %get3A_465 = arith.constant 672 : index
      %get3A_466 = tpu.vector_load %arg7[%get3A_464, %get3A_465] {strides = array<i32>} : memref<77x768xf32, #tpu.memory_space<vmem>>, vector<1x16xf32>,
      %get3A_467 = vector.shape_cast %get3A_466 : vector<1x16xf32> to vector<16xf32>
      %get3A_468 = arith.index_cast %mul3A_289 : i32 to index
      %get3A_469 = arith.constant 688 : index
      %get3A_470 = tpu.vector_load %arg7[%get3A_468, %get3A_469] {strides = array<i32>} : memref<77x768xf32, #tpu.memory_space<vmem>>, vector<1x16xf32>,
      %get3A_471 = vector.shape_cast %get3A_470 : vector<1x16xf32> to vector<16xf32>
      %get3A_472 = arith.index_cast %mul3A_289 : i32 to index
      %get3A_473 = arith.constant 704 : index
      %get3A_474 = tpu.vector_load %arg7[%get3A_472, %get3A_473] {strides = array<i32>} : memref<77x768xf32, #tpu.memory_space<vmem>>, vector<1x16xf32>,
      %get3A_475 = vector.shape_cast %get3A_474 : vector<1x16xf32> to vector<16xf32>
      %get3A_476 = arith.index_cast %mul3A_289 : i32 to index
      %get3A_477 = arith.constant 720 : index
      %get3A_478 = tpu.vector_load %arg7[%get3A_476, %get3A_477] {strides = array<i32>} : memref<77x768xf32, #tpu.memory_space<vmem>>, vector<1x16xf32>,
      %get3A_479 = vector.shape_cast %get3A_478 : vector<1x16xf32> to vector<16xf32>
      %get3A_480 = arith.index_cast %mul3A_289 : i32 to index
      %get3A_481 = arith.constant 736 : index
      %get3A_482 = tpu.vector_load %arg7[%get3A_480, %get3A_481] {strides = array<i32>} : memref<77x768xf32, #tpu.memory_space<vmem>>, vector<1x16xf32>,
      %get3A_483 = vector.shape_cast %get3A_482 : vector<1x16xf32> to vector<16xf32>
      %get3A_484 = arith.index_cast %mul3A_289 : i32 to index
      %get3A_485 = arith.constant 752 : index
      %get3A_486 = tpu.vector_load %arg7[%get3A_484, %get3A_485] {strides = array<i32>} : memref<77x768xf32, #tpu.memory_space<vmem>>, vector<1x16xf32>,
      %get3A_487 = vector.shape_cast %get3A_486 : vector<1x16xf32> to vector<16xf32>
      %parallel_loop3A_488 = arith.constant 0 : i32
      %parallel_loop3A_489 = arith.constant 32 : i32
      %parallel_loop3A_490 = arith.constant 1 : i32
      scf.for %parallel_loop3A_721 = %parallel_loop3A_488 to %parallel_loop3A_489 step %parallel_loop3A_490  : i32 {
        %parallel_loop3A_722 = arith.index_cast %parallel_loop3A_721 : i32 to index
        %parallel_loop3A_723 = arith.constant 0 : index
        %parallel_loop3A_724 = tpu.vector_load %arg8[%parallel_loop3A_722, %parallel_loop3A_723] {strides = array<i32>} : memref<32x768xf32, #tpu.memory_space<vmem>>, vector<1x16xf32>,
        %parallel_loop3A_725 = vector.shape_cast %parallel_loop3A_724 : vector<1x16xf32> to vector<16xf32>
        %parallel_loop3A_726 = arith.addf %parallel_loop3A_725, %get3A_299 : vector<16xf32>
        %parallel_loop3A_727 = arith.index_cast %parallel_loop3A_721 : i32 to index
        %parallel_loop3A_728 = arith.constant 0 : index
        %parallel_loop3A_729 = tpu.vector_load %arg8[%parallel_loop3A_727, %parallel_loop3A_728] {strides = array<i32>} : memref<32x768xf32, #tpu.memory_space<vmem>>, vector<1x16xf32>,
        %parallel_loop3A_730 = vector.shape_cast %parallel_loop3A_729 : vector<1x16xf32> to vector<16xf32>
        %parallel_loop3A_731 = vector.shape_cast %parallel_loop3A_726 : vector<16xf32> to vector<1x16xf32>
        tpu.vector_store %arg8[%parallel_loop3A_727, %parallel_loop3A_728], %parallel_loop3A_731 {strides = array<i32>} : memref<32x768xf32, #tpu.memory_space<vmem>>, vector<1x16xf32>,
        %parallel_loop3A_732 = arith.index_cast %parallel_loop3A_721 : i32 to index
        %parallel_loop3A_733 = arith.constant 16 : index
        %parallel_loop3A_734 = tpu.vector_load %arg8[%parallel_loop3A_732, %parallel_loop3A_733] {strides = array<i32>} : memref<32x768xf32, #tpu.memory_space<vmem>>, vector<1x16xf32>,
        %parallel_loop3A_735 = vector.shape_cast %parallel_loop3A_734 : vector<1x16xf32> to vector<16xf32>
        %parallel_loop3A_736 = arith.addf %parallel_loop3A_735, %get3A_303 : vector<16xf32>
        %parallel_loop3A_737 = arith.index_cast %parallel_loop3A_721 : i32 to index
        %parallel_loop3A_738 = arith.constant 16 : index
        %parallel_loop3A_739 = tpu.vector_load %arg8[%parallel_loop3A_737, %parallel_loop3A_738] {strides = array<i32>} : memref<32x768xf32, #tpu.memory_space<vmem>>, vector<1x16xf32>,
        %parallel_loop3A_740 = vector.shape_cast %parallel_loop3A_739 : vector<1x16xf32> to vector<16xf32>
        %parallel_loop3A_741 = vector.shape_cast %parallel_loop3A_736 : vector<16xf32> to vector<1x16xf32>
        tpu.vector_store %arg8[%parallel_loop3A_737, %parallel_loop3A_738], %parallel_loop3A_741 {strides = array<i32>} : memref<32x768xf32, #tpu.memory_space<vmem>>, vector<1x16xf32>,
        %parallel_loop3A_742 = arith.index_cast %parallel_loop3A_721 : i32 to index
        %parallel_loop3A_743 = arith.constant 32 : index
        %parallel_loop3A_744 = tpu.vector_load %arg8[%parallel_loop3A_742, %parallel_loop3A_743] {strides = array<i32>} : memref<32x768xf32, #tpu.memory_space<vmem>>, vector<1x16xf32>,
        %parallel_loop3A_745 = vector.shape_cast %parallel_loop3A_744 : vector<1x16xf32> to vector<16xf32>
        %parallel_loop3A_746 = arith.addf %parallel_loop3A_745, %get3A_307 : vector<16xf32>
        %parallel_loop3A_747 = arith.index_cast %parallel_loop3A_721 : i32 to index
        %parallel_loop3A_748 = arith.constant 32 : index
        %parallel_loop3A_749 = tpu.vector_load %arg8[%parallel_loop3A_747, %parallel_loop3A_748] {strides = array<i32>} : memref<32x768xf32, #tpu.memory_space<vmem>>, vector<1x16xf32>,
        %parallel_loop3A_750 = vector.shape_cast %parallel_loop3A_749 : vector<1x16xf32> to vector<16xf32>
        %parallel_loop3A_751 = vector.shape_cast %parallel_loop3A_746 : vector<16xf32> to vector<1x16xf32>
        tpu.vector_store %arg8[%parallel_loop3A_747, %parallel_loop3A_748], %parallel_loop3A_751 {strides = array<i32>} : memref<32x768xf32, #tpu.memory_space<vmem>>, vector<1x16xf32>,
        %parallel_loop3A_752 = arith.index_cast %parallel_loop3A_721 : i32 to index
        %parallel_loop3A_753 = arith.constant 48 : index
        %parallel_loop3A_754 = tpu.vector_load %arg8[%parallel_loop3A_752, %parallel_loop3A_753] {strides = array<i32>} : memref<32x768xf32, #tpu.memory_space<vmem>>, vector<1x16xf32>,
        %parallel_loop3A_755 = vector.shape_cast %parallel_loop3A_754 : vector<1x16xf32> to vector<16xf32>
        %parallel_loop3A_756 = arith.addf %parallel_loop3A_755, %get3A_311 : vector<16xf32>
        %parallel_loop3A_757 = arith.index_cast %parallel_loop3A_721 : i32 to index
        %parallel_loop3A_758 = arith.constant 48 : index
        %parallel_loop3A_759 = tpu.vector_load %arg8[%parallel_loop3A_757, %parallel_loop3A_758] {strides = array<i32>} : memref<32x768xf32, #tpu.memory_space<vmem>>, vector<1x16xf32>,
        %parallel_loop3A_760 = vector.shape_cast %parallel_loop3A_759 : vector<1x16xf32> to vector<16xf32>
        %parallel_loop3A_761 = vector.shape_cast %parallel_loop3A_756 : vector<16xf32> to vector<1x16xf32>
        tpu.vector_store %arg8[%parallel_loop3A_757, %parallel_loop3A_758], %parallel_loop3A_761 {strides = array<i32>} : memref<32x768xf32, #tpu.memory_space<vmem>>, vector<1x16xf32>,
        %parallel_loop3A_762 = arith.index_cast %parallel_loop3A_721 : i32 to index
        %parallel_loop3A_763 = arith.constant 64 : index
        %parallel_loop3A_764 = tpu.vector_load %arg8[%parallel_loop3A_762, %parallel_loop3A_763] {strides = array<i32>} : memref<32x768xf32, #tpu.memory_space<vmem>>, vector<1x16xf32>,
        %parallel_loop3A_765 = vector.shape_cast %parallel_loop3A_764 : vector<1x16xf32> to vector<16xf32>
        %parallel_loop3A_766 = arith.addf %parallel_loop3A_765, %get3A_315 : vector<16xf32>
        %parallel_loop3A_767 = arith.index_cast %parallel_loop3A_721 : i32 to index
        %parallel_loop3A_768 = arith.constant 64 : index
        %parallel_loop3A_769 = tpu.vector_load %arg8[%parallel_loop3A_767, %parallel_loop3A_768] {strides = array<i32>} : memref<32x768xf32, #tpu.memory_space<vmem>>, vector<1x16xf32>,
        %parallel_loop3A_770 = vector.shape_cast %parallel_loop3A_769 : vector<1x16xf32> to vector<16xf32>
        %parallel_loop3A_771 = vector.shape_cast %parallel_loop3A_766 : vector<16xf32> to vector<1x16xf32>
        tpu.vector_store %arg8[%parallel_loop3A_767, %parallel_loop3A_768], %parallel_loop3A_771 {strides = array<i32>} : memref<32x768xf32, #tpu.memory_space<vmem>>, vector<1x16xf32>,
        %parallel_loop3A_772 = arith.index_cast %parallel_loop3A_721 : i32 to index
        %parallel_loop3A_773 = arith.constant 80 : index
        %parallel_loop3A_774 = tpu.vector_load %arg8[%parallel_loop3A_772, %parallel_loop3A_773] {strides = array<i32>} : memref<32x768xf32, #tpu.memory_space<vmem>>, vector<1x16xf32>,
        %parallel_loop3A_775 = vector.shape_cast %parallel_loop3A_774 : vector<1x16xf32> to vector<16xf32>
        %parallel_loop3A_776 = arith.addf %parallel_loop3A_775, %get3A_319 : vector<16xf32>
        %parallel_loop3A_777 = arith.index_cast %parallel_loop3A_721 : i32 to index
        %parallel_loop3A_778 = arith.constant 80 : index
        %parallel_loop3A_779 = tpu.vector_load %arg8[%parallel_loop3A_777, %parallel_loop3A_778] {strides = array<i32>} : memref<32x768xf32, #tpu.memory_space<vmem>>, vector<1x16xf32>,
        %parallel_loop3A_780 = vector.shape_cast %parallel_loop3A_779 : vector<1x16xf32> to vector<16xf32>
        %parallel_loop3A_781 = vector.shape_cast %parallel_loop3A_776 : vector<16xf32> to vector<1x16xf32>
        tpu.vector_store %arg8[%parallel_loop3A_777, %parallel_loop3A_778], %parallel_loop3A_781 {strides = array<i32>} : memref<32x768xf32, #tpu.memory_space<vmem>>, vector<1x16xf32>,
        %parallel_loop3A_782 = arith.index_cast %parallel_loop3A_721 : i32 to index
        %parallel_loop3A_783 = arith.constant 96 : index
        %parallel_loop3A_784 = tpu.vector_load %arg8[%parallel_loop3A_782, %parallel_loop3A_783] {strides = array<i32>} : memref<32x768xf32, #tpu.memory_space<vmem>>, vector<1x16xf32>,
        %parallel_loop3A_785 = vector.shape_cast %parallel_loop3A_784 : vector<1x16xf32> to vector<16xf32>
        %parallel_loop3A_786 = arith.addf %parallel_loop3A_785, %get3A_323 : vector<16xf32>
        %parallel_loop3A_787 = arith.index_cast %parallel_loop3A_721 : i32 to index
        %parallel_loop3A_788 = arith.constant 96 : index
        %parallel_loop3A_789 = tpu.vector_load %arg8[%parallel_loop3A_787, %parallel_loop3A_788] {strides = array<i32>} : memref<32x768xf32, #tpu.memory_space<vmem>>, vector<1x16xf32>,
        %parallel_loop3A_790 = vector.shape_cast %parallel_loop3A_789 : vector<1x16xf32> to vector<16xf32>
        %parallel_loop3A_791 = vector.shape_cast %parallel_loop3A_786 : vector<16xf32> to vector<1x16xf32>
        tpu.vector_store %arg8[%parallel_loop3A_787, %parallel_loop3A_788], %parallel_loop3A_791 {strides = array<i32>} : memref<32x768xf32, #tpu.memory_space<vmem>>, vector<1x16xf32>,
        %parallel_loop3A_792 = arith.index_cast %parallel_loop3A_721 : i32 to index
        %parallel_loop3A_793 = arith.constant 112 : index
        %parallel_loop3A_794 = tpu.vector_load %arg8[%parallel_loop3A_792, %parallel_loop3A_793] {strides = array<i32>} : memref<32x768xf32, #tpu.memory_space<vmem>>, vector<1x16xf32>,
        %parallel_loop3A_795 = vector.shape_cast %parallel_loop3A_794 : vector<1x16xf32> to vector<16xf32>
        %parallel_loop3A_796 = arith.addf %parallel_loop3A_795, %get3A_327 : vector<16xf32>
        %parallel_loop3A_797 = arith.index_cast %parallel_loop3A_721 : i32 to index
        %parallel_loop3A_798 = arith.constant 112 : index
        %parallel_loop3A_799 = tpu.vector_load %arg8[%parallel_loop3A_797, %parallel_loop3A_798] {strides = array<i32>} : memref<32x768xf32, #tpu.memory_space<vmem>>, vector<1x16xf32>,
        %parallel_loop3A_800 = vector.shape_cast %parallel_loop3A_799 : vector<1x16xf32> to vector<16xf32>
        %parallel_loop3A_801 = vector.shape_cast %parallel_loop3A_796 : vector<16xf32> to vector<1x16xf32>
        tpu.vector_store %arg8[%parallel_loop3A_797, %parallel_loop3A_798], %parallel_loop3A_801 {strides = array<i32>} : memref<32x768xf32, #tpu.memory_space<vmem>>, vector<1x16xf32>,
        %parallel_loop3A_802 = arith.index_cast %parallel_loop3A_721 : i32 to index
        %parallel_loop3A_803 = arith.constant 128 : index
        %parallel_loop3A_804 = tpu.vector_load %arg8[%parallel_loop3A_802, %parallel_loop3A_803] {strides = array<i32>} : memref<32x768xf32, #tpu.memory_space<vmem>>, vector<1x16xf32>,
        %parallel_loop3A_805 = vector.shape_cast %parallel_loop3A_804 : vector<1x16xf32> to vector<16xf32>
        %parallel_loop3A_806 = arith.addf %parallel_loop3A_805, %get3A_331 : vector<16xf32>
        %parallel_loop3A_807 = arith.index_cast %parallel_loop3A_721 : i32 to index
        %parallel_loop3A_808 = arith.constant 128 : index
        %parallel_loop3A_809 = tpu.vector_load %arg8[%parallel_loop3A_807, %parallel_loop3A_808] {strides = array<i32>} : memref<32x768xf32, #tpu.memory_space<vmem>>, vector<1x16xf32>,
        %parallel_loop3A_810 = vector.shape_cast %parallel_loop3A_809 : vector<1x16xf32> to vector<16xf32>
        %parallel_loop3A_811 = vector.shape_cast %parallel_loop3A_806 : vector<16xf32> to vector<1x16xf32>
        tpu.vector_store %arg8[%parallel_loop3A_807, %parallel_loop3A_808], %parallel_loop3A_811 {strides = array<i32>} : memref<32x768xf32, #tpu.memory_space<vmem>>, vector<1x16xf32>,
        %parallel_loop3A_812 = arith.index_cast %parallel_loop3A_721 : i32 to index
        %parallel_loop3A_813 = arith.constant 144 : index
        %parallel_loop3A_814 = tpu.vector_load %arg8[%parallel_loop3A_812, %parallel_loop3A_813] {strides = array<i32>} : memref<32x768xf32, #tpu.memory_space<vmem>>, vector<1x16xf32>,
        %parallel_loop3A_815 = vector.shape_cast %parallel_loop3A_814 : vector<1x16xf32> to vector<16xf32>
        %parallel_loop3A_816 = arith.addf %parallel_loop3A_815, %get3A_335 : vector<16xf32>
        %parallel_loop3A_817 = arith.index_cast %parallel_loop3A_721 : i32 to index
        %parallel_loop3A_818 = arith.constant 144 : index
        %parallel_loop3A_819 = tpu.vector_load %arg8[%parallel_loop3A_817, %parallel_loop3A_818] {strides = array<i32>} : memref<32x768xf32, #tpu.memory_space<vmem>>, vector<1x16xf32>,
        %parallel_loop3A_820 = vector.shape_cast %parallel_loop3A_819 : vector<1x16xf32> to vector<16xf32>
        %parallel_loop3A_821 = vector.shape_cast %parallel_loop3A_816 : vector<16xf32> to vector<1x16xf32>
        tpu.vector_store %arg8[%parallel_loop3A_817, %parallel_loop3A_818], %parallel_loop3A_821 {strides = array<i32>} : memref<32x768xf32, #tpu.memory_space<vmem>>, vector<1x16xf32>,
        %parallel_loop3A_822 = arith.index_cast %parallel_loop3A_721 : i32 to index
        %parallel_loop3A_823 = arith.constant 160 : index
        %parallel_loop3A_824 = tpu.vector_load %arg8[%parallel_loop3A_822, %parallel_loop3A_823] {strides = array<i32>} : memref<32x768xf32, #tpu.memory_space<vmem>>, vector<1x16xf32>,
        %parallel_loop3A_825 = vector.shape_cast %parallel_loop3A_824 : vector<1x16xf32> to vector<16xf32>
        %parallel_loop3A_826 = arith.addf %parallel_loop3A_825, %get3A_339 : vector<16xf32>
        %parallel_loop3A_827 = arith.index_cast %parallel_loop3A_721 : i32 to index
        %parallel_loop3A_828 = arith.constant 160 : index
        %parallel_loop3A_829 = tpu.vector_load %arg8[%parallel_loop3A_827, %parallel_loop3A_828] {strides = array<i32>} : memref<32x768xf32, #tpu.memory_space<vmem>>, vector<1x16xf32>,
        %parallel_loop3A_830 = vector.shape_cast %parallel_loop3A_829 : vector<1x16xf32> to vector<16xf32>
        %parallel_loop3A_831 = vector.shape_cast %parallel_loop3A_826 : vector<16xf32> to vector<1x16xf32>
        tpu.vector_store %arg8[%parallel_loop3A_827, %parallel_loop3A_828], %parallel_loop3A_831 {strides = array<i32>} : memref<32x768xf32, #tpu.memory_space<vmem>>, vector<1x16xf32>,
        %parallel_loop3A_832 = arith.index_cast %parallel_loop3A_721 : i32 to index
        %parallel_loop3A_833 = arith.constant 176 : index
        %parallel_loop3A_834 = tpu.vector_load %arg8[%parallel_loop3A_832, %parallel_loop3A_833] {strides = array<i32>} : memref<32x768xf32, #tpu.memory_space<vmem>>, vector<1x16xf32>,
        %parallel_loop3A_835 = vector.shape_cast %parallel_loop3A_834 : vector<1x16xf32> to vector<16xf32>
        %parallel_loop3A_836 = arith.addf %parallel_loop3A_835, %get3A_343 : vector<16xf32>
        %parallel_loop3A_837 = arith.index_cast %parallel_loop3A_721 : i32 to index
        %parallel_loop3A_838 = arith.constant 176 : index
        %parallel_loop3A_839 = tpu.vector_load %arg8[%parallel_loop3A_837, %parallel_loop3A_838] {strides = array<i32>} : memref<32x768xf32, #tpu.memory_space<vmem>>, vector<1x16xf32>,
        %parallel_loop3A_840 = vector.shape_cast %parallel_loop3A_839 : vector<1x16xf32> to vector<16xf32>
        %parallel_loop3A_841 = vector.shape_cast %parallel_loop3A_836 : vector<16xf32> to vector<1x16xf32>
        tpu.vector_store %arg8[%parallel_loop3A_837, %parallel_loop3A_838], %parallel_loop3A_841 {strides = array<i32>} : memref<32x768xf32, #tpu.memory_space<vmem>>, vector<1x16xf32>,
        %parallel_loop3A_842 = arith.index_cast %parallel_loop3A_721 : i32 to index
        %parallel_loop3A_843 = arith.constant 192 : index
        %parallel_loop3A_844 = tpu.vector_load %arg8[%parallel_loop3A_842, %parallel_loop3A_843] {strides = array<i32>} : memref<32x768xf32, #tpu.memory_space<vmem>>, vector<1x16xf32>,
        %parallel_loop3A_845 = vector.shape_cast %parallel_loop3A_844 : vector<1x16xf32> to vector<16xf32>
        %parallel_loop3A_846 = arith.addf %parallel_loop3A_845, %get3A_347 : vector<16xf32>
        %parallel_loop3A_847 = arith.index_cast %parallel_loop3A_721 : i32 to index
        %parallel_loop3A_848 = arith.constant 192 : index
        %parallel_loop3A_849 = tpu.vector_load %arg8[%parallel_loop3A_847, %parallel_loop3A_848] {strides = array<i32>} : memref<32x768xf32, #tpu.memory_space<vmem>>, vector<1x16xf32>,
        %parallel_loop3A_850 = vector.shape_cast %parallel_loop3A_849 : vector<1x16xf32> to vector<16xf32>
        %parallel_loop3A_851 = vector.shape_cast %parallel_loop3A_846 : vector<16xf32> to vector<1x16xf32>
        tpu.vector_store %arg8[%parallel_loop3A_847, %parallel_loop3A_848], %parallel_loop3A_851 {strides = array<i32>} : memref<32x768xf32, #tpu.memory_space<vmem>>, vector<1x16xf32>,
        %parallel_loop3A_852 = arith.index_cast %parallel_loop3A_721 : i32 to index
        %parallel_loop3A_853 = arith.constant 208 : index
        %parallel_loop3A_854 = tpu.vector_load %arg8[%parallel_loop3A_852, %parallel_loop3A_853] {strides = array<i32>} : memref<32x768xf32, #tpu.memory_space<vmem>>, vector<1x16xf32>,
        %parallel_loop3A_855 = vector.shape_cast %parallel_loop3A_854 : vector<1x16xf32> to vector<16xf32>
        %parallel_loop3A_856 = arith.addf %parallel_loop3A_855, %get3A_351 : vector<16xf32>
        %parallel_loop3A_857 = arith.index_cast %parallel_loop3A_721 : i32 to index
        %parallel_loop3A_858 = arith.constant 208 : index
        %parallel_loop3A_859 = tpu.vector_load %arg8[%parallel_loop3A_857, %parallel_loop3A_858] {strides = array<i32>} : memref<32x768xf32, #tpu.memory_space<vmem>>, vector<1x16xf32>,
        %parallel_loop3A_860 = vector.shape_cast %parallel_loop3A_859 : vector<1x16xf32> to vector<16xf32>
        %parallel_loop3A_861 = vector.shape_cast %parallel_loop3A_856 : vector<16xf32> to vector<1x16xf32>
        tpu.vector_store %arg8[%parallel_loop3A_857, %parallel_loop3A_858], %parallel_loop3A_861 {strides = array<i32>} : memref<32x768xf32, #tpu.memory_space<vmem>>, vector<1x16xf32>,
        %parallel_loop3A_862 = arith.index_cast %parallel_loop3A_721 : i32 to index
        %parallel_loop3A_863 = arith.constant 224 : index
        %parallel_loop3A_864 = tpu.vector_load %arg8[%parallel_loop3A_862, %parallel_loop3A_863] {strides = array<i32>} : memref<32x768xf32, #tpu.memory_space<vmem>>, vector<1x16xf32>,
        %parallel_loop3A_865 = vector.shape_cast %parallel_loop3A_864 : vector<1x16xf32> to vector<16xf32>
        %parallel_loop3A_866 = arith.addf %parallel_loop3A_865, %get3A_355 : vector<16xf32>
        %parallel_loop3A_867 = arith.index_cast %parallel_loop3A_721 : i32 to index
        %parallel_loop3A_868 = arith.constant 224 : index
        %parallel_loop3A_869 = tpu.vector_load %arg8[%parallel_loop3A_867, %parallel_loop3A_868] {strides = array<i32>} : memref<32x768xf32, #tpu.memory_space<vmem>>, vector<1x16xf32>,
        %parallel_loop3A_870 = vector.shape_cast %parallel_loop3A_869 : vector<1x16xf32> to vector<16xf32>
        %parallel_loop3A_871 = vector.shape_cast %parallel_loop3A_866 : vector<16xf32> to vector<1x16xf32>
        tpu.vector_store %arg8[%parallel_loop3A_867, %parallel_loop3A_868], %parallel_loop3A_871 {strides = array<i32>} : memref<32x768xf32, #tpu.memory_space<vmem>>, vector<1x16xf32>,
        %parallel_loop3A_872 = arith.index_cast %parallel_loop3A_721 : i32 to index
        %parallel_loop3A_873 = arith.constant 240 : index
        %parallel_loop3A_874 = tpu.vector_load %arg8[%parallel_loop3A_872, %parallel_loop3A_873] {strides = array<i32>} : memref<32x768xf32, #tpu.memory_space<vmem>>, vector<1x16xf32>,
        %parallel_loop3A_875 = vector.shape_cast %parallel_loop3A_874 : vector<1x16xf32> to vector<16xf32>
        %parallel_loop3A_876 = arith.addf %parallel_loop3A_875, %get3A_359 : vector<16xf32>
        %parallel_loop3A_877 = arith.index_cast %parallel_loop3A_721 : i32 to index
        %parallel_loop3A_878 = arith.constant 240 : index
        %parallel_loop3A_879 = tpu.vector_load %arg8[%parallel_loop3A_877, %parallel_loop3A_878] {strides = array<i32>} : memref<32x768xf32, #tpu.memory_space<vmem>>, vector<1x16xf32>,
        %parallel_loop3A_880 = vector.shape_cast %parallel_loop3A_879 : vector<1x16xf32> to vector<16xf32>
        %parallel_loop3A_881 = vector.shape_cast %parallel_loop3A_876 : vector<16xf32> to vector<1x16xf32>
        tpu.vector_store %arg8[%parallel_loop3A_877, %parallel_loop3A_878], %parallel_loop3A_881 {strides = array<i32>} : memref<32x768xf32, #tpu.memory_space<vmem>>, vector<1x16xf32>,
        %parallel_loop3A_882 = arith.index_cast %parallel_loop3A_721 : i32 to index
        %parallel_loop3A_883 = arith.constant 256 : index
        %parallel_loop3A_884 = tpu.vector_load %arg8[%parallel_loop3A_882, %parallel_loop3A_883] {strides = array<i32>} : memref<32x768xf32, #tpu.memory_space<vmem>>, vector<1x16xf32>,
        %parallel_loop3A_885 = vector.shape_cast %parallel_loop3A_884 : vector<1x16xf32> to vector<16xf32>
        %parallel_loop3A_886 = arith.addf %parallel_loop3A_885, %get3A_363 : vector<16xf32>
        %parallel_loop3A_887 = arith.index_cast %parallel_loop3A_721 : i32 to index
        %parallel_loop3A_888 = arith.constant 256 : index
        %parallel_loop3A_889 = tpu.vector_load %arg8[%parallel_loop3A_887, %parallel_loop3A_888] {strides = array<i32>} : memref<32x768xf32, #tpu.memory_space<vmem>>, vector<1x16xf32>,
        %parallel_loop3A_890 = vector.shape_cast %parallel_loop3A_889 : vector<1x16xf32> to vector<16xf32>
        %parallel_loop3A_891 = vector.shape_cast %parallel_loop3A_886 : vector<16xf32> to vector<1x16xf32>
        tpu.vector_store %arg8[%parallel_loop3A_887, %parallel_loop3A_888], %parallel_loop3A_891 {strides = array<i32>} : memref<32x768xf32, #tpu.memory_space<vmem>>, vector<1x16xf32>,
        %parallel_loop3A_892 = arith.index_cast %parallel_loop3A_721 : i32 to index
        %parallel_loop3A_893 = arith.constant 272 : index
        %parallel_loop3A_894 = tpu.vector_load %arg8[%parallel_loop3A_892, %parallel_loop3A_893] {strides = array<i32>} : memref<32x768xf32, #tpu.memory_space<vmem>>, vector<1x16xf32>,
        %parallel_loop3A_895 = vector.shape_cast %parallel_loop3A_894 : vector<1x16xf32> to vector<16xf32>
        %parallel_loop3A_896 = arith.addf %parallel_loop3A_895, %get3A_367 : vector<16xf32>
        %parallel_loop3A_897 = arith.index_cast %parallel_loop3A_721 : i32 to index
        %parallel_loop3A_898 = arith.constant 272 : index
        %parallel_loop3A_899 = tpu.vector_load %arg8[%parallel_loop3A_897, %parallel_loop3A_898] {strides = array<i32>} : memref<32x768xf32, #tpu.memory_space<vmem>>, vector<1x16xf32>,
        %parallel_loop3A_900 = vector.shape_cast %parallel_loop3A_899 : vector<1x16xf32> to vector<16xf32>
        %parallel_loop3A_901 = vector.shape_cast %parallel_loop3A_896 : vector<16xf32> to vector<1x16xf32>
        tpu.vector_store %arg8[%parallel_loop3A_897, %parallel_loop3A_898], %parallel_loop3A_901 {strides = array<i32>} : memref<32x768xf32, #tpu.memory_space<vmem>>, vector<1x16xf32>,
        %parallel_loop3A_902 = arith.index_cast %parallel_loop3A_721 : i32 to index
        %parallel_loop3A_903 = arith.constant 288 : index
        %parallel_loop3A_904 = tpu.vector_load %arg8[%parallel_loop3A_902, %parallel_loop3A_903] {strides = array<i32>} : memref<32x768xf32, #tpu.memory_space<vmem>>, vector<1x16xf32>,
        %parallel_loop3A_905 = vector.shape_cast %parallel_loop3A_904 : vector<1x16xf32> to vector<16xf32>
        %parallel_loop3A_906 = arith.addf %parallel_loop3A_905, %get3A_371 : vector<16xf32>
        %parallel_loop3A_907 = arith.index_cast %parallel_loop3A_721 : i32 to index
        %parallel_loop3A_908 = arith.constant 288 : index
        %parallel_loop3A_909 = tpu.vector_load %arg8[%parallel_loop3A_907, %parallel_loop3A_908] {strides = array<i32>} : memref<32x768xf32, #tpu.memory_space<vmem>>, vector<1x16xf32>,
        %parallel_loop3A_910 = vector.shape_cast %parallel_loop3A_909 : vector<1x16xf32> to vector<16xf32>
        %parallel_loop3A_911 = vector.shape_cast %parallel_loop3A_906 : vector<16xf32> to vector<1x16xf32>
        tpu.vector_store %arg8[%parallel_loop3A_907, %parallel_loop3A_908], %parallel_loop3A_911 {strides = array<i32>} : memref<32x768xf32, #tpu.memory_space<vmem>>, vector<1x16xf32>,
        %parallel_loop3A_912 = arith.index_cast %parallel_loop3A_721 : i32 to index
        %parallel_loop3A_913 = arith.constant 304 : index
        %parallel_loop3A_914 = tpu.vector_load %arg8[%parallel_loop3A_912, %parallel_loop3A_913] {strides = array<i32>} : memref<32x768xf32, #tpu.memory_space<vmem>>, vector<1x16xf32>,
        %parallel_loop3A_915 = vector.shape_cast %parallel_loop3A_914 : vector<1x16xf32> to vector<16xf32>
        %parallel_loop3A_916 = arith.addf %parallel_loop3A_915, %get3A_375 : vector<16xf32>
        %parallel_loop3A_917 = arith.index_cast %parallel_loop3A_721 : i32 to index
        %parallel_loop3A_918 = arith.constant 304 : index
        %parallel_loop3A_919 = tpu.vector_load %arg8[%parallel_loop3A_917, %parallel_loop3A_918] {strides = array<i32>} : memref<32x768xf32, #tpu.memory_space<vmem>>, vector<1x16xf32>,
        %parallel_loop3A_920 = vector.shape_cast %parallel_loop3A_919 : vector<1x16xf32> to vector<16xf32>
        %parallel_loop3A_921 = vector.shape_cast %parallel_loop3A_916 : vector<16xf32> to vector<1x16xf32>
        tpu.vector_store %arg8[%parallel_loop3A_917, %parallel_loop3A_918], %parallel_loop3A_921 {strides = array<i32>} : memref<32x768xf32, #tpu.memory_space<vmem>>, vector<1x16xf32>,
        %parallel_loop3A_922 = arith.index_cast %parallel_loop3A_721 : i32 to index
        %parallel_loop3A_923 = arith.constant 320 : index
        %parallel_loop3A_924 = tpu.vector_load %arg8[%parallel_loop3A_922, %parallel_loop3A_923] {strides = array<i32>} : memref<32x768xf32, #tpu.memory_space<vmem>>, vector<1x16xf32>,
        %parallel_loop3A_925 = vector.shape_cast %parallel_loop3A_924 : vector<1x16xf32> to vector<16xf32>
        %parallel_loop3A_926 = arith.addf %parallel_loop3A_925, %get3A_379 : vector<16xf32>
        %parallel_loop3A_927 = arith.index_cast %parallel_loop3A_721 : i32 to index
        %parallel_loop3A_928 = arith.constant 320 : index
        %parallel_loop3A_929 = tpu.vector_load %arg8[%parallel_loop3A_927, %parallel_loop3A_928] {strides = array<i32>} : memref<32x768xf32, #tpu.memory_space<vmem>>, vector<1x16xf32>,
        %parallel_loop3A_930 = vector.shape_cast %parallel_loop3A_929 : vector<1x16xf32> to vector<16xf32>
        %parallel_loop3A_931 = vector.shape_cast %parallel_loop3A_926 : vector<16xf32> to vector<1x16xf32>
        tpu.vector_store %arg8[%parallel_loop3A_927, %parallel_loop3A_928], %parallel_loop3A_931 {strides = array<i32>} : memref<32x768xf32, #tpu.memory_space<vmem>>, vector<1x16xf32>,
        %parallel_loop3A_932 = arith.index_cast %parallel_loop3A_721 : i32 to index
        %parallel_loop3A_933 = arith.constant 336 : index
        %parallel_loop3A_934 = tpu.vector_load %arg8[%parallel_loop3A_932, %parallel_loop3A_933] {strides = array<i32>} : memref<32x768xf32, #tpu.memory_space<vmem>>, vector<1x16xf32>,
        %parallel_loop3A_935 = vector.shape_cast %parallel_loop3A_934 : vector<1x16xf32> to vector<16xf32>
        %parallel_loop3A_936 = arith.addf %parallel_loop3A_935, %get3A_383 : vector<16xf32>
        %parallel_loop3A_937 = arith.index_cast %parallel_loop3A_721 : i32 to index
        %parallel_loop3A_938 = arith.constant 336 : index
        %parallel_loop3A_939 = tpu.vector_load %arg8[%parallel_loop3A_937, %parallel_loop3A_938] {strides = array<i32>} : memref<32x768xf32, #tpu.memory_space<vmem>>, vector<1x16xf32>,
        %parallel_loop3A_940 = vector.shape_cast %parallel_loop3A_939 : vector<1x16xf32> to vector<16xf32>
        %parallel_loop3A_941 = vector.shape_cast %parallel_loop3A_936 : vector<16xf32> to vector<1x16xf32>
        tpu.vector_store %arg8[%parallel_loop3A_937, %parallel_loop3A_938], %parallel_loop3A_941 {strides = array<i32>} : memref<32x768xf32, #tpu.memory_space<vmem>>, vector<1x16xf32>,
        %parallel_loop3A_942 = arith.index_cast %parallel_loop3A_721 : i32 to index
        %parallel_loop3A_943 = arith.constant 352 : index
        %parallel_loop3A_944 = tpu.vector_load %arg8[%parallel_loop3A_942, %parallel_loop3A_943] {strides = array<i32>} : memref<32x768xf32, #tpu.memory_space<vmem>>, vector<1x16xf32>,
        %parallel_loop3A_945 = vector.shape_cast %parallel_loop3A_944 : vector<1x16xf32> to vector<16xf32>
        %parallel_loop3A_946 = arith.addf %parallel_loop3A_945, %get3A_387 : vector<16xf32>
        %parallel_loop3A_947 = arith.index_cast %parallel_loop3A_721 : i32 to index
        %parallel_loop3A_948 = arith.constant 352 : index
        %parallel_loop3A_949 = tpu.vector_load %arg8[%parallel_loop3A_947, %parallel_loop3A_948] {strides = array<i32>} : memref<32x768xf32, #tpu.memory_space<vmem>>, vector<1x16xf32>,
        %parallel_loop3A_950 = vector.shape_cast %parallel_loop3A_949 : vector<1x16xf32> to vector<16xf32>
        %parallel_loop3A_951 = vector.shape_cast %parallel_loop3A_946 : vector<16xf32> to vector<1x16xf32>
        tpu.vector_store %arg8[%parallel_loop3A_947, %parallel_loop3A_948], %parallel_loop3A_951 {strides = array<i32>} : memref<32x768xf32, #tpu.memory_space<vmem>>, vector<1x16xf32>,
        %parallel_loop3A_952 = arith.index_cast %parallel_loop3A_721 : i32 to index
        %parallel_loop3A_953 = arith.constant 368 : index
        %parallel_loop3A_954 = tpu.vector_load %arg8[%parallel_loop3A_952, %parallel_loop3A_953] {strides = array<i32>} : memref<32x768xf32, #tpu.memory_space<vmem>>, vector<1x16xf32>,
        %parallel_loop3A_955 = vector.shape_cast %parallel_loop3A_954 : vector<1x16xf32> to vector<16xf32>
        %parallel_loop3A_956 = arith.addf %parallel_loop3A_955, %get3A_391 : vector<16xf32>
        %parallel_loop3A_957 = arith.index_cast %parallel_loop3A_721 : i32 to index
        %parallel_loop3A_958 = arith.constant 368 : index
        %parallel_loop3A_959 = tpu.vector_load %arg8[%parallel_loop3A_957, %parallel_loop3A_958] {strides = array<i32>} : memref<32x768xf32, #tpu.memory_space<vmem>>, vector<1x16xf32>,
        %parallel_loop3A_960 = vector.shape_cast %parallel_loop3A_959 : vector<1x16xf32> to vector<16xf32>
        %parallel_loop3A_961 = vector.shape_cast %parallel_loop3A_956 : vector<16xf32> to vector<1x16xf32>
        tpu.vector_store %arg8[%parallel_loop3A_957, %parallel_loop3A_958], %parallel_loop3A_961 {strides = array<i32>} : memref<32x768xf32, #tpu.memory_space<vmem>>, vector<1x16xf32>,
        %parallel_loop3A_962 = arith.index_cast %parallel_loop3A_721 : i32 to index
        %parallel_loop3A_963 = arith.constant 384 : index
        %parallel_loop3A_964 = tpu.vector_load %arg8[%parallel_loop3A_962, %parallel_loop3A_963] {strides = array<i32>} : memref<32x768xf32, #tpu.memory_space<vmem>>, vector<1x16xf32>,
        %parallel_loop3A_965 = vector.shape_cast %parallel_loop3A_964 : vector<1x16xf32> to vector<16xf32>
        %parallel_loop3A_966 = arith.addf %parallel_loop3A_965, %get3A_395 : vector<16xf32>
        %parallel_loop3A_967 = arith.index_cast %parallel_loop3A_721 : i32 to index
        %parallel_loop3A_968 = arith.constant 384 : index
        %parallel_loop3A_969 = tpu.vector_load %arg8[%parallel_loop3A_967, %parallel_loop3A_968] {strides = array<i32>} : memref<32x768xf32, #tpu.memory_space<vmem>>, vector<1x16xf32>,
        %parallel_loop3A_970 = vector.shape_cast %parallel_loop3A_969 : vector<1x16xf32> to vector<16xf32>
        %parallel_loop3A_971 = vector.shape_cast %parallel_loop3A_966 : vector<16xf32> to vector<1x16xf32>
        tpu.vector_store %arg8[%parallel_loop3A_967, %parallel_loop3A_968], %parallel_loop3A_971 {strides = array<i32>} : memref<32x768xf32, #tpu.memory_space<vmem>>, vector<1x16xf32>,
        %parallel_loop3A_972 = arith.index_cast %parallel_loop3A_721 : i32 to index
        %parallel_loop3A_973 = arith.constant 400 : index
        %parallel_loop3A_974 = tpu.vector_load %arg8[%parallel_loop3A_972, %parallel_loop3A_973] {strides = array<i32>} : memref<32x768xf32, #tpu.memory_space<vmem>>, vector<1x16xf32>,
        %parallel_loop3A_975 = vector.shape_cast %parallel_loop3A_974 : vector<1x16xf32> to vector<16xf32>
        %parallel_loop3A_976 = arith.addf %parallel_loop3A_975, %get3A_399 : vector<16xf32>
        %parallel_loop3A_977 = arith.index_cast %parallel_loop3A_721 : i32 to index
        %parallel_loop3A_978 = arith.constant 400 : index
        %parallel_loop3A_979 = tpu.vector_load %arg8[%parallel_loop3A_977, %parallel_loop3A_978] {strides = array<i32>} : memref<32x768xf32, #tpu.memory_space<vmem>>, vector<1x16xf32>,
        %parallel_loop3A_980 = vector.shape_cast %parallel_loop3A_979 : vector<1x16xf32> to vector<16xf32>
        %parallel_loop3A_981 = vector.shape_cast %parallel_loop3A_976 : vector<16xf32> to vector<1x16xf32>
        tpu.vector_store %arg8[%parallel_loop3A_977, %parallel_loop3A_978], %parallel_loop3A_981 {strides = array<i32>} : memref<32x768xf32, #tpu.memory_space<vmem>>, vector<1x16xf32>,
        %parallel_loop3A_982 = arith.index_cast %parallel_loop3A_721 : i32 to index
        %parallel_loop3A_983 = arith.constant 416 : index
        %parallel_loop3A_984 = tpu.vector_load %arg8[%parallel_loop3A_982, %parallel_loop3A_983] {strides = array<i32>} : memref<32x768xf32, #tpu.memory_space<vmem>>, vector<1x16xf32>,
        %parallel_loop3A_985 = vector.shape_cast %parallel_loop3A_984 : vector<1x16xf32> to vector<16xf32>
        %parallel_loop3A_986 = arith.addf %parallel_loop3A_985, %get3A_403 : vector<16xf32>
        %parallel_loop3A_987 = arith.index_cast %parallel_loop3A_721 : i32 to index
        %parallel_loop3A_988 = arith.constant 416 : index
        %parallel_loop3A_989 = tpu.vector_load %arg8[%parallel_loop3A_987, %parallel_loop3A_988] {strides = array<i32>} : memref<32x768xf32, #tpu.memory_space<vmem>>, vector<1x16xf32>,
        %parallel_loop3A_990 = vector.shape_cast %parallel_loop3A_989 : vector<1x16xf32> to vector<16xf32>
        %parallel_loop3A_991 = vector.shape_cast %parallel_loop3A_986 : vector<16xf32> to vector<1x16xf32>
        tpu.vector_store %arg8[%parallel_loop3A_987, %parallel_loop3A_988], %parallel_loop3A_991 {strides = array<i32>} : memref<32x768xf32, #tpu.memory_space<vmem>>, vector<1x16xf32>,
        %parallel_loop3A_992 = arith.index_cast %parallel_loop3A_721 : i32 to index
        %parallel_loop3A_993 = arith.constant 432 : index
        %parallel_loop3A_994 = tpu.vector_load %arg8[%parallel_loop3A_992, %parallel_loop3A_993] {strides = array<i32>} : memref<32x768xf32, #tpu.memory_space<vmem>>, vector<1x16xf32>,
        %parallel_loop3A_995 = vector.shape_cast %parallel_loop3A_994 : vector<1x16xf32> to vector<16xf32>
        %parallel_loop3A_996 = arith.addf %parallel_loop3A_995, %get3A_407 : vector<16xf32>
        %parallel_loop3A_997 = arith.index_cast %parallel_loop3A_721 : i32 to index
        %parallel_loop3A_998 = arith.constant 432 : index
        %parallel_loop3A_999 = tpu.vector_load %arg8[%parallel_loop3A_997, %parallel_loop3A_998] {strides = array<i32>} : memref<32x768xf32, #tpu.memory_space<vmem>>, vector<1x16xf32>,
        %parallel_loop3A_1000 = vector.shape_cast %parallel_loop3A_999 : vector<1x16xf32> to vector<16xf32>
        %parallel_loop3A_1001 = vector.shape_cast %parallel_loop3A_996 : vector<16xf32> to vector<1x16xf32>
        tpu.vector_store %arg8[%parallel_loop3A_997, %parallel_loop3A_998], %parallel_loop3A_1001 {strides = array<i32>} : memref<32x768xf32, #tpu.memory_space<vmem>>, vector<1x16xf32>,
        %parallel_loop3A_1002 = arith.index_cast %parallel_loop3A_721 : i32 to index
        %parallel_loop3A_1003 = arith.constant 448 : index
        %parallel_loop3A_1004 = tpu.vector_load %arg8[%parallel_loop3A_1002, %parallel_loop3A_1003] {strides = array<i32>} : memref<32x768xf32, #tpu.memory_space<vmem>>, vector<1x16xf32>,
        %parallel_loop3A_1005 = vector.shape_cast %parallel_loop3A_1004 : vector<1x16xf32> to vector<16xf32>
        %parallel_loop3A_1006 = arith.addf %parallel_loop3A_1005, %get3A_411 : vector<16xf32>
        %parallel_loop3A_1007 = arith.index_cast %parallel_loop3A_721 : i32 to index
        %parallel_loop3A_1008 = arith.constant 448 : index
        %parallel_loop3A_1009 = tpu.vector_load %arg8[%parallel_loop3A_1007, %parallel_loop3A_1008] {strides = array<i32>} : memref<32x768xf32, #tpu.memory_space<vmem>>, vector<1x16xf32>,
        %parallel_loop3A_1010 = vector.shape_cast %parallel_loop3A_1009 : vector<1x16xf32> to vector<16xf32>
        %parallel_loop3A_1011 = vector.shape_cast %parallel_loop3A_1006 : vector<16xf32> to vector<1x16xf32>
        tpu.vector_store %arg8[%parallel_loop3A_1007, %parallel_loop3A_1008], %parallel_loop3A_1011 {strides = array<i32>} : memref<32x768xf32, #tpu.memory_space<vmem>>, vector<1x16xf32>,
        %parallel_loop3A_1012 = arith.index_cast %parallel_loop3A_721 : i32 to index
        %parallel_loop3A_1013 = arith.constant 464 : index
        %parallel_loop3A_1014 = tpu.vector_load %arg8[%parallel_loop3A_1012, %parallel_loop3A_1013] {strides = array<i32>} : memref<32x768xf32, #tpu.memory_space<vmem>>, vector<1x16xf32>,
        %parallel_loop3A_1015 = vector.shape_cast %parallel_loop3A_1014 : vector<1x16xf32> to vector<16xf32>
        %parallel_loop3A_1016 = arith.addf %parallel_loop3A_1015, %get3A_415 : vector<16xf32>
        %parallel_loop3A_1017 = arith.index_cast %parallel_loop3A_721 : i32 to index
        %parallel_loop3A_1018 = arith.constant 464 : index
        %parallel_loop3A_1019 = tpu.vector_load %arg8[%parallel_loop3A_1017, %parallel_loop3A_1018] {strides = array<i32>} : memref<32x768xf32, #tpu.memory_space<vmem>>, vector<1x16xf32>,
        %parallel_loop3A_1020 = vector.shape_cast %parallel_loop3A_1019 : vector<1x16xf32> to vector<16xf32>
        %parallel_loop3A_1021 = vector.shape_cast %parallel_loop3A_1016 : vector<16xf32> to vector<1x16xf32>
        tpu.vector_store %arg8[%parallel_loop3A_1017, %parallel_loop3A_1018], %parallel_loop3A_1021 {strides = array<i32>} : memref<32x768xf32, #tpu.memory_space<vmem>>, vector<1x16xf32>,
        %parallel_loop3A_1022 = arith.index_cast %parallel_loop3A_721 : i32 to index
        %parallel_loop3A_1023 = arith.constant 480 : index
        %parallel_loop3A_1024 = tpu.vector_load %arg8[%parallel_loop3A_1022, %parallel_loop3A_1023] {strides = array<i32>} : memref<32x768xf32, #tpu.memory_space<vmem>>, vector<1x16xf32>,
        %parallel_loop3A_1025 = vector.shape_cast %parallel_loop3A_1024 : vector<1x16xf32> to vector<16xf32>
        %parallel_loop3A_1026 = arith.addf %parallel_loop3A_1025, %get3A_419 : vector<16xf32>
        %parallel_loop3A_1027 = arith.index_cast %parallel_loop3A_721 : i32 to index
        %parallel_loop3A_1028 = arith.constant 480 : index
        %parallel_loop3A_1029 = tpu.vector_load %arg8[%parallel_loop3A_1027, %parallel_loop3A_1028] {strides = array<i32>} : memref<32x768xf32, #tpu.memory_space<vmem>>, vector<1x16xf32>,
        %parallel_loop3A_1030 = vector.shape_cast %parallel_loop3A_1029 : vector<1x16xf32> to vector<16xf32>
        %parallel_loop3A_1031 = vector.shape_cast %parallel_loop3A_1026 : vector<16xf32> to vector<1x16xf32>
        tpu.vector_store %arg8[%parallel_loop3A_1027, %parallel_loop3A_1028], %parallel_loop3A_1031 {strides = array<i32>} : memref<32x768xf32, #tpu.memory_space<vmem>>, vector<1x16xf32>,
        %parallel_loop3A_1032 = arith.index_cast %parallel_loop3A_721 : i32 to index
        %parallel_loop3A_1033 = arith.constant 496 : index
        %parallel_loop3A_1034 = tpu.vector_load %arg8[%parallel_loop3A_1032, %parallel_loop3A_1033] {strides = array<i32>} : memref<32x768xf32, #tpu.memory_space<vmem>>, vector<1x16xf32>,
        %parallel_loop3A_1035 = vector.shape_cast %parallel_loop3A_1034 : vector<1x16xf32> to vector<16xf32>
        %parallel_loop3A_1036 = arith.addf %parallel_loop3A_1035, %get3A_423 : vector<16xf32>
        %parallel_loop3A_1037 = arith.index_cast %parallel_loop3A_721 : i32 to index
        %parallel_loop3A_1038 = arith.constant 496 : index
        %parallel_loop3A_1039 = tpu.vector_load %arg8[%parallel_loop3A_1037, %parallel_loop3A_1038] {strides = array<i32>} : memref<32x768xf32, #tpu.memory_space<vmem>>, vector<1x16xf32>,
        %parallel_loop3A_1040 = vector.shape_cast %parallel_loop3A_1039 : vector<1x16xf32> to vector<16xf32>
        %parallel_loop3A_1041 = vector.shape_cast %parallel_loop3A_1036 : vector<16xf32> to vector<1x16xf32>
        tpu.vector_store %arg8[%parallel_loop3A_1037, %parallel_loop3A_1038], %parallel_loop3A_1041 {strides = array<i32>} : memref<32x768xf32, #tpu.memory_space<vmem>>, vector<1x16xf32>,
        %parallel_loop3A_1042 = arith.index_cast %parallel_loop3A_721 : i32 to index
        %parallel_loop3A_1043 = arith.constant 512 : index
        %parallel_loop3A_1044 = tpu.vector_load %arg8[%parallel_loop3A_1042, %parallel_loop3A_1043] {strides = array<i32>} : memref<32x768xf32, #tpu.memory_space<vmem>>, vector<1x16xf32>,
        %parallel_loop3A_1045 = vector.shape_cast %parallel_loop3A_1044 : vector<1x16xf32> to vector<16xf32>
        %parallel_loop3A_1046 = arith.addf %parallel_loop3A_1045, %get3A_427 : vector<16xf32>
        %parallel_loop3A_1047 = arith.index_cast %parallel_loop3A_721 : i32 to index
        %parallel_loop3A_1048 = arith.constant 512 : index
        %parallel_loop3A_1049 = tpu.vector_load %arg8[%parallel_loop3A_1047, %parallel_loop3A_1048] {strides = array<i32>} : memref<32x768xf32, #tpu.memory_space<vmem>>, vector<1x16xf32>,
        %parallel_loop3A_1050 = vector.shape_cast %parallel_loop3A_1049 : vector<1x16xf32> to vector<16xf32>
        %parallel_loop3A_1051 = vector.shape_cast %parallel_loop3A_1046 : vector<16xf32> to vector<1x16xf32>
        tpu.vector_store %arg8[%parallel_loop3A_1047, %parallel_loop3A_1048], %parallel_loop3A_1051 {strides = array<i32>} : memref<32x768xf32, #tpu.memory_space<vmem>>, vector<1x16xf32>,
        %parallel_loop3A_1052 = arith.index_cast %parallel_loop3A_721 : i32 to index
        %parallel_loop3A_1053 = arith.constant 528 : index
        %parallel_loop3A_1054 = tpu.vector_load %arg8[%parallel_loop3A_1052, %parallel_loop3A_1053] {strides = array<i32>} : memref<32x768xf32, #tpu.memory_space<vmem>>, vector<1x16xf32>,
        %parallel_loop3A_1055 = vector.shape_cast %parallel_loop3A_1054 : vector<1x16xf32> to vector<16xf32>
        %parallel_loop3A_1056 = arith.addf %parallel_loop3A_1055, %get3A_431 : vector<16xf32>
        %parallel_loop3A_1057 = arith.index_cast %parallel_loop3A_721 : i32 to index
        %parallel_loop3A_1058 = arith.constant 528 : index
        %parallel_loop3A_1059 = tpu.vector_load %arg8[%parallel_loop3A_1057, %parallel_loop3A_1058] {strides = array<i32>} : memref<32x768xf32, #tpu.memory_space<vmem>>, vector<1x16xf32>,
        %parallel_loop3A_1060 = vector.shape_cast %parallel_loop3A_1059 : vector<1x16xf32> to vector<16xf32>
        %parallel_loop3A_1061 = vector.shape_cast %parallel_loop3A_1056 : vector<16xf32> to vector<1x16xf32>
        tpu.vector_store %arg8[%parallel_loop3A_1057, %parallel_loop3A_1058], %parallel_loop3A_1061 {strides = array<i32>} : memref<32x768xf32, #tpu.memory_space<vmem>>, vector<1x16xf32>,
        %parallel_loop3A_1062 = arith.index_cast %parallel_loop3A_721 : i32 to index
        %parallel_loop3A_1063 = arith.constant 544 : index
        %parallel_loop3A_1064 = tpu.vector_load %arg8[%parallel_loop3A_1062, %parallel_loop3A_1063] {strides = array<i32>} : memref<32x768xf32, #tpu.memory_space<vmem>>, vector<1x16xf32>,
        %parallel_loop3A_1065 = vector.shape_cast %parallel_loop3A_1064 : vector<1x16xf32> to vector<16xf32>
        %parallel_loop3A_1066 = arith.addf %parallel_loop3A_1065, %get3A_435 : vector<16xf32>
        %parallel_loop3A_1067 = arith.index_cast %parallel_loop3A_721 : i32 to index
        %parallel_loop3A_1068 = arith.constant 544 : index
        %parallel_loop3A_1069 = tpu.vector_load %arg8[%parallel_loop3A_1067, %parallel_loop3A_1068] {strides = array<i32>} : memref<32x768xf32, #tpu.memory_space<vmem>>, vector<1x16xf32>,
        %parallel_loop3A_1070 = vector.shape_cast %parallel_loop3A_1069 : vector<1x16xf32> to vector<16xf32>
        %parallel_loop3A_1071 = vector.shape_cast %parallel_loop3A_1066 : vector<16xf32> to vector<1x16xf32>
        tpu.vector_store %arg8[%parallel_loop3A_1067, %parallel_loop3A_1068], %parallel_loop3A_1071 {strides = array<i32>} : memref<32x768xf32, #tpu.memory_space<vmem>>, vector<1x16xf32>,
        %parallel_loop3A_1072 = arith.index_cast %parallel_loop3A_721 : i32 to index
        %parallel_loop3A_1073 = arith.constant 560 : index
        %parallel_loop3A_1074 = tpu.vector_load %arg8[%parallel_loop3A_1072, %parallel_loop3A_1073] {strides = array<i32>} : memref<32x768xf32, #tpu.memory_space<vmem>>, vector<1x16xf32>,
        %parallel_loop3A_1075 = vector.shape_cast %parallel_loop3A_1074 : vector<1x16xf32> to vector<16xf32>
        %parallel_loop3A_1076 = arith.addf %parallel_loop3A_1075, %get3A_439 : vector<16xf32>
        %parallel_loop3A_1077 = arith.index_cast %parallel_loop3A_721 : i32 to index
        %parallel_loop3A_1078 = arith.constant 560 : index
        %parallel_loop3A_1079 = tpu.vector_load %arg8[%parallel_loop3A_1077, %parallel_loop3A_1078] {strides = array<i32>} : memref<32x768xf32, #tpu.memory_space<vmem>>, vector<1x16xf32>,
        %parallel_loop3A_1080 = vector.shape_cast %parallel_loop3A_1079 : vector<1x16xf32> to vector<16xf32>
        %parallel_loop3A_1081 = vector.shape_cast %parallel_loop3A_1076 : vector<16xf32> to vector<1x16xf32>
        tpu.vector_store %arg8[%parallel_loop3A_1077, %parallel_loop3A_1078], %parallel_loop3A_1081 {strides = array<i32>} : memref<32x768xf32, #tpu.memory_space<vmem>>, vector<1x16xf32>,
        %parallel_loop3A_1082 = arith.index_cast %parallel_loop3A_721 : i32 to index
        %parallel_loop3A_1083 = arith.constant 576 : index
        %parallel_loop3A_1084 = tpu.vector_load %arg8[%parallel_loop3A_1082, %parallel_loop3A_1083] {strides = array<i32>} : memref<32x768xf32, #tpu.memory_space<vmem>>, vector<1x16xf32>,
        %parallel_loop3A_1085 = vector.shape_cast %parallel_loop3A_1084 : vector<1x16xf32> to vector<16xf32>
        %parallel_loop3A_1086 = arith.addf %parallel_loop3A_1085, %get3A_443 : vector<16xf32>
        %parallel_loop3A_1087 = arith.index_cast %parallel_loop3A_721 : i32 to index
        %parallel_loop3A_1088 = arith.constant 576 : index
        %parallel_loop3A_1089 = tpu.vector_load %arg8[%parallel_loop3A_1087, %parallel_loop3A_1088] {strides = array<i32>} : memref<32x768xf32, #tpu.memory_space<vmem>>, vector<1x16xf32>,
        %parallel_loop3A_1090 = vector.shape_cast %parallel_loop3A_1089 : vector<1x16xf32> to vector<16xf32>
        %parallel_loop3A_1091 = vector.shape_cast %parallel_loop3A_1086 : vector<16xf32> to vector<1x16xf32>
        tpu.vector_store %arg8[%parallel_loop3A_1087, %parallel_loop3A_1088], %parallel_loop3A_1091 {strides = array<i32>} : memref<32x768xf32, #tpu.memory_space<vmem>>, vector<1x16xf32>,
        %parallel_loop3A_1092 = arith.index_cast %parallel_loop3A_721 : i32 to index
        %parallel_loop3A_1093 = arith.constant 592 : index
        %parallel_loop3A_1094 = tpu.vector_load %arg8[%parallel_loop3A_1092, %parallel_loop3A_1093] {strides = array<i32>} : memref<32x768xf32, #tpu.memory_space<vmem>>, vector<1x16xf32>,
        %parallel_loop3A_1095 = vector.shape_cast %parallel_loop3A_1094 : vector<1x16xf32> to vector<16xf32>
        %parallel_loop3A_1096 = arith.addf %parallel_loop3A_1095, %get3A_447 : vector<16xf32>
        %parallel_loop3A_1097 = arith.index_cast %parallel_loop3A_721 : i32 to index
        %parallel_loop3A_1098 = arith.constant 592 : index
        %parallel_loop3A_1099 = tpu.vector_load %arg8[%parallel_loop3A_1097, %parallel_loop3A_1098] {strides = array<i32>} : memref<32x768xf32, #tpu.memory_space<vmem>>, vector<1x16xf32>,
        %parallel_loop3A_1100 = vector.shape_cast %parallel_loop3A_1099 : vector<1x16xf32> to vector<16xf32>
        %parallel_loop3A_1101 = vector.shape_cast %parallel_loop3A_1096 : vector<16xf32> to vector<1x16xf32>
        tpu.vector_store %arg8[%parallel_loop3A_1097, %parallel_loop3A_1098], %parallel_loop3A_1101 {strides = array<i32>} : memref<32x768xf32, #tpu.memory_space<vmem>>, vector<1x16xf32>,
        %parallel_loop3A_1102 = arith.index_cast %parallel_loop3A_721 : i32 to index
        %parallel_loop3A_1103 = arith.constant 608 : index
        %parallel_loop3A_1104 = tpu.vector_load %arg8[%parallel_loop3A_1102, %parallel_loop3A_1103] {strides = array<i32>} : memref<32x768xf32, #tpu.memory_space<vmem>>, vector<1x16xf32>,
        %parallel_loop3A_1105 = vector.shape_cast %parallel_loop3A_1104 : vector<1x16xf32> to vector<16xf32>
        %parallel_loop3A_1106 = arith.addf %parallel_loop3A_1105, %get3A_451 : vector<16xf32>
        %parallel_loop3A_1107 = arith.index_cast %parallel_loop3A_721 : i32 to index
        %parallel_loop3A_1108 = arith.constant 608 : index
        %parallel_loop3A_1109 = tpu.vector_load %arg8[%parallel_loop3A_1107, %parallel_loop3A_1108] {strides = array<i32>} : memref<32x768xf32, #tpu.memory_space<vmem>>, vector<1x16xf32>,
        %parallel_loop3A_1110 = vector.shape_cast %parallel_loop3A_1109 : vector<1x16xf32> to vector<16xf32>
        %parallel_loop3A_1111 = vector.shape_cast %parallel_loop3A_1106 : vector<16xf32> to vector<1x16xf32>
        tpu.vector_store %arg8[%parallel_loop3A_1107, %parallel_loop3A_1108], %parallel_loop3A_1111 {strides = array<i32>} : memref<32x768xf32, #tpu.memory_space<vmem>>, vector<1x16xf32>,
        %parallel_loop3A_1112 = arith.index_cast %parallel_loop3A_721 : i32 to index
        %parallel_loop3A_1113 = arith.constant 624 : index
        %parallel_loop3A_1114 = tpu.vector_load %arg8[%parallel_loop3A_1112, %parallel_loop3A_1113] {strides = array<i32>} : memref<32x768xf32, #tpu.memory_space<vmem>>, vector<1x16xf32>,
        %parallel_loop3A_1115 = vector.shape_cast %parallel_loop3A_1114 : vector<1x16xf32> to vector<16xf32>
        %parallel_loop3A_1116 = arith.addf %parallel_loop3A_1115, %get3A_455 : vector<16xf32>
        %parallel_loop3A_1117 = arith.index_cast %parallel_loop3A_721 : i32 to index
        %parallel_loop3A_1118 = arith.constant 624 : index
        %parallel_loop3A_1119 = tpu.vector_load %arg8[%parallel_loop3A_1117, %parallel_loop3A_1118] {strides = array<i32>} : memref<32x768xf32, #tpu.memory_space<vmem>>, vector<1x16xf32>,
        %parallel_loop3A_1120 = vector.shape_cast %parallel_loop3A_1119 : vector<1x16xf32> to vector<16xf32>
        %parallel_loop3A_1121 = vector.shape_cast %parallel_loop3A_1116 : vector<16xf32> to vector<1x16xf32>
        tpu.vector_store %arg8[%parallel_loop3A_1117, %parallel_loop3A_1118], %parallel_loop3A_1121 {strides = array<i32>} : memref<32x768xf32, #tpu.memory_space<vmem>>, vector<1x16xf32>,
        %parallel_loop3A_1122 = arith.index_cast %parallel_loop3A_721 : i32 to index
        %parallel_loop3A_1123 = arith.constant 640 : index
        %parallel_loop3A_1124 = tpu.vector_load %arg8[%parallel_loop3A_1122, %parallel_loop3A_1123] {strides = array<i32>} : memref<32x768xf32, #tpu.memory_space<vmem>>, vector<1x16xf32>,
        %parallel_loop3A_1125 = vector.shape_cast %parallel_loop3A_1124 : vector<1x16xf32> to vector<16xf32>
        %parallel_loop3A_1126 = arith.addf %parallel_loop3A_1125, %get3A_459 : vector<16xf32>
        %parallel_loop3A_1127 = arith.index_cast %parallel_loop3A_721 : i32 to index
        %parallel_loop3A_1128 = arith.constant 640 : index
        %parallel_loop3A_1129 = tpu.vector_load %arg8[%parallel_loop3A_1127, %parallel_loop3A_1128] {strides = array<i32>} : memref<32x768xf32, #tpu.memory_space<vmem>>, vector<1x16xf32>,
        %parallel_loop3A_1130 = vector.shape_cast %parallel_loop3A_1129 : vector<1x16xf32> to vector<16xf32>
        %parallel_loop3A_1131 = vector.shape_cast %parallel_loop3A_1126 : vector<16xf32> to vector<1x16xf32>
        tpu.vector_store %arg8[%parallel_loop3A_1127, %parallel_loop3A_1128], %parallel_loop3A_1131 {strides = array<i32>} : memref<32x768xf32, #tpu.memory_space<vmem>>, vector<1x16xf32>,
        %parallel_loop3A_1132 = arith.index_cast %parallel_loop3A_721 : i32 to index
        %parallel_loop3A_1133 = arith.constant 656 : index
        %parallel_loop3A_1134 = tpu.vector_load %arg8[%parallel_loop3A_1132, %parallel_loop3A_1133] {strides = array<i32>} : memref<32x768xf32, #tpu.memory_space<vmem>>, vector<1x16xf32>,
        %parallel_loop3A_1135 = vector.shape_cast %parallel_loop3A_1134 : vector<1x16xf32> to vector<16xf32>
        %parallel_loop3A_1136 = arith.addf %parallel_loop3A_1135, %get3A_463 : vector<16xf32>
        %parallel_loop3A_1137 = arith.index_cast %parallel_loop3A_721 : i32 to index
        %parallel_loop3A_1138 = arith.constant 656 : index
        %parallel_loop3A_1139 = tpu.vector_load %arg8[%parallel_loop3A_1137, %parallel_loop3A_1138] {strides = array<i32>} : memref<32x768xf32, #tpu.memory_space<vmem>>, vector<1x16xf32>,
        %parallel_loop3A_1140 = vector.shape_cast %parallel_loop3A_1139 : vector<1x16xf32> to vector<16xf32>
        %parallel_loop3A_1141 = vector.shape_cast %parallel_loop3A_1136 : vector<16xf32> to vector<1x16xf32>
        tpu.vector_store %arg8[%parallel_loop3A_1137, %parallel_loop3A_1138], %parallel_loop3A_1141 {strides = array<i32>} : memref<32x768xf32, #tpu.memory_space<vmem>>, vector<1x16xf32>,
        %parallel_loop3A_1142 = arith.index_cast %parallel_loop3A_721 : i32 to index
        %parallel_loop3A_1143 = arith.constant 672 : index
        %parallel_loop3A_1144 = tpu.vector_load %arg8[%parallel_loop3A_1142, %parallel_loop3A_1143] {strides = array<i32>} : memref<32x768xf32, #tpu.memory_space<vmem>>, vector<1x16xf32>,
        %parallel_loop3A_1145 = vector.shape_cast %parallel_loop3A_1144 : vector<1x16xf32> to vector<16xf32>
        %parallel_loop3A_1146 = arith.addf %parallel_loop3A_1145, %get3A_467 : vector<16xf32>
        %parallel_loop3A_1147 = arith.index_cast %parallel_loop3A_721 : i32 to index
        %parallel_loop3A_1148 = arith.constant 672 : index
        %parallel_loop3A_1149 = tpu.vector_load %arg8[%parallel_loop3A_1147, %parallel_loop3A_1148] {strides = array<i32>} : memref<32x768xf32, #tpu.memory_space<vmem>>, vector<1x16xf32>,
        %parallel_loop3A_1150 = vector.shape_cast %parallel_loop3A_1149 : vector<1x16xf32> to vector<16xf32>
        %parallel_loop3A_1151 = vector.shape_cast %parallel_loop3A_1146 : vector<16xf32> to vector<1x16xf32>
        tpu.vector_store %arg8[%parallel_loop3A_1147, %parallel_loop3A_1148], %parallel_loop3A_1151 {strides = array<i32>} : memref<32x768xf32, #tpu.memory_space<vmem>>, vector<1x16xf32>,
        %parallel_loop3A_1152 = arith.index_cast %parallel_loop3A_721 : i32 to index
        %parallel_loop3A_1153 = arith.constant 688 : index
        %parallel_loop3A_1154 = tpu.vector_load %arg8[%parallel_loop3A_1152, %parallel_loop3A_1153] {strides = array<i32>} : memref<32x768xf32, #tpu.memory_space<vmem>>, vector<1x16xf32>,
        %parallel_loop3A_1155 = vector.shape_cast %parallel_loop3A_1154 : vector<1x16xf32> to vector<16xf32>
        %parallel_loop3A_1156 = arith.addf %parallel_loop3A_1155, %get3A_471 : vector<16xf32>
        %parallel_loop3A_1157 = arith.index_cast %parallel_loop3A_721 : i32 to index
        %parallel_loop3A_1158 = arith.constant 688 : index
        %parallel_loop3A_1159 = tpu.vector_load %arg8[%parallel_loop3A_1157, %parallel_loop3A_1158] {strides = array<i32>} : memref<32x768xf32, #tpu.memory_space<vmem>>, vector<1x16xf32>,
        %parallel_loop3A_1160 = vector.shape_cast %parallel_loop3A_1159 : vector<1x16xf32> to vector<16xf32>
        %parallel_loop3A_1161 = vector.shape_cast %parallel_loop3A_1156 : vector<16xf32> to vector<1x16xf32>
        tpu.vector_store %arg8[%parallel_loop3A_1157, %parallel_loop3A_1158], %parallel_loop3A_1161 {strides = array<i32>} : memref<32x768xf32, #tpu.memory_space<vmem>>, vector<1x16xf32>,
        %parallel_loop3A_1162 = arith.index_cast %parallel_loop3A_721 : i32 to index
        %parallel_loop3A_1163 = arith.constant 704 : index
        %parallel_loop3A_1164 = tpu.vector_load %arg8[%parallel_loop3A_1162, %parallel_loop3A_1163] {strides = array<i32>} : memref<32x768xf32, #tpu.memory_space<vmem>>, vector<1x16xf32>,
        %parallel_loop3A_1165 = vector.shape_cast %parallel_loop3A_1164 : vector<1x16xf32> to vector<16xf32>
        %parallel_loop3A_1166 = arith.addf %parallel_loop3A_1165, %get3A_475 : vector<16xf32>
        %parallel_loop3A_1167 = arith.index_cast %parallel_loop3A_721 : i32 to index
        %parallel_loop3A_1168 = arith.constant 704 : index
        %parallel_loop3A_1169 = tpu.vector_load %arg8[%parallel_loop3A_1167, %parallel_loop3A_1168] {strides = array<i32>} : memref<32x768xf32, #tpu.memory_space<vmem>>, vector<1x16xf32>,
        %parallel_loop3A_1170 = vector.shape_cast %parallel_loop3A_1169 : vector<1x16xf32> to vector<16xf32>
        %parallel_loop3A_1171 = vector.shape_cast %parallel_loop3A_1166 : vector<16xf32> to vector<1x16xf32>
        tpu.vector_store %arg8[%parallel_loop3A_1167, %parallel_loop3A_1168], %parallel_loop3A_1171 {strides = array<i32>} : memref<32x768xf32, #tpu.memory_space<vmem>>, vector<1x16xf32>,
        %parallel_loop3A_1172 = arith.index_cast %parallel_loop3A_721 : i32 to index
        %parallel_loop3A_1173 = arith.constant 720 : index
        %parallel_loop3A_1174 = tpu.vector_load %arg8[%parallel_loop3A_1172, %parallel_loop3A_1173] {strides = array<i32>} : memref<32x768xf32, #tpu.memory_space<vmem>>, vector<1x16xf32>,
        %parallel_loop3A_1175 = vector.shape_cast %parallel_loop3A_1174 : vector<1x16xf32> to vector<16xf32>
        %parallel_loop3A_1176 = arith.addf %parallel_loop3A_1175, %get3A_479 : vector<16xf32>
        %parallel_loop3A_1177 = arith.index_cast %parallel_loop3A_721 : i32 to index
        %parallel_loop3A_1178 = arith.constant 720 : index
        %parallel_loop3A_1179 = tpu.vector_load %arg8[%parallel_loop3A_1177, %parallel_loop3A_1178] {strides = array<i32>} : memref<32x768xf32, #tpu.memory_space<vmem>>, vector<1x16xf32>,
        %parallel_loop3A_1180 = vector.shape_cast %parallel_loop3A_1179 : vector<1x16xf32> to vector<16xf32>
        %parallel_loop3A_1181 = vector.shape_cast %parallel_loop3A_1176 : vector<16xf32> to vector<1x16xf32>
        tpu.vector_store %arg8[%parallel_loop3A_1177, %parallel_loop3A_1178], %parallel_loop3A_1181 {strides = array<i32>} : memref<32x768xf32, #tpu.memory_space<vmem>>, vector<1x16xf32>,
        %parallel_loop3A_1182 = arith.index_cast %parallel_loop3A_721 : i32 to index
        %parallel_loop3A_1183 = arith.constant 736 : index
        %parallel_loop3A_1184 = tpu.vector_load %arg8[%parallel_loop3A_1182, %parallel_loop3A_1183] {strides = array<i32>} : memref<32x768xf32, #tpu.memory_space<vmem>>, vector<1x16xf32>,
        %parallel_loop3A_1185 = vector.shape_cast %parallel_loop3A_1184 : vector<1x16xf32> to vector<16xf32>
        %parallel_loop3A_1186 = arith.addf %parallel_loop3A_1185, %get3A_483 : vector<16xf32>
        %parallel_loop3A_1187 = arith.index_cast %parallel_loop3A_721 : i32 to index
        %parallel_loop3A_1188 = arith.constant 736 : index
        %parallel_loop3A_1189 = tpu.vector_load %arg8[%parallel_loop3A_1187, %parallel_loop3A_1188] {strides = array<i32>} : memref<32x768xf32, #tpu.memory_space<vmem>>, vector<1x16xf32>,
        %parallel_loop3A_1190 = vector.shape_cast %parallel_loop3A_1189 : vector<1x16xf32> to vector<16xf32>
        %parallel_loop3A_1191 = vector.shape_cast %parallel_loop3A_1186 : vector<16xf32> to vector<1x16xf32>
        tpu.vector_store %arg8[%parallel_loop3A_1187, %parallel_loop3A_1188], %parallel_loop3A_1191 {strides = array<i32>} : memref<32x768xf32, #tpu.memory_space<vmem>>, vector<1x16xf32>,
        %parallel_loop3A_1192 = arith.index_cast %parallel_loop3A_721 : i32 to index
        %parallel_loop3A_1193 = arith.constant 752 : index
        %parallel_loop3A_1194 = tpu.vector_load %arg8[%parallel_loop3A_1192, %parallel_loop3A_1193] {strides = array<i32>} : memref<32x768xf32, #tpu.memory_space<vmem>>, vector<1x16xf32>,
        %parallel_loop3A_1195 = vector.shape_cast %parallel_loop3A_1194 : vector<1x16xf32> to vector<16xf32>
        %parallel_loop3A_1196 = arith.addf %parallel_loop3A_1195, %get3A_487 : vector<16xf32>
        %parallel_loop3A_1197 = arith.index_cast %parallel_loop3A_721 : i32 to index
        %parallel_loop3A_1198 = arith.constant 752 : index
        %parallel_loop3A_1199 = tpu.vector_load %arg8[%parallel_loop3A_1197, %parallel_loop3A_1198] {strides = array<i32>} : memref<32x768xf32, #tpu.memory_space<vmem>>, vector<1x16xf32>,
        %parallel_loop3A_1200 = vector.shape_cast %parallel_loop3A_1199 : vector<1x16xf32> to vector<16xf32>
        %parallel_loop3A_1201 = vector.shape_cast %parallel_loop3A_1196 : vector<16xf32> to vector<1x16xf32>
        tpu.vector_store %arg8[%parallel_loop3A_1197, %parallel_loop3A_1198], %parallel_loop3A_1201 {strides = array<i32>} : memref<32x768xf32, #tpu.memory_space<vmem>>, vector<1x16xf32>,
      } {sc.loop_unroll_factor = 1 : i64, sc.parallel_access}
      %dma_start3A_491 = arith.constant 0 : i32
      %dma_start3A_492 = tpu.memref_slice %arg5[%mul3A_289, %mul3A_2, %dma_start3A_491] : memref<77x1024x768xf32, #tpu.memory_space<hbm>> -> memref<1x32x768xf32, #tpu.memory_space<hbm>>
      %dma_start3A_493 = tpu.memref_squeeze %dma_start3A_492 : memref<1x32x768xf32, #tpu.memory_space<hbm>> -> memref<32x768xf32, #tpu.memory_space<hbm>>
      %dma_start3A_494 = arith.constant 0 : i32
      %dma_start3A_495 = tpu.memref_slice %arg5[%mul3A_289, %mul3A_2, %dma_start3A_494] : memref<77x1024x768xf32, #tpu.memory_space<hbm>> -> memref<1x32x768xf32, #tpu.memory_space<hbm>>
      %dma_start3A_496 = tpu.memref_squeeze %dma_start3A_495 : memref<1x32x768xf32, #tpu.memory_space<hbm>> -> memref<32x768xf32, #tpu.memory_space<hbm>>
      tpu.enqueue_dma source(%arg8 : memref<32x768xf32, #tpu.memory_space<vmem>>) target(%dma_start3A_496 : memref<32x768xf32, #tpu.memory_space<hbm>>) target_semaphore(%arg12 : memref<!tpu.dma_semaphore, #tpu.memory_space<semaphore_mem>>)
      %add3A_497 = arith.constant 1 : i32
      %add3A_498 = arith.addi %mul3A_289, %add3A_497 : i32
      %mul3A_499 = arith.constant 32 : i32
      %mul3A_500 = arith.muli %add3A_498, %mul3A_499 : i32
      %dma_wait3A_501 = tpu.memref_slice %arg6[%mul3A_500] : memref<2464xi32, #tpu.memory_space<vmem>> -> memref<32xi32, #tpu.memory_space<vmem>>
      %dma_wait3A_502 = arith.constant 0 : i32
      %dma_wait3A_503 = arith.constant 0 : i32
      %dma_wait3A_504 = tpu.memref_slice %arg3[%dma_wait3A_502, %dma_wait3A_503] : memref<49408x768xf32, #tpu.memory_space<hbm>> -> memref<49408x768xf32, #tpu.memory_space<hbm>>
      tpu.wait_indirect_dma semaphore(%arg11 : memref<!tpu.dma_semaphore, #tpu.memory_space<semaphore_mem>>) src(%dma_wait3A_504 : memref<49408x768xf32, #tpu.memory_space<hbm>>) dst(%arg9 : memref<32x768xf32, #tpu.memory_space<vmem>>)
      %add3A_505 = arith.constant 1 : i32
      %add3A_506 = arith.addi %mul3A_289, %add3A_505 : i32
      %get3A_507 = arith.index_cast %add3A_506 : i32 to index
      %get3A_508 = arith.constant 0 : index
      %get3A_509 = tpu.vector_load %arg7[%get3A_507, %get3A_508] {strides = array<i32>} : memref<77x768xf32, #tpu.memory_space<vmem>>, vector<1x16xf32>,
      %get3A_510 = vector.shape_cast %get3A_509 : vector<1x16xf32> to vector<16xf32>
      %get3A_511 = arith.index_cast %add3A_506 : i32 to index
      %get3A_512 = arith.constant 16 : index
      %get3A_513 = tpu.vector_load %arg7[%get3A_511, %get3A_512] {strides = array<i32>} : memref<77x768xf32, #tpu.memory_space<vmem>>, vector<1x16xf32>,
      %get3A_514 = vector.shape_cast %get3A_513 : vector<1x16xf32> to vector<16xf32>
      %get3A_515 = arith.index_cast %add3A_506 : i32 to index
      %get3A_516 = arith.constant 32 : index
      %get3A_517 = tpu.vector_load %arg7[%get3A_515, %get3A_516] {strides = array<i32>} : memref<77x768xf32, #tpu.memory_space<vmem>>, vector<1x16xf32>,
      %get3A_518 = vector.shape_cast %get3A_517 : vector<1x16xf32> to vector<16xf32>
      %get3A_519 = arith.index_cast %add3A_506 : i32 to index
      %get3A_520 = arith.constant 48 : index
      %get3A_521 = tpu.vector_load %arg7[%get3A_519, %get3A_520] {strides = array<i32>} : memref<77x768xf32, #tpu.memory_space<vmem>>, vector<1x16xf32>,
      %get3A_522 = vector.shape_cast %get3A_521 : vector<1x16xf32> to vector<16xf32>
      %get3A_523 = arith.index_cast %add3A_506 : i32 to index
      %get3A_524 = arith.constant 64 : index
      %get3A_525 = tpu.vector_load %arg7[%get3A_523, %get3A_524] {strides = array<i32>} : memref<77x768xf32, #tpu.memory_space<vmem>>, vector<1x16xf32>,
      %get3A_526 = vector.shape_cast %get3A_525 : vector<1x16xf32> to vector<16xf32>
      %get3A_527 = arith.index_cast %add3A_506 : i32 to index
      %get3A_528 = arith.constant 80 : index
      %get3A_529 = tpu.vector_load %arg7[%get3A_527, %get3A_528] {strides = array<i32>} : memref<77x768xf32, #tpu.memory_space<vmem>>, vector<1x16xf32>,
      %get3A_530 = vector.shape_cast %get3A_529 : vector<1x16xf32> to vector<16xf32>
      %get3A_531 = arith.index_cast %add3A_506 : i32 to index
      %get3A_532 = arith.constant 96 : index
      %get3A_533 = tpu.vector_load %arg7[%get3A_531, %get3A_532] {strides = array<i32>} : memref<77x768xf32, #tpu.memory_space<vmem>>, vector<1x16xf32>,
      %get3A_534 = vector.shape_cast %get3A_533 : vector<1x16xf32> to vector<16xf32>
      %get3A_535 = arith.index_cast %add3A_506 : i32 to index
      %get3A_536 = arith.constant 112 : index
      %get3A_537 = tpu.vector_load %arg7[%get3A_535, %get3A_536] {strides = array<i32>} : memref<77x768xf32, #tpu.memory_space<vmem>>, vector<1x16xf32>,
      %get3A_538 = vector.shape_cast %get3A_537 : vector<1x16xf32> to vector<16xf32>
      %get3A_539 = arith.index_cast %add3A_506 : i32 to index
      %get3A_540 = arith.constant 128 : index
      %get3A_541 = tpu.vector_load %arg7[%get3A_539, %get3A_540] {strides = array<i32>} : memref<77x768xf32, #tpu.memory_space<vmem>>, vector<1x16xf32>,
      %get3A_542 = vector.shape_cast %get3A_541 : vector<1x16xf32> to vector<16xf32>
      %get3A_543 = arith.index_cast %add3A_506 : i32 to index
      %get3A_544 = arith.constant 144 : index
      %get3A_545 = tpu.vector_load %arg7[%get3A_543, %get3A_544] {strides = array<i32>} : memref<77x768xf32, #tpu.memory_space<vmem>>, vector<1x16xf32>,
      %get3A_546 = vector.shape_cast %get3A_545 : vector<1x16xf32> to vector<16xf32>
      %get3A_547 = arith.index_cast %add3A_506 : i32 to index
      %get3A_548 = arith.constant 160 : index
      %get3A_549 = tpu.vector_load %arg7[%get3A_547, %get3A_548] {strides = array<i32>} : memref<77x768xf32, #tpu.memory_space<vmem>>, vector<1x16xf32>,
      %get3A_550 = vector.shape_cast %get3A_549 : vector<1x16xf32> to vector<16xf32>
      %get3A_551 = arith.index_cast %add3A_506 : i32 to index
      %get3A_552 = arith.constant 176 : index
      %get3A_553 = tpu.vector_load %arg7[%get3A_551, %get3A_552] {strides = array<i32>} : memref<77x768xf32, #tpu.memory_space<vmem>>, vector<1x16xf32>,
      %get3A_554 = vector.shape_cast %get3A_553 : vector<1x16xf32> to vector<16xf32>
      %get3A_555 = arith.index_cast %add3A_506 : i32 to index
      %get3A_556 = arith.constant 192 : index
      %get3A_557 = tpu.vector_load %arg7[%get3A_555, %get3A_556] {strides = array<i32>} : memref<77x768xf32, #tpu.memory_space<vmem>>, vector<1x16xf32>,
      %get3A_558 = vector.shape_cast %get3A_557 : vector<1x16xf32> to vector<16xf32>
      %get3A_559 = arith.index_cast %add3A_506 : i32 to index
      %get3A_560 = arith.constant 208 : index
      %get3A_561 = tpu.vector_load %arg7[%get3A_559, %get3A_560] {strides = array<i32>} : memref<77x768xf32, #tpu.memory_space<vmem>>, vector<1x16xf32>,
      %get3A_562 = vector.shape_cast %get3A_561 : vector<1x16xf32> to vector<16xf32>
      %get3A_563 = arith.index_cast %add3A_506 : i32 to index
      %get3A_564 = arith.constant 224 : index
      %get3A_565 = tpu.vector_load %arg7[%get3A_563, %get3A_564] {strides = array<i32>} : memref<77x768xf32, #tpu.memory_space<vmem>>, vector<1x16xf32>,
      %get3A_566 = vector.shape_cast %get3A_565 : vector<1x16xf32> to vector<16xf32>
      %get3A_567 = arith.index_cast %add3A_506 : i32 to index
      %get3A_568 = arith.constant 240 : index
      %get3A_569 = tpu.vector_load %arg7[%get3A_567, %get3A_568] {strides = array<i32>} : memref<77x768xf32, #tpu.memory_space<vmem>>, vector<1x16xf32>,
      %get3A_570 = vector.shape_cast %get3A_569 : vector<1x16xf32> to vector<16xf32>
      %get3A_571 = arith.index_cast %add3A_506 : i32 to index
      %get3A_572 = arith.constant 256 : index
      %get3A_573 = tpu.vector_load %arg7[%get3A_571, %get3A_572] {strides = array<i32>} : memref<77x768xf32, #tpu.memory_space<vmem>>, vector<1x16xf32>,
      %get3A_574 = vector.shape_cast %get3A_573 : vector<1x16xf32> to vector<16xf32>
      %get3A_575 = arith.index_cast %add3A_506 : i32 to index
      %get3A_576 = arith.constant 272 : index
      %get3A_577 = tpu.vector_load %arg7[%get3A_575, %get3A_576] {strides = array<i32>} : memref<77x768xf32, #tpu.memory_space<vmem>>, vector<1x16xf32>,
      %get3A_578 = vector.shape_cast %get3A_577 : vector<1x16xf32> to vector<16xf32>
      %get3A_579 = arith.index_cast %add3A_506 : i32 to index
      %get3A_580 = arith.constant 288 : index
      %get3A_581 = tpu.vector_load %arg7[%get3A_579, %get3A_580] {strides = array<i32>} : memref<77x768xf32, #tpu.memory_space<vmem>>, vector<1x16xf32>,
      %get3A_582 = vector.shape_cast %get3A_581 : vector<1x16xf32> to vector<16xf32>
      %get3A_583 = arith.index_cast %add3A_506 : i32 to index
      %get3A_584 = arith.constant 304 : index
      %get3A_585 = tpu.vector_load %arg7[%get3A_583, %get3A_584] {strides = array<i32>} : memref<77x768xf32, #tpu.memory_space<vmem>>, vector<1x16xf32>,
      %get3A_586 = vector.shape_cast %get3A_585 : vector<1x16xf32> to vector<16xf32>
      %get3A_587 = arith.index_cast %add3A_506 : i32 to index
      %get3A_588 = arith.constant 320 : index
      %get3A_589 = tpu.vector_load %arg7[%get3A_587, %get3A_588] {strides = array<i32>} : memref<77x768xf32, #tpu.memory_space<vmem>>, vector<1x16xf32>,
      %get3A_590 = vector.shape_cast %get3A_589 : vector<1x16xf32> to vector<16xf32>
      %get3A_591 = arith.index_cast %add3A_506 : i32 to index
      %get3A_592 = arith.constant 336 : index
      %get3A_593 = tpu.vector_load %arg7[%get3A_591, %get3A_592] {strides = array<i32>} : memref<77x768xf32, #tpu.memory_space<vmem>>, vector<1x16xf32>,
      %get3A_594 = vector.shape_cast %get3A_593 : vector<1x16xf32> to vector<16xf32>
      %get3A_595 = arith.index_cast %add3A_506 : i32 to index
      %get3A_596 = arith.constant 352 : index
      %get3A_597 = tpu.vector_load %arg7[%get3A_595, %get3A_596] {strides = array<i32>} : memref<77x768xf32, #tpu.memory_space<vmem>>, vector<1x16xf32>,
      %get3A_598 = vector.shape_cast %get3A_597 : vector<1x16xf32> to vector<16xf32>
      %get3A_599 = arith.index_cast %add3A_506 : i32 to index
      %get3A_600 = arith.constant 368 : index
      %get3A_601 = tpu.vector_load %arg7[%get3A_599, %get3A_600] {strides = array<i32>} : memref<77x768xf32, #tpu.memory_space<vmem>>, vector<1x16xf32>,
      %get3A_602 = vector.shape_cast %get3A_601 : vector<1x16xf32> to vector<16xf32>
      %get3A_603 = arith.index_cast %add3A_506 : i32 to index
      %get3A_604 = arith.constant 384 : index
      %get3A_605 = tpu.vector_load %arg7[%get3A_603, %get3A_604] {strides = array<i32>} : memref<77x768xf32, #tpu.memory_space<vmem>>, vector<1x16xf32>,
      %get3A_606 = vector.shape_cast %get3A_605 : vector<1x16xf32> to vector<16xf32>
      %get3A_607 = arith.index_cast %add3A_506 : i32 to index
      %get3A_608 = arith.constant 400 : index
      %get3A_609 = tpu.vector_load %arg7[%get3A_607, %get3A_608] {strides = array<i32>} : memref<77x768xf32, #tpu.memory_space<vmem>>, vector<1x16xf32>,
      %get3A_610 = vector.shape_cast %get3A_609 : vector<1x16xf32> to vector<16xf32>
      %get3A_611 = arith.index_cast %add3A_506 : i32 to index
      %get3A_612 = arith.constant 416 : index
      %get3A_613 = tpu.vector_load %arg7[%get3A_611, %get3A_612] {strides = array<i32>} : memref<77x768xf32, #tpu.memory_space<vmem>>, vector<1x16xf32>,
      %get3A_614 = vector.shape_cast %get3A_613 : vector<1x16xf32> to vector<16xf32>
      %get3A_615 = arith.index_cast %add3A_506 : i32 to index
      %get3A_616 = arith.constant 432 : index
      %get3A_617 = tpu.vector_load %arg7[%get3A_615, %get3A_616] {strides = array<i32>} : memref<77x768xf32, #tpu.memory_space<vmem>>, vector<1x16xf32>,
      %get3A_618 = vector.shape_cast %get3A_617 : vector<1x16xf32> to vector<16xf32>
      %get3A_619 = arith.index_cast %add3A_506 : i32 to index
      %get3A_620 = arith.constant 448 : index
      %get3A_621 = tpu.vector_load %arg7[%get3A_619, %get3A_620] {strides = array<i32>} : memref<77x768xf32, #tpu.memory_space<vmem>>, vector<1x16xf32>,
      %get3A_622 = vector.shape_cast %get3A_621 : vector<1x16xf32> to vector<16xf32>
      %get3A_623 = arith.index_cast %add3A_506 : i32 to index
      %get3A_624 = arith.constant 464 : index
      %get3A_625 = tpu.vector_load %arg7[%get3A_623, %get3A_624] {strides = array<i32>} : memref<77x768xf32, #tpu.memory_space<vmem>>, vector<1x16xf32>,
      %get3A_626 = vector.shape_cast %get3A_625 : vector<1x16xf32> to vector<16xf32>
      %get3A_627 = arith.index_cast %add3A_506 : i32 to index
      %get3A_628 = arith.constant 480 : index
      %get3A_629 = tpu.vector_load %arg7[%get3A_627, %get3A_628] {strides = array<i32>} : memref<77x768xf32, #tpu.memory_space<vmem>>, vector<1x16xf32>,
      %get3A_630 = vector.shape_cast %get3A_629 : vector<1x16xf32> to vector<16xf32>
      %get3A_631 = arith.index_cast %add3A_506 : i32 to index
      %get3A_632 = arith.constant 496 : index
      %get3A_633 = tpu.vector_load %arg7[%get3A_631, %get3A_632] {strides = array<i32>} : memref<77x768xf32, #tpu.memory_space<vmem>>, vector<1x16xf32>,
      %get3A_634 = vector.shape_cast %get3A_633 : vector<1x16xf32> to vector<16xf32>
      %get3A_635 = arith.index_cast %add3A_506 : i32 to index
      %get3A_636 = arith.constant 512 : index
      %get3A_637 = tpu.vector_load %arg7[%get3A_635, %get3A_636] {strides = array<i32>} : memref<77x768xf32, #tpu.memory_space<vmem>>, vector<1x16xf32>,
      %get3A_638 = vector.shape_cast %get3A_637 : vector<1x16xf32> to vector<16xf32>
      %get3A_639 = arith.index_cast %add3A_506 : i32 to index
      %get3A_640 = arith.constant 528 : index
      %get3A_641 = tpu.vector_load %arg7[%get3A_639, %get3A_640] {strides = array<i32>} : memref<77x768xf32, #tpu.memory_space<vmem>>, vector<1x16xf32>,
      %get3A_642 = vector.shape_cast %get3A_641 : vector<1x16xf32> to vector<16xf32>
      %get3A_643 = arith.index_cast %add3A_506 : i32 to index
      %get3A_644 = arith.constant 544 : index
      %get3A_645 = tpu.vector_load %arg7[%get3A_643, %get3A_644] {strides = array<i32>} : memref<77x768xf32, #tpu.memory_space<vmem>>, vector<1x16xf32>,
      %get3A_646 = vector.shape_cast %get3A_645 : vector<1x16xf32> to vector<16xf32>
      %get3A_647 = arith.index_cast %add3A_506 : i32 to index
      %get3A_648 = arith.constant 560 : index
      %get3A_649 = tpu.vector_load %arg7[%get3A_647, %get3A_648] {strides = array<i32>} : memref<77x768xf32, #tpu.memory_space<vmem>>, vector<1x16xf32>,
      %get3A_650 = vector.shape_cast %get3A_649 : vector<1x16xf32> to vector<16xf32>
      %get3A_651 = arith.index_cast %add3A_506 : i32 to index
      %get3A_652 = arith.constant 576 : index
      %get3A_653 = tpu.vector_load %arg7[%get3A_651, %get3A_652] {strides = array<i32>} : memref<77x768xf32, #tpu.memory_space<vmem>>, vector<1x16xf32>,
      %get3A_654 = vector.shape_cast %get3A_653 : vector<1x16xf32> to vector<16xf32>
      %get3A_655 = arith.index_cast %add3A_506 : i32 to index
      %get3A_656 = arith.constant 592 : index
      %get3A_657 = tpu.vector_load %arg7[%get3A_655, %get3A_656] {strides = array<i32>} : memref<77x768xf32, #tpu.memory_space<vmem>>, vector<1x16xf32>,
      %get3A_658 = vector.shape_cast %get3A_657 : vector<1x16xf32> to vector<16xf32>
      %get3A_659 = arith.index_cast %add3A_506 : i32 to index
      %get3A_660 = arith.constant 608 : index
      %get3A_661 = tpu.vector_load %arg7[%get3A_659, %get3A_660] {strides = array<i32>} : memref<77x768xf32, #tpu.memory_space<vmem>>, vector<1x16xf32>,
      %get3A_662 = vector.shape_cast %get3A_661 : vector<1x16xf32> to vector<16xf32>
      %get3A_663 = arith.index_cast %add3A_506 : i32 to index
      %get3A_664 = arith.constant 624 : index
      %get3A_665 = tpu.vector_load %arg7[%get3A_663, %get3A_664] {strides = array<i32>} : memref<77x768xf32, #tpu.memory_space<vmem>>, vector<1x16xf32>,
      %get3A_666 = vector.shape_cast %get3A_665 : vector<1x16xf32> to vector<16xf32>
      %get3A_667 = arith.index_cast %add3A_506 : i32 to index
      %get3A_668 = arith.constant 640 : index
      %get3A_669 = tpu.vector_load %arg7[%get3A_667, %get3A_668] {strides = array<i32>} : memref<77x768xf32, #tpu.memory_space<vmem>>, vector<1x16xf32>,
      %get3A_670 = vector.shape_cast %get3A_669 : vector<1x16xf32> to vector<16xf32>
      %get3A_671 = arith.index_cast %add3A_506 : i32 to index
      %get3A_672 = arith.constant 656 : index
      %get3A_673 = tpu.vector_load %arg7[%get3A_671, %get3A_672] {strides = array<i32>} : memref<77x768xf32, #tpu.memory_space<vmem>>, vector<1x16xf32>,
      %get3A_674 = vector.shape_cast %get3A_673 : vector<1x16xf32> to vector<16xf32>
      %get3A_675 = arith.index_cast %add3A_506 : i32 to index
      %get3A_676 = arith.constant 672 : index
      %get3A_677 = tpu.vector_load %arg7[%get3A_675, %get3A_676] {strides = array<i32>} : memref<77x768xf32, #tpu.memory_space<vmem>>, vector<1x16xf32>,
      %get3A_678 = vector.shape_cast %get3A_677 : vector<1x16xf32> to vector<16xf32>
      %get3A_679 = arith.index_cast %add3A_506 : i32 to index
      %get3A_680 = arith.constant 688 : index
      %get3A_681 = tpu.vector_load %arg7[%get3A_679, %get3A_680] {strides = array<i32>} : memref<77x768xf32, #tpu.memory_space<vmem>>, vector<1x16xf32>,
      %get3A_682 = vector.shape_cast %get3A_681 : vector<1x16xf32> to vector<16xf32>
      %get3A_683 = arith.index_cast %add3A_506 : i32 to index
      %get3A_684 = arith.constant 704 : index
      %get3A_685 = tpu.vector_load %arg7[%get3A_683, %get3A_684] {strides = array<i32>} : memref<77x768xf32, #tpu.memory_space<vmem>>, vector<1x16xf32>,
      %get3A_686 = vector.shape_cast %get3A_685 : vector<1x16xf32> to vector<16xf32>
      %get3A_687 = arith.index_cast %add3A_506 : i32 to index
      %get3A_688 = arith.constant 720 : index
      %get3A_689 = tpu.vector_load %arg7[%get3A_687, %get3A_688] {strides = array<i32>} : memref<77x768xf32, #tpu.memory_space<vmem>>, vector<1x16xf32>,
      %get3A_690 = vector.shape_cast %get3A_689 : vector<1x16xf32> to vector<16xf32>
      %get3A_691 = arith.index_cast %add3A_506 : i32 to index
      %get3A_692 = arith.constant 736 : index
      %get3A_693 = tpu.vector_load %arg7[%get3A_691, %get3A_692] {strides = array<i32>} : memref<77x768xf32, #tpu.memory_space<vmem>>, vector<1x16xf32>,
      %get3A_694 = vector.shape_cast %get3A_693 : vector<1x16xf32> to vector<16xf32>
      %get3A_695 = arith.index_cast %add3A_506 : i32 to index
      %get3A_696 = arith.constant 752 : index
      %get3A_697 = tpu.vector_load %arg7[%get3A_695, %get3A_696] {strides = array<i32>} : memref<77x768xf32, #tpu.memory_space<vmem>>, vector<1x16xf32>,
      %get3A_698 = vector.shape_cast %get3A_697 : vector<1x16xf32> to vector<16xf32>
      %parallel_loop3A_699 = arith.constant 0 : i32
      %parallel_loop3A_700 = arith.constant 32 : i32
      %parallel_loop3A_701 = arith.constant 1 : i32
      scf.for %parallel_loop3A_721 = %parallel_loop3A_699 to %parallel_loop3A_700 step %parallel_loop3A_701  : i32 {
        %parallel_loop3A_722 = arith.index_cast %parallel_loop3A_721 : i32 to index
        %parallel_loop3A_723 = arith.constant 0 : index
        %parallel_loop3A_724 = tpu.vector_load %arg9[%parallel_loop3A_722, %parallel_loop3A_723] {strides = array<i32>} : memref<32x768xf32, #tpu.memory_space<vmem>>, vector<1x16xf32>,
        %parallel_loop3A_725 = vector.shape_cast %parallel_loop3A_724 : vector<1x16xf32> to vector<16xf32>
        %parallel_loop3A_726 = arith.addf %parallel_loop3A_725, %get3A_510 : vector<16xf32>
        %parallel_loop3A_727 = arith.index_cast %parallel_loop3A_721 : i32 to index
        %parallel_loop3A_728 = arith.constant 0 : index
        %parallel_loop3A_729 = tpu.vector_load %arg9[%parallel_loop3A_727, %parallel_loop3A_728] {strides = array<i32>} : memref<32x768xf32, #tpu.memory_space<vmem>>, vector<1x16xf32>,
        %parallel_loop3A_730 = vector.shape_cast %parallel_loop3A_729 : vector<1x16xf32> to vector<16xf32>
        %parallel_loop3A_731 = vector.shape_cast %parallel_loop3A_726 : vector<16xf32> to vector<1x16xf32>
        tpu.vector_store %arg9[%parallel_loop3A_727, %parallel_loop3A_728], %parallel_loop3A_731 {strides = array<i32>} : memref<32x768xf32, #tpu.memory_space<vmem>>, vector<1x16xf32>,
        %parallel_loop3A_732 = arith.index_cast %parallel_loop3A_721 : i32 to index
        %parallel_loop3A_733 = arith.constant 16 : index
        %parallel_loop3A_734 = tpu.vector_load %arg9[%parallel_loop3A_732, %parallel_loop3A_733] {strides = array<i32>} : memref<32x768xf32, #tpu.memory_space<vmem>>, vector<1x16xf32>,
        %parallel_loop3A_735 = vector.shape_cast %parallel_loop3A_734 : vector<1x16xf32> to vector<16xf32>
        %parallel_loop3A_736 = arith.addf %parallel_loop3A_735, %get3A_514 : vector<16xf32>
        %parallel_loop3A_737 = arith.index_cast %parallel_loop3A_721 : i32 to index
        %parallel_loop3A_738 = arith.constant 16 : index
        %parallel_loop3A_739 = tpu.vector_load %arg9[%parallel_loop3A_737, %parallel_loop3A_738] {strides = array<i32>} : memref<32x768xf32, #tpu.memory_space<vmem>>, vector<1x16xf32>,
        %parallel_loop3A_740 = vector.shape_cast %parallel_loop3A_739 : vector<1x16xf32> to vector<16xf32>
        %parallel_loop3A_741 = vector.shape_cast %parallel_loop3A_736 : vector<16xf32> to vector<1x16xf32>
        tpu.vector_store %arg9[%parallel_loop3A_737, %parallel_loop3A_738], %parallel_loop3A_741 {strides = array<i32>} : memref<32x768xf32, #tpu.memory_space<vmem>>, vector<1x16xf32>,
        %parallel_loop3A_742 = arith.index_cast %parallel_loop3A_721 : i32 to index
        %parallel_loop3A_743 = arith.constant 32 : index
        %parallel_loop3A_744 = tpu.vector_load %arg9[%parallel_loop3A_742, %parallel_loop3A_743] {strides = array<i32>} : memref<32x768xf32, #tpu.memory_space<vmem>>, vector<1x16xf32>,
        %parallel_loop3A_745 = vector.shape_cast %parallel_loop3A_744 : vector<1x16xf32> to vector<16xf32>
        %parallel_loop3A_746 = arith.addf %parallel_loop3A_745, %get3A_518 : vector<16xf32>
        %parallel_loop3A_747 = arith.index_cast %parallel_loop3A_721 : i32 to index
        %parallel_loop3A_748 = arith.constant 32 : index
        %parallel_loop3A_749 = tpu.vector_load %arg9[%parallel_loop3A_747, %parallel_loop3A_748] {strides = array<i32>} : memref<32x768xf32, #tpu.memory_space<vmem>>, vector<1x16xf32>,
        %parallel_loop3A_750 = vector.shape_cast %parallel_loop3A_749 : vector<1x16xf32> to vector<16xf32>
        %parallel_loop3A_751 = vector.shape_cast %parallel_loop3A_746 : vector<16xf32> to vector<1x16xf32>
        tpu.vector_store %arg9[%parallel_loop3A_747, %parallel_loop3A_748], %parallel_loop3A_751 {strides = array<i32>} : memref<32x768xf32, #tpu.memory_space<vmem>>, vector<1x16xf32>,
        %parallel_loop3A_752 = arith.index_cast %parallel_loop3A_721 : i32 to index
        %parallel_loop3A_753 = arith.constant 48 : index
        %parallel_loop3A_754 = tpu.vector_load %arg9[%parallel_loop3A_752, %parallel_loop3A_753] {strides = array<i32>} : memref<32x768xf32, #tpu.memory_space<vmem>>, vector<1x16xf32>,
        %parallel_loop3A_755 = vector.shape_cast %parallel_loop3A_754 : vector<1x16xf32> to vector<16xf32>
        %parallel_loop3A_756 = arith.addf %parallel_loop3A_755, %get3A_522 : vector<16xf32>
        %parallel_loop3A_757 = arith.index_cast %parallel_loop3A_721 : i32 to index
        %parallel_loop3A_758 = arith.constant 48 : index
        %parallel_loop3A_759 = tpu.vector_load %arg9[%parallel_loop3A_757, %parallel_loop3A_758] {strides = array<i32>} : memref<32x768xf32, #tpu.memory_space<vmem>>, vector<1x16xf32>,
        %parallel_loop3A_760 = vector.shape_cast %parallel_loop3A_759 : vector<1x16xf32> to vector<16xf32>
        %parallel_loop3A_761 = vector.shape_cast %parallel_loop3A_756 : vector<16xf32> to vector<1x16xf32>
        tpu.vector_store %arg9[%parallel_loop3A_757, %parallel_loop3A_758], %parallel_loop3A_761 {strides = array<i32>} : memref<32x768xf32, #tpu.memory_space<vmem>>, vector<1x16xf32>,
        %parallel_loop3A_762 = arith.index_cast %parallel_loop3A_721 : i32 to index
        %parallel_loop3A_763 = arith.constant 64 : index
        %parallel_loop3A_764 = tpu.vector_load %arg9[%parallel_loop3A_762, %parallel_loop3A_763] {strides = array<i32>} : memref<32x768xf32, #tpu.memory_space<vmem>>, vector<1x16xf32>,
        %parallel_loop3A_765 = vector.shape_cast %parallel_loop3A_764 : vector<1x16xf32> to vector<16xf32>
        %parallel_loop3A_766 = arith.addf %parallel_loop3A_765, %get3A_526 : vector<16xf32>
        %parallel_loop3A_767 = arith.index_cast %parallel_loop3A_721 : i32 to index
        %parallel_loop3A_768 = arith.constant 64 : index
        %parallel_loop3A_769 = tpu.vector_load %arg9[%parallel_loop3A_767, %parallel_loop3A_768] {strides = array<i32>} : memref<32x768xf32, #tpu.memory_space<vmem>>, vector<1x16xf32>,
        %parallel_loop3A_770 = vector.shape_cast %parallel_loop3A_769 : vector<1x16xf32> to vector<16xf32>
        %parallel_loop3A_771 = vector.shape_cast %parallel_loop3A_766 : vector<16xf32> to vector<1x16xf32>
        tpu.vector_store %arg9[%parallel_loop3A_767, %parallel_loop3A_768], %parallel_loop3A_771 {strides = array<i32>} : memref<32x768xf32, #tpu.memory_space<vmem>>, vector<1x16xf32>,
        %parallel_loop3A_772 = arith.index_cast %parallel_loop3A_721 : i32 to index
        %parallel_loop3A_773 = arith.constant 80 : index
        %parallel_loop3A_774 = tpu.vector_load %arg9[%parallel_loop3A_772, %parallel_loop3A_773] {strides = array<i32>} : memref<32x768xf32, #tpu.memory_space<vmem>>, vector<1x16xf32>,
        %parallel_loop3A_775 = vector.shape_cast %parallel_loop3A_774 : vector<1x16xf32> to vector<16xf32>
        %parallel_loop3A_776 = arith.addf %parallel_loop3A_775, %get3A_530 : vector<16xf32>
        %parallel_loop3A_777 = arith.index_cast %parallel_loop3A_721 : i32 to index
        %parallel_loop3A_778 = arith.constant 80 : index
        %parallel_loop3A_779 = tpu.vector_load %arg9[%parallel_loop3A_777, %parallel_loop3A_778] {strides = array<i32>} : memref<32x768xf32, #tpu.memory_space<vmem>>, vector<1x16xf32>,
        %parallel_loop3A_780 = vector.shape_cast %parallel_loop3A_779 : vector<1x16xf32> to vector<16xf32>
        %parallel_loop3A_781 = vector.shape_cast %parallel_loop3A_776 : vector<16xf32> to vector<1x16xf32>
        tpu.vector_store %arg9[%parallel_loop3A_777, %parallel_loop3A_778], %parallel_loop3A_781 {strides = array<i32>} : memref<32x768xf32, #tpu.memory_space<vmem>>, vector<1x16xf32>,
        %parallel_loop3A_782 = arith.index_cast %parallel_loop3A_721 : i32 to index
        %parallel_loop3A_783 = arith.constant 96 : index
        %parallel_loop3A_784 = tpu.vector_load %arg9[%parallel_loop3A_782, %parallel_loop3A_783] {strides = array<i32>} : memref<32x768xf32, #tpu.memory_space<vmem>>, vector<1x16xf32>,
        %parallel_loop3A_785 = vector.shape_cast %parallel_loop3A_784 : vector<1x16xf32> to vector<16xf32>
        %parallel_loop3A_786 = arith.addf %parallel_loop3A_785, %get3A_534 : vector<16xf32>
        %parallel_loop3A_787 = arith.index_cast %parallel_loop3A_721 : i32 to index
        %parallel_loop3A_788 = arith.constant 96 : index
        %parallel_loop3A_789 = tpu.vector_load %arg9[%parallel_loop3A_787, %parallel_loop3A_788] {strides = array<i32>} : memref<32x768xf32, #tpu.memory_space<vmem>>, vector<1x16xf32>,
        %parallel_loop3A_790 = vector.shape_cast %parallel_loop3A_789 : vector<1x16xf32> to vector<16xf32>
        %parallel_loop3A_791 = vector.shape_cast %parallel_loop3A_786 : vector<16xf32> to vector<1x16xf32>
        tpu.vector_store %arg9[%parallel_loop3A_787, %parallel_loop3A_788], %parallel_loop3A_791 {strides = array<i32>} : memref<32x768xf32, #tpu.memory_space<vmem>>, vector<1x16xf32>,
        %parallel_loop3A_792 = arith.index_cast %parallel_loop3A_721 : i32 to index
        %parallel_loop3A_793 = arith.constant 112 : index
        %parallel_loop3A_794 = tpu.vector_load %arg9[%parallel_loop3A_792, %parallel_loop3A_793] {strides = array<i32>} : memref<32x768xf32, #tpu.memory_space<vmem>>, vector<1x16xf32>,
        %parallel_loop3A_795 = vector.shape_cast %parallel_loop3A_794 : vector<1x16xf32> to vector<16xf32>
        %parallel_loop3A_796 = arith.addf %parallel_loop3A_795, %get3A_538 : vector<16xf32>
        %parallel_loop3A_797 = arith.index_cast %parallel_loop3A_721 : i32 to index
        %parallel_loop3A_798 = arith.constant 112 : index
        %parallel_loop3A_799 = tpu.vector_load %arg9[%parallel_loop3A_797, %parallel_loop3A_798] {strides = array<i32>} : memref<32x768xf32, #tpu.memory_space<vmem>>, vector<1x16xf32>,
        %parallel_loop3A_800 = vector.shape_cast %parallel_loop3A_799 : vector<1x16xf32> to vector<16xf32>
        %parallel_loop3A_801 = vector.shape_cast %parallel_loop3A_796 : vector<16xf32> to vector<1x16xf32>
        tpu.vector_store %arg9[%parallel_loop3A_797, %parallel_loop3A_798], %parallel_loop3A_801 {strides = array<i32>} : memref<32x768xf32, #tpu.memory_space<vmem>>, vector<1x16xf32>,
        %parallel_loop3A_802 = arith.index_cast %parallel_loop3A_721 : i32 to index
        %parallel_loop3A_803 = arith.constant 128 : index
        %parallel_loop3A_804 = tpu.vector_load %arg9[%parallel_loop3A_802, %parallel_loop3A_803] {strides = array<i32>} : memref<32x768xf32, #tpu.memory_space<vmem>>, vector<1x16xf32>,
        %parallel_loop3A_805 = vector.shape_cast %parallel_loop3A_804 : vector<1x16xf32> to vector<16xf32>
        %parallel_loop3A_806 = arith.addf %parallel_loop3A_805, %get3A_542 : vector<16xf32>
        %parallel_loop3A_807 = arith.index_cast %parallel_loop3A_721 : i32 to index
        %parallel_loop3A_808 = arith.constant 128 : index
        %parallel_loop3A_809 = tpu.vector_load %arg9[%parallel_loop3A_807, %parallel_loop3A_808] {strides = array<i32>} : memref<32x768xf32, #tpu.memory_space<vmem>>, vector<1x16xf32>,
        %parallel_loop3A_810 = vector.shape_cast %parallel_loop3A_809 : vector<1x16xf32> to vector<16xf32>
        %parallel_loop3A_811 = vector.shape_cast %parallel_loop3A_806 : vector<16xf32> to vector<1x16xf32>
        tpu.vector_store %arg9[%parallel_loop3A_807, %parallel_loop3A_808], %parallel_loop3A_811 {strides = array<i32>} : memref<32x768xf32, #tpu.memory_space<vmem>>, vector<1x16xf32>,
        %parallel_loop3A_812 = arith.index_cast %parallel_loop3A_721 : i32 to index
        %parallel_loop3A_813 = arith.constant 144 : index
        %parallel_loop3A_814 = tpu.vector_load %arg9[%parallel_loop3A_812, %parallel_loop3A_813] {strides = array<i32>} : memref<32x768xf32, #tpu.memory_space<vmem>>, vector<1x16xf32>,
        %parallel_loop3A_815 = vector.shape_cast %parallel_loop3A_814 : vector<1x16xf32> to vector<16xf32>
        %parallel_loop3A_816 = arith.addf %parallel_loop3A_815, %get3A_546 : vector<16xf32>
        %parallel_loop3A_817 = arith.index_cast %parallel_loop3A_721 : i32 to index
        %parallel_loop3A_818 = arith.constant 144 : index
        %parallel_loop3A_819 = tpu.vector_load %arg9[%parallel_loop3A_817, %parallel_loop3A_818] {strides = array<i32>} : memref<32x768xf32, #tpu.memory_space<vmem>>, vector<1x16xf32>,
        %parallel_loop3A_820 = vector.shape_cast %parallel_loop3A_819 : vector<1x16xf32> to vector<16xf32>
        %parallel_loop3A_821 = vector.shape_cast %parallel_loop3A_816 : vector<16xf32> to vector<1x16xf32>
        tpu.vector_store %arg9[%parallel_loop3A_817, %parallel_loop3A_818], %parallel_loop3A_821 {strides = array<i32>} : memref<32x768xf32, #tpu.memory_space<vmem>>, vector<1x16xf32>,
        %parallel_loop3A_822 = arith.index_cast %parallel_loop3A_721 : i32 to index
        %parallel_loop3A_823 = arith.constant 160 : index
        %parallel_loop3A_824 = tpu.vector_load %arg9[%parallel_loop3A_822, %parallel_loop3A_823] {strides = array<i32>} : memref<32x768xf32, #tpu.memory_space<vmem>>, vector<1x16xf32>,
        %parallel_loop3A_825 = vector.shape_cast %parallel_loop3A_824 : vector<1x16xf32> to vector<16xf32>
        %parallel_loop3A_826 = arith.addf %parallel_loop3A_825, %get3A_550 : vector<16xf32>
        %parallel_loop3A_827 = arith.index_cast %parallel_loop3A_721 : i32 to index
        %parallel_loop3A_828 = arith.constant 160 : index
        %parallel_loop3A_829 = tpu.vector_load %arg9[%parallel_loop3A_827, %parallel_loop3A_828] {strides = array<i32>} : memref<32x768xf32, #tpu.memory_space<vmem>>, vector<1x16xf32>,
        %parallel_loop3A_830 = vector.shape_cast %parallel_loop3A_829 : vector<1x16xf32> to vector<16xf32>
        %parallel_loop3A_831 = vector.shape_cast %parallel_loop3A_826 : vector<16xf32> to vector<1x16xf32>
        tpu.vector_store %arg9[%parallel_loop3A_827, %parallel_loop3A_828], %parallel_loop3A_831 {strides = array<i32>} : memref<32x768xf32, #tpu.memory_space<vmem>>, vector<1x16xf32>,
        %parallel_loop3A_832 = arith.index_cast %parallel_loop3A_721 : i32 to index
        %parallel_loop3A_833 = arith.constant 176 : index
        %parallel_loop3A_834 = tpu.vector_load %arg9[%parallel_loop3A_832, %parallel_loop3A_833] {strides = array<i32>} : memref<32x768xf32, #tpu.memory_space<vmem>>, vector<1x16xf32>,
        %parallel_loop3A_835 = vector.shape_cast %parallel_loop3A_834 : vector<1x16xf32> to vector<16xf32>
        %parallel_loop3A_836 = arith.addf %parallel_loop3A_835, %get3A_554 : vector<16xf32>
        %parallel_loop3A_837 = arith.index_cast %parallel_loop3A_721 : i32 to index
        %parallel_loop3A_838 = arith.constant 176 : index
        %parallel_loop3A_839 = tpu.vector_load %arg9[%parallel_loop3A_837, %parallel_loop3A_838] {strides = array<i32>} : memref<32x768xf32, #tpu.memory_space<vmem>>, vector<1x16xf32>,
        %parallel_loop3A_840 = vector.shape_cast %parallel_loop3A_839 : vector<1x16xf32> to vector<16xf32>
        %parallel_loop3A_841 = vector.shape_cast %parallel_loop3A_836 : vector<16xf32> to vector<1x16xf32>
        tpu.vector_store %arg9[%parallel_loop3A_837, %parallel_loop3A_838], %parallel_loop3A_841 {strides = array<i32>} : memref<32x768xf32, #tpu.memory_space<vmem>>, vector<1x16xf32>,
        %parallel_loop3A_842 = arith.index_cast %parallel_loop3A_721 : i32 to index
        %parallel_loop3A_843 = arith.constant 192 : index
        %parallel_loop3A_844 = tpu.vector_load %arg9[%parallel_loop3A_842, %parallel_loop3A_843] {strides = array<i32>} : memref<32x768xf32, #tpu.memory_space<vmem>>, vector<1x16xf32>,
        %parallel_loop3A_845 = vector.shape_cast %parallel_loop3A_844 : vector<1x16xf32> to vector<16xf32>
        %parallel_loop3A_846 = arith.addf %parallel_loop3A_845, %get3A_558 : vector<16xf32>
        %parallel_loop3A_847 = arith.index_cast %parallel_loop3A_721 : i32 to index
        %parallel_loop3A_848 = arith.constant 192 : index
        %parallel_loop3A_849 = tpu.vector_load %arg9[%parallel_loop3A_847, %parallel_loop3A_848] {strides = array<i32>} : memref<32x768xf32, #tpu.memory_space<vmem>>, vector<1x16xf32>,
        %parallel_loop3A_850 = vector.shape_cast %parallel_loop3A_849 : vector<1x16xf32> to vector<16xf32>
        %parallel_loop3A_851 = vector.shape_cast %parallel_loop3A_846 : vector<16xf32> to vector<1x16xf32>
        tpu.vector_store %arg9[%parallel_loop3A_847, %parallel_loop3A_848], %parallel_loop3A_851 {strides = array<i32>} : memref<32x768xf32, #tpu.memory_space<vmem>>, vector<1x16xf32>,
        %parallel_loop3A_852 = arith.index_cast %parallel_loop3A_721 : i32 to index
        %parallel_loop3A_853 = arith.constant 208 : index
        %parallel_loop3A_854 = tpu.vector_load %arg9[%parallel_loop3A_852, %parallel_loop3A_853] {strides = array<i32>} : memref<32x768xf32, #tpu.memory_space<vmem>>, vector<1x16xf32>,
        %parallel_loop3A_855 = vector.shape_cast %parallel_loop3A_854 : vector<1x16xf32> to vector<16xf32>
        %parallel_loop3A_856 = arith.addf %parallel_loop3A_855, %get3A_562 : vector<16xf32>
        %parallel_loop3A_857 = arith.index_cast %parallel_loop3A_721 : i32 to index
        %parallel_loop3A_858 = arith.constant 208 : index
        %parallel_loop3A_859 = tpu.vector_load %arg9[%parallel_loop3A_857, %parallel_loop3A_858] {strides = array<i32>} : memref<32x768xf32, #tpu.memory_space<vmem>>, vector<1x16xf32>,
        %parallel_loop3A_860 = vector.shape_cast %parallel_loop3A_859 : vector<1x16xf32> to vector<16xf32>
        %parallel_loop3A_861 = vector.shape_cast %parallel_loop3A_856 : vector<16xf32> to vector<1x16xf32>
        tpu.vector_store %arg9[%parallel_loop3A_857, %parallel_loop3A_858], %parallel_loop3A_861 {strides = array<i32>} : memref<32x768xf32, #tpu.memory_space<vmem>>, vector<1x16xf32>,
        %parallel_loop3A_862 = arith.index_cast %parallel_loop3A_721 : i32 to index
        %parallel_loop3A_863 = arith.constant 224 : index
        %parallel_loop3A_864 = tpu.vector_load %arg9[%parallel_loop3A_862, %parallel_loop3A_863] {strides = array<i32>} : memref<32x768xf32, #tpu.memory_space<vmem>>, vector<1x16xf32>,
        %parallel_loop3A_865 = vector.shape_cast %parallel_loop3A_864 : vector<1x16xf32> to vector<16xf32>
        %parallel_loop3A_866 = arith.addf %parallel_loop3A_865, %get3A_566 : vector<16xf32>
        %parallel_loop3A_867 = arith.index_cast %parallel_loop3A_721 : i32 to index
        %parallel_loop3A_868 = arith.constant 224 : index
        %parallel_loop3A_869 = tpu.vector_load %arg9[%parallel_loop3A_867, %parallel_loop3A_868] {strides = array<i32>} : memref<32x768xf32, #tpu.memory_space<vmem>>, vector<1x16xf32>,
        %parallel_loop3A_870 = vector.shape_cast %parallel_loop3A_869 : vector<1x16xf32> to vector<16xf32>
        %parallel_loop3A_871 = vector.shape_cast %parallel_loop3A_866 : vector<16xf32> to vector<1x16xf32>
        tpu.vector_store %arg9[%parallel_loop3A_867, %parallel_loop3A_868], %parallel_loop3A_871 {strides = array<i32>} : memref<32x768xf32, #tpu.memory_space<vmem>>, vector<1x16xf32>,
        %parallel_loop3A_872 = arith.index_cast %parallel_loop3A_721 : i32 to index
        %parallel_loop3A_873 = arith.constant 240 : index
        %parallel_loop3A_874 = tpu.vector_load %arg9[%parallel_loop3A_872, %parallel_loop3A_873] {strides = array<i32>} : memref<32x768xf32, #tpu.memory_space<vmem>>, vector<1x16xf32>,
        %parallel_loop3A_875 = vector.shape_cast %parallel_loop3A_874 : vector<1x16xf32> to vector<16xf32>
        %parallel_loop3A_876 = arith.addf %parallel_loop3A_875, %get3A_570 : vector<16xf32>
        %parallel_loop3A_877 = arith.index_cast %parallel_loop3A_721 : i32 to index
        %parallel_loop3A_878 = arith.constant 240 : index
        %parallel_loop3A_879 = tpu.vector_load %arg9[%parallel_loop3A_877, %parallel_loop3A_878] {strides = array<i32>} : memref<32x768xf32, #tpu.memory_space<vmem>>, vector<1x16xf32>,
        %parallel_loop3A_880 = vector.shape_cast %parallel_loop3A_879 : vector<1x16xf32> to vector<16xf32>
        %parallel_loop3A_881 = vector.shape_cast %parallel_loop3A_876 : vector<16xf32> to vector<1x16xf32>
        tpu.vector_store %arg9[%parallel_loop3A_877, %parallel_loop3A_878], %parallel_loop3A_881 {strides = array<i32>} : memref<32x768xf32, #tpu.memory_space<vmem>>, vector<1x16xf32>,
        %parallel_loop3A_882 = arith.index_cast %parallel_loop3A_721 : i32 to index
        %parallel_loop3A_883 = arith.constant 256 : index
        %parallel_loop3A_884 = tpu.vector_load %arg9[%parallel_loop3A_882, %parallel_loop3A_883] {strides = array<i32>} : memref<32x768xf32, #tpu.memory_space<vmem>>, vector<1x16xf32>,
        %parallel_loop3A_885 = vector.shape_cast %parallel_loop3A_884 : vector<1x16xf32> to vector<16xf32>
        %parallel_loop3A_886 = arith.addf %parallel_loop3A_885, %get3A_574 : vector<16xf32>
        %parallel_loop3A_887 = arith.index_cast %parallel_loop3A_721 : i32 to index
        %parallel_loop3A_888 = arith.constant 256 : index
        %parallel_loop3A_889 = tpu.vector_load %arg9[%parallel_loop3A_887, %parallel_loop3A_888] {strides = array<i32>} : memref<32x768xf32, #tpu.memory_space<vmem>>, vector<1x16xf32>,
        %parallel_loop3A_890 = vector.shape_cast %parallel_loop3A_889 : vector<1x16xf32> to vector<16xf32>
        %parallel_loop3A_891 = vector.shape_cast %parallel_loop3A_886 : vector<16xf32> to vector<1x16xf32>
        tpu.vector_store %arg9[%parallel_loop3A_887, %parallel_loop3A_888], %parallel_loop3A_891 {strides = array<i32>} : memref<32x768xf32, #tpu.memory_space<vmem>>, vector<1x16xf32>,
        %parallel_loop3A_892 = arith.index_cast %parallel_loop3A_721 : i32 to index
        %parallel_loop3A_893 = arith.constant 272 : index
        %parallel_loop3A_894 = tpu.vector_load %arg9[%parallel_loop3A_892, %parallel_loop3A_893] {strides = array<i32>} : memref<32x768xf32, #tpu.memory_space<vmem>>, vector<1x16xf32>,
        %parallel_loop3A_895 = vector.shape_cast %parallel_loop3A_894 : vector<1x16xf32> to vector<16xf32>
        %parallel_loop3A_896 = arith.addf %parallel_loop3A_895, %get3A_578 : vector<16xf32>
        %parallel_loop3A_897 = arith.index_cast %parallel_loop3A_721 : i32 to index
        %parallel_loop3A_898 = arith.constant 272 : index
        %parallel_loop3A_899 = tpu.vector_load %arg9[%parallel_loop3A_897, %parallel_loop3A_898] {strides = array<i32>} : memref<32x768xf32, #tpu.memory_space<vmem>>, vector<1x16xf32>,
        %parallel_loop3A_900 = vector.shape_cast %parallel_loop3A_899 : vector<1x16xf32> to vector<16xf32>
        %parallel_loop3A_901 = vector.shape_cast %parallel_loop3A_896 : vector<16xf32> to vector<1x16xf32>
        tpu.vector_store %arg9[%parallel_loop3A_897, %parallel_loop3A_898], %parallel_loop3A_901 {strides = array<i32>} : memref<32x768xf32, #tpu.memory_space<vmem>>, vector<1x16xf32>,
        %parallel_loop3A_902 = arith.index_cast %parallel_loop3A_721 : i32 to index
        %parallel_loop3A_903 = arith.constant 288 : index
        %parallel_loop3A_904 = tpu.vector_load %arg9[%parallel_loop3A_902, %parallel_loop3A_903] {strides = array<i32>} : memref<32x768xf32, #tpu.memory_space<vmem>>, vector<1x16xf32>,
        %parallel_loop3A_905 = vector.shape_cast %parallel_loop3A_904 : vector<1x16xf32> to vector<16xf32>
        %parallel_loop3A_906 = arith.addf %parallel_loop3A_905, %get3A_582 : vector<16xf32>
        %parallel_loop3A_907 = arith.index_cast %parallel_loop3A_721 : i32 to index
        %parallel_loop3A_908 = arith.constant 288 : index
        %parallel_loop3A_909 = tpu.vector_load %arg9[%parallel_loop3A_907, %parallel_loop3A_908] {strides = array<i32>} : memref<32x768xf32, #tpu.memory_space<vmem>>, vector<1x16xf32>,
        %parallel_loop3A_910 = vector.shape_cast %parallel_loop3A_909 : vector<1x16xf32> to vector<16xf32>
        %parallel_loop3A_911 = vector.shape_cast %parallel_loop3A_906 : vector<16xf32> to vector<1x16xf32>
        tpu.vector_store %arg9[%parallel_loop3A_907, %parallel_loop3A_908], %parallel_loop3A_911 {strides = array<i32>} : memref<32x768xf32, #tpu.memory_space<vmem>>, vector<1x16xf32>,
        %parallel_loop3A_912 = arith.index_cast %parallel_loop3A_721 : i32 to index
        %parallel_loop3A_913 = arith.constant 304 : index
        %parallel_loop3A_914 = tpu.vector_load %arg9[%parallel_loop3A_912, %parallel_loop3A_913] {strides = array<i32>} : memref<32x768xf32, #tpu.memory_space<vmem>>, vector<1x16xf32>,
        %parallel_loop3A_915 = vector.shape_cast %parallel_loop3A_914 : vector<1x16xf32> to vector<16xf32>
        %parallel_loop3A_916 = arith.addf %parallel_loop3A_915, %get3A_586 : vector<16xf32>
        %parallel_loop3A_917 = arith.index_cast %parallel_loop3A_721 : i32 to index
        %parallel_loop3A_918 = arith.constant 304 : index
        %parallel_loop3A_919 = tpu.vector_load %arg9[%parallel_loop3A_917, %parallel_loop3A_918] {strides = array<i32>} : memref<32x768xf32, #tpu.memory_space<vmem>>, vector<1x16xf32>,
        %parallel_loop3A_920 = vector.shape_cast %parallel_loop3A_919 : vector<1x16xf32> to vector<16xf32>
        %parallel_loop3A_921 = vector.shape_cast %parallel_loop3A_916 : vector<16xf32> to vector<1x16xf32>
        tpu.vector_store %arg9[%parallel_loop3A_917, %parallel_loop3A_918], %parallel_loop3A_921 {strides = array<i32>} : memref<32x768xf32, #tpu.memory_space<vmem>>, vector<1x16xf32>,
        %parallel_loop3A_922 = arith.index_cast %parallel_loop3A_721 : i32 to index
        %parallel_loop3A_923 = arith.constant 320 : index
        %parallel_loop3A_924 = tpu.vector_load %arg9[%parallel_loop3A_922, %parallel_loop3A_923] {strides = array<i32>} : memref<32x768xf32, #tpu.memory_space<vmem>>, vector<1x16xf32>,
        %parallel_loop3A_925 = vector.shape_cast %parallel_loop3A_924 : vector<1x16xf32> to vector<16xf32>
        %parallel_loop3A_926 = arith.addf %parallel_loop3A_925, %get3A_590 : vector<16xf32>
        %parallel_loop3A_927 = arith.index_cast %parallel_loop3A_721 : i32 to index
        %parallel_loop3A_928 = arith.constant 320 : index
        %parallel_loop3A_929 = tpu.vector_load %arg9[%parallel_loop3A_927, %parallel_loop3A_928] {strides = array<i32>} : memref<32x768xf32, #tpu.memory_space<vmem>>, vector<1x16xf32>,
        %parallel_loop3A_930 = vector.shape_cast %parallel_loop3A_929 : vector<1x16xf32> to vector<16xf32>
        %parallel_loop3A_931 = vector.shape_cast %parallel_loop3A_926 : vector<16xf32> to vector<1x16xf32>
        tpu.vector_store %arg9[%parallel_loop3A_927, %parallel_loop3A_928], %parallel_loop3A_931 {strides = array<i32>} : memref<32x768xf32, #tpu.memory_space<vmem>>, vector<1x16xf32>,
        %parallel_loop3A_932 = arith.index_cast %parallel_loop3A_721 : i32 to index
        %parallel_loop3A_933 = arith.constant 336 : index
        %parallel_loop3A_934 = tpu.vector_load %arg9[%parallel_loop3A_932, %parallel_loop3A_933] {strides = array<i32>} : memref<32x768xf32, #tpu.memory_space<vmem>>, vector<1x16xf32>,
        %parallel_loop3A_935 = vector.shape_cast %parallel_loop3A_934 : vector<1x16xf32> to vector<16xf32>
        %parallel_loop3A_936 = arith.addf %parallel_loop3A_935, %get3A_594 : vector<16xf32>
        %parallel_loop3A_937 = arith.index_cast %parallel_loop3A_721 : i32 to index
        %parallel_loop3A_938 = arith.constant 336 : index
        %parallel_loop3A_939 = tpu.vector_load %arg9[%parallel_loop3A_937, %parallel_loop3A_938] {strides = array<i32>} : memref<32x768xf32, #tpu.memory_space<vmem>>, vector<1x16xf32>,
        %parallel_loop3A_940 = vector.shape_cast %parallel_loop3A_939 : vector<1x16xf32> to vector<16xf32>
        %parallel_loop3A_941 = vector.shape_cast %parallel_loop3A_936 : vector<16xf32> to vector<1x16xf32>
        tpu.vector_store %arg9[%parallel_loop3A_937, %parallel_loop3A_938], %parallel_loop3A_941 {strides = array<i32>} : memref<32x768xf32, #tpu.memory_space<vmem>>, vector<1x16xf32>,
        %parallel_loop3A_942 = arith.index_cast %parallel_loop3A_721 : i32 to index
        %parallel_loop3A_943 = arith.constant 352 : index
        %parallel_loop3A_944 = tpu.vector_load %arg9[%parallel_loop3A_942, %parallel_loop3A_943] {strides = array<i32>} : memref<32x768xf32, #tpu.memory_space<vmem>>, vector<1x16xf32>,
        %parallel_loop3A_945 = vector.shape_cast %parallel_loop3A_944 : vector<1x16xf32> to vector<16xf32>
        %parallel_loop3A_946 = arith.addf %parallel_loop3A_945, %get3A_598 : vector<16xf32>
        %parallel_loop3A_947 = arith.index_cast %parallel_loop3A_721 : i32 to index
        %parallel_loop3A_948 = arith.constant 352 : index
        %parallel_loop3A_949 = tpu.vector_load %arg9[%parallel_loop3A_947, %parallel_loop3A_948] {strides = array<i32>} : memref<32x768xf32, #tpu.memory_space<vmem>>, vector<1x16xf32>,
        %parallel_loop3A_950 = vector.shape_cast %parallel_loop3A_949 : vector<1x16xf32> to vector<16xf32>
        %parallel_loop3A_951 = vector.shape_cast %parallel_loop3A_946 : vector<16xf32> to vector<1x16xf32>
        tpu.vector_store %arg9[%parallel_loop3A_947, %parallel_loop3A_948], %parallel_loop3A_951 {strides = array<i32>} : memref<32x768xf32, #tpu.memory_space<vmem>>, vector<1x16xf32>,
        %parallel_loop3A_952 = arith.index_cast %parallel_loop3A_721 : i32 to index
        %parallel_loop3A_953 = arith.constant 368 : index
        %parallel_loop3A_954 = tpu.vector_load %arg9[%parallel_loop3A_952, %parallel_loop3A_953] {strides = array<i32>} : memref<32x768xf32, #tpu.memory_space<vmem>>, vector<1x16xf32>,
        %parallel_loop3A_955 = vector.shape_cast %parallel_loop3A_954 : vector<1x16xf32> to vector<16xf32>
        %parallel_loop3A_956 = arith.addf %parallel_loop3A_955, %get3A_602 : vector<16xf32>
        %parallel_loop3A_957 = arith.index_cast %parallel_loop3A_721 : i32 to index
        %parallel_loop3A_958 = arith.constant 368 : index
        %parallel_loop3A_959 = tpu.vector_load %arg9[%parallel_loop3A_957, %parallel_loop3A_958] {strides = array<i32>} : memref<32x768xf32, #tpu.memory_space<vmem>>, vector<1x16xf32>,
        %parallel_loop3A_960 = vector.shape_cast %parallel_loop3A_959 : vector<1x16xf32> to vector<16xf32>
        %parallel_loop3A_961 = vector.shape_cast %parallel_loop3A_956 : vector<16xf32> to vector<1x16xf32>
        tpu.vector_store %arg9[%parallel_loop3A_957, %parallel_loop3A_958], %parallel_loop3A_961 {strides = array<i32>} : memref<32x768xf32, #tpu.memory_space<vmem>>, vector<1x16xf32>,
        %parallel_loop3A_962 = arith.index_cast %parallel_loop3A_721 : i32 to index
        %parallel_loop3A_963 = arith.constant 384 : index
        %parallel_loop3A_964 = tpu.vector_load %arg9[%parallel_loop3A_962, %parallel_loop3A_963] {strides = array<i32>} : memref<32x768xf32, #tpu.memory_space<vmem>>, vector<1x16xf32>,
        %parallel_loop3A_965 = vector.shape_cast %parallel_loop3A_964 : vector<1x16xf32> to vector<16xf32>
        %parallel_loop3A_966 = arith.addf %parallel_loop3A_965, %get3A_606 : vector<16xf32>
        %parallel_loop3A_967 = arith.index_cast %parallel_loop3A_721 : i32 to index
        %parallel_loop3A_968 = arith.constant 384 : index
        %parallel_loop3A_969 = tpu.vector_load %arg9[%parallel_loop3A_967, %parallel_loop3A_968] {strides = array<i32>} : memref<32x768xf32, #tpu.memory_space<vmem>>, vector<1x16xf32>,
        %parallel_loop3A_970 = vector.shape_cast %parallel_loop3A_969 : vector<1x16xf32> to vector<16xf32>
        %parallel_loop3A_971 = vector.shape_cast %parallel_loop3A_966 : vector<16xf32> to vector<1x16xf32>
        tpu.vector_store %arg9[%parallel_loop3A_967, %parallel_loop3A_968], %parallel_loop3A_971 {strides = array<i32>} : memref<32x768xf32, #tpu.memory_space<vmem>>, vector<1x16xf32>,
        %parallel_loop3A_972 = arith.index_cast %parallel_loop3A_721 : i32 to index
        %parallel_loop3A_973 = arith.constant 400 : index
        %parallel_loop3A_974 = tpu.vector_load %arg9[%parallel_loop3A_972, %parallel_loop3A_973] {strides = array<i32>} : memref<32x768xf32, #tpu.memory_space<vmem>>, vector<1x16xf32>,
        %parallel_loop3A_975 = vector.shape_cast %parallel_loop3A_974 : vector<1x16xf32> to vector<16xf32>
        %parallel_loop3A_976 = arith.addf %parallel_loop3A_975, %get3A_610 : vector<16xf32>
        %parallel_loop3A_977 = arith.index_cast %parallel_loop3A_721 : i32 to index
        %parallel_loop3A_978 = arith.constant 400 : index
        %parallel_loop3A_979 = tpu.vector_load %arg9[%parallel_loop3A_977, %parallel_loop3A_978] {strides = array<i32>} : memref<32x768xf32, #tpu.memory_space<vmem>>, vector<1x16xf32>,
        %parallel_loop3A_980 = vector.shape_cast %parallel_loop3A_979 : vector<1x16xf32> to vector<16xf32>
        %parallel_loop3A_981 = vector.shape_cast %parallel_loop3A_976 : vector<16xf32> to vector<1x16xf32>
        tpu.vector_store %arg9[%parallel_loop3A_977, %parallel_loop3A_978], %parallel_loop3A_981 {strides = array<i32>} : memref<32x768xf32, #tpu.memory_space<vmem>>, vector<1x16xf32>,
        %parallel_loop3A_982 = arith.index_cast %parallel_loop3A_721 : i32 to index
        %parallel_loop3A_983 = arith.constant 416 : index
        %parallel_loop3A_984 = tpu.vector_load %arg9[%parallel_loop3A_982, %parallel_loop3A_983] {strides = array<i32>} : memref<32x768xf32, #tpu.memory_space<vmem>>, vector<1x16xf32>,
        %parallel_loop3A_985 = vector.shape_cast %parallel_loop3A_984 : vector<1x16xf32> to vector<16xf32>
        %parallel_loop3A_986 = arith.addf %parallel_loop3A_985, %get3A_614 : vector<16xf32>
        %parallel_loop3A_987 = arith.index_cast %parallel_loop3A_721 : i32 to index
        %parallel_loop3A_988 = arith.constant 416 : index
        %parallel_loop3A_989 = tpu.vector_load %arg9[%parallel_loop3A_987, %parallel_loop3A_988] {strides = array<i32>} : memref<32x768xf32, #tpu.memory_space<vmem>>, vector<1x16xf32>,
        %parallel_loop3A_990 = vector.shape_cast %parallel_loop3A_989 : vector<1x16xf32> to vector<16xf32>
        %parallel_loop3A_991 = vector.shape_cast %parallel_loop3A_986 : vector<16xf32> to vector<1x16xf32>
        tpu.vector_store %arg9[%parallel_loop3A_987, %parallel_loop3A_988], %parallel_loop3A_991 {strides = array<i32>} : memref<32x768xf32, #tpu.memory_space<vmem>>, vector<1x16xf32>,
        %parallel_loop3A_992 = arith.index_cast %parallel_loop3A_721 : i32 to index
        %parallel_loop3A_993 = arith.constant 432 : index
        %parallel_loop3A_994 = tpu.vector_load %arg9[%parallel_loop3A_992, %parallel_loop3A_993] {strides = array<i32>} : memref<32x768xf32, #tpu.memory_space<vmem>>, vector<1x16xf32>,
        %parallel_loop3A_995 = vector.shape_cast %parallel_loop3A_994 : vector<1x16xf32> to vector<16xf32>
        %parallel_loop3A_996 = arith.addf %parallel_loop3A_995, %get3A_618 : vector<16xf32>
        %parallel_loop3A_997 = arith.index_cast %parallel_loop3A_721 : i32 to index
        %parallel_loop3A_998 = arith.constant 432 : index
        %parallel_loop3A_999 = tpu.vector_load %arg9[%parallel_loop3A_997, %parallel_loop3A_998] {strides = array<i32>} : memref<32x768xf32, #tpu.memory_space<vmem>>, vector<1x16xf32>,
        %parallel_loop3A_1000 = vector.shape_cast %parallel_loop3A_999 : vector<1x16xf32> to vector<16xf32>
        %parallel_loop3A_1001 = vector.shape_cast %parallel_loop3A_996 : vector<16xf32> to vector<1x16xf32>
        tpu.vector_store %arg9[%parallel_loop3A_997, %parallel_loop3A_998], %parallel_loop3A_1001 {strides = array<i32>} : memref<32x768xf32, #tpu.memory_space<vmem>>, vector<1x16xf32>,
        %parallel_loop3A_1002 = arith.index_cast %parallel_loop3A_721 : i32 to index
        %parallel_loop3A_1003 = arith.constant 448 : index
        %parallel_loop3A_1004 = tpu.vector_load %arg9[%parallel_loop3A_1002, %parallel_loop3A_1003] {strides = array<i32>} : memref<32x768xf32, #tpu.memory_space<vmem>>, vector<1x16xf32>,
        %parallel_loop3A_1005 = vector.shape_cast %parallel_loop3A_1004 : vector<1x16xf32> to vector<16xf32>
        %parallel_loop3A_1006 = arith.addf %parallel_loop3A_1005, %get3A_622 : vector<16xf32>
        %parallel_loop3A_1007 = arith.index_cast %parallel_loop3A_721 : i32 to index
        %parallel_loop3A_1008 = arith.constant 448 : index
        %parallel_loop3A_1009 = tpu.vector_load %arg9[%parallel_loop3A_1007, %parallel_loop3A_1008] {strides = array<i32>} : memref<32x768xf32, #tpu.memory_space<vmem>>, vector<1x16xf32>,
        %parallel_loop3A_1010 = vector.shape_cast %parallel_loop3A_1009 : vector<1x16xf32> to vector<16xf32>
        %parallel_loop3A_1011 = vector.shape_cast %parallel_loop3A_1006 : vector<16xf32> to vector<1x16xf32>
        tpu.vector_store %arg9[%parallel_loop3A_1007, %parallel_loop3A_1008], %parallel_loop3A_1011 {strides = array<i32>} : memref<32x768xf32, #tpu.memory_space<vmem>>, vector<1x16xf32>,
        %parallel_loop3A_1012 = arith.index_cast %parallel_loop3A_721 : i32 to index
        %parallel_loop3A_1013 = arith.constant 464 : index
        %parallel_loop3A_1014 = tpu.vector_load %arg9[%parallel_loop3A_1012, %parallel_loop3A_1013] {strides = array<i32>} : memref<32x768xf32, #tpu.memory_space<vmem>>, vector<1x16xf32>,
        %parallel_loop3A_1015 = vector.shape_cast %parallel_loop3A_1014 : vector<1x16xf32> to vector<16xf32>
        %parallel_loop3A_1016 = arith.addf %parallel_loop3A_1015, %get3A_626 : vector<16xf32>
        %parallel_loop3A_1017 = arith.index_cast %parallel_loop3A_721 : i32 to index
        %parallel_loop3A_1018 = arith.constant 464 : index
        %parallel_loop3A_1019 = tpu.vector_load %arg9[%parallel_loop3A_1017, %parallel_loop3A_1018] {strides = array<i32>} : memref<32x768xf32, #tpu.memory_space<vmem>>, vector<1x16xf32>,
        %parallel_loop3A_1020 = vector.shape_cast %parallel_loop3A_1019 : vector<1x16xf32> to vector<16xf32>
        %parallel_loop3A_1021 = vector.shape_cast %parallel_loop3A_1016 : vector<16xf32> to vector<1x16xf32>
        tpu.vector_store %arg9[%parallel_loop3A_1017, %parallel_loop3A_1018], %parallel_loop3A_1021 {strides = array<i32>} : memref<32x768xf32, #tpu.memory_space<vmem>>, vector<1x16xf32>,
        %parallel_loop3A_1022 = arith.index_cast %parallel_loop3A_721 : i32 to index
        %parallel_loop3A_1023 = arith.constant 480 : index
        %parallel_loop3A_1024 = tpu.vector_load %arg9[%parallel_loop3A_1022, %parallel_loop3A_1023] {strides = array<i32>} : memref<32x768xf32, #tpu.memory_space<vmem>>, vector<1x16xf32>,
        %parallel_loop3A_1025 = vector.shape_cast %parallel_loop3A_1024 : vector<1x16xf32> to vector<16xf32>
        %parallel_loop3A_1026 = arith.addf %parallel_loop3A_1025, %get3A_630 : vector<16xf32>
        %parallel_loop3A_1027 = arith.index_cast %parallel_loop3A_721 : i32 to index
        %parallel_loop3A_1028 = arith.constant 480 : index
        %parallel_loop3A_1029 = tpu.vector_load %arg9[%parallel_loop3A_1027, %parallel_loop3A_1028] {strides = array<i32>} : memref<32x768xf32, #tpu.memory_space<vmem>>, vector<1x16xf32>,
        %parallel_loop3A_1030 = vector.shape_cast %parallel_loop3A_1029 : vector<1x16xf32> to vector<16xf32>
        %parallel_loop3A_1031 = vector.shape_cast %parallel_loop3A_1026 : vector<16xf32> to vector<1x16xf32>
        tpu.vector_store %arg9[%parallel_loop3A_1027, %parallel_loop3A_1028], %parallel_loop3A_1031 {strides = array<i32>} : memref<32x768xf32, #tpu.memory_space<vmem>>, vector<1x16xf32>,
        %parallel_loop3A_1032 = arith.index_cast %parallel_loop3A_721 : i32 to index
        %parallel_loop3A_1033 = arith.constant 496 : index
        %parallel_loop3A_1034 = tpu.vector_load %arg9[%parallel_loop3A_1032, %parallel_loop3A_1033] {strides = array<i32>} : memref<32x768xf32, #tpu.memory_space<vmem>>, vector<1x16xf32>,
        %parallel_loop3A_1035 = vector.shape_cast %parallel_loop3A_1034 : vector<1x16xf32> to vector<16xf32>
        %parallel_loop3A_1036 = arith.addf %parallel_loop3A_1035, %get3A_634 : vector<16xf32>
        %parallel_loop3A_1037 = arith.index_cast %parallel_loop3A_721 : i32 to index
        %parallel_loop3A_1038 = arith.constant 496 : index
        %parallel_loop3A_1039 = tpu.vector_load %arg9[%parallel_loop3A_1037, %parallel_loop3A_1038] {strides = array<i32>} : memref<32x768xf32, #tpu.memory_space<vmem>>, vector<1x16xf32>,
        %parallel_loop3A_1040 = vector.shape_cast %parallel_loop3A_1039 : vector<1x16xf32> to vector<16xf32>
        %parallel_loop3A_1041 = vector.shape_cast %parallel_loop3A_1036 : vector<16xf32> to vector<1x16xf32>
        tpu.vector_store %arg9[%parallel_loop3A_1037, %parallel_loop3A_1038], %parallel_loop3A_1041 {strides = array<i32>} : memref<32x768xf32, #tpu.memory_space<vmem>>, vector<1x16xf32>,
        %parallel_loop3A_1042 = arith.index_cast %parallel_loop3A_721 : i32 to index
        %parallel_loop3A_1043 = arith.constant 512 : index
        %parallel_loop3A_1044 = tpu.vector_load %arg9[%parallel_loop3A_1042, %parallel_loop3A_1043] {strides = array<i32>} : memref<32x768xf32, #tpu.memory_space<vmem>>, vector<1x16xf32>,
        %parallel_loop3A_1045 = vector.shape_cast %parallel_loop3A_1044 : vector<1x16xf32> to vector<16xf32>
        %parallel_loop3A_1046 = arith.addf %parallel_loop3A_1045, %get3A_638 : vector<16xf32>
        %parallel_loop3A_1047 = arith.index_cast %parallel_loop3A_721 : i32 to index
        %parallel_loop3A_1048 = arith.constant 512 : index
        %parallel_loop3A_1049 = tpu.vector_load %arg9[%parallel_loop3A_1047, %parallel_loop3A_1048] {strides = array<i32>} : memref<32x768xf32, #tpu.memory_space<vmem>>, vector<1x16xf32>,
        %parallel_loop3A_1050 = vector.shape_cast %parallel_loop3A_1049 : vector<1x16xf32> to vector<16xf32>
        %parallel_loop3A_1051 = vector.shape_cast %parallel_loop3A_1046 : vector<16xf32> to vector<1x16xf32>
        tpu.vector_store %arg9[%parallel_loop3A_1047, %parallel_loop3A_1048], %parallel_loop3A_1051 {strides = array<i32>} : memref<32x768xf32, #tpu.memory_space<vmem>>, vector<1x16xf32>,
        %parallel_loop3A_1052 = arith.index_cast %parallel_loop3A_721 : i32 to index
        %parallel_loop3A_1053 = arith.constant 528 : index
        %parallel_loop3A_1054 = tpu.vector_load %arg9[%parallel_loop3A_1052, %parallel_loop3A_1053] {strides = array<i32>} : memref<32x768xf32, #tpu.memory_space<vmem>>, vector<1x16xf32>,
        %parallel_loop3A_1055 = vector.shape_cast %parallel_loop3A_1054 : vector<1x16xf32> to vector<16xf32>
        %parallel_loop3A_1056 = arith.addf %parallel_loop3A_1055, %get3A_642 : vector<16xf32>
        %parallel_loop3A_1057 = arith.index_cast %parallel_loop3A_721 : i32 to index
        %parallel_loop3A_1058 = arith.constant 528 : index
        %parallel_loop3A_1059 = tpu.vector_load %arg9[%parallel_loop3A_1057, %parallel_loop3A_1058] {strides = array<i32>} : memref<32x768xf32, #tpu.memory_space<vmem>>, vector<1x16xf32>,
        %parallel_loop3A_1060 = vector.shape_cast %parallel_loop3A_1059 : vector<1x16xf32> to vector<16xf32>
        %parallel_loop3A_1061 = vector.shape_cast %parallel_loop3A_1056 : vector<16xf32> to vector<1x16xf32>
        tpu.vector_store %arg9[%parallel_loop3A_1057, %parallel_loop3A_1058], %parallel_loop3A_1061 {strides = array<i32>} : memref<32x768xf32, #tpu.memory_space<vmem>>, vector<1x16xf32>,
        %parallel_loop3A_1062 = arith.index_cast %parallel_loop3A_721 : i32 to index
        %parallel_loop3A_1063 = arith.constant 544 : index
        %parallel_loop3A_1064 = tpu.vector_load %arg9[%parallel_loop3A_1062, %parallel_loop3A_1063] {strides = array<i32>} : memref<32x768xf32, #tpu.memory_space<vmem>>, vector<1x16xf32>,
        %parallel_loop3A_1065 = vector.shape_cast %parallel_loop3A_1064 : vector<1x16xf32> to vector<16xf32>
        %parallel_loop3A_1066 = arith.addf %parallel_loop3A_1065, %get3A_646 : vector<16xf32>
        %parallel_loop3A_1067 = arith.index_cast %parallel_loop3A_721 : i32 to index
        %parallel_loop3A_1068 = arith.constant 544 : index
        %parallel_loop3A_1069 = tpu.vector_load %arg9[%parallel_loop3A_1067, %parallel_loop3A_1068] {strides = array<i32>} : memref<32x768xf32, #tpu.memory_space<vmem>>, vector<1x16xf32>,
        %parallel_loop3A_1070 = vector.shape_cast %parallel_loop3A_1069 : vector<1x16xf32> to vector<16xf32>
        %parallel_loop3A_1071 = vector.shape_cast %parallel_loop3A_1066 : vector<16xf32> to vector<1x16xf32>
        tpu.vector_store %arg9[%parallel_loop3A_1067, %parallel_loop3A_1068], %parallel_loop3A_1071 {strides = array<i32>} : memref<32x768xf32, #tpu.memory_space<vmem>>, vector<1x16xf32>,
        %parallel_loop3A_1072 = arith.index_cast %parallel_loop3A_721 : i32 to index
        %parallel_loop3A_1073 = arith.constant 560 : index
        %parallel_loop3A_1074 = tpu.vector_load %arg9[%parallel_loop3A_1072, %parallel_loop3A_1073] {strides = array<i32>} : memref<32x768xf32, #tpu.memory_space<vmem>>, vector<1x16xf32>,
        %parallel_loop3A_1075 = vector.shape_cast %parallel_loop3A_1074 : vector<1x16xf32> to vector<16xf32>
        %parallel_loop3A_1076 = arith.addf %parallel_loop3A_1075, %get3A_650 : vector<16xf32>
        %parallel_loop3A_1077 = arith.index_cast %parallel_loop3A_721 : i32 to index
        %parallel_loop3A_1078 = arith.constant 560 : index
        %parallel_loop3A_1079 = tpu.vector_load %arg9[%parallel_loop3A_1077, %parallel_loop3A_1078] {strides = array<i32>} : memref<32x768xf32, #tpu.memory_space<vmem>>, vector<1x16xf32>,
        %parallel_loop3A_1080 = vector.shape_cast %parallel_loop3A_1079 : vector<1x16xf32> to vector<16xf32>
        %parallel_loop3A_1081 = vector.shape_cast %parallel_loop3A_1076 : vector<16xf32> to vector<1x16xf32>
        tpu.vector_store %arg9[%parallel_loop3A_1077, %parallel_loop3A_1078], %parallel_loop3A_1081 {strides = array<i32>} : memref<32x768xf32, #tpu.memory_space<vmem>>, vector<1x16xf32>,
        %parallel_loop3A_1082 = arith.index_cast %parallel_loop3A_721 : i32 to index
        %parallel_loop3A_1083 = arith.constant 576 : index
        %parallel_loop3A_1084 = tpu.vector_load %arg9[%parallel_loop3A_1082, %parallel_loop3A_1083] {strides = array<i32>} : memref<32x768xf32, #tpu.memory_space<vmem>>, vector<1x16xf32>,
        %parallel_loop3A_1085 = vector.shape_cast %parallel_loop3A_1084 : vector<1x16xf32> to vector<16xf32>
        %parallel_loop3A_1086 = arith.addf %parallel_loop3A_1085, %get3A_654 : vector<16xf32>
        %parallel_loop3A_1087 = arith.index_cast %parallel_loop3A_721 : i32 to index
        %parallel_loop3A_1088 = arith.constant 576 : index
        %parallel_loop3A_1089 = tpu.vector_load %arg9[%parallel_loop3A_1087, %parallel_loop3A_1088] {strides = array<i32>} : memref<32x768xf32, #tpu.memory_space<vmem>>, vector<1x16xf32>,
        %parallel_loop3A_1090 = vector.shape_cast %parallel_loop3A_1089 : vector<1x16xf32> to vector<16xf32>
        %parallel_loop3A_1091 = vector.shape_cast %parallel_loop3A_1086 : vector<16xf32> to vector<1x16xf32>
        tpu.vector_store %arg9[%parallel_loop3A_1087, %parallel_loop3A_1088], %parallel_loop3A_1091 {strides = array<i32>} : memref<32x768xf32, #tpu.memory_space<vmem>>, vector<1x16xf32>,
        %parallel_loop3A_1092 = arith.index_cast %parallel_loop3A_721 : i32 to index
        %parallel_loop3A_1093 = arith.constant 592 : index
        %parallel_loop3A_1094 = tpu.vector_load %arg9[%parallel_loop3A_1092, %parallel_loop3A_1093] {strides = array<i32>} : memref<32x768xf32, #tpu.memory_space<vmem>>, vector<1x16xf32>,
        %parallel_loop3A_1095 = vector.shape_cast %parallel_loop3A_1094 : vector<1x16xf32> to vector<16xf32>
        %parallel_loop3A_1096 = arith.addf %parallel_loop3A_1095, %get3A_658 : vector<16xf32>
        %parallel_loop3A_1097 = arith.index_cast %parallel_loop3A_721 : i32 to index
        %parallel_loop3A_1098 = arith.constant 592 : index
        %parallel_loop3A_1099 = tpu.vector_load %arg9[%parallel_loop3A_1097, %parallel_loop3A_1098] {strides = array<i32>} : memref<32x768xf32, #tpu.memory_space<vmem>>, vector<1x16xf32>,
        %parallel_loop3A_1100 = vector.shape_cast %parallel_loop3A_1099 : vector<1x16xf32> to vector<16xf32>
        %parallel_loop3A_1101 = vector.shape_cast %parallel_loop3A_1096 : vector<16xf32> to vector<1x16xf32>
        tpu.vector_store %arg9[%parallel_loop3A_1097, %parallel_loop3A_1098], %parallel_loop3A_1101 {strides = array<i32>} : memref<32x768xf32, #tpu.memory_space<vmem>>, vector<1x16xf32>,
        %parallel_loop3A_1102 = arith.index_cast %parallel_loop3A_721 : i32 to index
        %parallel_loop3A_1103 = arith.constant 608 : index
        %parallel_loop3A_1104 = tpu.vector_load %arg9[%parallel_loop3A_1102, %parallel_loop3A_1103] {strides = array<i32>} : memref<32x768xf32, #tpu.memory_space<vmem>>, vector<1x16xf32>,
        %parallel_loop3A_1105 = vector.shape_cast %parallel_loop3A_1104 : vector<1x16xf32> to vector<16xf32>
        %parallel_loop3A_1106 = arith.addf %parallel_loop3A_1105, %get3A_662 : vector<16xf32>
        %parallel_loop3A_1107 = arith.index_cast %parallel_loop3A_721 : i32 to index
        %parallel_loop3A_1108 = arith.constant 608 : index
        %parallel_loop3A_1109 = tpu.vector_load %arg9[%parallel_loop3A_1107, %parallel_loop3A_1108] {strides = array<i32>} : memref<32x768xf32, #tpu.memory_space<vmem>>, vector<1x16xf32>,
        %parallel_loop3A_1110 = vector.shape_cast %parallel_loop3A_1109 : vector<1x16xf32> to vector<16xf32>
        %parallel_loop3A_1111 = vector.shape_cast %parallel_loop3A_1106 : vector<16xf32> to vector<1x16xf32>
        tpu.vector_store %arg9[%parallel_loop3A_1107, %parallel_loop3A_1108], %parallel_loop3A_1111 {strides = array<i32>} : memref<32x768xf32, #tpu.memory_space<vmem>>, vector<1x16xf32>,
        %parallel_loop3A_1112 = arith.index_cast %parallel_loop3A_721 : i32 to index
        %parallel_loop3A_1113 = arith.constant 624 : index
        %parallel_loop3A_1114 = tpu.vector_load %arg9[%parallel_loop3A_1112, %parallel_loop3A_1113] {strides = array<i32>} : memref<32x768xf32, #tpu.memory_space<vmem>>, vector<1x16xf32>,
        %parallel_loop3A_1115 = vector.shape_cast %parallel_loop3A_1114 : vector<1x16xf32> to vector<16xf32>
        %parallel_loop3A_1116 = arith.addf %parallel_loop3A_1115, %get3A_666 : vector<16xf32>
        %parallel_loop3A_1117 = arith.index_cast %parallel_loop3A_721 : i32 to index
        %parallel_loop3A_1118 = arith.constant 624 : index
        %parallel_loop3A_1119 = tpu.vector_load %arg9[%parallel_loop3A_1117, %parallel_loop3A_1118] {strides = array<i32>} : memref<32x768xf32, #tpu.memory_space<vmem>>, vector<1x16xf32>,
        %parallel_loop3A_1120 = vector.shape_cast %parallel_loop3A_1119 : vector<1x16xf32> to vector<16xf32>
        %parallel_loop3A_1121 = vector.shape_cast %parallel_loop3A_1116 : vector<16xf32> to vector<1x16xf32>
        tpu.vector_store %arg9[%parallel_loop3A_1117, %parallel_loop3A_1118], %parallel_loop3A_1121 {strides = array<i32>} : memref<32x768xf32, #tpu.memory_space<vmem>>, vector<1x16xf32>,
        %parallel_loop3A_1122 = arith.index_cast %parallel_loop3A_721 : i32 to index
        %parallel_loop3A_1123 = arith.constant 640 : index
        %parallel_loop3A_1124 = tpu.vector_load %arg9[%parallel_loop3A_1122, %parallel_loop3A_1123] {strides = array<i32>} : memref<32x768xf32, #tpu.memory_space<vmem>>, vector<1x16xf32>,
        %parallel_loop3A_1125 = vector.shape_cast %parallel_loop3A_1124 : vector<1x16xf32> to vector<16xf32>
        %parallel_loop3A_1126 = arith.addf %parallel_loop3A_1125, %get3A_670 : vector<16xf32>
        %parallel_loop3A_1127 = arith.index_cast %parallel_loop3A_721 : i32 to index
        %parallel_loop3A_1128 = arith.constant 640 : index
        %parallel_loop3A_1129 = tpu.vector_load %arg9[%parallel_loop3A_1127, %parallel_loop3A_1128] {strides = array<i32>} : memref<32x768xf32, #tpu.memory_space<vmem>>, vector<1x16xf32>,
        %parallel_loop3A_1130 = vector.shape_cast %parallel_loop3A_1129 : vector<1x16xf32> to vector<16xf32>
        %parallel_loop3A_1131 = vector.shape_cast %parallel_loop3A_1126 : vector<16xf32> to vector<1x16xf32>
        tpu.vector_store %arg9[%parallel_loop3A_1127, %parallel_loop3A_1128], %parallel_loop3A_1131 {strides = array<i32>} : memref<32x768xf32, #tpu.memory_space<vmem>>, vector<1x16xf32>,
        %parallel_loop3A_1132 = arith.index_cast %parallel_loop3A_721 : i32 to index
        %parallel_loop3A_1133 = arith.constant 656 : index
        %parallel_loop3A_1134 = tpu.vector_load %arg9[%parallel_loop3A_1132, %parallel_loop3A_1133] {strides = array<i32>} : memref<32x768xf32, #tpu.memory_space<vmem>>, vector<1x16xf32>,
        %parallel_loop3A_1135 = vector.shape_cast %parallel_loop3A_1134 : vector<1x16xf32> to vector<16xf32>
        %parallel_loop3A_1136 = arith.addf %parallel_loop3A_1135, %get3A_674 : vector<16xf32>
        %parallel_loop3A_1137 = arith.index_cast %parallel_loop3A_721 : i32 to index
        %parallel_loop3A_1138 = arith.constant 656 : index
        %parallel_loop3A_1139 = tpu.vector_load %arg9[%parallel_loop3A_1137, %parallel_loop3A_1138] {strides = array<i32>} : memref<32x768xf32, #tpu.memory_space<vmem>>, vector<1x16xf32>,
        %parallel_loop3A_1140 = vector.shape_cast %parallel_loop3A_1139 : vector<1x16xf32> to vector<16xf32>
        %parallel_loop3A_1141 = vector.shape_cast %parallel_loop3A_1136 : vector<16xf32> to vector<1x16xf32>
        tpu.vector_store %arg9[%parallel_loop3A_1137, %parallel_loop3A_1138], %parallel_loop3A_1141 {strides = array<i32>} : memref<32x768xf32, #tpu.memory_space<vmem>>, vector<1x16xf32>,
        %parallel_loop3A_1142 = arith.index_cast %parallel_loop3A_721 : i32 to index
        %parallel_loop3A_1143 = arith.constant 672 : index
        %parallel_loop3A_1144 = tpu.vector_load %arg9[%parallel_loop3A_1142, %parallel_loop3A_1143] {strides = array<i32>} : memref<32x768xf32, #tpu.memory_space<vmem>>, vector<1x16xf32>,
        %parallel_loop3A_1145 = vector.shape_cast %parallel_loop3A_1144 : vector<1x16xf32> to vector<16xf32>
        %parallel_loop3A_1146 = arith.addf %parallel_loop3A_1145, %get3A_678 : vector<16xf32>
        %parallel_loop3A_1147 = arith.index_cast %parallel_loop3A_721 : i32 to index
        %parallel_loop3A_1148 = arith.constant 672 : index
        %parallel_loop3A_1149 = tpu.vector_load %arg9[%parallel_loop3A_1147, %parallel_loop3A_1148] {strides = array<i32>} : memref<32x768xf32, #tpu.memory_space<vmem>>, vector<1x16xf32>,
        %parallel_loop3A_1150 = vector.shape_cast %parallel_loop3A_1149 : vector<1x16xf32> to vector<16xf32>
        %parallel_loop3A_1151 = vector.shape_cast %parallel_loop3A_1146 : vector<16xf32> to vector<1x16xf32>
        tpu.vector_store %arg9[%parallel_loop3A_1147, %parallel_loop3A_1148], %parallel_loop3A_1151 {strides = array<i32>} : memref<32x768xf32, #tpu.memory_space<vmem>>, vector<1x16xf32>,
        %parallel_loop3A_1152 = arith.index_cast %parallel_loop3A_721 : i32 to index
        %parallel_loop3A_1153 = arith.constant 688 : index
        %parallel_loop3A_1154 = tpu.vector_load %arg9[%parallel_loop3A_1152, %parallel_loop3A_1153] {strides = array<i32>} : memref<32x768xf32, #tpu.memory_space<vmem>>, vector<1x16xf32>,
        %parallel_loop3A_1155 = vector.shape_cast %parallel_loop3A_1154 : vector<1x16xf32> to vector<16xf32>
        %parallel_loop3A_1156 = arith.addf %parallel_loop3A_1155, %get3A_682 : vector<16xf32>
        %parallel_loop3A_1157 = arith.index_cast %parallel_loop3A_721 : i32 to index
        %parallel_loop3A_1158 = arith.constant 688 : index
        %parallel_loop3A_1159 = tpu.vector_load %arg9[%parallel_loop3A_1157, %parallel_loop3A_1158] {strides = array<i32>} : memref<32x768xf32, #tpu.memory_space<vmem>>, vector<1x16xf32>,
        %parallel_loop3A_1160 = vector.shape_cast %parallel_loop3A_1159 : vector<1x16xf32> to vector<16xf32>
        %parallel_loop3A_1161 = vector.shape_cast %parallel_loop3A_1156 : vector<16xf32> to vector<1x16xf32>
        tpu.vector_store %arg9[%parallel_loop3A_1157, %parallel_loop3A_1158], %parallel_loop3A_1161 {strides = array<i32>} : memref<32x768xf32, #tpu.memory_space<vmem>>, vector<1x16xf32>,
        %parallel_loop3A_1162 = arith.index_cast %parallel_loop3A_721 : i32 to index
        %parallel_loop3A_1163 = arith.constant 704 : index
        %parallel_loop3A_1164 = tpu.vector_load %arg9[%parallel_loop3A_1162, %parallel_loop3A_1163] {strides = array<i32>} : memref<32x768xf32, #tpu.memory_space<vmem>>, vector<1x16xf32>,
        %parallel_loop3A_1165 = vector.shape_cast %parallel_loop3A_1164 : vector<1x16xf32> to vector<16xf32>
        %parallel_loop3A_1166 = arith.addf %parallel_loop3A_1165, %get3A_686 : vector<16xf32>
        %parallel_loop3A_1167 = arith.index_cast %parallel_loop3A_721 : i32 to index
        %parallel_loop3A_1168 = arith.constant 704 : index
        %parallel_loop3A_1169 = tpu.vector_load %arg9[%parallel_loop3A_1167, %parallel_loop3A_1168] {strides = array<i32>} : memref<32x768xf32, #tpu.memory_space<vmem>>, vector<1x16xf32>,
        %parallel_loop3A_1170 = vector.shape_cast %parallel_loop3A_1169 : vector<1x16xf32> to vector<16xf32>
        %parallel_loop3A_1171 = vector.shape_cast %parallel_loop3A_1166 : vector<16xf32> to vector<1x16xf32>
        tpu.vector_store %arg9[%parallel_loop3A_1167, %parallel_loop3A_1168], %parallel_loop3A_1171 {strides = array<i32>} : memref<32x768xf32, #tpu.memory_space<vmem>>, vector<1x16xf32>,
        %parallel_loop3A_1172 = arith.index_cast %parallel_loop3A_721 : i32 to index
        %parallel_loop3A_1173 = arith.constant 720 : index
        %parallel_loop3A_1174 = tpu.vector_load %arg9[%parallel_loop3A_1172, %parallel_loop3A_1173] {strides = array<i32>} : memref<32x768xf32, #tpu.memory_space<vmem>>, vector<1x16xf32>,
        %parallel_loop3A_1175 = vector.shape_cast %parallel_loop3A_1174 : vector<1x16xf32> to vector<16xf32>
        %parallel_loop3A_1176 = arith.addf %parallel_loop3A_1175, %get3A_690 : vector<16xf32>
        %parallel_loop3A_1177 = arith.index_cast %parallel_loop3A_721 : i32 to index
        %parallel_loop3A_1178 = arith.constant 720 : index
        %parallel_loop3A_1179 = tpu.vector_load %arg9[%parallel_loop3A_1177, %parallel_loop3A_1178] {strides = array<i32>} : memref<32x768xf32, #tpu.memory_space<vmem>>, vector<1x16xf32>,
        %parallel_loop3A_1180 = vector.shape_cast %parallel_loop3A_1179 : vector<1x16xf32> to vector<16xf32>
        %parallel_loop3A_1181 = vector.shape_cast %parallel_loop3A_1176 : vector<16xf32> to vector<1x16xf32>
        tpu.vector_store %arg9[%parallel_loop3A_1177, %parallel_loop3A_1178], %parallel_loop3A_1181 {strides = array<i32>} : memref<32x768xf32, #tpu.memory_space<vmem>>, vector<1x16xf32>,
        %parallel_loop3A_1182 = arith.index_cast %parallel_loop3A_721 : i32 to index
        %parallel_loop3A_1183 = arith.constant 736 : index
        %parallel_loop3A_1184 = tpu.vector_load %arg9[%parallel_loop3A_1182, %parallel_loop3A_1183] {strides = array<i32>} : memref<32x768xf32, #tpu.memory_space<vmem>>, vector<1x16xf32>,
        %parallel_loop3A_1185 = vector.shape_cast %parallel_loop3A_1184 : vector<1x16xf32> to vector<16xf32>
        %parallel_loop3A_1186 = arith.addf %parallel_loop3A_1185, %get3A_694 : vector<16xf32>
        %parallel_loop3A_1187 = arith.index_cast %parallel_loop3A_721 : i32 to index
        %parallel_loop3A_1188 = arith.constant 736 : index
        %parallel_loop3A_1189 = tpu.vector_load %arg9[%parallel_loop3A_1187, %parallel_loop3A_1188] {strides = array<i32>} : memref<32x768xf32, #tpu.memory_space<vmem>>, vector<1x16xf32>,
        %parallel_loop3A_1190 = vector.shape_cast %parallel_loop3A_1189 : vector<1x16xf32> to vector<16xf32>
        %parallel_loop3A_1191 = vector.shape_cast %parallel_loop3A_1186 : vector<16xf32> to vector<1x16xf32>
        tpu.vector_store %arg9[%parallel_loop3A_1187, %parallel_loop3A_1188], %parallel_loop3A_1191 {strides = array<i32>} : memref<32x768xf32, #tpu.memory_space<vmem>>, vector<1x16xf32>,
        %parallel_loop3A_1192 = arith.index_cast %parallel_loop3A_721 : i32 to index
        %parallel_loop3A_1193 = arith.constant 752 : index
        %parallel_loop3A_1194 = tpu.vector_load %arg9[%parallel_loop3A_1192, %parallel_loop3A_1193] {strides = array<i32>} : memref<32x768xf32, #tpu.memory_space<vmem>>, vector<1x16xf32>,
        %parallel_loop3A_1195 = vector.shape_cast %parallel_loop3A_1194 : vector<1x16xf32> to vector<16xf32>
        %parallel_loop3A_1196 = arith.addf %parallel_loop3A_1195, %get3A_698 : vector<16xf32>
        %parallel_loop3A_1197 = arith.index_cast %parallel_loop3A_721 : i32 to index
        %parallel_loop3A_1198 = arith.constant 752 : index
        %parallel_loop3A_1199 = tpu.vector_load %arg9[%parallel_loop3A_1197, %parallel_loop3A_1198] {strides = array<i32>} : memref<32x768xf32, #tpu.memory_space<vmem>>, vector<1x16xf32>,
        %parallel_loop3A_1200 = vector.shape_cast %parallel_loop3A_1199 : vector<1x16xf32> to vector<16xf32>
        %parallel_loop3A_1201 = vector.shape_cast %parallel_loop3A_1196 : vector<16xf32> to vector<1x16xf32>
        tpu.vector_store %arg9[%parallel_loop3A_1197, %parallel_loop3A_1198], %parallel_loop3A_1201 {strides = array<i32>} : memref<32x768xf32, #tpu.memory_space<vmem>>, vector<1x16xf32>,
      } {sc.loop_unroll_factor = 1 : i64, sc.parallel_access}
      %add3A_702 = arith.constant 1 : i32
      %add3A_703 = arith.addi %mul3A_289, %add3A_702 : i32
      %dma_start3A_704 = arith.constant 0 : i32
      %dma_start3A_705 = tpu.memref_slice %arg5[%add3A_703, %mul3A_2, %dma_start3A_704] : memref<77x1024x768xf32, #tpu.memory_space<hbm>> -> memref<1x32x768xf32, #tpu.memory_space<hbm>>
      %dma_start3A_706 = tpu.memref_squeeze %dma_start3A_705 : memref<1x32x768xf32, #tpu.memory_space<hbm>> -> memref<32x768xf32, #tpu.memory_space<hbm>>
      %dma_start3A_707 = arith.constant 0 : i32
      %dma_start3A_708 = tpu.memref_slice %arg5[%add3A_703, %mul3A_2, %dma_start3A_707] : memref<77x1024x768xf32, #tpu.memory_space<hbm>> -> memref<1x32x768xf32, #tpu.memory_space<hbm>>
      %dma_start3A_709 = tpu.memref_squeeze %dma_start3A_708 : memref<1x32x768xf32, #tpu.memory_space<hbm>> -> memref<32x768xf32, #tpu.memory_space<hbm>>
      tpu.enqueue_dma source(%arg9 : memref<32x768xf32, #tpu.memory_space<vmem>>) target(%dma_start3A_709 : memref<32x768xf32, #tpu.memory_space<hbm>>) target_semaphore(%arg13 : memref<!tpu.dma_semaphore, #tpu.memory_space<semaphore_mem>>)
      %add3A_710 = arith.constant 2 : i32
      %add3A_711 = arith.addi %mul3A_289, %add3A_710 : i32
      %lt3A = arith.constant 77 : i32
      %lt3A_712 = arith.cmpi slt, %add3A_711, %lt3A : i32
      %convert_element_type3A = arith.extui %lt3A_712 : i1 to i32
      %cond3A = arith.constant 0 : i32
      %cond3A_713 = arith.cmpi ne, %convert_element_type3A, %cond3A : i32
      scf.if %cond3A_713 {
        %dma_wait3A_721 = arith.constant 0 : i32
        %dma_wait3A_722 = tpu.memref_slice %arg5[%mul3A_289, %mul3A_2, %dma_wait3A_721] : memref<77x1024x768xf32, #tpu.memory_space<hbm>> -> memref<1x32x768xf32, #tpu.memory_space<hbm>>
        %dma_wait3A_723 = tpu.memref_squeeze %dma_wait3A_722 : memref<1x32x768xf32, #tpu.memory_space<hbm>> -> memref<32x768xf32, #tpu.memory_space<hbm>>
        %dma_wait3A_724 = arith.constant 0 : i32
        %dma_wait3A_725 = tpu.memref_slice %arg5[%mul3A_289, %mul3A_2, %dma_wait3A_724] : memref<77x1024x768xf32, #tpu.memory_space<hbm>> -> memref<1x32x768xf32, #tpu.memory_space<hbm>>
        %dma_wait3A_726 = tpu.memref_squeeze %dma_wait3A_725 : memref<1x32x768xf32, #tpu.memory_space<hbm>> -> memref<32x768xf32, #tpu.memory_space<hbm>>
        tpu.wait_dma2 semaphore(%arg12 : memref<!tpu.dma_semaphore, #tpu.memory_space<semaphore_mem>>) src(%arg8 : memref<32x768xf32, #tpu.memory_space<vmem>>) dst(%dma_wait3A_726 : memref<32x768xf32, #tpu.memory_space<hbm>>)
        %add3A_727 = arith.constant 2 : i32
        %add3A_728 = arith.addi %mul3A_289, %add3A_727 : i32
        %mul3A_729 = arith.constant 32 : i32
        %mul3A_730 = arith.muli %add3A_728, %mul3A_729 : i32
        %dma_start3A_731 = tpu.memref_slice %arg6[%mul3A_730] : memref<2464xi32, #tpu.memory_space<vmem>> -> memref<32xi32, #tpu.memory_space<vmem>>
        %dma_start3A_732 = arith.constant 0 : i32
        %dma_start3A_733 = arith.constant 0 : i32
        %dma_start3A_734 = tpu.memref_slice %arg3[%dma_start3A_732, %dma_start3A_733] : memref<49408x768xf32, #tpu.memory_space<hbm>> -> memref<49408x768xf32, #tpu.memory_space<hbm>>
        tpu.enqueue_indirect_dma source(%dma_start3A_734 : memref<49408x768xf32, #tpu.memory_space<hbm>>) target(%arg8 : memref<32x768xf32, #tpu.memory_space<vmem>>) offsets(%dma_start3A_731 : memref<32xi32, #tpu.memory_space<vmem>>) semaphore(%arg10 : memref<!tpu.dma_semaphore, #tpu.memory_space<semaphore_mem>>)
      } else {
      }
      %add3A_714 = arith.constant 3 : i32
      %add3A_715 = arith.addi %mul3A_289, %add3A_714 : i32
      %lt3A_716 = arith.constant 77 : i32
      %lt3A_717 = arith.cmpi slt, %add3A_715, %lt3A_716 : i32
      %convert_element_type3A_718 = arith.extui %lt3A_717 : i1 to i32
      %cond3A_719 = arith.constant 0 : i32
      %cond3A_720 = arith.cmpi ne, %convert_element_type3A_718, %cond3A_719 : i32
      scf.if %cond3A_720 {
        %add3A_721 = arith.constant 1 : i32
        %add3A_722 = arith.addi %mul3A_289, %add3A_721 : i32
        %dma_wait3A_723 = arith.constant 0 : i32
        %dma_wait3A_724 = tpu.memref_slice %arg5[%add3A_722, %mul3A_2, %dma_wait3A_723] : memref<77x1024x768xf32, #tpu.memory_space<hbm>> -> memref<1x32x768xf32, #tpu.memory_space<hbm>>
        %dma_wait3A_725 = tpu.memref_squeeze %dma_wait3A_724 : memref<1x32x768xf32, #tpu.memory_space<hbm>> -> memref<32x768xf32, #tpu.memory_space<hbm>>
        %dma_wait3A_726 = arith.constant 0 : i32
        %dma_wait3A_727 = tpu.memref_slice %arg5[%add3A_722, %mul3A_2, %dma_wait3A_726] : memref<77x1024x768xf32, #tpu.memory_space<hbm>> -> memref<1x32x768xf32, #tpu.memory_space<hbm>>
        %dma_wait3A_728 = tpu.memref_squeeze %dma_wait3A_727 : memref<1x32x768xf32, #tpu.memory_space<hbm>> -> memref<32x768xf32, #tpu.memory_space<hbm>>
        tpu.wait_dma2 semaphore(%arg13 : memref<!tpu.dma_semaphore, #tpu.memory_space<semaphore_mem>>) src(%arg9 : memref<32x768xf32, #tpu.memory_space<vmem>>) dst(%dma_wait3A_728 : memref<32x768xf32, #tpu.memory_space<hbm>>)
        %add3A_729 = arith.constant 3 : i32
        %add3A_730 = arith.addi %mul3A_289, %add3A_729 : i32
        %mul3A_731 = arith.constant 32 : i32
        %mul3A_732 = arith.muli %add3A_730, %mul3A_731 : i32
        %dma_start3A_733 = tpu.memref_slice %arg6[%mul3A_732] : memref<2464xi32, #tpu.memory_space<vmem>> -> memref<32xi32, #tpu.memory_space<vmem>>
        %dma_start3A_734 = arith.constant 0 : i32
        %dma_start3A_735 = arith.constant 0 : i32
        %dma_start3A_736 = tpu.memref_slice %arg3[%dma_start3A_734, %dma_start3A_735] : memref<49408x768xf32, #tpu.memory_space<hbm>> -> memref<49408x768xf32, #tpu.memory_space<hbm>>
        tpu.enqueue_indirect_dma source(%dma_start3A_736 : memref<49408x768xf32, #tpu.memory_space<hbm>>) target(%arg9 : memref<32x768xf32, #tpu.memory_space<vmem>>) offsets(%dma_start3A_733 : memref<32xi32, #tpu.memory_space<vmem>>) semaphore(%arg11 : memref<!tpu.dma_semaphore, #tpu.memory_space<semaphore_mem>>)
      } else {
      }
    }
    %scan3A_20 = arith.constant 38 : i32
    %dma_wait3A = arith.constant 2432 : i32
    %dma_wait3A_21 = tpu.memref_slice %arg6[%dma_wait3A] : memref<2464xi32, #tpu.memory_space<vmem>> -> memref<32xi32, #tpu.memory_space<vmem>>
    %dma_wait3A_22 = arith.constant 0 : i32
    %dma_wait3A_23 = arith.constant 0 : i32
    %dma_wait3A_24 = tpu.memref_slice %arg3[%dma_wait3A_22, %dma_wait3A_23] : memref<49408x768xf32, #tpu.memory_space<hbm>> -> memref<49408x768xf32, #tpu.memory_space<hbm>>
    tpu.wait_indirect_dma semaphore(%arg10 : memref<!tpu.dma_semaphore, #tpu.memory_space<semaphore_mem>>) src(%dma_wait3A_24 : memref<49408x768xf32, #tpu.memory_space<hbm>>) dst(%arg8 : memref<32x768xf32, #tpu.memory_space<vmem>>)
    %get3A = arith.constant 76 : i32
    %get3A_25 = arith.index_cast %get3A : i32 to index
    %get3A_26 = arith.constant 0 : index
    %get3A_27 = tpu.vector_load %arg7[%get3A_25, %get3A_26] {strides = array<i32>} : memref<77x768xf32, #tpu.memory_space<vmem>>, vector<1x16xf32>,
    %get3A_28 = vector.shape_cast %get3A_27 : vector<1x16xf32> to vector<16xf32>
    %get3A_29 = arith.constant 76 : i32
    %get3A_30 = arith.index_cast %get3A_29 : i32 to index
    %get3A_31 = arith.constant 16 : index
    %get3A_32 = tpu.vector_load %arg7[%get3A_30, %get3A_31] {strides = array<i32>} : memref<77x768xf32, #tpu.memory_space<vmem>>, vector<1x16xf32>,
    %get3A_33 = vector.shape_cast %get3A_32 : vector<1x16xf32> to vector<16xf32>
    %get3A_34 = arith.constant 76 : i32
    %get3A_35 = arith.index_cast %get3A_34 : i32 to index
    %get3A_36 = arith.constant 32 : index
    %get3A_37 = tpu.vector_load %arg7[%get3A_35, %get3A_36] {strides = array<i32>} : memref<77x768xf32, #tpu.memory_space<vmem>>, vector<1x16xf32>,
    %get3A_38 = vector.shape_cast %get3A_37 : vector<1x16xf32> to vector<16xf32>
    %get3A_39 = arith.constant 76 : i32
    %get3A_40 = arith.index_cast %get3A_39 : i32 to index
    %get3A_41 = arith.constant 48 : index
    %get3A_42 = tpu.vector_load %arg7[%get3A_40, %get3A_41] {strides = array<i32>} : memref<77x768xf32, #tpu.memory_space<vmem>>, vector<1x16xf32>,
    %get3A_43 = vector.shape_cast %get3A_42 : vector<1x16xf32> to vector<16xf32>
    %get3A_44 = arith.constant 76 : i32
    %get3A_45 = arith.index_cast %get3A_44 : i32 to index
    %get3A_46 = arith.constant 64 : index
    %get3A_47 = tpu.vector_load %arg7[%get3A_45, %get3A_46] {strides = array<i32>} : memref<77x768xf32, #tpu.memory_space<vmem>>, vector<1x16xf32>,
    %get3A_48 = vector.shape_cast %get3A_47 : vector<1x16xf32> to vector<16xf32>
    %get3A_49 = arith.constant 76 : i32
    %get3A_50 = arith.index_cast %get3A_49 : i32 to index
    %get3A_51 = arith.constant 80 : index
    %get3A_52 = tpu.vector_load %arg7[%get3A_50, %get3A_51] {strides = array<i32>} : memref<77x768xf32, #tpu.memory_space<vmem>>, vector<1x16xf32>,
    %get3A_53 = vector.shape_cast %get3A_52 : vector<1x16xf32> to vector<16xf32>
    %get3A_54 = arith.constant 76 : i32
    %get3A_55 = arith.index_cast %get3A_54 : i32 to index
    %get3A_56 = arith.constant 96 : index
    %get3A_57 = tpu.vector_load %arg7[%get3A_55, %get3A_56] {strides = array<i32>} : memref<77x768xf32, #tpu.memory_space<vmem>>, vector<1x16xf32>,
    %get3A_58 = vector.shape_cast %get3A_57 : vector<1x16xf32> to vector<16xf32>
    %get3A_59 = arith.constant 76 : i32
    %get3A_60 = arith.index_cast %get3A_59 : i32 to index
    %get3A_61 = arith.constant 112 : index
    %get3A_62 = tpu.vector_load %arg7[%get3A_60, %get3A_61] {strides = array<i32>} : memref<77x768xf32, #tpu.memory_space<vmem>>, vector<1x16xf32>,
    %get3A_63 = vector.shape_cast %get3A_62 : vector<1x16xf32> to vector<16xf32>
    %get3A_64 = arith.constant 76 : i32
    %get3A_65 = arith.index_cast %get3A_64 : i32 to index
    %get3A_66 = arith.constant 128 : index
    %get3A_67 = tpu.vector_load %arg7[%get3A_65, %get3A_66] {strides = array<i32>} : memref<77x768xf32, #tpu.memory_space<vmem>>, vector<1x16xf32>,
    %get3A_68 = vector.shape_cast %get3A_67 : vector<1x16xf32> to vector<16xf32>
    %get3A_69 = arith.constant 76 : i32
    %get3A_70 = arith.index_cast %get3A_69 : i32 to index
    %get3A_71 = arith.constant 144 : index
    %get3A_72 = tpu.vector_load %arg7[%get3A_70, %get3A_71] {strides = array<i32>} : memref<77x768xf32, #tpu.memory_space<vmem>>, vector<1x16xf32>,
    %get3A_73 = vector.shape_cast %get3A_72 : vector<1x16xf32> to vector<16xf32>
    %get3A_74 = arith.constant 76 : i32
    %get3A_75 = arith.index_cast %get3A_74 : i32 to index
    %get3A_76 = arith.constant 160 : index
    %get3A_77 = tpu.vector_load %arg7[%get3A_75, %get3A_76] {strides = array<i32>} : memref<77x768xf32, #tpu.memory_space<vmem>>, vector<1x16xf32>,
    %get3A_78 = vector.shape_cast %get3A_77 : vector<1x16xf32> to vector<16xf32>
    %get3A_79 = arith.constant 76 : i32
    %get3A_80 = arith.index_cast %get3A_79 : i32 to index
    %get3A_81 = arith.constant 176 : index
    %get3A_82 = tpu.vector_load %arg7[%get3A_80, %get3A_81] {strides = array<i32>} : memref<77x768xf32, #tpu.memory_space<vmem>>, vector<1x16xf32>,
    %get3A_83 = vector.shape_cast %get3A_82 : vector<1x16xf32> to vector<16xf32>
    %get3A_84 = arith.constant 76 : i32
    %get3A_85 = arith.index_cast %get3A_84 : i32 to index
    %get3A_86 = arith.constant 192 : index
    %get3A_87 = tpu.vector_load %arg7[%get3A_85, %get3A_86] {strides = array<i32>} : memref<77x768xf32, #tpu.memory_space<vmem>>, vector<1x16xf32>,
    %get3A_88 = vector.shape_cast %get3A_87 : vector<1x16xf32> to vector<16xf32>
    %get3A_89 = arith.constant 76 : i32
    %get3A_90 = arith.index_cast %get3A_89 : i32 to index
    %get3A_91 = arith.constant 208 : index
    %get3A_92 = tpu.vector_load %arg7[%get3A_90, %get3A_91] {strides = array<i32>} : memref<77x768xf32, #tpu.memory_space<vmem>>, vector<1x16xf32>,
    %get3A_93 = vector.shape_cast %get3A_92 : vector<1x16xf32> to vector<16xf32>
    %get3A_94 = arith.constant 76 : i32
    %get3A_95 = arith.index_cast %get3A_94 : i32 to index
    %get3A_96 = arith.constant 224 : index
    %get3A_97 = tpu.vector_load %arg7[%get3A_95, %get3A_96] {strides = array<i32>} : memref<77x768xf32, #tpu.memory_space<vmem>>, vector<1x16xf32>,
    %get3A_98 = vector.shape_cast %get3A_97 : vector<1x16xf32> to vector<16xf32>
    %get3A_99 = arith.constant 76 : i32
    %get3A_100 = arith.index_cast %get3A_99 : i32 to index
    %get3A_101 = arith.constant 240 : index
    %get3A_102 = tpu.vector_load %arg7[%get3A_100, %get3A_101] {strides = array<i32>} : memref<77x768xf32, #tpu.memory_space<vmem>>, vector<1x16xf32>,
    %get3A_103 = vector.shape_cast %get3A_102 : vector<1x16xf32> to vector<16xf32>
    %get3A_104 = arith.constant 76 : i32
    %get3A_105 = arith.index_cast %get3A_104 : i32 to index
    %get3A_106 = arith.constant 256 : index
    %get3A_107 = tpu.vector_load %arg7[%get3A_105, %get3A_106] {strides = array<i32>} : memref<77x768xf32, #tpu.memory_space<vmem>>, vector<1x16xf32>,
    %get3A_108 = vector.shape_cast %get3A_107 : vector<1x16xf32> to vector<16xf32>
    %get3A_109 = arith.constant 76 : i32
    %get3A_110 = arith.index_cast %get3A_109 : i32 to index
    %get3A_111 = arith.constant 272 : index
    %get3A_112 = tpu.vector_load %arg7[%get3A_110, %get3A_111] {strides = array<i32>} : memref<77x768xf32, #tpu.memory_space<vmem>>, vector<1x16xf32>,
    %get3A_113 = vector.shape_cast %get3A_112 : vector<1x16xf32> to vector<16xf32>
    %get3A_114 = arith.constant 76 : i32
    %get3A_115 = arith.index_cast %get3A_114 : i32 to index
    %get3A_116 = arith.constant 288 : index
    %get3A_117 = tpu.vector_load %arg7[%get3A_115, %get3A_116] {strides = array<i32>} : memref<77x768xf32, #tpu.memory_space<vmem>>, vector<1x16xf32>,
    %get3A_118 = vector.shape_cast %get3A_117 : vector<1x16xf32> to vector<16xf32>
    %get3A_119 = arith.constant 76 : i32
    %get3A_120 = arith.index_cast %get3A_119 : i32 to index
    %get3A_121 = arith.constant 304 : index
    %get3A_122 = tpu.vector_load %arg7[%get3A_120, %get3A_121] {strides = array<i32>} : memref<77x768xf32, #tpu.memory_space<vmem>>, vector<1x16xf32>,
    %get3A_123 = vector.shape_cast %get3A_122 : vector<1x16xf32> to vector<16xf32>
    %get3A_124 = arith.constant 76 : i32
    %get3A_125 = arith.index_cast %get3A_124 : i32 to index
    %get3A_126 = arith.constant 320 : index
    %get3A_127 = tpu.vector_load %arg7[%get3A_125, %get3A_126] {strides = array<i32>} : memref<77x768xf32, #tpu.memory_space<vmem>>, vector<1x16xf32>,
    %get3A_128 = vector.shape_cast %get3A_127 : vector<1x16xf32> to vector<16xf32>
    %get3A_129 = arith.constant 76 : i32
    %get3A_130 = arith.index_cast %get3A_129 : i32 to index
    %get3A_131 = arith.constant 336 : index
    %get3A_132 = tpu.vector_load %arg7[%get3A_130, %get3A_131] {strides = array<i32>} : memref<77x768xf32, #tpu.memory_space<vmem>>, vector<1x16xf32>,
    %get3A_133 = vector.shape_cast %get3A_132 : vector<1x16xf32> to vector<16xf32>
    %get3A_134 = arith.constant 76 : i32
    %get3A_135 = arith.index_cast %get3A_134 : i32 to index
    %get3A_136 = arith.constant 352 : index
    %get3A_137 = tpu.vector_load %arg7[%get3A_135, %get3A_136] {strides = array<i32>} : memref<77x768xf32, #tpu.memory_space<vmem>>, vector<1x16xf32>,
    %get3A_138 = vector.shape_cast %get3A_137 : vector<1x16xf32> to vector<16xf32>
    %get3A_139 = arith.constant 76 : i32
    %get3A_140 = arith.index_cast %get3A_139 : i32 to index
    %get3A_141 = arith.constant 368 : index
    %get3A_142 = tpu.vector_load %arg7[%get3A_140, %get3A_141] {strides = array<i32>} : memref<77x768xf32, #tpu.memory_space<vmem>>, vector<1x16xf32>,
    %get3A_143 = vector.shape_cast %get3A_142 : vector<1x16xf32> to vector<16xf32>
    %get3A_144 = arith.constant 76 : i32
    %get3A_145 = arith.index_cast %get3A_144 : i32 to index
    %get3A_146 = arith.constant 384 : index
    %get3A_147 = tpu.vector_load %arg7[%get3A_145, %get3A_146] {strides = array<i32>} : memref<77x768xf32, #tpu.memory_space<vmem>>, vector<1x16xf32>,
    %get3A_148 = vector.shape_cast %get3A_147 : vector<1x16xf32> to vector<16xf32>
    %get3A_149 = arith.constant 76 : i32
    %get3A_150 = arith.index_cast %get3A_149 : i32 to index
    %get3A_151 = arith.constant 400 : index
    %get3A_152 = tpu.vector_load %arg7[%get3A_150, %get3A_151] {strides = array<i32>} : memref<77x768xf32, #tpu.memory_space<vmem>>, vector<1x16xf32>,
    %get3A_153 = vector.shape_cast %get3A_152 : vector<1x16xf32> to vector<16xf32>
    %get3A_154 = arith.constant 76 : i32
    %get3A_155 = arith.index_cast %get3A_154 : i32 to index
    %get3A_156 = arith.constant 416 : index
    %get3A_157 = tpu.vector_load %arg7[%get3A_155, %get3A_156] {strides = array<i32>} : memref<77x768xf32, #tpu.memory_space<vmem>>, vector<1x16xf32>,
    %get3A_158 = vector.shape_cast %get3A_157 : vector<1x16xf32> to vector<16xf32>
    %get3A_159 = arith.constant 76 : i32
    %get3A_160 = arith.index_cast %get3A_159 : i32 to index
    %get3A_161 = arith.constant 432 : index
    %get3A_162 = tpu.vector_load %arg7[%get3A_160, %get3A_161] {strides = array<i32>} : memref<77x768xf32, #tpu.memory_space<vmem>>, vector<1x16xf32>,
    %get3A_163 = vector.shape_cast %get3A_162 : vector<1x16xf32> to vector<16xf32>
    %get3A_164 = arith.constant 76 : i32
    %get3A_165 = arith.index_cast %get3A_164 : i32 to index
    %get3A_166 = arith.constant 448 : index
    %get3A_167 = tpu.vector_load %arg7[%get3A_165, %get3A_166] {strides = array<i32>} : memref<77x768xf32, #tpu.memory_space<vmem>>, vector<1x16xf32>,
    %get3A_168 = vector.shape_cast %get3A_167 : vector<1x16xf32> to vector<16xf32>
    %get3A_169 = arith.constant 76 : i32
    %get3A_170 = arith.index_cast %get3A_169 : i32 to index
    %get3A_171 = arith.constant 464 : index
    %get3A_172 = tpu.vector_load %arg7[%get3A_170, %get3A_171] {strides = array<i32>} : memref<77x768xf32, #tpu.memory_space<vmem>>, vector<1x16xf32>,
    %get3A_173 = vector.shape_cast %get3A_172 : vector<1x16xf32> to vector<16xf32>
    %get3A_174 = arith.constant 76 : i32
    %get3A_175 = arith.index_cast %get3A_174 : i32 to index
    %get3A_176 = arith.constant 480 : index
    %get3A_177 = tpu.vector_load %arg7[%get3A_175, %get3A_176] {strides = array<i32>} : memref<77x768xf32, #tpu.memory_space<vmem>>, vector<1x16xf32>,
    %get3A_178 = vector.shape_cast %get3A_177 : vector<1x16xf32> to vector<16xf32>
    %get3A_179 = arith.constant 76 : i32
    %get3A_180 = arith.index_cast %get3A_179 : i32 to index
    %get3A_181 = arith.constant 496 : index
    %get3A_182 = tpu.vector_load %arg7[%get3A_180, %get3A_181] {strides = array<i32>} : memref<77x768xf32, #tpu.memory_space<vmem>>, vector<1x16xf32>,
    %get3A_183 = vector.shape_cast %get3A_182 : vector<1x16xf32> to vector<16xf32>
    %get3A_184 = arith.constant 76 : i32
    %get3A_185 = arith.index_cast %get3A_184 : i32 to index
    %get3A_186 = arith.constant 512 : index
    %get3A_187 = tpu.vector_load %arg7[%get3A_185, %get3A_186] {strides = array<i32>} : memref<77x768xf32, #tpu.memory_space<vmem>>, vector<1x16xf32>,
    %get3A_188 = vector.shape_cast %get3A_187 : vector<1x16xf32> to vector<16xf32>
    %get3A_189 = arith.constant 76 : i32
    %get3A_190 = arith.index_cast %get3A_189 : i32 to index
    %get3A_191 = arith.constant 528 : index
    %get3A_192 = tpu.vector_load %arg7[%get3A_190, %get3A_191] {strides = array<i32>} : memref<77x768xf32, #tpu.memory_space<vmem>>, vector<1x16xf32>,
    %get3A_193 = vector.shape_cast %get3A_192 : vector<1x16xf32> to vector<16xf32>
    %get3A_194 = arith.constant 76 : i32
    %get3A_195 = arith.index_cast %get3A_194 : i32 to index
    %get3A_196 = arith.constant 544 : index
    %get3A_197 = tpu.vector_load %arg7[%get3A_195, %get3A_196] {strides = array<i32>} : memref<77x768xf32, #tpu.memory_space<vmem>>, vector<1x16xf32>,
    %get3A_198 = vector.shape_cast %get3A_197 : vector<1x16xf32> to vector<16xf32>
    %get3A_199 = arith.constant 76 : i32
    %get3A_200 = arith.index_cast %get3A_199 : i32 to index
    %get3A_201 = arith.constant 560 : index
    %get3A_202 = tpu.vector_load %arg7[%get3A_200, %get3A_201] {strides = array<i32>} : memref<77x768xf32, #tpu.memory_space<vmem>>, vector<1x16xf32>,
    %get3A_203 = vector.shape_cast %get3A_202 : vector<1x16xf32> to vector<16xf32>
    %get3A_204 = arith.constant 76 : i32
    %get3A_205 = arith.index_cast %get3A_204 : i32 to index
    %get3A_206 = arith.constant 576 : index
    %get3A_207 = tpu.vector_load %arg7[%get3A_205, %get3A_206] {strides = array<i32>} : memref<77x768xf32, #tpu.memory_space<vmem>>, vector<1x16xf32>,
    %get3A_208 = vector.shape_cast %get3A_207 : vector<1x16xf32> to vector<16xf32>
    %get3A_209 = arith.constant 76 : i32
    %get3A_210 = arith.index_cast %get3A_209 : i32 to index
    %get3A_211 = arith.constant 592 : index
    %get3A_212 = tpu.vector_load %arg7[%get3A_210, %get3A_211] {strides = array<i32>} : memref<77x768xf32, #tpu.memory_space<vmem>>, vector<1x16xf32>,
    %get3A_213 = vector.shape_cast %get3A_212 : vector<1x16xf32> to vector<16xf32>
    %get3A_214 = arith.constant 76 : i32
    %get3A_215 = arith.index_cast %get3A_214 : i32 to index
    %get3A_216 = arith.constant 608 : index
    %get3A_217 = tpu.vector_load %arg7[%get3A_215, %get3A_216] {strides = array<i32>} : memref<77x768xf32, #tpu.memory_space<vmem>>, vector<1x16xf32>,
    %get3A_218 = vector.shape_cast %get3A_217 : vector<1x16xf32> to vector<16xf32>
    %get3A_219 = arith.constant 76 : i32
    %get3A_220 = arith.index_cast %get3A_219 : i32 to index
    %get3A_221 = arith.constant 624 : index
    %get3A_222 = tpu.vector_load %arg7[%get3A_220, %get3A_221] {strides = array<i32>} : memref<77x768xf32, #tpu.memory_space<vmem>>, vector<1x16xf32>,
    %get3A_223 = vector.shape_cast %get3A_222 : vector<1x16xf32> to vector<16xf32>
    %get3A_224 = arith.constant 76 : i32
    %get3A_225 = arith.index_cast %get3A_224 : i32 to index
    %get3A_226 = arith.constant 640 : index
    %get3A_227 = tpu.vector_load %arg7[%get3A_225, %get3A_226] {strides = array<i32>} : memref<77x768xf32, #tpu.memory_space<vmem>>, vector<1x16xf32>,
    %get3A_228 = vector.shape_cast %get3A_227 : vector<1x16xf32> to vector<16xf32>
    %get3A_229 = arith.constant 76 : i32
    %get3A_230 = arith.index_cast %get3A_229 : i32 to index
    %get3A_231 = arith.constant 656 : index
    %get3A_232 = tpu.vector_load %arg7[%get3A_230, %get3A_231] {strides = array<i32>} : memref<77x768xf32, #tpu.memory_space<vmem>>, vector<1x16xf32>,
    %get3A_233 = vector.shape_cast %get3A_232 : vector<1x16xf32> to vector<16xf32>
    %get3A_234 = arith.constant 76 : i32
    %get3A_235 = arith.index_cast %get3A_234 : i32 to index
    %get3A_236 = arith.constant 672 : index
    %get3A_237 = tpu.vector_load %arg7[%get3A_235, %get3A_236] {strides = array<i32>} : memref<77x768xf32, #tpu.memory_space<vmem>>, vector<1x16xf32>,
    %get3A_238 = vector.shape_cast %get3A_237 : vector<1x16xf32> to vector<16xf32>
    %get3A_239 = arith.constant 76 : i32
    %get3A_240 = arith.index_cast %get3A_239 : i32 to index
    %get3A_241 = arith.constant 688 : index
    %get3A_242 = tpu.vector_load %arg7[%get3A_240, %get3A_241] {strides = array<i32>} : memref<77x768xf32, #tpu.memory_space<vmem>>, vector<1x16xf32>,
    %get3A_243 = vector.shape_cast %get3A_242 : vector<1x16xf32> to vector<16xf32>
    %get3A_244 = arith.constant 76 : i32
    %get3A_245 = arith.index_cast %get3A_244 : i32 to index
    %get3A_246 = arith.constant 704 : index
    %get3A_247 = tpu.vector_load %arg7[%get3A_245, %get3A_246] {strides = array<i32>} : memref<77x768xf32, #tpu.memory_space<vmem>>, vector<1x16xf32>,
    %get3A_248 = vector.shape_cast %get3A_247 : vector<1x16xf32> to vector<16xf32>
    %get3A_249 = arith.constant 76 : i32
    %get3A_250 = arith.index_cast %get3A_249 : i32 to index
    %get3A_251 = arith.constant 720 : index
    %get3A_252 = tpu.vector_load %arg7[%get3A_250, %get3A_251] {strides = array<i32>} : memref<77x768xf32, #tpu.memory_space<vmem>>, vector<1x16xf32>,
    %get3A_253 = vector.shape_cast %get3A_252 : vector<1x16xf32> to vector<16xf32>
    %get3A_254 = arith.constant 76 : i32
    %get3A_255 = arith.index_cast %get3A_254 : i32 to index
    %get3A_256 = arith.constant 736 : index
    %get3A_257 = tpu.vector_load %arg7[%get3A_255, %get3A_256] {strides = array<i32>} : memref<77x768xf32, #tpu.memory_space<vmem>>, vector<1x16xf32>,
    %get3A_258 = vector.shape_cast %get3A_257 : vector<1x16xf32> to vector<16xf32>
    %get3A_259 = arith.constant 76 : i32
    %get3A_260 = arith.index_cast %get3A_259 : i32 to index
    %get3A_261 = arith.constant 752 : index
    %get3A_262 = tpu.vector_load %arg7[%get3A_260, %get3A_261] {strides = array<i32>} : memref<77x768xf32, #tpu.memory_space<vmem>>, vector<1x16xf32>,
    %get3A_263 = vector.shape_cast %get3A_262 : vector<1x16xf32> to vector<16xf32>
    %parallel_loop3A = arith.constant 0 : i32
    %parallel_loop3A_264 = arith.constant 32 : i32
    %parallel_loop3A_265 = arith.constant 1 : i32
    scf.for %parallel_loop3A_287 = %parallel_loop3A to %parallel_loop3A_264 step %parallel_loop3A_265  : i32 {
      %parallel_loop3A_288 = arith.index_cast %parallel_loop3A_287 : i32 to index
      %parallel_loop3A_289 = arith.constant 0 : index
      %parallel_loop3A_290 = tpu.vector_load %arg8[%parallel_loop3A_288, %parallel_loop3A_289] {strides = array<i32>} : memref<32x768xf32, #tpu.memory_space<vmem>>, vector<1x16xf32>,
      %parallel_loop3A_291 = vector.shape_cast %parallel_loop3A_290 : vector<1x16xf32> to vector<16xf32>
      %parallel_loop3A_292 = arith.addf %parallel_loop3A_291, %get3A_28 : vector<16xf32>
      %parallel_loop3A_293 = arith.index_cast %parallel_loop3A_287 : i32 to index
      %parallel_loop3A_294 = arith.constant 0 : index
      %parallel_loop3A_295 = tpu.vector_load %arg8[%parallel_loop3A_293, %parallel_loop3A_294] {strides = array<i32>} : memref<32x768xf32, #tpu.memory_space<vmem>>, vector<1x16xf32>,
      %parallel_loop3A_296 = vector.shape_cast %parallel_loop3A_295 : vector<1x16xf32> to vector<16xf32>
      %parallel_loop3A_297 = vector.shape_cast %parallel_loop3A_292 : vector<16xf32> to vector<1x16xf32>
      tpu.vector_store %arg8[%parallel_loop3A_293, %parallel_loop3A_294], %parallel_loop3A_297 {strides = array<i32>} : memref<32x768xf32, #tpu.memory_space<vmem>>, vector<1x16xf32>,
      %parallel_loop3A_298 = arith.index_cast %parallel_loop3A_287 : i32 to index
      %parallel_loop3A_299 = arith.constant 16 : index
      %parallel_loop3A_300 = tpu.vector_load %arg8[%parallel_loop3A_298, %parallel_loop3A_299] {strides = array<i32>} : memref<32x768xf32, #tpu.memory_space<vmem>>, vector<1x16xf32>,
      %parallel_loop3A_301 = vector.shape_cast %parallel_loop3A_300 : vector<1x16xf32> to vector<16xf32>
      %parallel_loop3A_302 = arith.addf %parallel_loop3A_301, %get3A_33 : vector<16xf32>
      %parallel_loop3A_303 = arith.index_cast %parallel_loop3A_287 : i32 to index
      %parallel_loop3A_304 = arith.constant 16 : index
      %parallel_loop3A_305 = tpu.vector_load %arg8[%parallel_loop3A_303, %parallel_loop3A_304] {strides = array<i32>} : memref<32x768xf32, #tpu.memory_space<vmem>>, vector<1x16xf32>,
      %parallel_loop3A_306 = vector.shape_cast %parallel_loop3A_305 : vector<1x16xf32> to vector<16xf32>
      %parallel_loop3A_307 = vector.shape_cast %parallel_loop3A_302 : vector<16xf32> to vector<1x16xf32>
      tpu.vector_store %arg8[%parallel_loop3A_303, %parallel_loop3A_304], %parallel_loop3A_307 {strides = array<i32>} : memref<32x768xf32, #tpu.memory_space<vmem>>, vector<1x16xf32>,
      %parallel_loop3A_308 = arith.index_cast %parallel_loop3A_287 : i32 to index
      %parallel_loop3A_309 = arith.constant 32 : index
      %parallel_loop3A_310 = tpu.vector_load %arg8[%parallel_loop3A_308, %parallel_loop3A_309] {strides = array<i32>} : memref<32x768xf32, #tpu.memory_space<vmem>>, vector<1x16xf32>,
      %parallel_loop3A_311 = vector.shape_cast %parallel_loop3A_310 : vector<1x16xf32> to vector<16xf32>
      %parallel_loop3A_312 = arith.addf %parallel_loop3A_311, %get3A_38 : vector<16xf32>
      %parallel_loop3A_313 = arith.index_cast %parallel_loop3A_287 : i32 to index
      %parallel_loop3A_314 = arith.constant 32 : index
      %parallel_loop3A_315 = tpu.vector_load %arg8[%parallel_loop3A_313, %parallel_loop3A_314] {strides = array<i32>} : memref<32x768xf32, #tpu.memory_space<vmem>>, vector<1x16xf32>,
      %parallel_loop3A_316 = vector.shape_cast %parallel_loop3A_315 : vector<1x16xf32> to vector<16xf32>
      %parallel_loop3A_317 = vector.shape_cast %parallel_loop3A_312 : vector<16xf32> to vector<1x16xf32>
      tpu.vector_store %arg8[%parallel_loop3A_313, %parallel_loop3A_314], %parallel_loop3A_317 {strides = array<i32>} : memref<32x768xf32, #tpu.memory_space<vmem>>, vector<1x16xf32>,
      %parallel_loop3A_318 = arith.index_cast %parallel_loop3A_287 : i32 to index
      %parallel_loop3A_319 = arith.constant 48 : index
      %parallel_loop3A_320 = tpu.vector_load %arg8[%parallel_loop3A_318, %parallel_loop3A_319] {strides = array<i32>} : memref<32x768xf32, #tpu.memory_space<vmem>>, vector<1x16xf32>,
      %parallel_loop3A_321 = vector.shape_cast %parallel_loop3A_320 : vector<1x16xf32> to vector<16xf32>
      %parallel_loop3A_322 = arith.addf %parallel_loop3A_321, %get3A_43 : vector<16xf32>
      %parallel_loop3A_323 = arith.index_cast %parallel_loop3A_287 : i32 to index
      %parallel_loop3A_324 = arith.constant 48 : index
      %parallel_loop3A_325 = tpu.vector_load %arg8[%parallel_loop3A_323, %parallel_loop3A_324] {strides = array<i32>} : memref<32x768xf32, #tpu.memory_space<vmem>>, vector<1x16xf32>,
      %parallel_loop3A_326 = vector.shape_cast %parallel_loop3A_325 : vector<1x16xf32> to vector<16xf32>
      %parallel_loop3A_327 = vector.shape_cast %parallel_loop3A_322 : vector<16xf32> to vector<1x16xf32>
      tpu.vector_store %arg8[%parallel_loop3A_323, %parallel_loop3A_324], %parallel_loop3A_327 {strides = array<i32>} : memref<32x768xf32, #tpu.memory_space<vmem>>, vector<1x16xf32>,
      %parallel_loop3A_328 = arith.index_cast %parallel_loop3A_287 : i32 to index
      %parallel_loop3A_329 = arith.constant 64 : index
      %parallel_loop3A_330 = tpu.vector_load %arg8[%parallel_loop3A_328, %parallel_loop3A_329] {strides = array<i32>} : memref<32x768xf32, #tpu.memory_space<vmem>>, vector<1x16xf32>,
      %parallel_loop3A_331 = vector.shape_cast %parallel_loop3A_330 : vector<1x16xf32> to vector<16xf32>
      %parallel_loop3A_332 = arith.addf %parallel_loop3A_331, %get3A_48 : vector<16xf32>
      %parallel_loop3A_333 = arith.index_cast %parallel_loop3A_287 : i32 to index
      %parallel_loop3A_334 = arith.constant 64 : index
      %parallel_loop3A_335 = tpu.vector_load %arg8[%parallel_loop3A_333, %parallel_loop3A_334] {strides = array<i32>} : memref<32x768xf32, #tpu.memory_space<vmem>>, vector<1x16xf32>,
      %parallel_loop3A_336 = vector.shape_cast %parallel_loop3A_335 : vector<1x16xf32> to vector<16xf32>
      %parallel_loop3A_337 = vector.shape_cast %parallel_loop3A_332 : vector<16xf32> to vector<1x16xf32>
      tpu.vector_store %arg8[%parallel_loop3A_333, %parallel_loop3A_334], %parallel_loop3A_337 {strides = array<i32>} : memref<32x768xf32, #tpu.memory_space<vmem>>, vector<1x16xf32>,
      %parallel_loop3A_338 = arith.index_cast %parallel_loop3A_287 : i32 to index
      %parallel_loop3A_339 = arith.constant 80 : index
      %parallel_loop3A_340 = tpu.vector_load %arg8[%parallel_loop3A_338, %parallel_loop3A_339] {strides = array<i32>} : memref<32x768xf32, #tpu.memory_space<vmem>>, vector<1x16xf32>,
      %parallel_loop3A_341 = vector.shape_cast %parallel_loop3A_340 : vector<1x16xf32> to vector<16xf32>
      %parallel_loop3A_342 = arith.addf %parallel_loop3A_341, %get3A_53 : vector<16xf32>
      %parallel_loop3A_343 = arith.index_cast %parallel_loop3A_287 : i32 to index
      %parallel_loop3A_344 = arith.constant 80 : index
      %parallel_loop3A_345 = tpu.vector_load %arg8[%parallel_loop3A_343, %parallel_loop3A_344] {strides = array<i32>} : memref<32x768xf32, #tpu.memory_space<vmem>>, vector<1x16xf32>,
      %parallel_loop3A_346 = vector.shape_cast %parallel_loop3A_345 : vector<1x16xf32> to vector<16xf32>
      %parallel_loop3A_347 = vector.shape_cast %parallel_loop3A_342 : vector<16xf32> to vector<1x16xf32>
      tpu.vector_store %arg8[%parallel_loop3A_343, %parallel_loop3A_344], %parallel_loop3A_347 {strides = array<i32>} : memref<32x768xf32, #tpu.memory_space<vmem>>, vector<1x16xf32>,
      %parallel_loop3A_348 = arith.index_cast %parallel_loop3A_287 : i32 to index
      %parallel_loop3A_349 = arith.constant 96 : index
      %parallel_loop3A_350 = tpu.vector_load %arg8[%parallel_loop3A_348, %parallel_loop3A_349] {strides = array<i32>} : memref<32x768xf32, #tpu.memory_space<vmem>>, vector<1x16xf32>,
      %parallel_loop3A_351 = vector.shape_cast %parallel_loop3A_350 : vector<1x16xf32> to vector<16xf32>
      %parallel_loop3A_352 = arith.addf %parallel_loop3A_351, %get3A_58 : vector<16xf32>
      %parallel_loop3A_353 = arith.index_cast %parallel_loop3A_287 : i32 to index
      %parallel_loop3A_354 = arith.constant 96 : index
      %parallel_loop3A_355 = tpu.vector_load %arg8[%parallel_loop3A_353, %parallel_loop3A_354] {strides = array<i32>} : memref<32x768xf32, #tpu.memory_space<vmem>>, vector<1x16xf32>,
      %parallel_loop3A_356 = vector.shape_cast %parallel_loop3A_355 : vector<1x16xf32> to vector<16xf32>
      %parallel_loop3A_357 = vector.shape_cast %parallel_loop3A_352 : vector<16xf32> to vector<1x16xf32>
      tpu.vector_store %arg8[%parallel_loop3A_353, %parallel_loop3A_354], %parallel_loop3A_357 {strides = array<i32>} : memref<32x768xf32, #tpu.memory_space<vmem>>, vector<1x16xf32>,
      %parallel_loop3A_358 = arith.index_cast %parallel_loop3A_287 : i32 to index
      %parallel_loop3A_359 = arith.constant 112 : index
      %parallel_loop3A_360 = tpu.vector_load %arg8[%parallel_loop3A_358, %parallel_loop3A_359] {strides = array<i32>} : memref<32x768xf32, #tpu.memory_space<vmem>>, vector<1x16xf32>,
      %parallel_loop3A_361 = vector.shape_cast %parallel_loop3A_360 : vector<1x16xf32> to vector<16xf32>
      %parallel_loop3A_362 = arith.addf %parallel_loop3A_361, %get3A_63 : vector<16xf32>
      %parallel_loop3A_363 = arith.index_cast %parallel_loop3A_287 : i32 to index
      %parallel_loop3A_364 = arith.constant 112 : index
      %parallel_loop3A_365 = tpu.vector_load %arg8[%parallel_loop3A_363, %parallel_loop3A_364] {strides = array<i32>} : memref<32x768xf32, #tpu.memory_space<vmem>>, vector<1x16xf32>,
      %parallel_loop3A_366 = vector.shape_cast %parallel_loop3A_365 : vector<1x16xf32> to vector<16xf32>
      %parallel_loop3A_367 = vector.shape_cast %parallel_loop3A_362 : vector<16xf32> to vector<1x16xf32>
      tpu.vector_store %arg8[%parallel_loop3A_363, %parallel_loop3A_364], %parallel_loop3A_367 {strides = array<i32>} : memref<32x768xf32, #tpu.memory_space<vmem>>, vector<1x16xf32>,
      %parallel_loop3A_368 = arith.index_cast %parallel_loop3A_287 : i32 to index
      %parallel_loop3A_369 = arith.constant 128 : index
      %parallel_loop3A_370 = tpu.vector_load %arg8[%parallel_loop3A_368, %parallel_loop3A_369] {strides = array<i32>} : memref<32x768xf32, #tpu.memory_space<vmem>>, vector<1x16xf32>,
      %parallel_loop3A_371 = vector.shape_cast %parallel_loop3A_370 : vector<1x16xf32> to vector<16xf32>
      %parallel_loop3A_372 = arith.addf %parallel_loop3A_371, %get3A_68 : vector<16xf32>
      %parallel_loop3A_373 = arith.index_cast %parallel_loop3A_287 : i32 to index
      %parallel_loop3A_374 = arith.constant 128 : index
      %parallel_loop3A_375 = tpu.vector_load %arg8[%parallel_loop3A_373, %parallel_loop3A_374] {strides = array<i32>} : memref<32x768xf32, #tpu.memory_space<vmem>>, vector<1x16xf32>,
      %parallel_loop3A_376 = vector.shape_cast %parallel_loop3A_375 : vector<1x16xf32> to vector<16xf32>
      %parallel_loop3A_377 = vector.shape_cast %parallel_loop3A_372 : vector<16xf32> to vector<1x16xf32>
      tpu.vector_store %arg8[%parallel_loop3A_373, %parallel_loop3A_374], %parallel_loop3A_377 {strides = array<i32>} : memref<32x768xf32, #tpu.memory_space<vmem>>, vector<1x16xf32>,
      %parallel_loop3A_378 = arith.index_cast %parallel_loop3A_287 : i32 to index
      %parallel_loop3A_379 = arith.constant 144 : index
      %parallel_loop3A_380 = tpu.vector_load %arg8[%parallel_loop3A_378, %parallel_loop3A_379] {strides = array<i32>} : memref<32x768xf32, #tpu.memory_space<vmem>>, vector<1x16xf32>,
      %parallel_loop3A_381 = vector.shape_cast %parallel_loop3A_380 : vector<1x16xf32> to vector<16xf32>
      %parallel_loop3A_382 = arith.addf %parallel_loop3A_381, %get3A_73 : vector<16xf32>
      %parallel_loop3A_383 = arith.index_cast %parallel_loop3A_287 : i32 to index
      %parallel_loop3A_384 = arith.constant 144 : index
      %parallel_loop3A_385 = tpu.vector_load %arg8[%parallel_loop3A_383, %parallel_loop3A_384] {strides = array<i32>} : memref<32x768xf32, #tpu.memory_space<vmem>>, vector<1x16xf32>,
      %parallel_loop3A_386 = vector.shape_cast %parallel_loop3A_385 : vector<1x16xf32> to vector<16xf32>
      %parallel_loop3A_387 = vector.shape_cast %parallel_loop3A_382 : vector<16xf32> to vector<1x16xf32>
      tpu.vector_store %arg8[%parallel_loop3A_383, %parallel_loop3A_384], %parallel_loop3A_387 {strides = array<i32>} : memref<32x768xf32, #tpu.memory_space<vmem>>, vector<1x16xf32>,
      %parallel_loop3A_388 = arith.index_cast %parallel_loop3A_287 : i32 to index
      %parallel_loop3A_389 = arith.constant 160 : index
      %parallel_loop3A_390 = tpu.vector_load %arg8[%parallel_loop3A_388, %parallel_loop3A_389] {strides = array<i32>} : memref<32x768xf32, #tpu.memory_space<vmem>>, vector<1x16xf32>,
      %parallel_loop3A_391 = vector.shape_cast %parallel_loop3A_390 : vector<1x16xf32> to vector<16xf32>
      %parallel_loop3A_392 = arith.addf %parallel_loop3A_391, %get3A_78 : vector<16xf32>
      %parallel_loop3A_393 = arith.index_cast %parallel_loop3A_287 : i32 to index
      %parallel_loop3A_394 = arith.constant 160 : index
      %parallel_loop3A_395 = tpu.vector_load %arg8[%parallel_loop3A_393, %parallel_loop3A_394] {strides = array<i32>} : memref<32x768xf32, #tpu.memory_space<vmem>>, vector<1x16xf32>,
      %parallel_loop3A_396 = vector.shape_cast %parallel_loop3A_395 : vector<1x16xf32> to vector<16xf32>
      %parallel_loop3A_397 = vector.shape_cast %parallel_loop3A_392 : vector<16xf32> to vector<1x16xf32>
      tpu.vector_store %arg8[%parallel_loop3A_393, %parallel_loop3A_394], %parallel_loop3A_397 {strides = array<i32>} : memref<32x768xf32, #tpu.memory_space<vmem>>, vector<1x16xf32>,
      %parallel_loop3A_398 = arith.index_cast %parallel_loop3A_287 : i32 to index
      %parallel_loop3A_399 = arith.constant 176 : index
      %parallel_loop3A_400 = tpu.vector_load %arg8[%parallel_loop3A_398, %parallel_loop3A_399] {strides = array<i32>} : memref<32x768xf32, #tpu.memory_space<vmem>>, vector<1x16xf32>,
      %parallel_loop3A_401 = vector.shape_cast %parallel_loop3A_400 : vector<1x16xf32> to vector<16xf32>
      %parallel_loop3A_402 = arith.addf %parallel_loop3A_401, %get3A_83 : vector<16xf32>
      %parallel_loop3A_403 = arith.index_cast %parallel_loop3A_287 : i32 to index
      %parallel_loop3A_404 = arith.constant 176 : index
      %parallel_loop3A_405 = tpu.vector_load %arg8[%parallel_loop3A_403, %parallel_loop3A_404] {strides = array<i32>} : memref<32x768xf32, #tpu.memory_space<vmem>>, vector<1x16xf32>,
      %parallel_loop3A_406 = vector.shape_cast %parallel_loop3A_405 : vector<1x16xf32> to vector<16xf32>
      %parallel_loop3A_407 = vector.shape_cast %parallel_loop3A_402 : vector<16xf32> to vector<1x16xf32>
      tpu.vector_store %arg8[%parallel_loop3A_403, %parallel_loop3A_404], %parallel_loop3A_407 {strides = array<i32>} : memref<32x768xf32, #tpu.memory_space<vmem>>, vector<1x16xf32>,
      %parallel_loop3A_408 = arith.index_cast %parallel_loop3A_287 : i32 to index
      %parallel_loop3A_409 = arith.constant 192 : index
      %parallel_loop3A_410 = tpu.vector_load %arg8[%parallel_loop3A_408, %parallel_loop3A_409] {strides = array<i32>} : memref<32x768xf32, #tpu.memory_space<vmem>>, vector<1x16xf32>,
      %parallel_loop3A_411 = vector.shape_cast %parallel_loop3A_410 : vector<1x16xf32> to vector<16xf32>
      %parallel_loop3A_412 = arith.addf %parallel_loop3A_411, %get3A_88 : vector<16xf32>
      %parallel_loop3A_413 = arith.index_cast %parallel_loop3A_287 : i32 to index
      %parallel_loop3A_414 = arith.constant 192 : index
      %parallel_loop3A_415 = tpu.vector_load %arg8[%parallel_loop3A_413, %parallel_loop3A_414] {strides = array<i32>} : memref<32x768xf32, #tpu.memory_space<vmem>>, vector<1x16xf32>,
      %parallel_loop3A_416 = vector.shape_cast %parallel_loop3A_415 : vector<1x16xf32> to vector<16xf32>
      %parallel_loop3A_417 = vector.shape_cast %parallel_loop3A_412 : vector<16xf32> to vector<1x16xf32>
      tpu.vector_store %arg8[%parallel_loop3A_413, %parallel_loop3A_414], %parallel_loop3A_417 {strides = array<i32>} : memref<32x768xf32, #tpu.memory_space<vmem>>, vector<1x16xf32>,
      %parallel_loop3A_418 = arith.index_cast %parallel_loop3A_287 : i32 to index
      %parallel_loop3A_419 = arith.constant 208 : index
      %parallel_loop3A_420 = tpu.vector_load %arg8[%parallel_loop3A_418, %parallel_loop3A_419] {strides = array<i32>} : memref<32x768xf32, #tpu.memory_space<vmem>>, vector<1x16xf32>,
      %parallel_loop3A_421 = vector.shape_cast %parallel_loop3A_420 : vector<1x16xf32> to vector<16xf32>
      %parallel_loop3A_422 = arith.addf %parallel_loop3A_421, %get3A_93 : vector<16xf32>
      %parallel_loop3A_423 = arith.index_cast %parallel_loop3A_287 : i32 to index
      %parallel_loop3A_424 = arith.constant 208 : index
      %parallel_loop3A_425 = tpu.vector_load %arg8[%parallel_loop3A_423, %parallel_loop3A_424] {strides = array<i32>} : memref<32x768xf32, #tpu.memory_space<vmem>>, vector<1x16xf32>,
      %parallel_loop3A_426 = vector.shape_cast %parallel_loop3A_425 : vector<1x16xf32> to vector<16xf32>
      %parallel_loop3A_427 = vector.shape_cast %parallel_loop3A_422 : vector<16xf32> to vector<1x16xf32>
      tpu.vector_store %arg8[%parallel_loop3A_423, %parallel_loop3A_424], %parallel_loop3A_427 {strides = array<i32>} : memref<32x768xf32, #tpu.memory_space<vmem>>, vector<1x16xf32>,
      %parallel_loop3A_428 = arith.index_cast %parallel_loop3A_287 : i32 to index
      %parallel_loop3A_429 = arith.constant 224 : index
      %parallel_loop3A_430 = tpu.vector_load %arg8[%parallel_loop3A_428, %parallel_loop3A_429] {strides = array<i32>} : memref<32x768xf32, #tpu.memory_space<vmem>>, vector<1x16xf32>,
      %parallel_loop3A_431 = vector.shape_cast %parallel_loop3A_430 : vector<1x16xf32> to vector<16xf32>
      %parallel_loop3A_432 = arith.addf %parallel_loop3A_431, %get3A_98 : vector<16xf32>
      %parallel_loop3A_433 = arith.index_cast %parallel_loop3A_287 : i32 to index
      %parallel_loop3A_434 = arith.constant 224 : index
      %parallel_loop3A_435 = tpu.vector_load %arg8[%parallel_loop3A_433, %parallel_loop3A_434] {strides = array<i32>} : memref<32x768xf32, #tpu.memory_space<vmem>>, vector<1x16xf32>,
      %parallel_loop3A_436 = vector.shape_cast %parallel_loop3A_435 : vector<1x16xf32> to vector<16xf32>
      %parallel_loop3A_437 = vector.shape_cast %parallel_loop3A_432 : vector<16xf32> to vector<1x16xf32>
      tpu.vector_store %arg8[%parallel_loop3A_433, %parallel_loop3A_434], %parallel_loop3A_437 {strides = array<i32>} : memref<32x768xf32, #tpu.memory_space<vmem>>, vector<1x16xf32>,
      %parallel_loop3A_438 = arith.index_cast %parallel_loop3A_287 : i32 to index
      %parallel_loop3A_439 = arith.constant 240 : index
      %parallel_loop3A_440 = tpu.vector_load %arg8[%parallel_loop3A_438, %parallel_loop3A_439] {strides = array<i32>} : memref<32x768xf32, #tpu.memory_space<vmem>>, vector<1x16xf32>,
      %parallel_loop3A_441 = vector.shape_cast %parallel_loop3A_440 : vector<1x16xf32> to vector<16xf32>
      %parallel_loop3A_442 = arith.addf %parallel_loop3A_441, %get3A_103 : vector<16xf32>
      %parallel_loop3A_443 = arith.index_cast %parallel_loop3A_287 : i32 to index
      %parallel_loop3A_444 = arith.constant 240 : index
      %parallel_loop3A_445 = tpu.vector_load %arg8[%parallel_loop3A_443, %parallel_loop3A_444] {strides = array<i32>} : memref<32x768xf32, #tpu.memory_space<vmem>>, vector<1x16xf32>,
      %parallel_loop3A_446 = vector.shape_cast %parallel_loop3A_445 : vector<1x16xf32> to vector<16xf32>
      %parallel_loop3A_447 = vector.shape_cast %parallel_loop3A_442 : vector<16xf32> to vector<1x16xf32>
      tpu.vector_store %arg8[%parallel_loop3A_443, %parallel_loop3A_444], %parallel_loop3A_447 {strides = array<i32>} : memref<32x768xf32, #tpu.memory_space<vmem>>, vector<1x16xf32>,
      %parallel_loop3A_448 = arith.index_cast %parallel_loop3A_287 : i32 to index
      %parallel_loop3A_449 = arith.constant 256 : index
      %parallel_loop3A_450 = tpu.vector_load %arg8[%parallel_loop3A_448, %parallel_loop3A_449] {strides = array<i32>} : memref<32x768xf32, #tpu.memory_space<vmem>>, vector<1x16xf32>,
      %parallel_loop3A_451 = vector.shape_cast %parallel_loop3A_450 : vector<1x16xf32> to vector<16xf32>
      %parallel_loop3A_452 = arith.addf %parallel_loop3A_451, %get3A_108 : vector<16xf32>
      %parallel_loop3A_453 = arith.index_cast %parallel_loop3A_287 : i32 to index
      %parallel_loop3A_454 = arith.constant 256 : index
      %parallel_loop3A_455 = tpu.vector_load %arg8[%parallel_loop3A_453, %parallel_loop3A_454] {strides = array<i32>} : memref<32x768xf32, #tpu.memory_space<vmem>>, vector<1x16xf32>,
      %parallel_loop3A_456 = vector.shape_cast %parallel_loop3A_455 : vector<1x16xf32> to vector<16xf32>
      %parallel_loop3A_457 = vector.shape_cast %parallel_loop3A_452 : vector<16xf32> to vector<1x16xf32>
      tpu.vector_store %arg8[%parallel_loop3A_453, %parallel_loop3A_454], %parallel_loop3A_457 {strides = array<i32>} : memref<32x768xf32, #tpu.memory_space<vmem>>, vector<1x16xf32>,
      %parallel_loop3A_458 = arith.index_cast %parallel_loop3A_287 : i32 to index
      %parallel_loop3A_459 = arith.constant 272 : index
      %parallel_loop3A_460 = tpu.vector_load %arg8[%parallel_loop3A_458, %parallel_loop3A_459] {strides = array<i32>} : memref<32x768xf32, #tpu.memory_space<vmem>>, vector<1x16xf32>,
      %parallel_loop3A_461 = vector.shape_cast %parallel_loop3A_460 : vector<1x16xf32> to vector<16xf32>
      %parallel_loop3A_462 = arith.addf %parallel_loop3A_461, %get3A_113 : vector<16xf32>
      %parallel_loop3A_463 = arith.index_cast %parallel_loop3A_287 : i32 to index
      %parallel_loop3A_464 = arith.constant 272 : index
      %parallel_loop3A_465 = tpu.vector_load %arg8[%parallel_loop3A_463, %parallel_loop3A_464] {strides = array<i32>} : memref<32x768xf32, #tpu.memory_space<vmem>>, vector<1x16xf32>,
      %parallel_loop3A_466 = vector.shape_cast %parallel_loop3A_465 : vector<1x16xf32> to vector<16xf32>
      %parallel_loop3A_467 = vector.shape_cast %parallel_loop3A_462 : vector<16xf32> to vector<1x16xf32>
      tpu.vector_store %arg8[%parallel_loop3A_463, %parallel_loop3A_464], %parallel_loop3A_467 {strides = array<i32>} : memref<32x768xf32, #tpu.memory_space<vmem>>, vector<1x16xf32>,
      %parallel_loop3A_468 = arith.index_cast %parallel_loop3A_287 : i32 to index
      %parallel_loop3A_469 = arith.constant 288 : index
      %parallel_loop3A_470 = tpu.vector_load %arg8[%parallel_loop3A_468, %parallel_loop3A_469] {strides = array<i32>} : memref<32x768xf32, #tpu.memory_space<vmem>>, vector<1x16xf32>,
      %parallel_loop3A_471 = vector.shape_cast %parallel_loop3A_470 : vector<1x16xf32> to vector<16xf32>
      %parallel_loop3A_472 = arith.addf %parallel_loop3A_471, %get3A_118 : vector<16xf32>
      %parallel_loop3A_473 = arith.index_cast %parallel_loop3A_287 : i32 to index
      %parallel_loop3A_474 = arith.constant 288 : index
      %parallel_loop3A_475 = tpu.vector_load %arg8[%parallel_loop3A_473, %parallel_loop3A_474] {strides = array<i32>} : memref<32x768xf32, #tpu.memory_space<vmem>>, vector<1x16xf32>,
      %parallel_loop3A_476 = vector.shape_cast %parallel_loop3A_475 : vector<1x16xf32> to vector<16xf32>
      %parallel_loop3A_477 = vector.shape_cast %parallel_loop3A_472 : vector<16xf32> to vector<1x16xf32>
      tpu.vector_store %arg8[%parallel_loop3A_473, %parallel_loop3A_474], %parallel_loop3A_477 {strides = array<i32>} : memref<32x768xf32, #tpu.memory_space<vmem>>, vector<1x16xf32>,
      %parallel_loop3A_478 = arith.index_cast %parallel_loop3A_287 : i32 to index
      %parallel_loop3A_479 = arith.constant 304 : index
      %parallel_loop3A_480 = tpu.vector_load %arg8[%parallel_loop3A_478, %parallel_loop3A_479] {strides = array<i32>} : memref<32x768xf32, #tpu.memory_space<vmem>>, vector<1x16xf32>,
      %parallel_loop3A_481 = vector.shape_cast %parallel_loop3A_480 : vector<1x16xf32> to vector<16xf32>
      %parallel_loop3A_482 = arith.addf %parallel_loop3A_481, %get3A_123 : vector<16xf32>
      %parallel_loop3A_483 = arith.index_cast %parallel_loop3A_287 : i32 to index
      %parallel_loop3A_484 = arith.constant 304 : index
      %parallel_loop3A_485 = tpu.vector_load %arg8[%parallel_loop3A_483, %parallel_loop3A_484] {strides = array<i32>} : memref<32x768xf32, #tpu.memory_space<vmem>>, vector<1x16xf32>,
      %parallel_loop3A_486 = vector.shape_cast %parallel_loop3A_485 : vector<1x16xf32> to vector<16xf32>
      %parallel_loop3A_487 = vector.shape_cast %parallel_loop3A_482 : vector<16xf32> to vector<1x16xf32>
      tpu.vector_store %arg8[%parallel_loop3A_483, %parallel_loop3A_484], %parallel_loop3A_487 {strides = array<i32>} : memref<32x768xf32, #tpu.memory_space<vmem>>, vector<1x16xf32>,
      %parallel_loop3A_488 = arith.index_cast %parallel_loop3A_287 : i32 to index
      %parallel_loop3A_489 = arith.constant 320 : index
      %parallel_loop3A_490 = tpu.vector_load %arg8[%parallel_loop3A_488, %parallel_loop3A_489] {strides = array<i32>} : memref<32x768xf32, #tpu.memory_space<vmem>>, vector<1x16xf32>,
      %parallel_loop3A_491 = vector.shape_cast %parallel_loop3A_490 : vector<1x16xf32> to vector<16xf32>
      %parallel_loop3A_492 = arith.addf %parallel_loop3A_491, %get3A_128 : vector<16xf32>
      %parallel_loop3A_493 = arith.index_cast %parallel_loop3A_287 : i32 to index
      %parallel_loop3A_494 = arith.constant 320 : index
      %parallel_loop3A_495 = tpu.vector_load %arg8[%parallel_loop3A_493, %parallel_loop3A_494] {strides = array<i32>} : memref<32x768xf32, #tpu.memory_space<vmem>>, vector<1x16xf32>,
      %parallel_loop3A_496 = vector.shape_cast %parallel_loop3A_495 : vector<1x16xf32> to vector<16xf32>
      %parallel_loop3A_497 = vector.shape_cast %parallel_loop3A_492 : vector<16xf32> to vector<1x16xf32>
      tpu.vector_store %arg8[%parallel_loop3A_493, %parallel_loop3A_494], %parallel_loop3A_497 {strides = array<i32>} : memref<32x768xf32, #tpu.memory_space<vmem>>, vector<1x16xf32>,
      %parallel_loop3A_498 = arith.index_cast %parallel_loop3A_287 : i32 to index
      %parallel_loop3A_499 = arith.constant 336 : index
      %parallel_loop3A_500 = tpu.vector_load %arg8[%parallel_loop3A_498, %parallel_loop3A_499] {strides = array<i32>} : memref<32x768xf32, #tpu.memory_space<vmem>>, vector<1x16xf32>,
      %parallel_loop3A_501 = vector.shape_cast %parallel_loop3A_500 : vector<1x16xf32> to vector<16xf32>
      %parallel_loop3A_502 = arith.addf %parallel_loop3A_501, %get3A_133 : vector<16xf32>
      %parallel_loop3A_503 = arith.index_cast %parallel_loop3A_287 : i32 to index
      %parallel_loop3A_504 = arith.constant 336 : index
      %parallel_loop3A_505 = tpu.vector_load %arg8[%parallel_loop3A_503, %parallel_loop3A_504] {strides = array<i32>} : memref<32x768xf32, #tpu.memory_space<vmem>>, vector<1x16xf32>,
      %parallel_loop3A_506 = vector.shape_cast %parallel_loop3A_505 : vector<1x16xf32> to vector<16xf32>
      %parallel_loop3A_507 = vector.shape_cast %parallel_loop3A_502 : vector<16xf32> to vector<1x16xf32>
      tpu.vector_store %arg8[%parallel_loop3A_503, %parallel_loop3A_504], %parallel_loop3A_507 {strides = array<i32>} : memref<32x768xf32, #tpu.memory_space<vmem>>, vector<1x16xf32>,
      %parallel_loop3A_508 = arith.index_cast %parallel_loop3A_287 : i32 to index
      %parallel_loop3A_509 = arith.constant 352 : index
      %parallel_loop3A_510 = tpu.vector_load %arg8[%parallel_loop3A_508, %parallel_loop3A_509] {strides = array<i32>} : memref<32x768xf32, #tpu.memory_space<vmem>>, vector<1x16xf32>,
      %parallel_loop3A_511 = vector.shape_cast %parallel_loop3A_510 : vector<1x16xf32> to vector<16xf32>
      %parallel_loop3A_512 = arith.addf %parallel_loop3A_511, %get3A_138 : vector<16xf32>
      %parallel_loop3A_513 = arith.index_cast %parallel_loop3A_287 : i32 to index
      %parallel_loop3A_514 = arith.constant 352 : index
      %parallel_loop3A_515 = tpu.vector_load %arg8[%parallel_loop3A_513, %parallel_loop3A_514] {strides = array<i32>} : memref<32x768xf32, #tpu.memory_space<vmem>>, vector<1x16xf32>,
      %parallel_loop3A_516 = vector.shape_cast %parallel_loop3A_515 : vector<1x16xf32> to vector<16xf32>
      %parallel_loop3A_517 = vector.shape_cast %parallel_loop3A_512 : vector<16xf32> to vector<1x16xf32>
      tpu.vector_store %arg8[%parallel_loop3A_513, %parallel_loop3A_514], %parallel_loop3A_517 {strides = array<i32>} : memref<32x768xf32, #tpu.memory_space<vmem>>, vector<1x16xf32>,
      %parallel_loop3A_518 = arith.index_cast %parallel_loop3A_287 : i32 to index
      %parallel_loop3A_519 = arith.constant 368 : index
      %parallel_loop3A_520 = tpu.vector_load %arg8[%parallel_loop3A_518, %parallel_loop3A_519] {strides = array<i32>} : memref<32x768xf32, #tpu.memory_space<vmem>>, vector<1x16xf32>,
      %parallel_loop3A_521 = vector.shape_cast %parallel_loop3A_520 : vector<1x16xf32> to vector<16xf32>
      %parallel_loop3A_522 = arith.addf %parallel_loop3A_521, %get3A_143 : vector<16xf32>
      %parallel_loop3A_523 = arith.index_cast %parallel_loop3A_287 : i32 to index
      %parallel_loop3A_524 = arith.constant 368 : index
      %parallel_loop3A_525 = tpu.vector_load %arg8[%parallel_loop3A_523, %parallel_loop3A_524] {strides = array<i32>} : memref<32x768xf32, #tpu.memory_space<vmem>>, vector<1x16xf32>,
      %parallel_loop3A_526 = vector.shape_cast %parallel_loop3A_525 : vector<1x16xf32> to vector<16xf32>
      %parallel_loop3A_527 = vector.shape_cast %parallel_loop3A_522 : vector<16xf32> to vector<1x16xf32>
      tpu.vector_store %arg8[%parallel_loop3A_523, %parallel_loop3A_524], %parallel_loop3A_527 {strides = array<i32>} : memref<32x768xf32, #tpu.memory_space<vmem>>, vector<1x16xf32>,
      %parallel_loop3A_528 = arith.index_cast %parallel_loop3A_287 : i32 to index
      %parallel_loop3A_529 = arith.constant 384 : index
      %parallel_loop3A_530 = tpu.vector_load %arg8[%parallel_loop3A_528, %parallel_loop3A_529] {strides = array<i32>} : memref<32x768xf32, #tpu.memory_space<vmem>>, vector<1x16xf32>,
      %parallel_loop3A_531 = vector.shape_cast %parallel_loop3A_530 : vector<1x16xf32> to vector<16xf32>
      %parallel_loop3A_532 = arith.addf %parallel_loop3A_531, %get3A_148 : vector<16xf32>
      %parallel_loop3A_533 = arith.index_cast %parallel_loop3A_287 : i32 to index
      %parallel_loop3A_534 = arith.constant 384 : index
      %parallel_loop3A_535 = tpu.vector_load %arg8[%parallel_loop3A_533, %parallel_loop3A_534] {strides = array<i32>} : memref<32x768xf32, #tpu.memory_space<vmem>>, vector<1x16xf32>,
      %parallel_loop3A_536 = vector.shape_cast %parallel_loop3A_535 : vector<1x16xf32> to vector<16xf32>
      %parallel_loop3A_537 = vector.shape_cast %parallel_loop3A_532 : vector<16xf32> to vector<1x16xf32>
      tpu.vector_store %arg8[%parallel_loop3A_533, %parallel_loop3A_534], %parallel_loop3A_537 {strides = array<i32>} : memref<32x768xf32, #tpu.memory_space<vmem>>, vector<1x16xf32>,
      %parallel_loop3A_538 = arith.index_cast %parallel_loop3A_287 : i32 to index
      %parallel_loop3A_539 = arith.constant 400 : index
      %parallel_loop3A_540 = tpu.vector_load %arg8[%parallel_loop3A_538, %parallel_loop3A_539] {strides = array<i32>} : memref<32x768xf32, #tpu.memory_space<vmem>>, vector<1x16xf32>,
      %parallel_loop3A_541 = vector.shape_cast %parallel_loop3A_540 : vector<1x16xf32> to vector<16xf32>
      %parallel_loop3A_542 = arith.addf %parallel_loop3A_541, %get3A_153 : vector<16xf32>
      %parallel_loop3A_543 = arith.index_cast %parallel_loop3A_287 : i32 to index
      %parallel_loop3A_544 = arith.constant 400 : index
      %parallel_loop3A_545 = tpu.vector_load %arg8[%parallel_loop3A_543, %parallel_loop3A_544] {strides = array<i32>} : memref<32x768xf32, #tpu.memory_space<vmem>>, vector<1x16xf32>,
      %parallel_loop3A_546 = vector.shape_cast %parallel_loop3A_545 : vector<1x16xf32> to vector<16xf32>
      %parallel_loop3A_547 = vector.shape_cast %parallel_loop3A_542 : vector<16xf32> to vector<1x16xf32>
      tpu.vector_store %arg8[%parallel_loop3A_543, %parallel_loop3A_544], %parallel_loop3A_547 {strides = array<i32>} : memref<32x768xf32, #tpu.memory_space<vmem>>, vector<1x16xf32>,
      %parallel_loop3A_548 = arith.index_cast %parallel_loop3A_287 : i32 to index
      %parallel_loop3A_549 = arith.constant 416 : index
      %parallel_loop3A_550 = tpu.vector_load %arg8[%parallel_loop3A_548, %parallel_loop3A_549] {strides = array<i32>} : memref<32x768xf32, #tpu.memory_space<vmem>>, vector<1x16xf32>,
      %parallel_loop3A_551 = vector.shape_cast %parallel_loop3A_550 : vector<1x16xf32> to vector<16xf32>
      %parallel_loop3A_552 = arith.addf %parallel_loop3A_551, %get3A_158 : vector<16xf32>
      %parallel_loop3A_553 = arith.index_cast %parallel_loop3A_287 : i32 to index
      %parallel_loop3A_554 = arith.constant 416 : index
      %parallel_loop3A_555 = tpu.vector_load %arg8[%parallel_loop3A_553, %parallel_loop3A_554] {strides = array<i32>} : memref<32x768xf32, #tpu.memory_space<vmem>>, vector<1x16xf32>,
      %parallel_loop3A_556 = vector.shape_cast %parallel_loop3A_555 : vector<1x16xf32> to vector<16xf32>
      %parallel_loop3A_557 = vector.shape_cast %parallel_loop3A_552 : vector<16xf32> to vector<1x16xf32>
      tpu.vector_store %arg8[%parallel_loop3A_553, %parallel_loop3A_554], %parallel_loop3A_557 {strides = array<i32>} : memref<32x768xf32, #tpu.memory_space<vmem>>, vector<1x16xf32>,
      %parallel_loop3A_558 = arith.index_cast %parallel_loop3A_287 : i32 to index
      %parallel_loop3A_559 = arith.constant 432 : index
      %parallel_loop3A_560 = tpu.vector_load %arg8[%parallel_loop3A_558, %parallel_loop3A_559] {strides = array<i32>} : memref<32x768xf32, #tpu.memory_space<vmem>>, vector<1x16xf32>,
      %parallel_loop3A_561 = vector.shape_cast %parallel_loop3A_560 : vector<1x16xf32> to vector<16xf32>
      %parallel_loop3A_562 = arith.addf %parallel_loop3A_561, %get3A_163 : vector<16xf32>
      %parallel_loop3A_563 = arith.index_cast %parallel_loop3A_287 : i32 to index
      %parallel_loop3A_564 = arith.constant 432 : index
      %parallel_loop3A_565 = tpu.vector_load %arg8[%parallel_loop3A_563, %parallel_loop3A_564] {strides = array<i32>} : memref<32x768xf32, #tpu.memory_space<vmem>>, vector<1x16xf32>,
      %parallel_loop3A_566 = vector.shape_cast %parallel_loop3A_565 : vector<1x16xf32> to vector<16xf32>
      %parallel_loop3A_567 = vector.shape_cast %parallel_loop3A_562 : vector<16xf32> to vector<1x16xf32>
      tpu.vector_store %arg8[%parallel_loop3A_563, %parallel_loop3A_564], %parallel_loop3A_567 {strides = array<i32>} : memref<32x768xf32, #tpu.memory_space<vmem>>, vector<1x16xf32>,
      %parallel_loop3A_568 = arith.index_cast %parallel_loop3A_287 : i32 to index
      %parallel_loop3A_569 = arith.constant 448 : index
      %parallel_loop3A_570 = tpu.vector_load %arg8[%parallel_loop3A_568, %parallel_loop3A_569] {strides = array<i32>} : memref<32x768xf32, #tpu.memory_space<vmem>>, vector<1x16xf32>,
      %parallel_loop3A_571 = vector.shape_cast %parallel_loop3A_570 : vector<1x16xf32> to vector<16xf32>
      %parallel_loop3A_572 = arith.addf %parallel_loop3A_571, %get3A_168 : vector<16xf32>
      %parallel_loop3A_573 = arith.index_cast %parallel_loop3A_287 : i32 to index
      %parallel_loop3A_574 = arith.constant 448 : index
      %parallel_loop3A_575 = tpu.vector_load %arg8[%parallel_loop3A_573, %parallel_loop3A_574] {strides = array<i32>} : memref<32x768xf32, #tpu.memory_space<vmem>>, vector<1x16xf32>,
      %parallel_loop3A_576 = vector.shape_cast %parallel_loop3A_575 : vector<1x16xf32> to vector<16xf32>
      %parallel_loop3A_577 = vector.shape_cast %parallel_loop3A_572 : vector<16xf32> to vector<1x16xf32>
      tpu.vector_store %arg8[%parallel_loop3A_573, %parallel_loop3A_574], %parallel_loop3A_577 {strides = array<i32>} : memref<32x768xf32, #tpu.memory_space<vmem>>, vector<1x16xf32>,
      %parallel_loop3A_578 = arith.index_cast %parallel_loop3A_287 : i32 to index
      %parallel_loop3A_579 = arith.constant 464 : index
      %parallel_loop3A_580 = tpu.vector_load %arg8[%parallel_loop3A_578, %parallel_loop3A_579] {strides = array<i32>} : memref<32x768xf32, #tpu.memory_space<vmem>>, vector<1x16xf32>,
      %parallel_loop3A_581 = vector.shape_cast %parallel_loop3A_580 : vector<1x16xf32> to vector<16xf32>
      %parallel_loop3A_582 = arith.addf %parallel_loop3A_581, %get3A_173 : vector<16xf32>
      %parallel_loop3A_583 = arith.index_cast %parallel_loop3A_287 : i32 to index
      %parallel_loop3A_584 = arith.constant 464 : index
      %parallel_loop3A_585 = tpu.vector_load %arg8[%parallel_loop3A_583, %parallel_loop3A_584] {strides = array<i32>} : memref<32x768xf32, #tpu.memory_space<vmem>>, vector<1x16xf32>,
      %parallel_loop3A_586 = vector.shape_cast %parallel_loop3A_585 : vector<1x16xf32> to vector<16xf32>
      %parallel_loop3A_587 = vector.shape_cast %parallel_loop3A_582 : vector<16xf32> to vector<1x16xf32>
      tpu.vector_store %arg8[%parallel_loop3A_583, %parallel_loop3A_584], %parallel_loop3A_587 {strides = array<i32>} : memref<32x768xf32, #tpu.memory_space<vmem>>, vector<1x16xf32>,
      %parallel_loop3A_588 = arith.index_cast %parallel_loop3A_287 : i32 to index
      %parallel_loop3A_589 = arith.constant 480 : index
      %parallel_loop3A_590 = tpu.vector_load %arg8[%parallel_loop3A_588, %parallel_loop3A_589] {strides = array<i32>} : memref<32x768xf32, #tpu.memory_space<vmem>>, vector<1x16xf32>,
      %parallel_loop3A_591 = vector.shape_cast %parallel_loop3A_590 : vector<1x16xf32> to vector<16xf32>
      %parallel_loop3A_592 = arith.addf %parallel_loop3A_591, %get3A_178 : vector<16xf32>
      %parallel_loop3A_593 = arith.index_cast %parallel_loop3A_287 : i32 to index
      %parallel_loop3A_594 = arith.constant 480 : index
      %parallel_loop3A_595 = tpu.vector_load %arg8[%parallel_loop3A_593, %parallel_loop3A_594] {strides = array<i32>} : memref<32x768xf32, #tpu.memory_space<vmem>>, vector<1x16xf32>,
      %parallel_loop3A_596 = vector.shape_cast %parallel_loop3A_595 : vector<1x16xf32> to vector<16xf32>
      %parallel_loop3A_597 = vector.shape_cast %parallel_loop3A_592 : vector<16xf32> to vector<1x16xf32>
      tpu.vector_store %arg8[%parallel_loop3A_593, %parallel_loop3A_594], %parallel_loop3A_597 {strides = array<i32>} : memref<32x768xf32, #tpu.memory_space<vmem>>, vector<1x16xf32>,
      %parallel_loop3A_598 = arith.index_cast %parallel_loop3A_287 : i32 to index
      %parallel_loop3A_599 = arith.constant 496 : index
      %parallel_loop3A_600 = tpu.vector_load %arg8[%parallel_loop3A_598, %parallel_loop3A_599] {strides = array<i32>} : memref<32x768xf32, #tpu.memory_space<vmem>>, vector<1x16xf32>,
      %parallel_loop3A_601 = vector.shape_cast %parallel_loop3A_600 : vector<1x16xf32> to vector<16xf32>
      %parallel_loop3A_602 = arith.addf %parallel_loop3A_601, %get3A_183 : vector<16xf32>
      %parallel_loop3A_603 = arith.index_cast %parallel_loop3A_287 : i32 to index
      %parallel_loop3A_604 = arith.constant 496 : index
      %parallel_loop3A_605 = tpu.vector_load %arg8[%parallel_loop3A_603, %parallel_loop3A_604] {strides = array<i32>} : memref<32x768xf32, #tpu.memory_space<vmem>>, vector<1x16xf32>,
      %parallel_loop3A_606 = vector.shape_cast %parallel_loop3A_605 : vector<1x16xf32> to vector<16xf32>
      %parallel_loop3A_607 = vector.shape_cast %parallel_loop3A_602 : vector<16xf32> to vector<1x16xf32>
      tpu.vector_store %arg8[%parallel_loop3A_603, %parallel_loop3A_604], %parallel_loop3A_607 {strides = array<i32>} : memref<32x768xf32, #tpu.memory_space<vmem>>, vector<1x16xf32>,
      %parallel_loop3A_608 = arith.index_cast %parallel_loop3A_287 : i32 to index
      %parallel_loop3A_609 = arith.constant 512 : index
      %parallel_loop3A_610 = tpu.vector_load %arg8[%parallel_loop3A_608, %parallel_loop3A_609] {strides = array<i32>} : memref<32x768xf32, #tpu.memory_space<vmem>>, vector<1x16xf32>,
      %parallel_loop3A_611 = vector.shape_cast %parallel_loop3A_610 : vector<1x16xf32> to vector<16xf32>
      %parallel_loop3A_612 = arith.addf %parallel_loop3A_611, %get3A_188 : vector<16xf32>
      %parallel_loop3A_613 = arith.index_cast %parallel_loop3A_287 : i32 to index
      %parallel_loop3A_614 = arith.constant 512 : index
      %parallel_loop3A_615 = tpu.vector_load %arg8[%parallel_loop3A_613, %parallel_loop3A_614] {strides = array<i32>} : memref<32x768xf32, #tpu.memory_space<vmem>>, vector<1x16xf32>,
      %parallel_loop3A_616 = vector.shape_cast %parallel_loop3A_615 : vector<1x16xf32> to vector<16xf32>
      %parallel_loop3A_617 = vector.shape_cast %parallel_loop3A_612 : vector<16xf32> to vector<1x16xf32>
      tpu.vector_store %arg8[%parallel_loop3A_613, %parallel_loop3A_614], %parallel_loop3A_617 {strides = array<i32>} : memref<32x768xf32, #tpu.memory_space<vmem>>, vector<1x16xf32>,
      %parallel_loop3A_618 = arith.index_cast %parallel_loop3A_287 : i32 to index
      %parallel_loop3A_619 = arith.constant 528 : index
      %parallel_loop3A_620 = tpu.vector_load %arg8[%parallel_loop3A_618, %parallel_loop3A_619] {strides = array<i32>} : memref<32x768xf32, #tpu.memory_space<vmem>>, vector<1x16xf32>,
      %parallel_loop3A_621 = vector.shape_cast %parallel_loop3A_620 : vector<1x16xf32> to vector<16xf32>
      %parallel_loop3A_622 = arith.addf %parallel_loop3A_621, %get3A_193 : vector<16xf32>
      %parallel_loop3A_623 = arith.index_cast %parallel_loop3A_287 : i32 to index
      %parallel_loop3A_624 = arith.constant 528 : index
      %parallel_loop3A_625 = tpu.vector_load %arg8[%parallel_loop3A_623, %parallel_loop3A_624] {strides = array<i32>} : memref<32x768xf32, #tpu.memory_space<vmem>>, vector<1x16xf32>,
      %parallel_loop3A_626 = vector.shape_cast %parallel_loop3A_625 : vector<1x16xf32> to vector<16xf32>
      %parallel_loop3A_627 = vector.shape_cast %parallel_loop3A_622 : vector<16xf32> to vector<1x16xf32>
      tpu.vector_store %arg8[%parallel_loop3A_623, %parallel_loop3A_624], %parallel_loop3A_627 {strides = array<i32>} : memref<32x768xf32, #tpu.memory_space<vmem>>, vector<1x16xf32>,
      %parallel_loop3A_628 = arith.index_cast %parallel_loop3A_287 : i32 to index
      %parallel_loop3A_629 = arith.constant 544 : index
      %parallel_loop3A_630 = tpu.vector_load %arg8[%parallel_loop3A_628, %parallel_loop3A_629] {strides = array<i32>} : memref<32x768xf32, #tpu.memory_space<vmem>>, vector<1x16xf32>,
      %parallel_loop3A_631 = vector.shape_cast %parallel_loop3A_630 : vector<1x16xf32> to vector<16xf32>
      %parallel_loop3A_632 = arith.addf %parallel_loop3A_631, %get3A_198 : vector<16xf32>
      %parallel_loop3A_633 = arith.index_cast %parallel_loop3A_287 : i32 to index
      %parallel_loop3A_634 = arith.constant 544 : index
      %parallel_loop3A_635 = tpu.vector_load %arg8[%parallel_loop3A_633, %parallel_loop3A_634] {strides = array<i32>} : memref<32x768xf32, #tpu.memory_space<vmem>>, vector<1x16xf32>,
      %parallel_loop3A_636 = vector.shape_cast %parallel_loop3A_635 : vector<1x16xf32> to vector<16xf32>
      %parallel_loop3A_637 = vector.shape_cast %parallel_loop3A_632 : vector<16xf32> to vector<1x16xf32>
      tpu.vector_store %arg8[%parallel_loop3A_633, %parallel_loop3A_634], %parallel_loop3A_637 {strides = array<i32>} : memref<32x768xf32, #tpu.memory_space<vmem>>, vector<1x16xf32>,
      %parallel_loop3A_638 = arith.index_cast %parallel_loop3A_287 : i32 to index
      %parallel_loop3A_639 = arith.constant 560 : index
      %parallel_loop3A_640 = tpu.vector_load %arg8[%parallel_loop3A_638, %parallel_loop3A_639] {strides = array<i32>} : memref<32x768xf32, #tpu.memory_space<vmem>>, vector<1x16xf32>,
      %parallel_loop3A_641 = vector.shape_cast %parallel_loop3A_640 : vector<1x16xf32> to vector<16xf32>
      %parallel_loop3A_642 = arith.addf %parallel_loop3A_641, %get3A_203 : vector<16xf32>
      %parallel_loop3A_643 = arith.index_cast %parallel_loop3A_287 : i32 to index
      %parallel_loop3A_644 = arith.constant 560 : index
      %parallel_loop3A_645 = tpu.vector_load %arg8[%parallel_loop3A_643, %parallel_loop3A_644] {strides = array<i32>} : memref<32x768xf32, #tpu.memory_space<vmem>>, vector<1x16xf32>,
      %parallel_loop3A_646 = vector.shape_cast %parallel_loop3A_645 : vector<1x16xf32> to vector<16xf32>
      %parallel_loop3A_647 = vector.shape_cast %parallel_loop3A_642 : vector<16xf32> to vector<1x16xf32>
      tpu.vector_store %arg8[%parallel_loop3A_643, %parallel_loop3A_644], %parallel_loop3A_647 {strides = array<i32>} : memref<32x768xf32, #tpu.memory_space<vmem>>, vector<1x16xf32>,
      %parallel_loop3A_648 = arith.index_cast %parallel_loop3A_287 : i32 to index
      %parallel_loop3A_649 = arith.constant 576 : index
      %parallel_loop3A_650 = tpu.vector_load %arg8[%parallel_loop3A_648, %parallel_loop3A_649] {strides = array<i32>} : memref<32x768xf32, #tpu.memory_space<vmem>>, vector<1x16xf32>,
      %parallel_loop3A_651 = vector.shape_cast %parallel_loop3A_650 : vector<1x16xf32> to vector<16xf32>
      %parallel_loop3A_652 = arith.addf %parallel_loop3A_651, %get3A_208 : vector<16xf32>
      %parallel_loop3A_653 = arith.index_cast %parallel_loop3A_287 : i32 to index
      %parallel_loop3A_654 = arith.constant 576 : index
      %parallel_loop3A_655 = tpu.vector_load %arg8[%parallel_loop3A_653, %parallel_loop3A_654] {strides = array<i32>} : memref<32x768xf32, #tpu.memory_space<vmem>>, vector<1x16xf32>,
      %parallel_loop3A_656 = vector.shape_cast %parallel_loop3A_655 : vector<1x16xf32> to vector<16xf32>
      %parallel_loop3A_657 = vector.shape_cast %parallel_loop3A_652 : vector<16xf32> to vector<1x16xf32>
      tpu.vector_store %arg8[%parallel_loop3A_653, %parallel_loop3A_654], %parallel_loop3A_657 {strides = array<i32>} : memref<32x768xf32, #tpu.memory_space<vmem>>, vector<1x16xf32>,
      %parallel_loop3A_658 = arith.index_cast %parallel_loop3A_287 : i32 to index
      %parallel_loop3A_659 = arith.constant 592 : index
      %parallel_loop3A_660 = tpu.vector_load %arg8[%parallel_loop3A_658, %parallel_loop3A_659] {strides = array<i32>} : memref<32x768xf32, #tpu.memory_space<vmem>>, vector<1x16xf32>,
      %parallel_loop3A_661 = vector.shape_cast %parallel_loop3A_660 : vector<1x16xf32> to vector<16xf32>
      %parallel_loop3A_662 = arith.addf %parallel_loop3A_661, %get3A_213 : vector<16xf32>
      %parallel_loop3A_663 = arith.index_cast %parallel_loop3A_287 : i32 to index
      %parallel_loop3A_664 = arith.constant 592 : index
      %parallel_loop3A_665 = tpu.vector_load %arg8[%parallel_loop3A_663, %parallel_loop3A_664] {strides = array<i32>} : memref<32x768xf32, #tpu.memory_space<vmem>>, vector<1x16xf32>,
      %parallel_loop3A_666 = vector.shape_cast %parallel_loop3A_665 : vector<1x16xf32> to vector<16xf32>
      %parallel_loop3A_667 = vector.shape_cast %parallel_loop3A_662 : vector<16xf32> to vector<1x16xf32>
      tpu.vector_store %arg8[%parallel_loop3A_663, %parallel_loop3A_664], %parallel_loop3A_667 {strides = array<i32>} : memref<32x768xf32, #tpu.memory_space<vmem>>, vector<1x16xf32>,
      %parallel_loop3A_668 = arith.index_cast %parallel_loop3A_287 : i32 to index
      %parallel_loop3A_669 = arith.constant 608 : index
      %parallel_loop3A_670 = tpu.vector_load %arg8[%parallel_loop3A_668, %parallel_loop3A_669] {strides = array<i32>} : memref<32x768xf32, #tpu.memory_space<vmem>>, vector<1x16xf32>,
      %parallel_loop3A_671 = vector.shape_cast %parallel_loop3A_670 : vector<1x16xf32> to vector<16xf32>
      %parallel_loop3A_672 = arith.addf %parallel_loop3A_671, %get3A_218 : vector<16xf32>
      %parallel_loop3A_673 = arith.index_cast %parallel_loop3A_287 : i32 to index
      %parallel_loop3A_674 = arith.constant 608 : index
      %parallel_loop3A_675 = tpu.vector_load %arg8[%parallel_loop3A_673, %parallel_loop3A_674] {strides = array<i32>} : memref<32x768xf32, #tpu.memory_space<vmem>>, vector<1x16xf32>,
      %parallel_loop3A_676 = vector.shape_cast %parallel_loop3A_675 : vector<1x16xf32> to vector<16xf32>
      %parallel_loop3A_677 = vector.shape_cast %parallel_loop3A_672 : vector<16xf32> to vector<1x16xf32>
      tpu.vector_store %arg8[%parallel_loop3A_673, %parallel_loop3A_674], %parallel_loop3A_677 {strides = array<i32>} : memref<32x768xf32, #tpu.memory_space<vmem>>, vector<1x16xf32>,
      %parallel_loop3A_678 = arith.index_cast %parallel_loop3A_287 : i32 to index
      %parallel_loop3A_679 = arith.constant 624 : index
      %parallel_loop3A_680 = tpu.vector_load %arg8[%parallel_loop3A_678, %parallel_loop3A_679] {strides = array<i32>} : memref<32x768xf32, #tpu.memory_space<vmem>>, vector<1x16xf32>,
      %parallel_loop3A_681 = vector.shape_cast %parallel_loop3A_680 : vector<1x16xf32> to vector<16xf32>
      %parallel_loop3A_682 = arith.addf %parallel_loop3A_681, %get3A_223 : vector<16xf32>
      %parallel_loop3A_683 = arith.index_cast %parallel_loop3A_287 : i32 to index
      %parallel_loop3A_684 = arith.constant 624 : index
      %parallel_loop3A_685 = tpu.vector_load %arg8[%parallel_loop3A_683, %parallel_loop3A_684] {strides = array<i32>} : memref<32x768xf32, #tpu.memory_space<vmem>>, vector<1x16xf32>,
      %parallel_loop3A_686 = vector.shape_cast %parallel_loop3A_685 : vector<1x16xf32> to vector<16xf32>
      %parallel_loop3A_687 = vector.shape_cast %parallel_loop3A_682 : vector<16xf32> to vector<1x16xf32>
      tpu.vector_store %arg8[%parallel_loop3A_683, %parallel_loop3A_684], %parallel_loop3A_687 {strides = array<i32>} : memref<32x768xf32, #tpu.memory_space<vmem>>, vector<1x16xf32>,
      %parallel_loop3A_688 = arith.index_cast %parallel_loop3A_287 : i32 to index
      %parallel_loop3A_689 = arith.constant 640 : index
      %parallel_loop3A_690 = tpu.vector_load %arg8[%parallel_loop3A_688, %parallel_loop3A_689] {strides = array<i32>} : memref<32x768xf32, #tpu.memory_space<vmem>>, vector<1x16xf32>,
      %parallel_loop3A_691 = vector.shape_cast %parallel_loop3A_690 : vector<1x16xf32> to vector<16xf32>
      %parallel_loop3A_692 = arith.addf %parallel_loop3A_691, %get3A_228 : vector<16xf32>
      %parallel_loop3A_693 = arith.index_cast %parallel_loop3A_287 : i32 to index
      %parallel_loop3A_694 = arith.constant 640 : index
      %parallel_loop3A_695 = tpu.vector_load %arg8[%parallel_loop3A_693, %parallel_loop3A_694] {strides = array<i32>} : memref<32x768xf32, #tpu.memory_space<vmem>>, vector<1x16xf32>,
      %parallel_loop3A_696 = vector.shape_cast %parallel_loop3A_695 : vector<1x16xf32> to vector<16xf32>
      %parallel_loop3A_697 = vector.shape_cast %parallel_loop3A_692 : vector<16xf32> to vector<1x16xf32>
      tpu.vector_store %arg8[%parallel_loop3A_693, %parallel_loop3A_694], %parallel_loop3A_697 {strides = array<i32>} : memref<32x768xf32, #tpu.memory_space<vmem>>, vector<1x16xf32>,
      %parallel_loop3A_698 = arith.index_cast %parallel_loop3A_287 : i32 to index
      %parallel_loop3A_699 = arith.constant 656 : index
      %parallel_loop3A_700 = tpu.vector_load %arg8[%parallel_loop3A_698, %parallel_loop3A_699] {strides = array<i32>} : memref<32x768xf32, #tpu.memory_space<vmem>>, vector<1x16xf32>,
      %parallel_loop3A_701 = vector.shape_cast %parallel_loop3A_700 : vector<1x16xf32> to vector<16xf32>
      %parallel_loop3A_702 = arith.addf %parallel_loop3A_701, %get3A_233 : vector<16xf32>
      %parallel_loop3A_703 = arith.index_cast %parallel_loop3A_287 : i32 to index
      %parallel_loop3A_704 = arith.constant 656 : index
      %parallel_loop3A_705 = tpu.vector_load %arg8[%parallel_loop3A_703, %parallel_loop3A_704] {strides = array<i32>} : memref<32x768xf32, #tpu.memory_space<vmem>>, vector<1x16xf32>,
      %parallel_loop3A_706 = vector.shape_cast %parallel_loop3A_705 : vector<1x16xf32> to vector<16xf32>
      %parallel_loop3A_707 = vector.shape_cast %parallel_loop3A_702 : vector<16xf32> to vector<1x16xf32>
      tpu.vector_store %arg8[%parallel_loop3A_703, %parallel_loop3A_704], %parallel_loop3A_707 {strides = array<i32>} : memref<32x768xf32, #tpu.memory_space<vmem>>, vector<1x16xf32>,
      %parallel_loop3A_708 = arith.index_cast %parallel_loop3A_287 : i32 to index
      %parallel_loop3A_709 = arith.constant 672 : index
      %parallel_loop3A_710 = tpu.vector_load %arg8[%parallel_loop3A_708, %parallel_loop3A_709] {strides = array<i32>} : memref<32x768xf32, #tpu.memory_space<vmem>>, vector<1x16xf32>,
      %parallel_loop3A_711 = vector.shape_cast %parallel_loop3A_710 : vector<1x16xf32> to vector<16xf32>
      %parallel_loop3A_712 = arith.addf %parallel_loop3A_711, %get3A_238 : vector<16xf32>
      %parallel_loop3A_713 = arith.index_cast %parallel_loop3A_287 : i32 to index
      %parallel_loop3A_714 = arith.constant 672 : index
      %parallel_loop3A_715 = tpu.vector_load %arg8[%parallel_loop3A_713, %parallel_loop3A_714] {strides = array<i32>} : memref<32x768xf32, #tpu.memory_space<vmem>>, vector<1x16xf32>,
      %parallel_loop3A_716 = vector.shape_cast %parallel_loop3A_715 : vector<1x16xf32> to vector<16xf32>
      %parallel_loop3A_717 = vector.shape_cast %parallel_loop3A_712 : vector<16xf32> to vector<1x16xf32>
      tpu.vector_store %arg8[%parallel_loop3A_713, %parallel_loop3A_714], %parallel_loop3A_717 {strides = array<i32>} : memref<32x768xf32, #tpu.memory_space<vmem>>, vector<1x16xf32>,
      %parallel_loop3A_718 = arith.index_cast %parallel_loop3A_287 : i32 to index
      %parallel_loop3A_719 = arith.constant 688 : index
      %parallel_loop3A_720 = tpu.vector_load %arg8[%parallel_loop3A_718, %parallel_loop3A_719] {strides = array<i32>} : memref<32x768xf32, #tpu.memory_space<vmem>>, vector<1x16xf32>,
      %parallel_loop3A_721 = vector.shape_cast %parallel_loop3A_720 : vector<1x16xf32> to vector<16xf32>
      %parallel_loop3A_722 = arith.addf %parallel_loop3A_721, %get3A_243 : vector<16xf32>
      %parallel_loop3A_723 = arith.index_cast %parallel_loop3A_287 : i32 to index
      %parallel_loop3A_724 = arith.constant 688 : index
      %parallel_loop3A_725 = tpu.vector_load %arg8[%parallel_loop3A_723, %parallel_loop3A_724] {strides = array<i32>} : memref<32x768xf32, #tpu.memory_space<vmem>>, vector<1x16xf32>,
      %parallel_loop3A_726 = vector.shape_cast %parallel_loop3A_725 : vector<1x16xf32> to vector<16xf32>
      %parallel_loop3A_727 = vector.shape_cast %parallel_loop3A_722 : vector<16xf32> to vector<1x16xf32>
      tpu.vector_store %arg8[%parallel_loop3A_723, %parallel_loop3A_724], %parallel_loop3A_727 {strides = array<i32>} : memref<32x768xf32, #tpu.memory_space<vmem>>, vector<1x16xf32>,
      %parallel_loop3A_728 = arith.index_cast %parallel_loop3A_287 : i32 to index
      %parallel_loop3A_729 = arith.constant 704 : index
      %parallel_loop3A_730 = tpu.vector_load %arg8[%parallel_loop3A_728, %parallel_loop3A_729] {strides = array<i32>} : memref<32x768xf32, #tpu.memory_space<vmem>>, vector<1x16xf32>,
      %parallel_loop3A_731 = vector.shape_cast %parallel_loop3A_730 : vector<1x16xf32> to vector<16xf32>
      %parallel_loop3A_732 = arith.addf %parallel_loop3A_731, %get3A_248 : vector<16xf32>
      %parallel_loop3A_733 = arith.index_cast %parallel_loop3A_287 : i32 to index
      %parallel_loop3A_734 = arith.constant 704 : index
      %parallel_loop3A_735 = tpu.vector_load %arg8[%parallel_loop3A_733, %parallel_loop3A_734] {strides = array<i32>} : memref<32x768xf32, #tpu.memory_space<vmem>>, vector<1x16xf32>,
      %parallel_loop3A_736 = vector.shape_cast %parallel_loop3A_735 : vector<1x16xf32> to vector<16xf32>
      %parallel_loop3A_737 = vector.shape_cast %parallel_loop3A_732 : vector<16xf32> to vector<1x16xf32>
      tpu.vector_store %arg8[%parallel_loop3A_733, %parallel_loop3A_734], %parallel_loop3A_737 {strides = array<i32>} : memref<32x768xf32, #tpu.memory_space<vmem>>, vector<1x16xf32>,
      %parallel_loop3A_738 = arith.index_cast %parallel_loop3A_287 : i32 to index
      %parallel_loop3A_739 = arith.constant 720 : index
      %parallel_loop3A_740 = tpu.vector_load %arg8[%parallel_loop3A_738, %parallel_loop3A_739] {strides = array<i32>} : memref<32x768xf32, #tpu.memory_space<vmem>>, vector<1x16xf32>,
      %parallel_loop3A_741 = vector.shape_cast %parallel_loop3A_740 : vector<1x16xf32> to vector<16xf32>
      %parallel_loop3A_742 = arith.addf %parallel_loop3A_741, %get3A_253 : vector<16xf32>
      %parallel_loop3A_743 = arith.index_cast %parallel_loop3A_287 : i32 to index
      %parallel_loop3A_744 = arith.constant 720 : index
      %parallel_loop3A_745 = tpu.vector_load %arg8[%parallel_loop3A_743, %parallel_loop3A_744] {strides = array<i32>} : memref<32x768xf32, #tpu.memory_space<vmem>>, vector<1x16xf32>,
      %parallel_loop3A_746 = vector.shape_cast %parallel_loop3A_745 : vector<1x16xf32> to vector<16xf32>
      %parallel_loop3A_747 = vector.shape_cast %parallel_loop3A_742 : vector<16xf32> to vector<1x16xf32>
      tpu.vector_store %arg8[%parallel_loop3A_743, %parallel_loop3A_744], %parallel_loop3A_747 {strides = array<i32>} : memref<32x768xf32, #tpu.memory_space<vmem>>, vector<1x16xf32>,
      %parallel_loop3A_748 = arith.index_cast %parallel_loop3A_287 : i32 to index
      %parallel_loop3A_749 = arith.constant 736 : index
      %parallel_loop3A_750 = tpu.vector_load %arg8[%parallel_loop3A_748, %parallel_loop3A_749] {strides = array<i32>} : memref<32x768xf32, #tpu.memory_space<vmem>>, vector<1x16xf32>,
      %parallel_loop3A_751 = vector.shape_cast %parallel_loop3A_750 : vector<1x16xf32> to vector<16xf32>
      %parallel_loop3A_752 = arith.addf %parallel_loop3A_751, %get3A_258 : vector<16xf32>
      %parallel_loop3A_753 = arith.index_cast %parallel_loop3A_287 : i32 to index
      %parallel_loop3A_754 = arith.constant 736 : index
      %parallel_loop3A_755 = tpu.vector_load %arg8[%parallel_loop3A_753, %parallel_loop3A_754] {strides = array<i32>} : memref<32x768xf32, #tpu.memory_space<vmem>>, vector<1x16xf32>,
      %parallel_loop3A_756 = vector.shape_cast %parallel_loop3A_755 : vector<1x16xf32> to vector<16xf32>
      %parallel_loop3A_757 = vector.shape_cast %parallel_loop3A_752 : vector<16xf32> to vector<1x16xf32>
      tpu.vector_store %arg8[%parallel_loop3A_753, %parallel_loop3A_754], %parallel_loop3A_757 {strides = array<i32>} : memref<32x768xf32, #tpu.memory_space<vmem>>, vector<1x16xf32>,
      %parallel_loop3A_758 = arith.index_cast %parallel_loop3A_287 : i32 to index
      %parallel_loop3A_759 = arith.constant 752 : index
      %parallel_loop3A_760 = tpu.vector_load %arg8[%parallel_loop3A_758, %parallel_loop3A_759] {strides = array<i32>} : memref<32x768xf32, #tpu.memory_space<vmem>>, vector<1x16xf32>,
      %parallel_loop3A_761 = vector.shape_cast %parallel_loop3A_760 : vector<1x16xf32> to vector<16xf32>
      %parallel_loop3A_762 = arith.addf %parallel_loop3A_761, %get3A_263 : vector<16xf32>
      %parallel_loop3A_763 = arith.index_cast %parallel_loop3A_287 : i32 to index
      %parallel_loop3A_764 = arith.constant 752 : index
      %parallel_loop3A_765 = tpu.vector_load %arg8[%parallel_loop3A_763, %parallel_loop3A_764] {strides = array<i32>} : memref<32x768xf32, #tpu.memory_space<vmem>>, vector<1x16xf32>,
      %parallel_loop3A_766 = vector.shape_cast %parallel_loop3A_765 : vector<1x16xf32> to vector<16xf32>
      %parallel_loop3A_767 = vector.shape_cast %parallel_loop3A_762 : vector<16xf32> to vector<1x16xf32>
      tpu.vector_store %arg8[%parallel_loop3A_763, %parallel_loop3A_764], %parallel_loop3A_767 {strides = array<i32>} : memref<32x768xf32, #tpu.memory_space<vmem>>, vector<1x16xf32>,
    } {sc.loop_unroll_factor = 1 : i64, sc.parallel_access}
    %dma_start3A_266 = arith.constant 76 : i32
    %dma_start3A_267 = arith.constant 0 : i32
    %dma_start3A_268 = tpu.memref_slice %arg5[%dma_start3A_266, %mul3A_2, %dma_start3A_267] : memref<77x1024x768xf32, #tpu.memory_space<hbm>> -> memref<1x32x768xf32, #tpu.memory_space<hbm>>
    %dma_start3A_269 = tpu.memref_squeeze %dma_start3A_268 : memref<1x32x768xf32, #tpu.memory_space<hbm>> -> memref<32x768xf32, #tpu.memory_space<hbm>>
    %dma_start3A_270 = arith.constant 0 : i32
    %dma_start3A_271 = tpu.memref_slice %arg5[%dma_start3A_266, %mul3A_2, %dma_start3A_270] : memref<77x1024x768xf32, #tpu.memory_space<hbm>> -> memref<1x32x768xf32, #tpu.memory_space<hbm>>
    %dma_start3A_272 = tpu.memref_squeeze %dma_start3A_271 : memref<1x32x768xf32, #tpu.memory_space<hbm>> -> memref<32x768xf32, #tpu.memory_space<hbm>>
    tpu.enqueue_dma source(%arg8 : memref<32x768xf32, #tpu.memory_space<vmem>>) target(%dma_start3A_272 : memref<32x768xf32, #tpu.memory_space<hbm>>) target_semaphore(%arg12 : memref<!tpu.dma_semaphore, #tpu.memory_space<semaphore_mem>>)
    %dma_wait3A_273 = arith.constant 76 : i32
    %dma_wait3A_274 = arith.constant 0 : i32
    %dma_wait3A_275 = tpu.memref_slice %arg5[%dma_wait3A_273, %mul3A_2, %dma_wait3A_274] : memref<77x1024x768xf32, #tpu.memory_space<hbm>> -> memref<1x32x768xf32, #tpu.memory_space<hbm>>
    %dma_wait3A_276 = tpu.memref_squeeze %dma_wait3A_275 : memref<1x32x768xf32, #tpu.memory_space<hbm>> -> memref<32x768xf32, #tpu.memory_space<hbm>>
    %dma_wait3A_277 = arith.constant 0 : i32
    %dma_wait3A_278 = tpu.memref_slice %arg5[%dma_wait3A_273, %mul3A_2, %dma_wait3A_277] : memref<77x1024x768xf32, #tpu.memory_space<hbm>> -> memref<1x32x768xf32, #tpu.memory_space<hbm>>
    %dma_wait3A_279 = tpu.memref_squeeze %dma_wait3A_278 : memref<1x32x768xf32, #tpu.memory_space<hbm>> -> memref<32x768xf32, #tpu.memory_space<hbm>>
    tpu.wait_dma2 semaphore(%arg12 : memref<!tpu.dma_semaphore, #tpu.memory_space<semaphore_mem>>) src(%arg8 : memref<32x768xf32, #tpu.memory_space<vmem>>) dst(%dma_wait3A_279 : memref<32x768xf32, #tpu.memory_space<hbm>>)
    %dma_wait3A_280 = arith.constant 75 : i32
    %dma_wait3A_281 = arith.constant 0 : i32
    %dma_wait3A_282 = tpu.memref_slice %arg5[%dma_wait3A_280, %mul3A_2, %dma_wait3A_281] : memref<77x1024x768xf32, #tpu.memory_space<hbm>> -> memref<1x32x768xf32, #tpu.memory_space<hbm>>
    %dma_wait3A_283 = tpu.memref_squeeze %dma_wait3A_282 : memref<1x32x768xf32, #tpu.memory_space<hbm>> -> memref<32x768xf32, #tpu.memory_space<hbm>>
    %dma_wait3A_284 = arith.constant 0 : i32
    %dma_wait3A_285 = tpu.memref_slice %arg5[%dma_wait3A_280, %mul3A_2, %dma_wait3A_284] : memref<77x1024x768xf32, #tpu.memory_space<hbm>> -> memref<1x32x768xf32, #tpu.memory_space<hbm>>
    %dma_wait3A_286 = tpu.memref_squeeze %dma_wait3A_285 : memref<1x32x768xf32, #tpu.memory_space<hbm>> -> memref<32x768xf32, #tpu.memory_space<hbm>>
    tpu.wait_dma2 semaphore(%arg13 : memref<!tpu.dma_semaphore, #tpu.memory_space<semaphore_mem>>) src(%arg9 : memref<32x768xf32, #tpu.memory_space<vmem>>) dst(%dma_wait3A_286 : memref<32x768xf32, #tpu.memory_space<hbm>>)
    return
  }
}

</mosaic_0001>

<sc_bundles>
// kernel: kernel.3.cloned.1.call-start
scs
__scs_entry_jumppad:
0x0: {  	(pc) =	sbr.rel $0x88, $3  }
0x1: {  	(tag) =	ssettag $0x0;
	lr =	simm.s32 $0x1  }
0x2: {  	[smem:$0x3F9E] =	sst lr;
	_ =	strace $0xD0000000  }
0x3: {  	_ = 	snop  }
0x4: {  	_ = 	snop  }
0x5: {  	_ = 	snop  }
0x6: {  	_ = 	snop  }
0x7: {  	_ = 	snop  }
__scs_overlays_trampoline_lowered:
0x8: {  	[smem:$0x3FAD] =	sst s0  }
0x9: {  	[smem:$0x3FAE] =	sst s1  }
0xa: {  	[smem:$0x3FAF] =	sst s2  }
0xb: {  	[smem:$0x3FB0] =	sst s3  }
0xc: {  	[smem:$0x3FB1] =	sst s4  }
0xd: {  	[smem:$0x3FB2] =	sst s5  }
0xe: {  	[smem:$0x3FB3] =	sst s6  }
0xf: {  	[smem:$0x3FB4] =	sst s7  }
0x10: {  	[smem:$0x3FB5] =	sst s8  }
0x11: {  	[smem:$0x3FB6] =	sst s9;
	s0 =	simm.s32 @!p0 $0x0  }
0x12: {  	s1 =	sld [smem:$0x3F9C];
	s0 =	simm.s32 @p0 $0x1  }
0x13: {  	[smem:$0x3FB7] =	sst s0;
	s0 =	simm.s32 @!p1 $0x0  }
0x14: {  	s2 =	sld [smem:$0x3F9B];
	s0 =	simm.s32 @p1 $0x1  }
0x15: {  	[smem:$0x3FB8] =	sst s0;
	s0 =	simm.s32 @!p2 $0x0  }
0x16: {  	s3 =	sld [smem:$0x3FDB];
	s0 =	simm.s32 @p2 $0x1  }
0x17: {  	s4 =	simm.s32 $0x1BF5;
	[smem:$0x3FBA] =	sst s0  }
0x18: {  	s0 =	sld [smem:$0x3F9D];
	_ =	swait.ge [sflag:s4], $0x0  }
0x19: {  	s7 =	sld [smem:$0x3F9E]  }
0x1a: {  	s8 =	sadd.s32 $0xFFFFE003, lr  }
0x1b: {  	s9 =	sadd.s32 $0xFFFFFEF7, lr;
	s5 =	simm.s32 $0xFFFFFFFF;
	p2 =	slt.u32 s8, $0xFFFFF086  }
0x1c: {  	p1 =	slt.u32 s9, $0xF7A;
	s5 =	simm.s32 @!p2 $0x0  }
0x1d: {  	s5 =	simm.s32 @p1 $0x1;
	p0 =	seq.s32 s7, s2  }
0x1e: {  	s7 =	smul.u32 @!p0 $0xF7A, s2;
	p2 =	seq.s32 @!p0 s5, $0x0  }
0x1f: {  	s9 =	smul.u32 $0xF7A, s1;
	s8 =	simm.s32 @!p0 $0x1BF5;
	p2 =	por !p2, p0  }
0x20: {  	[sflag:s8] =	ssyncset.s32 @!p0 $0xFFFFF086;
	s6 =	sadd.s32 @!p0 s3, s7;
	s7 =	simm.s32 @!p0 $0x108  }
0x21: {  	s3 =	sadd.s32 s3, s9;
	s6 =	sadd.s32 @!p0 $0x88, s6;
	s7 =	simm.s32 @p2 $0x1082  }
0x22: {  	[simem:s7], [sflag:s8] =	dma.local @!p0 [hbm:s6], $0xF7A  }
0x23: {  	s9 =	sor.u32 $0xD0000000, s2;
	s6 =	simm.s32 $0x108;
	_ =	swait.ge @!p0 [sflag:s8], $0x0  }
0x24: {  	s3 =	sadd.s32 $0x88, s3;
	s6 =	simm.s32 @!p1 $0x1082;
	[sflag:s4] =	ssyncset.s32 $0xFFFFF086  }
0x25: {  	[simem:s6], [sflag:s4] =	dma.local [hbm:s3], $0xF7A  }
0x26: {  	[smem:$0x3F9E] =	sst s1;
	(tag) =	ssettag s2;
	_ =	strace s9  }
0x27: {  	s1 =	sld [smem:$0x3FAE]  }
0x28: {  	s2 =	sld [smem:$0x3FAF]  }
0x29: {  	s4 =	sld [smem:$0x3FB1]  }
0x2a: {  	p0 =	seq.s32 s5, $0x0;
	s5 =	sld [smem:$0x3FB2]  }
0x2b: {  	s6 =	sld [smem:$0x3FB3]  }
0x2c: {  	s7 =	sld [smem:$0x3FB4]  }
0x2d: {  	s3 =	simm.s32 $0x108;
	s8 =	sld [smem:$0x3FB5]  }
0x2e: {  	s3 =	simm.s32 @!p0 $0x1082;
	s9 =	sld [smem:$0x3FB6]  }
0x2f: {  	lr =	sadd.s32 s0, s3;
	s0 =	sld [smem:$0x3FAD]  }
0x30: {  	s3 =	sld [smem:$0x3FB0]  }
0x31: {  	[smem:$0x3FB9] =	sst s10  }
0x32: {  	s10 =	sld [smem:$0x3FB7];
	_ =	sdelay $0x3  }
0x33: {  	p0 =	seq.s32 s10, $0x1;
	s10 =	sld [smem:$0x3FB9];
	_ =	sdelay $0x3  }
0x34: {  	[smem:$0x3FB9] =	sst s10  }
0x35: {  	s10 =	sld [smem:$0x3FB8];
	_ =	sdelay $0x3  }
0x36: {  	p1 =	seq.s32 s10, $0x1;
	s10 =	sld [smem:$0x3FB9];
	_ =	sdelay $0x3  }
0x37: {  	[smem:$0x3FB9] =	sst s10  }
0x38: {  	s10 =	sld [smem:$0x3FBA]  }
0x39: {  	_ = 	snop;
	(pc) =	sbr.ind lr, $3  }
0x3a: {  	_ = 	snop  }
0x3b: {  	_ = 	snop  }
0x3c: {  	p2 =	seq.s32 s10, $0x1;
	s10 =	sld [smem:$0x3FB9]  }
0x3d: {  	_ =	shalt  }
0x3e: {  	_ =	shalt  }
0x3f: {  	_ =	shalt  }
0x40: {  	_ =	shalt  }
0x41: {  	_ =	shalt  }
0x42: {  	_ =	shalt  }
0x43: {  	_ =	shalt  }
0x44: {  	_ =	shalt  }
0x45: {  	_ =	shalt  }
0x46: {  	_ =	shalt  }
0x47: {  	_ =	shalt  }
0x48: {  	_ =	shalt  }
0x49: {  	_ =	shalt  }
0x4a: {  	_ =	shalt  }
0x4b: {  	_ =	shalt  }
0x4c: {  	_ =	shalt  }
0x4d: {  	_ =	shalt  }
0x4e: {  	_ =	shalt  }
0x4f: {  	_ =	shalt  }
0x50: {  	_ =	shalt  }
0x51: {  	_ =	shalt  }
0x52: {  	_ =	shalt  }
0x53: {  	_ =	shalt  }
0x54: {  	_ =	shalt  }
0x55: {  	_ =	shalt  }
0x56: {  	_ =	shalt  }
0x57: {  	_ =	shalt  }
0x58: {  	_ =	shalt  }
0x59: {  	_ =	shalt  }
0x5a: {  	_ =	shalt  }
0x5b: {  	_ =	shalt  }
0x5c: {  	_ =	shalt  }
0x5d: {  	_ =	shalt  }
0x5e: {  	_ =	shalt  }
0x5f: {  	_ =	shalt  }
0x60: {  	_ =	shalt  }
0x61: {  	_ =	shalt  }
0x62: {  	_ =	shalt  }
0x63: {  	_ =	shalt  }
0x64: {  	_ =	shalt  }
0x65: {  	_ =	shalt  }
0x66: {  	_ =	shalt  }
0x67: {  	_ =	shalt  }
0x68: {  	_ =	shalt  }
0x69: {  	_ =	shalt  }
0x6a: {  	_ =	shalt  }
0x6b: {  	_ =	shalt  }
0x6c: {  	_ =	shalt  }
0x6d: {  	_ =	shalt  }
0x6e: {  	_ =	shalt  }
0x6f: {  	_ =	shalt  }
0x70: {  	_ =	shalt  }
0x71: {  	_ =	shalt  }
0x72: {  	_ =	shalt  }
0x73: {  	_ =	shalt  }
0x74: {  	_ =	shalt  }
0x75: {  	_ =	shalt  }
0x76: {  	_ =	shalt  }
0x77: {  	_ =	shalt  }
0x78: {  	_ =	shalt  }
0x79: {  	_ =	shalt  }
0x7a: {  	_ =	shalt  }
0x7b: {  	_ =	shalt  }
0x7c: {  	_ =	shalt  }
0x7d: {  	_ =	shalt  }
0x7e: {  	_ =	shalt  }
0x7f: {  	_ =	shalt  }
0x80: {  	_ =	shalt  }
0x81: {  	_ =	shalt  }
0x82: {  	_ =	shalt  }
0x83: {  	_ =	shalt  }
0x84: {  	_ =	shalt  }
0x85: {  	_ =	shalt  }
0x86: {  	_ =	shalt  }
0x87: {  	_ =	shalt  }
.Lfunc_end0:
.L_simem_size_0:
called_computation_lowered:
.L_overlay_start_0:
0x88: {  	s2 =	sld [smem:$0x3FD9]  }
0x89: {  	s3 =	sld [smem:$0x3FFE];
	_ =	sdelay $0x1  }
0x8a: {  	s1 =	srdreg.scid  }
0x8b: {  	s0 =	sand.u32 $0x1, s1  }
0x8c: {  	s17 =	sshll.u32 s0, $0xA;
	s2 =	sadd.s32 s3, s2  }
0x8d: {  	s2 =	sadd.s32 s2, s17  }
0x8e: {  	[smem:$0x3FC5] =	sst s2  }
0x8f: {  	_ = 	snop  }
0x90: {  	s2 =	sld [smem:$0x3FC8]  }
0x91: {  	s18 =	sld [smem:$0x3FC7]  }
0x92: {  	s4 =	sld [smem:$0x3FD0];
	(tm) =	ssettm $0x1  }
0x93: {  	s5 =	sld [smem:$0x3FFB];
	_ =	sdelay $0x3  }
0x94: {  	_ =	strace s5  }
0x95: {  	s5 =	sld [smem:$0x3FFC];
	_ =	sdelay $0x3  }
0x96: {  	_ =	strace s5  }
0x97: {  	s5 =	sld [smem:$0x3FFD];
	_ =	sdelay $0x3  }
0x98: {  	_ =	strace s5  }
0x99: {  	_ =	strace $0x8FFFFFFF  }
0x9a: {  	s19 =	sld [smem:$0x3FDB];
	_ =	sdelay $0x1  }
0x9b: {  	s6 =	simm.s32 $_scs_section_size  }
0x9c: {  	s7 =	simm.s32 $_size__tile_overlayer_lowered;
	s8 =	simm.s32 $_tile_overlayer_lowered  }
0x9d: {  	s22 =	simm.s32 $0x1BFF;
	s21 =	sshll.u32 s8, $0x1;
	s5 =	sadd.s32 s6, s19  }
0x9e: {  	s9 =	simm.s32 $0x0;
	s20 =	sshll.u32 s7, $0x1;
	s7 =	sadd.s32 s21, s5  }
0x9f: {  	[timem:s9], [sflag:s22] =	dma.local [hbm:s7], s20  }
0xa0: {  	_ =	swait.ge [sflag:s22], s20  }
0xa1: {  	s6 =	ssub.s32 $0x0, s20;
	[sflag:s22] =	ssyncset.done $0x0  }
0xa2: {  	[sflag:s22] =	ssyncadd.s32 s6;
	_ =	sdelay $0x1  }
0xa3: {  	s23 =	simm.s32 $0x1B8B  }
0xa4: {  	_ =	swait.ge [sflag:s23], $0x1  }
0xa5: {  	[sflag:s23] =	ssyncset.done $0x0  }
0xa6: {  	s25 =	simm.s32 $0x1B8E;
	s24 =	sld [smem:$0x3FFE];
	[sflag:s23] =	ssyncadd.s32 $0xFFFFFFFF  }
0xa7: {  	s26 =	simm.s32 $execute0_lowered;
	[smem:$0x3FD2] =	sst s25  }
0xa8: {  	s7 =	sshll.u32 s26, $0x1;
	_ =	strace $0x80000046;
	[dreg:$0x1] =	wrdreg $0xFFFFFFFF  }
0xa9: {  	s28 =	simm.s32 $_size_execute0_lowered;
	s5 =	sadd.s32 s5, s7;
	[dreg:$0x0] =	wrdreg $0x0  }
0xaa: {  	s7 =	sshll.u32 s28, $0x1;
	[dreg:$0x2] =	wrdreg s5  }
0xab: {  	[dreg:$0x3] =	wrdreg s7  }
0xac: {  	[dreg:$0x4] =	wrdreg $0xC0  }
0xad: {  	_ =	task [dreg:s9], $0x5FFFF  }
0xae: {  	[dreg:$0x1] =	wrdreg $0xFFFFFFFF  }
0xaf: {  	[dreg:$0x0] =	wrdreg $0x60  }
0xb0: {  	[dreg:$0x2] =	wrdreg s24  }
0xb1: {  	[dreg:$0x3] =	wrdreg s2  }
0xb2: {  	[dreg:$0x4] =	wrdreg s18  }
0xb3: {  	[dreg:$0x5] =	wrdreg s4  }
0xb4: {  	[dreg:$0x6] =	wrdreg $0x9  }
0xb5: {  	_ =	task.clear_ibuf [dreg:s9], $0x7FFFF;
	_ =	strace $0x90000046  }
0xb6: {  	s29 =	simm.s32 $0x9;
	_ =	strace $0x80000048  }
0xb7: {  	_ =	swait.ge [sflag:s29], $0x1  }
0xb8: {  	[sflag:s29] =	ssyncadd.s32 $0xFFFFFFFF  }
0xb9: {  	_ =	strace $0x90000048  }
0xba: {  	_ =	sfence  }
0xbb: {  	s30 =	sld [smem:$0x0];
	_ =	sdelay $0x2  }
0xbc: {  	s31 =	sshll.u32 s1, $0xD;
	s1 =	sshrl.u32 s1, $0x2  }
0xbd: {  	s3 =	sand.u32 $0x4000, s31;
	s1 =	sadd.s32 s1, s30  }
0xbe: {  	s0 =	sor.u32 s3, s0;
	s1 =	sshll.u32 s1, $0x11  }
0xbf: {  	s0 =	sor.u32 s1, s0  }
0xc0: {  	s0 =	sadd.s32 $0x8F2B, s0  }
0xc1: {  	[sflag:s0] =	ssyncadd.remote.s32 $0x1  }
0xc2: {  	_ =	sfence.sel $0xFFFF  }
0xc3: {  	[dreg:$0x0] =	wrdreg $0xFFFFFFFF;
	(pc) =	sbr.abs _section_cstart, $3  }
0xc4: {  	[dreg:$0x1] =	wrdreg $0xFFFFFFFF  }
0xc5: {  	_ =	task.clear_ibuf [dreg:s9], $0x2FFFF;
	_ =	strace $0x9FFFFFFF  }
0xc6: {  	(tm) =	ssettm $0x7FFFFFFF  }
0xc7: {  	_ =	shalt  }
tec
execute0_lowered:
.L_overlay_start_1:
0x0: {  	(tag) =	ssettag $0x1  }
0x1: {  	s0 =	rddreg [dreg:$0x0]  }
0x2: {  	s1 =	rddreg [dreg:$0x1];
	s2 =	srdreg.scid  }
0x3: {  	s3 =	stileid.u32;
	s4 =	rddreg [dreg:$0x3]  }
0x4: {  	s5 =	simm.s32 $0x0;
	s14 =	simm.s32 $0xFA00;
	s22 =	simm.s32 $0x13A00  }
0x5: {  	s23 =	simm.s32 $0x14200;
	s24 =	simm.s32 $0x14A00;
	s25 =	simm.s32 $0x15200  }
0x6: {  	s12 =	simm.s32 $0x1;
	s2 =	sand.u32 $0x1, s2;
	s3 =	sshll.u32 s3, $0x1  }
0x7: {  	s28 =	simm.s32 $0x2;
	s29 =	simm.s32 $0x3;
	s3 =	sor.u32 s2, s3  }
0x8: {  	s30 =	simm.s32 $0x4;
	s2 =	ssub.s32 $0x2, s2;
	s6 =	smul.u32 $0x134, s3  }
0x9: {  	[smem:$0x7FF] =	sst s5;
	s7 =	sshrl.u32 s2, $0x1;
	s8 =	smul.u32 $0xC00, s3  }
0xa: {  	_ =	strace $0x80000047;
	s9 =	smul.u32 $0x6000, s3;
	s2 =	ssub.s32 s2, s7  }
0xb: {  	s7 =	sadd.s32 $0x100, s1;
	s0 =	sadd.s32 s6, s0;
	s31 =	smax.u32 s2, $0x1  }
0xc: {  	v2 =	vlaneseq.u32;
	s26 =	sadd.s32 s8, s4;
	s0 =	sadd.s32 $0x400, s0;
	[dreg:$0x7] =	wrdreg s31  }
0xd: {  	vm0 =	vmmov $0xffff;
	v1 =	vshrl.u32 v2, $0x3;
	s8 =	sadd.s32 $0x200, s1;
	[dreg:$0x5] =	wrdreg s0;
	s0 =	sadd.s32 $0x720000, s26  }
0xe: {  	v0 =	vand.u32 $0x7, v2;
	v2 =	vor.u32 $0x8, v2;
	v1 =	vmul.u32 $0x8, v1;
	s2 =	simm.s32 $0x0;
	s26 =	simm.s32 $0x15A00;
	[dreg:$0x6] =	wrdreg s0  }
.LBB2_1:
0xf: {  	[dreg:$0x8] =	wrdreg s2  }
0x10: {  	s0 =	rddreg [dreg:$0x5];
	s13 =	simm.s32 $0x6  }
0x11: {  	[tilespmem:s5], [sflag:$0x6] =	stream.linear.gather [hbm4b:s0+s5], $0x9A0, $0x38;
	[tilespmem:$0x1BA00] =	vst v63  }
0x12: {  	_ =	swait.ge [sflag:s13], $0x9A0  }
0x13: {  	[sflag:s13] =	ssyncset.done $0x0  }
0x14: {  	[sflag:s13] =	ssyncadd.s32 $0xFFFFF660  }
0x15: {  	s15 =	simm.s32 $0xA00;
	s0 =	rddreg [dreg:$0x2]  }
0x16: {  	[tilespmem:s15], [sflag:$0x5] =	stream.linear.gather [hbm4b:s0+s5], $0xF000, $0x38;
	[tilespmem:$0x1BA00] =	vst v63  }
0x17: {  	v3 =	vld [tilespmem:$0x0];
	_ =	sdelay $0x4  }
0x18: {  	v4 =	vshrl.u32 v3, $0x3  }
0x19: {  	v4 =	vmul.u32 $0x30, v4  }
0x1a: {  	v3 =	vand.u32 $0x7, v3  }
0x1b: {  	v3 =	vor.u32 v3, v4  }
0x1c: {  	v4 =	vperm.xlane v3, v0;
	_ =	sdelay $0x1  }
0x1d: {  	v4 =	vadd.s32 v1, v4;
	_ =	sdelay $0x3  }
0x1e: {  	v3 =	vperm.xlane v3, v2  }
0x1f: {  	[tilespmem:s14], [sflag:$0x1] =	stream.indirect_vreg.gather [hbm4b:s1+s5], $0x80, v4, vm0, $0xb8;
	[tilespmem:$0x1BA00] =	vst v63  }
0x20: {  	s16 =	simm.s32 $0x10200;
	v3 =	vadd.s32 v1, v3  }
0x21: {  	[tilespmem:s16], [sflag:$0x1] =	stream.indirect_vreg.gather [hbm4b:s7+s5], $0x80, v4, vm0, $0xb8;
	[tilespmem:$0x1BA00] =	vst v63  }
0x22: {  	s17 =	simm.s32 $0x10A00  }
0x23: {  	[tilespmem:s17], [sflag:$0x1] =	stream.indirect_vreg.gather [hbm4b:s8+s5], $0x80, v4, vm0, $0xb8;
	[tilespmem:$0x1BA00] =	vst v63  }
0x24: {  	s18 =	simm.s32 $0x11200  }
0x25: {  	[tilespmem:s18], [sflag:$0x1] =	stream.indirect_vreg.gather [hbm4b:s1+s5], $0x80, v3, vm0, $0xb8;
	[tilespmem:$0x1BA00] =	vst v63  }
0x26: {  	s19 =	simm.s32 $0x11A00  }
0x27: {  	[tilespmem:s19], [sflag:$0x1] =	stream.indirect_vreg.gather [hbm4b:s7+s5], $0x80, v3, vm0, $0xb8;
	[tilespmem:$0x1BA00] =	vst v63  }
0x28: {  	s20 =	simm.s32 $0x12200  }
0x29: {  	[tilespmem:s20], [sflag:$0x1] =	stream.indirect_vreg.gather [hbm4b:s8+s5], $0x80, v3, vm0, $0xb8;
	[tilespmem:$0x1BA00] =	vst v63  }
0x2a: {  	v3 =	vld [tilespmem:$0x10];
	_ =	sdelay $0x4  }
0x2b: {  	v61 =	vshrl.u32 v3, $0x3  }
0x2c: {  	v4 =	vmul.u32 $0x30, v61  }
0x2d: {  	v3 =	vand.u32 $0x7, v3  }
0x2e: {  	v3 =	vor.u32 v3, v4  }
0x2f: {  	v4 =	vperm.xlane v3, v0;
	_ =	sdelay $0x1  }
0x30: {  	v4 =	vadd.s32 v1, v4;
	_ =	sdelay $0x3  }
0x31: {  	s21 =	simm.s32 $0x12A00;
	v3 =	vperm.xlane v3, v2  }
0x32: {  	[tilespmem:s21], [sflag:$0x1] =	stream.indirect_vreg.gather [hbm4b:s1+s5], $0x80, v4, vm0, $0xb8;
	[tilespmem:$0x1BA00] =	vst v63  }
0x33: {  	s2 =	simm.s32 $0x13200;
	v3 =	vadd.s32 v1, v3  }
0x34: {  	[tilespmem:s2], [sflag:$0x1] =	stream.indirect_vreg.gather [hbm4b:s7+s5], $0x80, v4, vm0, $0xb8;
	[tilespmem:$0x1BA00] =	vst v63  }
0x35: {  	_ = 	snop  }
0x36: {  	[tilespmem:s22], [sflag:$0x1] =	stream.indirect_vreg.gather [hbm4b:s8+s5], $0x80, v4, vm0, $0xb8;
	[tilespmem:$0x1BA00] =	vst v63  }
0x37: {  	_ = 	snop  }
0x38: {  	[tilespmem:s23], [sflag:$0x1] =	stream.indirect_vreg.gather [hbm4b:s1+s5], $0x80, v3, vm0, $0xb8;
	[tilespmem:$0x1BA00] =	vst v63  }
0x39: {  	_ = 	snop  }
0x3a: {  	[tilespmem:s24], [sflag:$0x1] =	stream.indirect_vreg.gather [hbm4b:s7+s5], $0x80, v3, vm0, $0xb8;
	[tilespmem:$0x1BA00] =	vst v63  }
0x3b: {  	_ = 	snop  }
0x3c: {  	[tilespmem:s25], [sflag:$0x1] =	stream.indirect_vreg.gather [hbm4b:s8+s5], $0x80, v3, vm0, $0xb8;
	[tilespmem:$0x1BA00] =	vst v63  }
0x3d: {  	v3 =	vld [tilespmem:$0x20];
	_ =	sdelay $0x4  }
0x3e: {  	v62 =	vshrl.u32 v3, $0x3  }
0x3f: {  	v4 =	vmul.u32 $0x30, v62  }
0x40: {  	v3 =	vand.u32 $0x7, v3  }
0x41: {  	v3 =	vor.u32 v3, v4  }
0x42: {  	v4 =	vperm.xlane v3, v0;
	_ =	sdelay $0x1  }
0x43: {  	v4 =	vadd.s32 v1, v4;
	_ =	sdelay $0x3  }
0x44: {  	v3 =	vperm.xlane v3, v2  }
0x45: {  	[tilespmem:s26], [sflag:$0x2] =	stream.indirect_vreg.gather [hbm4b:s1+s5], $0x80, v4, vm0, $0xb8;
	[tilespmem:$0x1BA00] =	vst v63  }
0x46: {  	s3 =	simm.s32 $0x16200;
	v3 =	vadd.s32 v1, v3  }
0x47: {  	[tilespmem:s3], [sflag:$0x2] =	stream.indirect_vreg.gather [hbm4b:s7+s5], $0x80, v4, vm0, $0xb8;
	[tilespmem:$0x1BA00] =	vst v63  }
0x48: {  	s6 =	simm.s32 $0x16A00  }
0x49: {  	[tilespmem:s6], [sflag:$0x2] =	stream.indirect_vreg.gather [hbm4b:s8+s5], $0x80, v4, vm0, $0xb8;
	[tilespmem:$0x1BA00] =	vst v63  }
0x4a: {  	s10 =	simm.s32 $0x17200  }
0x4b: {  	[tilespmem:s10], [sflag:$0x2] =	stream.indirect_vreg.gather [hbm4b:s1+s5], $0x80, v3, vm0, $0xb8;
	[tilespmem:$0x1BA00] =	vst v63  }
0x4c: {  	s11 =	simm.s32 $0x17A00  }
0x4d: {  	[tilespmem:s11], [sflag:$0x2] =	stream.indirect_vreg.gather [hbm4b:s7+s5], $0x80, v3, vm0, $0xb8;
	[tilespmem:$0x1BA00] =	vst v63  }
0x4e: {  	s13 =	simm.s32 $0x18200  }
0x4f: {  	[tilespmem:s13], [sflag:$0x2] =	stream.indirect_vreg.gather [hbm4b:s8+s5], $0x80, v3, vm0, $0xb8;
	[tilespmem:$0x1BA00] =	vst v63  }
0x50: {  	v3 =	vld [tilespmem:$0x30];
	_ =	sdelay $0x4  }
0x51: {  	v63 =	vshrl.u32 v3, $0x3  }
0x52: {  	v4 =	vmul.u32 $0x30, v63  }
0x53: {  	v3 =	vand.u32 $0x7, v3  }
0x54: {  	v3 =	vor.u32 v3, v4  }
0x55: {  	v4 =	vperm.xlane v3, v0;
	_ =	sdelay $0x1  }
0x56: {  	v4 =	vadd.s32 v1, v4;
	_ =	sdelay $0x3  }
0x57: {  	s15 =	simm.s32 $0x18A00;
	v3 =	vperm.xlane v3, v2  }
0x58: {  	[tilespmem:s15], [sflag:$0x2] =	stream.indirect_vreg.gather [hbm4b:s1+s5], $0x80, v4, vm0, $0xb8;
	[tilespmem:$0x1BA00] =	vst v63  }
0x59: {  	s16 =	simm.s32 $0x19200;
	v3 =	vadd.s32 v1, v3  }
0x5a: {  	[tilespmem:s16], [sflag:$0x2] =	stream.indirect_vreg.gather [hbm4b:s7+s5], $0x80, v4, vm0, $0xb8;
	[tilespmem:$0x1BA00] =	vst v63  }
0x5b: {  	s17 =	simm.s32 $0x19A00  }
0x5c: {  	[tilespmem:s17], [sflag:$0x2] =	stream.indirect_vreg.gather [hbm4b:s8+s5], $0x80, v4, vm0, $0xb8;
	[tilespmem:$0x1BA00] =	vst v63  }
0x5d: {  	s18 =	simm.s32 $0x1A200  }
0x5e: {  	[tilespmem:s18], [sflag:$0x2] =	stream.indirect_vreg.gather [hbm4b:s1+s5], $0x80, v3, vm0, $0xb8;
	[tilespmem:$0x1BA00] =	vst v63  }
0x5f: {  	s19 =	simm.s32 $0x1AA00  }
0x60: {  	[tilespmem:s19], [sflag:$0x2] =	stream.indirect_vreg.gather [hbm4b:s7+s5], $0x80, v3, vm0, $0xb8;
	[tilespmem:$0x1BA00] =	vst v63  }
0x61: {  	s20 =	simm.s32 $0x1B200;
	s21 =	simm.s32 $0x5  }
0x62: {  	[tilespmem:s20], [sflag:$0x2] =	stream.indirect_vreg.gather [hbm4b:s8+s5], $0x80, v3, vm0, $0xb8;
	[tilespmem:$0x1BA00] =	vst v63  }
0x63: {  	_ =	swait.ge [sflag:s21], $0xF000  }
0x64: {  	[sflag:s21] =	ssyncset.done $0x0  }
0x65: {  	s31 =	simm.s32 $0x0;
	[sflag:s21] =	ssyncadd.s32 $0xFFFF1000  }
.LBB2_2:
0x66: {  	s0 =	sshrl.u32 s31, $0x2  }
0x67: {  	s0 =	smul.u32 $0x6000, s0;
	_ =	sdelay $0x1  }
0x68: {  	_ =	swait.ge [sflag:s12], $0x6000;
	s2 =	sshll.u32 s31, $0x8;
	s10 =	sshra.s32 s0, $0x2  }
0x69: {  	[sflag:s12] =	ssyncset.done $0x0;
	s11 =	sand.u32 $0x300, s2;
	s0 =	sadd.s32 $0xA00, s10  }
0x6a: {  	[sflag:s12] =	ssyncadd.s32 $0xFFFFA000;
	s6 =	sadd.s32 s11, s0  }
0x6b: {  	v26 =	vld [tilespmem:s6+$0x0]  }
0x6c: {  	v27 =	vld [tilespmem:s6+$0x10]  }
0x6d: {  	v29 =	vld [tilespmem:s6+$0x20]  }
0x6e: {  	v30 =	vld [tilespmem:s6+$0x30]  }
0x6f: {  	v31 =	vld [tilespmem:s6+$0x40]  }
0x70: {  	v32 =	vld [tilespmem:s6+$0x50]  }
0x71: {  	v35 =	vld [tilespmem:s6+$0x60]  }
0x72: {  	v37 =	vld [tilespmem:s6+$0x70]  }
0x73: {  	v39 =	vld [tilespmem:s6+$0x400]  }
0x74: {  	v41 =	vld [tilespmem:s6+$0x410]  }
0x75: {  	v42 =	vld [tilespmem:s6+$0x420]  }
0x76: {  	v44 =	vld [tilespmem:s6+$0x430]  }
0x77: {  	v46 =	vld [tilespmem:s6+$0x440]  }
0x78: {  	v47 =	vld [tilespmem:s6+$0x450]  }
0x79: {  	s3 =	sadd.s32 $0x1200, s10;
	v48 =	vld [tilespmem:s6+$0x460]  }
0x7a: {  	s15 =	sadd.s32 s11, s3;
	v49 =	vld [tilespmem:s6+$0x470]  }
0x7b: {  	v50 =	vld [tilespmem:s15+$0x0]  }
0x7c: {  	v45 =	vld [tilespmem:s15+$0x10]  }
0x7d: {  	v43 =	vld [tilespmem:s15+$0x20]  }
0x7e: {  	v40 =	vld [tilespmem:s15+$0x30]  }
0x7f: {  	v38 =	vld [tilespmem:s15+$0x40]  }
0x80: {  	v36 =	vld [tilespmem:s15+$0x50]  }
0x81: {  	s13 =	sadd.s32 $0x1600, s10;
	v33 =	vld [tilespmem:s15+$0x60]  }
0x82: {  	v34 =	vld [tilespmem:s15+$0x70];
	s15 =	sadd.s32 s11, s13  }
0x83: {  	v28 =	vld [tilespmem:s15+$0x0]  }
0x84: {  	v21 =	vld [tilespmem:s15+$0x10]  }
0x85: {  	v20 =	vld [tilespmem:s15+$0x20]  }
0x86: {  	v19 =	vld [tilespmem:s15+$0x30]  }
0x87: {  	v25 =	vld [tilespmem:s15+$0x40]  }
0x88: {  	v24 =	vld [tilespmem:s15+$0x50]  }
0x89: {  	s6 =	sadd.s32 $0x1A00, s10;
	v22 =	vld [tilespmem:s15+$0x60]  }
0x8a: {  	v23 =	vld [tilespmem:s15+$0x70];
	s16 =	sadd.s32 s11, s6  }
0x8b: {  	v18 =	vld [tilespmem:s16+$0x0]  }
0x8c: {  	v13 =	vld [tilespmem:s16+$0x10]  }
0x8d: {  	v12 =	vld [tilespmem:s16+$0x20]  }
0x8e: {  	v11 =	vld [tilespmem:s16+$0x30]  }
0x8f: {  	v17 =	vld [tilespmem:s16+$0x40]  }
0x90: {  	v16 =	vld [tilespmem:s16+$0x50]  }
0x91: {  	s10 =	sadd.s32 $0x1E00, s10;
	v14 =	vld [tilespmem:s16+$0x60]  }
0x92: {  	s11 =	sadd.s32 s11, s10;
	v15 =	vld [tilespmem:s16+$0x70]  }
0x93: {  	v10 =	vld [tilespmem:s11+$0x0]  }
0x94: {  	v8 =	vld [tilespmem:s11+$0x10]  }
0x95: {  	v3 =	vld [tilespmem:s11+$0x20]  }
0x96: {  	s17 =	simm.s32 $0x0;
	v9 =	vld [tilespmem:s11+$0x30]  }
0x97: {  	s15 =	smul.u32 $0x6000, s17;
	v5 =	vld [tilespmem:s11+$0x40]  }
0x98: {  	v6 =	vld [tilespmem:s11+$0x50];
	s16 =	simm.s32 $0x0  }
0x99: {  	v4 =	vld [tilespmem:s11+$0x60];
	s16 =	sand.u32 $0x380, s16;
	s15 =	sshra.s32 s15, $0x2  }
0x9a: {  	v7 =	vld [tilespmem:s11+$0x70];
	s16 =	sor.u32 s16, s15  }
0x9b: {  	v51 =	vld [tilespmem:s16+$0xFA00]  }
0x9c: {  	v52 =	vld [tilespmem:s16+$0xFA10]  }
0x9d: {  	v53 =	vld [tilespmem:s16+$0xFA20]  }
0x9e: {  	v54 =	vld [tilespmem:s16+$0xFA30]  }
0x9f: {  	v55 =	vld [tilespmem:s16+$0xFA40]  }
0xa0: {  	v56 =	vld [tilespmem:s16+$0xFA50];
	v51 =	vadd.f32 v51, v26  }
0xa1: {  	v57 =	vld [tilespmem:s16+$0xFA60];
	v52 =	vadd.f32 v52, v27  }
0xa2: {  	v59 =	vadd.f32 v53, v29;
	v53 =	vld [tilespmem:s16+$0xFA70];
	[tilespmem:s16+$0xFA00] =	vst v51  }
0xa3: {  	v60 =	vadd.f32 v54, v30;
	v54 =	vld [tilespmem:s16+$0xFE00];
	[tilespmem:s16+$0xFA10] =	vst v52  }
0xa4: {  	v61 =	vadd.f32 v55, v31;
	v55 =	vld [tilespmem:s16+$0xFE10];
	[tilespmem:s16+$0xFA20] =	vst v59  }
0xa5: {  	v62 =	vadd.f32 v56, v32;
	v56 =	vld [tilespmem:s16+$0xFE20];
	[tilespmem:s16+$0xFA30] =	vst v60  }
0xa6: {  	v63 =	vadd.f32 v57, v35;
	v57 =	vld [tilespmem:s16+$0xFE30];
	[tilespmem:s16+$0xFA40] =	vst v61  }
0xa7: {  	[tilespmem:s16+$0xFA50] =	vst v62;
	v60 =	vadd.f32 v53, v37;
	v53 =	vld [tilespmem:s16+$0xFE40]  }
0xa8: {  	[tilespmem:s16+$0xFA60] =	vst v63;
	v61 =	vadd.f32 v54, v39;
	v54 =	vld [tilespmem:s16+$0xFE50]  }
0xa9: {  	v62 =	vadd.f32 v55, v41;
	v55 =	vld [tilespmem:s16+$0xFE60];
	[tilespmem:s16+$0xFA70] =	vst v60  }
0xaa: {  	v63 =	vadd.f32 v56, v42;
	[tilespmem:s16+$0xFE00] =	vst v61;
	v60 =	vld [tilespmem:s16+$0xFE70]  }
0xab: {  	[tilespmem:s16+$0xFE10] =	vst v62;
	v61 =	vadd.f32 v57, v44;
	v62 =	vld [tilespmem:s16+$0x10200]  }
0xac: {  	[tilespmem:s16+$0xFE20] =	vst v63;
	v63 =	vadd.f32 v53, v46  }
0xad: {  	[tilespmem:s16+$0xFE30] =	vst v61;
	v58 =	vadd.f32 v54, v47  }
0xae: {  	v59 =	vadd.f32 v55, v48;
	[tilespmem:s16+$0xFE40] =	vst v63  }
0xaf: {  	[tilespmem:s16+$0xFE50] =	vst v58;
	v60 =	vadd.f32 v60, v49  }
0xb0: {  	[tilespmem:s16+$0xFE60] =	vst v59;
	v61 =	vadd.f32 v62, v50  }
0xb1: {  	[tilespmem:s16+$0xFE70] =	vst v60  }
0xb2: {  	s15 =	sadd.s32 $0x10200, s16;
	[tilespmem:s16+$0x10200] =	vst v61  }
0xb3: {  	v51 =	vld [tilespmem:s15+$0x10]  }
0xb4: {  	v52 =	vld [tilespmem:s15+$0x20]  }
0xb5: {  	v62 =	vld [tilespmem:s15+$0x30]  }
0xb6: {  	v63 =	vld [tilespmem:s15+$0x40]  }
0xb7: {  	s18 =	simm.s32 $0x0;
	v55 =	vld [tilespmem:s15+$0x50]  }
0xb8: {  	s11 =	smul.u32 $0x6000, s18;
	v56 =	vld [tilespmem:s15+$0x60];
	v51 =	vadd.f32 v51, v45  }
0xb9: {  	s17 =	simm.s32 $0x80;
	v60 =	vld [tilespmem:s15+$0x70];
	v52 =	vadd.f32 v52, v43  }
0xba: {  	s17 =	sand.u32 $0x380, s17;
	s11 =	sshra.s32 s11, $0x2;
	v61 =	vadd.f32 v62, v40;
	[tilespmem:s15+$0x10] =	vst v51  }
0xbb: {  	s11 =	sor.u32 s17, s11;
	v62 =	vadd.f32 v63, v38;
	[tilespmem:s15+$0x20] =	vst v52  }
0xbc: {  	v54 =	vld [tilespmem:s11+$0xFA10];
	v58 =	vadd.f32 v55, v36;
	[tilespmem:s15+$0x30] =	vst v61  }
0xbd: {  	v63 =	vld [tilespmem:s11+$0xFA00];
	v59 =	vadd.f32 v56, v33;
	[tilespmem:s15+$0x40] =	vst v62  }
0xbe: {  	v60 =	vadd.f32 v60, v34;
	[tilespmem:s15+$0x50] =	vst v58;
	v61 =	vld [tilespmem:s11+$0xFA20]  }
0xbf: {  	[tilespmem:s15+$0x60] =	vst v59;
	v62 =	vld [tilespmem:s11+$0xFA40]  }
0xc0: {  	[tilespmem:s15+$0x70] =	vst v60;
	v60 =	vld [tilespmem:s11+$0xFA60]  }
0xc1: {  	v53 =	vld [tilespmem:s16+$0x10600]  }
0xc2: {  	v52 =	vld [tilespmem:s11+$0xFA30]  }
0xc3: {  	s19 =	sadd.s32 $0x10600, s16;
	v54 =	vadd.f32 v54, v27  }
0xc4: {  	v58 =	vld [tilespmem:s19+$0x40];
	v51 =	vadd.f32 v63, v26;
	v55 =	vadd.f32 v61, v29  }
0xc5: {  	[tilespmem:s11+$0xFA10] =	vst v54;
	v63 =	vld [tilespmem:s11+$0xFA50];
	v56 =	vadd.f32 v62, v31;
	v62 =	vadd.f32 v60, v35  }
0xc6: {  	v61 =	vld [tilespmem:s19+$0x50];
	v53 =	vadd.f32 v53, v28;
	[tilespmem:s11+$0xFA20] =	vst v55  }
0xc7: {  	v52 =	vadd.f32 v52, v30;
	v55 =	vld [tilespmem:s19+$0x60];
	[tilespmem:s11+$0xFA60] =	vst v62  }
0xc8: {  	v62 =	vld [tilespmem:s11+$0xFE00];
	[tilespmem:s16+$0x10600] =	vst v53  }
0xc9: {  	[tilespmem:s11+$0xFA30] =	vst v52;
	v52 =	vld [tilespmem:s19+$0x70]  }
0xca: {  	v60 =	vadd.f32 v58, v25;
	[tilespmem:s11+$0xFA40] =	vst v56;
	v56 =	vld [tilespmem:s19+$0x10]  }
0xcb: {  	[tilespmem:s11+$0xFA00] =	vst v51;
	v51 =	vadd.f32 v63, v32;
	v63 =	vld [tilespmem:s19+$0x20]  }
0xcc: {  	v53 =	vld [tilespmem:s19+$0x30];
	[tilespmem:s19+$0x40] =	vst v60;
	v54 =	vadd.f32 v61, v24  }
0xcd: {  	[tilespmem:s11+$0xFA50] =	vst v51;
	v61 =	vld [tilespmem:s11+$0xFA70];
	v55 =	vadd.f32 v55, v22  }
0xce: {  	[tilespmem:s19+$0x50] =	vst v54;
	v52 =	vadd.f32 v52, v23  }
0xcf: {  	v54 =	vld [tilespmem:s11+$0xFE10];
	v56 =	vadd.f32 v56, v21;
	[tilespmem:s19+$0x60] =	vst v55  }
0xd0: {  	v60 =	vld [tilespmem:s11+$0xFE40];
	v51 =	vadd.f32 v63, v20;
	[tilespmem:s19+$0x70] =	vst v52  }
0xd1: {  	v55 =	vld [tilespmem:s11+$0xFE20];
	v53 =	vadd.f32 v53, v19;
	[tilespmem:s19+$0x10] =	vst v56  }
0xd2: {  	v63 =	vadd.f32 v61, v37;
	v61 =	vadd.f32 v62, v39;
	v62 =	vld [tilespmem:s11+$0xFE50];
	[tilespmem:s19+$0x20] =	vst v51  }
0xd3: {  	v52 =	vld [tilespmem:s11+$0xFE30];
	[tilespmem:s19+$0x30] =	vst v53  }
0xd4: {  	v51 =	vld [tilespmem:s11+$0xFE60];
	[tilespmem:s11+$0xFA70] =	vst v63;
	v54 =	vadd.f32 v54, v41  }
0xd5: {  	[tilespmem:s11+$0xFE00] =	vst v61;
	v53 =	vld [tilespmem:s16+$0x10A00];
	v63 =	vadd.f32 v60, v46  }
0xd6: {  	s20 =	simm.s32 $0x0;
	v60 =	vld [tilespmem:s11+$0x10200];
	v55 =	vadd.f32 v55, v42;
	[tilespmem:s11+$0xFE10] =	vst v54  }
0xd7: {  	s15 =	smul.u32 $0x6000, s20;
	v54 =	vld [tilespmem:s11+$0xFE70];
	[tilespmem:s11+$0xFE40] =	vst v63;
	v61 =	vadd.f32 v62, v47  }
0xd8: {  	s18 =	sadd.s32 $0x10A00, s16;
	s17 =	simm.s32 $0x100;
	v52 =	vadd.f32 v52, v44;
	[tilespmem:s11+$0xFE20] =	vst v55  }
0xd9: {  	s20 =	sand.u32 $0x380, s17;
	s15 =	sshra.s32 s15, $0x2;
	v63 =	vld [tilespmem:s18+$0x50];
	v51 =	vadd.f32 v51, v48;
	[tilespmem:s11+$0xFE50] =	vst v61  }
0xda: {  	s15 =	sor.u32 s20, s15;
	v62 =	vld [tilespmem:s18+$0x40];
	v53 =	vadd.f32 v53, v18;
	[tilespmem:s11+$0xFE30] =	vst v52  }
0xdb: {  	v57 =	vld [tilespmem:s15+$0xFA20];
	v59 =	vadd.f32 v60, v50;
	[tilespmem:s11+$0xFE60] =	vst v51  }
0xdc: {  	v52 =	vld [tilespmem:s18+$0x60];
	v54 =	vadd.f32 v54, v49;
	[tilespmem:s16+$0x10A00] =	vst v53  }
0xdd: {  	[tilespmem:s11+$0x10200] =	vst v59;
	v53 =	vld [tilespmem:s18+$0x70]  }
0xde: {  	s19 =	sadd.s32 $0x10200, s11;
	v60 =	vld [tilespmem:s18+$0x10];
	[tilespmem:s11+$0xFE70] =	vst v54  }
0xdf: {  	v55 =	vadd.f32 v63, v16;
	v61 =	vadd.f32 v62, v17;
	v62 =	vld [tilespmem:s19+$0x10]  }
0xe0: {  	v63 =	vld [tilespmem:s19+$0x20]  }
0xe1: {  	[tilespmem:s18+$0x50] =	vst v55;
	v55 =	vld [tilespmem:s19+$0x40];
	v59 =	vadd.f32 v52, v14  }
0xe2: {  	[tilespmem:s18+$0x40] =	vst v61;
	v51 =	vld [tilespmem:s19+$0x50];
	v53 =	vadd.f32 v53, v15  }
0xe3: {  	v52 =	vld [tilespmem:s19+$0x30];
	v54 =	vadd.f32 v60, v13;
	[tilespmem:s18+$0x60] =	vst v59  }
0xe4: {  	v56 =	vld [tilespmem:s19+$0x60];
	[tilespmem:s18+$0x70] =	vst v53;
	v60 =	vadd.f32 v62, v45  }
0xe5: {  	[tilespmem:s18+$0x10] =	vst v54;
	v61 =	vadd.f32 v63, v43;
	v62 =	vld [tilespmem:s19+$0x70]  }
0xe6: {  	v63 =	vld [tilespmem:s18+$0x20];
	v59 =	vadd.f32 v55, v38;
	[tilespmem:s19+$0x10] =	vst v60  }
0xe7: {  	v53 =	vld [tilespmem:s18+$0x30];
	v51 =	vadd.f32 v51, v36;
	[tilespmem:s19+$0x20] =	vst v61  }
0xe8: {  	v58 =	vld [tilespmem:s15+$0xFE50];
	v52 =	vadd.f32 v52, v40;
	[tilespmem:s19+$0x40] =	vst v59  }
0xe9: {  	v55 =	vld [tilespmem:s15+$0xFA10];
	v61 =	vadd.f32 v56, v33;
	[tilespmem:s19+$0x50] =	vst v51  }
0xea: {  	v60 =	vld [tilespmem:s15+$0xFA00];
	[tilespmem:s19+$0x30] =	vst v52;
	v62 =	vadd.f32 v62, v34  }
0xeb: {  	v54 =	vld [tilespmem:s15+$0xFA30];
	[tilespmem:s19+$0x60] =	vst v61;
	v63 =	vadd.f32 v63, v12  }
0xec: {  	v53 =	vadd.f32 v53, v11;
	[tilespmem:s19+$0x70] =	vst v62;
	v62 =	vld [tilespmem:s15+$0xFA40]  }
0xed: {  	[tilespmem:s18+$0x20] =	vst v63;
	v61 =	vld [tilespmem:s11+$0x10600]  }
0xee: {  	v57 =	vadd.f32 v57, v29;
	[tilespmem:s18+$0x30] =	vst v53;
	v63 =	vld [tilespmem:s15+$0xFA50]  }
0xef: {  	s21 =	sadd.s32 $0x10600, s11;
	v60 =	vadd.f32 v60, v26;
	v56 =	vld [tilespmem:s16+$0x10E00]  }
0xf0: {  	[tilespmem:s15+$0xFA20] =	vst v57;
	v55 =	vadd.f32 v55, v27;
	v59 =	vld [tilespmem:s21+$0x40]  }
0xf1: {  	[tilespmem:s15+$0xFA00] =	vst v60;
	v60 =	vld [tilespmem:s15+$0xFA60];
	v62 =	vadd.f32 v62, v31  }
0xf2: {  	[tilespmem:s15+$0xFA10] =	vst v55;
	v57 =	vld [tilespmem:s21+$0x60];
	v52 =	vadd.f32 v61, v28  }
0xf3: {  	v54 =	vadd.f32 v54, v30;
	v61 =	vld [tilespmem:s21+$0x50];
	[tilespmem:s15+$0xFA40] =	vst v62  }
0xf4: {  	v51 =	vadd.f32 v63, v32;
	v62 =	vld [tilespmem:s15+$0xFE00];
	[tilespmem:s11+$0x10600] =	vst v52  }
0xf5: {  	[tilespmem:s15+$0xFA30] =	vst v54;
	v56 =	vadd.f32 v56, v10;
	v53 =	vld [tilespmem:s21+$0x70]  }
0xf6: {  	v63 =	vadd.f32 v60, v35;
	[tilespmem:s15+$0xFA50] =	vst v51;
	v54 =	vld [tilespmem:s21+$0x10]  }
0xf7: {  	v60 =	vadd.f32 v59, v25;
	[tilespmem:s16+$0x10E00] =	vst v56;
	v51 =	vld [tilespmem:s21+$0x20]  }
0xf8: {  	v57 =	vadd.f32 v57, v22;
	[tilespmem:s15+$0xFA60] =	vst v63;
	v52 =	vld [tilespmem:s21+$0x30]  }
0xf9: {  	[tilespmem:s21+$0x40] =	vst v60;
	v55 =	vadd.f32 v61, v24;
	v61 =	vld [tilespmem:s15+$0xFA70]  }
0xfa: {  	v63 =	vld [tilespmem:s15+$0xFE10];
	[tilespmem:s21+$0x60] =	vst v57;
	v53 =	vadd.f32 v53, v23  }
0xfb: {  	v57 =	vld [tilespmem:s15+$0xFE20];
	[tilespmem:s21+$0x50] =	vst v55;
	v54 =	vadd.f32 v54, v21  }
0xfc: {  	v51 =	vadd.f32 v51, v20;
	[tilespmem:s21+$0x70] =	vst v53  }
0xfd: {  	v58 =	vadd.f32 v58, v47;
	v56 =	vld [tilespmem:s15+$0xFE40];
	s16 =	sadd.s32 $0x10E00, s16;
	v52 =	vadd.f32 v52, v19;
	[tilespmem:s21+$0x10] =	vst v54  }
0xfe: {  	v60 =	vadd.f32 v61, v37;
	[tilespmem:s21+$0x20] =	vst v51;
	v61 =	vadd.f32 v62, v39;
	v62 =	vld [tilespmem:s16+$0x30]  }
0xff: {  	v55 =	vadd.f32 v63, v41;
	v53 =	vld [tilespmem:s15+$0xFE30];
	[tilespmem:s21+$0x30] =	vst v52  }
0x100: {  	[tilespmem:s15+$0xFE50] =	vst v58;
	v57 =	vadd.f32 v57, v42;
	v52 =	vld [tilespmem:s11+$0x10A00]  }
0x101: {  	v63 =	vld [tilespmem:s15+$0xFE60];
	[tilespmem:s15+$0xFE10] =	vst v55  }
0x102: {  	[tilespmem:s15+$0xFE20] =	vst v57  }
0x103: {  	[tilespmem:s15+$0xFA70] =	vst v60;
	v60 =	vld [tilespmem:s15+$0xFE70];
	v54 =	vadd.f32 v62, v9  }
0x104: {  	s19 =	sadd.s32 $0x10A00, s11;
	[tilespmem:s15+$0xFE00] =	vst v61;
	v61 =	vld [tilespmem:s15+$0x10200];
	v53 =	vadd.f32 v53, v44  }
0x105: {  	v62 =	vadd.f32 v56, v46;
	v56 =	vld [tilespmem:s19+$0x40];
	v52 =	vadd.f32 v52, v18;
	[tilespmem:s16+$0x30] =	vst v54  }
0x106: {  	v51 =	vadd.f32 v63, v48;
	[tilespmem:s15+$0xFE30] =	vst v53;
	v53 =	vld [tilespmem:s19+$0x50]  }
0x107: {  	v54 =	vld [tilespmem:s19+$0x60];
	[tilespmem:s11+$0x10A00] =	vst v52  }
0x108: {  	[tilespmem:s15+$0xFE60] =	vst v51;
	v63 =	vadd.f32 v60, v49;
	v60 =	vld [tilespmem:s19+$0x70]  }
0x109: {  	[tilespmem:s15+$0xFE40] =	vst v62;
	v61 =	vadd.f32 v61, v50;
	v62 =	vld [tilespmem:s19+$0x10]  }
0x10a: {  	[tilespmem:s15+$0xFE70] =	vst v63;
	v55 =	vld [tilespmem:s19+$0x20];
	v56 =	vadd.f32 v56, v17  }
0x10b: {  	[tilespmem:s15+$0x10200] =	vst v61;
	v52 =	vld [tilespmem:s19+$0x30];
	v63 =	vadd.f32 v53, v16  }
0x10c: {  	[tilespmem:s19+$0x40] =	vst v56;
	v54 =	vadd.f32 v54, v14;
	v53 =	vld [tilespmem:s16+$0x10]  }
0x10d: {  	v51 =	vld [tilespmem:s16+$0x20];
	[tilespmem:s19+$0x50] =	vst v63;
	v57 =	vadd.f32 v60, v15  }
0x10e: {  	s18 =	simm.s32 $0x3;
	v56 =	vadd.f32 v62, v13;
	[tilespmem:s19+$0x60] =	vst v54;
	v54 =	vld [tilespmem:s16+$0x40]  }
.LBB2_3:
0x10f: {  	p0 =	sne.s32 s18, $0x1F;
	s20 =	sadd.s32 $0x10200, s15;
	v55 =	vadd.f32 v55, v12;
	[tilespmem:s19+$0x70] =	vst v57;
	v57 =	vld [tilespmem:s16+$0x50]  }
0x110: {  	v58 =	vld [tilespmem:s20+$0x10];
	[tilespmem:s19+$0x10] =	vst v56;
	v52 =	vadd.f32 v52, v11  }
0x111: {  	v56 =	vld [tilespmem:s20+$0x20];
	[tilespmem:s19+$0x20] =	vst v55;
	v53 =	vadd.f32 v53, v8  }
0x112: {  	v55 =	vld [tilespmem:s20+$0x30];
	[tilespmem:s19+$0x30] =	vst v52;
	v51 =	vadd.f32 v51, v3  }
0x113: {  	v52 =	vld [tilespmem:s11+$0x10E00];
	[tilespmem:s16+$0x10] =	vst v53;
	v53 =	vadd.f32 v54, v5  }
0x114: {  	v54 =	vld [tilespmem:s20+$0x40];
	[tilespmem:s16+$0x20] =	vst v51;
	v51 =	vadd.f32 v57, v6  }
0x115: {  	s19 =	sshrl.u32 s18, $0x3;
	v57 =	vadd.f32 v58, v45;
	v58 =	vld [tilespmem:s20+$0x50];
	[tilespmem:s16+$0x40] =	vst v53  }
0x116: {  	s19 =	smul.u32 $0x6000, s19;
	v53 =	vadd.f32 v56, v43;
	v56 =	vld [tilespmem:s20+$0x60];
	[tilespmem:s16+$0x50] =	vst v51  }
0x117: {  	s17 =	sadd.s32 $0x80, s17;
	[tilespmem:s20+$0x10] =	vst v57;
	v51 =	vadd.f32 v55, v40;
	v55 =	vld [tilespmem:s20+$0x70]  }
0x118: {  	s21 =	sand.u32 $0x380, s17;
	s19 =	sshra.s32 s19, $0x2;
	[tilespmem:s20+$0x20] =	vst v53;
	v52 =	vadd.f32 v52, v10;
	v53 =	vld [tilespmem:s16+$0x60]  }
0x119: {  	s19 =	sor.u32 s21, s19;
	[tilespmem:s20+$0x30] =	vst v51;
	v51 =	vadd.f32 v54, v38;
	v54 =	vld [tilespmem:s16+$0x70]  }
0x11a: {  	s21 =	sadd.s32 $0x10E00, s11;
	v57 =	vld [tilespmem:s19+$0xFA00];
	v58 =	vadd.f32 v58, v36;
	[tilespmem:s11+$0x10E00] =	vst v52;
	s11 =	smov.u32 s15;
	s15 =	smov.u32 s19  }
0x11b: {  	[tilespmem:s20+$0x40] =	vst v51;
	v51 =	vadd.f32 v56, v33;
	v52 =	vld [tilespmem:s21+$0x30]  }
0x11c: {  	v56 =	vld [tilespmem:s15+$0xFA10];
	[tilespmem:s20+$0x50] =	vst v58;
	v55 =	vadd.f32 v55, v34  }
0x11d: {  	v58 =	vld [tilespmem:s15+$0xFA20];
	[tilespmem:s20+$0x60] =	vst v51;
	v51 =	vadd.f32 v53, v4  }
0x11e: {  	v53 =	vld [tilespmem:s15+$0xFA30];
	[tilespmem:s20+$0x70] =	vst v55;
	v54 =	vadd.f32 v54, v7  }
0x11f: {  	v55 =	vadd.f32 v57, v26;
	v57 =	vld [tilespmem:s11+$0x10600];
	[tilespmem:s16+$0x60] =	vst v51  }
0x120: {  	v51 =	vld [tilespmem:s15+$0xFA40];
	v52 =	vadd.f32 v52, v9;
	[tilespmem:s16+$0x70] =	vst v54;
	s16 =	smov.u32 s21  }
0x121: {  	[tilespmem:s15+$0xFA00] =	vst v55;
	v54 =	vadd.f32 v56, v27;
	v55 =	vld [tilespmem:s15+$0xFA50]  }
0x122: {  	s19 =	sadd.s32 $0x10600, s11;
	v56 =	vadd.f32 v58, v29;
	v58 =	vld [tilespmem:s15+$0xFA60];
	[tilespmem:s16+$0x30] =	vst v52  }
0x123: {  	[tilespmem:s15+$0xFA10] =	vst v54;
	v52 =	vadd.f32 v53, v30;
	v53 =	vld [tilespmem:s19+$0x40]  }
0x124: {  	[tilespmem:s15+$0xFA20] =	vst v56;
	v54 =	vadd.f32 v57, v28;
	v56 =	vld [tilespmem:s19+$0x50]  }
0x125: {  	[tilespmem:s15+$0xFA30] =	vst v52;
	v51 =	vadd.f32 v51, v31;
	v52 =	vld [tilespmem:s19+$0x60]  }
0x126: {  	v55 =	vadd.f32 v55, v32;
	[tilespmem:s11+$0x10600] =	vst v54;
	v54 =	vld [tilespmem:s19+$0x70]  }
0x127: {  	[tilespmem:s15+$0xFA40] =	vst v51;
	v51 =	vadd.f32 v58, v35;
	v57 =	vld [tilespmem:s19+$0x10]  }
0x128: {  	[tilespmem:s15+$0xFA50] =	vst v55;
	v55 =	vld [tilespmem:s19+$0x20];
	v53 =	vadd.f32 v53, v25  }
0x129: {  	[tilespmem:s15+$0xFA60] =	vst v51;
	v51 =	vld [tilespmem:s19+$0x30];
	v56 =	vadd.f32 v56, v24  }
0x12a: {  	v58 =	vld [tilespmem:s15+$0xFA70];
	[tilespmem:s19+$0x40] =	vst v53;
	v52 =	vadd.f32 v52, v22  }
0x12b: {  	v53 =	vld [tilespmem:s15+$0xFE00];
	[tilespmem:s19+$0x50] =	vst v56;
	v54 =	vadd.f32 v54, v23  }
0x12c: {  	v56 =	vld [tilespmem:s15+$0xFE10];
	v57 =	vadd.f32 v57, v21;
	[tilespmem:s19+$0x60] =	vst v52  }
0x12d: {  	v52 =	vld [tilespmem:s15+$0xFE20];
	v55 =	vadd.f32 v55, v20;
	[tilespmem:s19+$0x70] =	vst v54  }
0x12e: {  	v54 =	vld [tilespmem:s15+$0xFE30];
	[tilespmem:s19+$0x10] =	vst v57;
	v51 =	vadd.f32 v51, v19  }
0x12f: {  	v57 =	vadd.f32 v58, v37;
	v58 =	vld [tilespmem:s15+$0xFE40];
	[tilespmem:s19+$0x20] =	vst v55  }
0x130: {  	v53 =	vadd.f32 v53, v39;
	v55 =	vld [tilespmem:s15+$0xFE50];
	[tilespmem:s19+$0x30] =	vst v51  }
0x131: {  	[tilespmem:s15+$0xFA70] =	vst v57;
	v51 =	vadd.f32 v56, v41;
	v56 =	vld [tilespmem:s11+$0x10A00]  }
0x132: {  	[tilespmem:s15+$0xFE00] =	vst v53;
	v52 =	vadd.f32 v52, v42;
	v53 =	vld [tilespmem:s15+$0xFE60]  }
0x133: {  	[tilespmem:s15+$0xFE10] =	vst v51;
	v51 =	vadd.f32 v54, v44;
	v54 =	vld [tilespmem:s15+$0xFE70]  }
0x134: {  	s19 =	sadd.s32 $0x10A00, s11;
	[tilespmem:s15+$0xFE20] =	vst v52;
	v52 =	vadd.f32 v58, v46;
	v57 =	vld [tilespmem:s15+$0x10200]  }
0x135: {  	[tilespmem:s15+$0xFE30] =	vst v51;
	v51 =	vadd.f32 v55, v47;
	v58 =	vld [tilespmem:s19+$0x40]  }
0x136: {  	[tilespmem:s15+$0xFE40] =	vst v52;
	v52 =	vadd.f32 v56, v18;
	v56 =	vld [tilespmem:s19+$0x50]  }
0x137: {  	[tilespmem:s15+$0xFE50] =	vst v51;
	v51 =	vadd.f32 v53, v48;
	v53 =	vld [tilespmem:s19+$0x60]  }
0x138: {  	v54 =	vadd.f32 v54, v49;
	[tilespmem:s11+$0x10A00] =	vst v52;
	v59 =	vld [tilespmem:s19+$0x70]  }
0x139: {  	[tilespmem:s15+$0xFE60] =	vst v51;
	v51 =	vadd.f32 v57, v50;
	v60 =	vld [tilespmem:s19+$0x10]  }
.Ltmp0:
0x13a: {  	[tilespmem:s15+$0xFE70] =	vst v54;
	v55 =	vld [tilespmem:s19+$0x20];
	v54 =	vadd.f32 v58, v17;
	(pc) =	sbr.rel @p0 .LBB2_3-.Ltmp0, $4  }
0x13b: {  	[tilespmem:s15+$0x10200] =	vst v51;
	v52 =	vld [tilespmem:s19+$0x30];
	v51 =	vadd.f32 v56, v16  }
0x13c: {  	[tilespmem:s19+$0x40] =	vst v54;
	v54 =	vadd.f32 v53, v14;
	v53 =	vld [tilespmem:s16+$0x10]  }
0x13d: {  	[tilespmem:s19+$0x50] =	vst v51;
	v57 =	vadd.f32 v59, v15;
	v51 =	vld [tilespmem:s16+$0x20]  }
0x13e: {  	s18 =	sadd.s32 $0x1, s18;
	v56 =	vadd.f32 v60, v13;
	[tilespmem:s19+$0x60] =	vst v54;
	v54 =	vld [tilespmem:s16+$0x40]  }
0x13f: {  	s17 =	sadd.s32 $0x10200, s15  }
0x140: {  	v26 =	vld [tilespmem:s17+$0x10]  }
0x141: {  	v27 =	vld [tilespmem:s17+$0x20]  }
0x142: {  	v29 =	vld [tilespmem:s17+$0x30]  }
0x143: {  	v30 =	vld [tilespmem:s17+$0x40]  }
0x144: {  	v31 =	vld [tilespmem:s17+$0x50]  }
0x145: {  	v32 =	vld [tilespmem:s17+$0x60];
	v26 =	vadd.f32 v26, v45  }
0x146: {  	v35 =	vld [tilespmem:s17+$0x70];
	v27 =	vadd.f32 v27, v43  }
0x147: {  	[tilespmem:s17+$0x10] =	vst v26;
	v26 =	vadd.f32 v29, v40  }
0x148: {  	[tilespmem:s17+$0x20] =	vst v27;
	v27 =	vadd.f32 v30, v38  }
0x149: {  	[tilespmem:s17+$0x30] =	vst v26;
	v26 =	vadd.f32 v31, v36  }
0x14a: {  	[tilespmem:s17+$0x40] =	vst v27;
	v27 =	vadd.f32 v32, v33  }
0x14b: {  	[tilespmem:s17+$0x50] =	vst v26;
	v26 =	vadd.f32 v35, v34  }
0x14c: {  	[tilespmem:s17+$0x60] =	vst v27  }
0x14d: {  	[tilespmem:s17+$0x70] =	vst v26  }
0x14e: {  	v26 =	vld [tilespmem:s15+$0x10600];
	_ =	sdelay $0x3  }
0x14f: {  	s18 =	sadd.s32 $0x10600, s15  }
0x150: {  	v27 =	vld [tilespmem:s18+$0x40];
	v26 =	vadd.f32 v26, v28  }
0x151: {  	v29 =	vld [tilespmem:s18+$0x60]  }
0x152: {  	v28 =	vld [tilespmem:s18+$0x50];
	[tilespmem:s15+$0x10600] =	vst v26  }
0x153: {  	v26 =	vld [tilespmem:s18+$0x70]  }
0x154: {  	v30 =	vld [tilespmem:s18+$0x10]  }
0x155: {  	v25 =	vadd.f32 v27, v25;
	v31 =	vld [tilespmem:s18+$0x20]  }
0x156: {  	v22 =	vadd.f32 v29, v22;
	v27 =	vld [tilespmem:s18+$0x30]  }
0x157: {  	[tilespmem:s18+$0x40] =	vst v25;
	v24 =	vadd.f32 v28, v24  }
0x158: {  	[tilespmem:s18+$0x60] =	vst v22;
	v23 =	vadd.f32 v26, v23  }
0x159: {  	[tilespmem:s18+$0x50] =	vst v24;
	v21 =	vadd.f32 v30, v21  }
0x15a: {  	v20 =	vadd.f32 v31, v20;
	[tilespmem:s18+$0x70] =	vst v23  }
0x15b: {  	v19 =	vadd.f32 v27, v19;
	[tilespmem:s18+$0x10] =	vst v21  }
0x15c: {  	[tilespmem:s18+$0x20] =	vst v20  }
0x15d: {  	[tilespmem:s18+$0x30] =	vst v19  }
0x15e: {  	v19 =	vld [tilespmem:s15+$0x10A00];
	_ =	sdelay $0x2  }
0x15f: {  	[tilespmem:s19+$0x70] =	vst v57;
	v22 =	vadd.f32 v52, v11;
	v21 =	vld [tilespmem:s16+$0x50]  }
0x160: {  	s20 =	sadd.s32 $0x10A00, s15;
	[tilespmem:s19+$0x10] =	vst v56;
	v20 =	vadd.f32 v55, v12  }
0x161: {  	[tilespmem:s19+$0x30] =	vst v22;
	v23 =	vld [tilespmem:s20+$0x40];
	v18 =	vadd.f32 v19, v18  }
0x162: {  	v22 =	vld [tilespmem:s20+$0x60];
	[tilespmem:s19+$0x20] =	vst v20;
	v20 =	vadd.f32 v53, v8  }
0x163: {  	v24 =	vadd.f32 v51, v3;
	v19 =	vld [tilespmem:s20+$0x50];
	[tilespmem:s15+$0x10A00] =	vst v18  }
0x164: {  	[tilespmem:s16+$0x10] =	vst v20;
	v21 =	vadd.f32 v21, v6;
	v20 =	vld [tilespmem:s20+$0x70]  }
0x165: {  	[tilespmem:s16+$0x20] =	vst v24;
	v18 =	vadd.f32 v54, v5;
	v24 =	vld [tilespmem:s20+$0x10]  }
0x166: {  	v17 =	vadd.f32 v23, v17;
	[tilespmem:s16+$0x50] =	vst v21;
	v21 =	vld [tilespmem:s20+$0x30]  }
0x167: {  	v14 =	vadd.f32 v22, v14;
	[tilespmem:s16+$0x40] =	vst v18;
	v18 =	vld [tilespmem:s20+$0x20]  }
0x168: {  	[tilespmem:s20+$0x40] =	vst v17;
	v16 =	vadd.f32 v19, v16;
	v19 =	vld [tilespmem:s11+$0x10E00]  }
0x169: {  	[tilespmem:s20+$0x60] =	vst v14;
	v15 =	vadd.f32 v20, v15  }
0x16a: {  	[tilespmem:s20+$0x50] =	vst v16;
	v13 =	vadd.f32 v24, v13  }
0x16b: {  	v11 =	vadd.f32 v21, v11;
	[tilespmem:s20+$0x70] =	vst v15  }
0x16c: {  	v12 =	vadd.f32 v18, v12;
	[tilespmem:s20+$0x10] =	vst v13  }
0x16d: {  	v14 =	vld [tilespmem:s16+$0x60];
	v13 =	vadd.f32 v19, v10;
	[tilespmem:s20+$0x30] =	vst v11  }
0x16e: {  	[tilespmem:s20+$0x20] =	vst v12;
	v12 =	vld [tilespmem:s16+$0x70]  }
0x16f: {  	s21 =	sadd.s32 $0x10E00, s11;
	[tilespmem:s11+$0x10E00] =	vst v13;
	v11 =	vld [tilespmem:s15+$0x10E00]  }
0x170: {  	v13 =	vld [tilespmem:s21+$0x30]  }
0x171: {  	v15 =	vld [tilespmem:s21+$0x10]  }
0x172: {  	v14 =	vadd.f32 v14, v4;
	v16 =	vld [tilespmem:s21+$0x20]  }
0x173: {  	v17 =	vld [tilespmem:s21+$0x40];
	v12 =	vadd.f32 v12, v7  }
0x174: {  	[tilespmem:s16+$0x60] =	vst v14;
	v14 =	vld [tilespmem:s21+$0x50];
	v10 =	vadd.f32 v11, v10  }
0x175: {  	v11 =	vadd.f32 v13, v9;
	[tilespmem:s16+$0x70] =	vst v12;
	v12 =	vld [tilespmem:s21+$0x60]  }
0x176: {  	v13 =	vadd.f32 v15, v8;
	v15 =	vld [tilespmem:s21+$0x70];
	s16 =	sadd.s32 $0x10E00, s15;
	[tilespmem:s15+$0x10E00] =	vst v10  }
0x177: {  	v10 =	vadd.f32 v16, v3;
	[tilespmem:s21+$0x30] =	vst v11;
	v11 =	vld [tilespmem:s16+$0x30]  }
0x178: {  	[tilespmem:s21+$0x10] =	vst v13;
	v13 =	vadd.f32 v17, v5;
	v16 =	vld [tilespmem:s16+$0x10]  }
0x179: {  	[tilespmem:s21+$0x20] =	vst v10;
	v10 =	vadd.f32 v14, v6;
	v14 =	vld [tilespmem:s16+$0x20]  }
0x17a: {  	[tilespmem:s21+$0x40] =	vst v13;
	v13 =	vld [tilespmem:s16+$0x40];
	v12 =	vadd.f32 v12, v4  }
0x17b: {  	[tilespmem:s21+$0x50] =	vst v10;
	v10 =	vadd.f32 v15, v7;
	v15 =	vld [tilespmem:s16+$0x50]  }
0x17c: {  	[tilespmem:s21+$0x60] =	vst v12;
	v9 =	vadd.f32 v11, v9;
	v11 =	vld [tilespmem:s16+$0x60]  }
0x17d: {  	[tilespmem:s21+$0x70] =	vst v10;
	v8 =	vadd.f32 v16, v8;
	v10 =	vld [tilespmem:s16+$0x70]  }
0x17e: {  	v3 =	vadd.f32 v14, v3;
	[tilespmem:s16+$0x30] =	vst v9  }
0x17f: {  	[tilespmem:s16+$0x10] =	vst v8;
	v5 =	vadd.f32 v13, v5  }
0x180: {  	s17 =	smul.u32 $0x180000, s31;
	[tilespmem:s16+$0x20] =	vst v3;
	v3 =	vadd.f32 v15, v6  }
0x181: {  	[tilespmem:s16+$0x40] =	vst v5;
	v4 =	vadd.f32 v11, v4  }
0x182: {  	s15 =	sadd.s32 s9, s17;
	[tilespmem:s16+$0x50] =	vst v3;
	v3 =	vadd.f32 v10, v7  }
0x183: {  	s15 =	sshrl.u32 s15, $0x3;
	[tilespmem:s16+$0x60] =	vst v4  }
0x184: {  	s19 =	simm.s32 $0x0;
	s11 =	sshllo.u32 s31, $0x1;
	s18 =	sadd.s32 s4, s15;
	[tilespmem:s16+$0x70] =	vst v3  }
0x185: {  	[hbm4b:s18+s19] =	stream.linear.scatter [tilespmem:s14], [sflag:$0x3], $0x6000, $0x38;
	[tilespmem:$0x1BA00] =	vst v63  }
0x186: {  	s20 =	sshll.u32 s11, $0x7;
	_ =	swait.ge [sflag:s28], $0x6000  }
0x187: {  	s16 =	sand.u32 $0x380, s20;
	[sflag:s28] =	ssyncset.done $0x0  }
0x188: {  	s0 =	sadd.s32 s16, s0;
	[sflag:s28] =	ssyncadd.s32 $0xFFFFA000  }
0x189: {  	v40 =	vld [tilespmem:s0+$0x0]  }
0x18a: {  	v33 =	vld [tilespmem:s0+$0x10]  }
0x18b: {  	v31 =	vld [tilespmem:s0+$0x20]  }
0x18c: {  	v30 =	vld [tilespmem:s0+$0x30]  }
0x18d: {  	v44 =	vld [tilespmem:s0+$0x40]  }
0x18e: {  	v45 =	vld [tilespmem:s0+$0x50]  }
0x18f: {  	v47 =	vld [tilespmem:s0+$0x60]  }
0x190: {  	v48 =	vld [tilespmem:s0+$0x70]  }
0x191: {  	v50 =	vld [tilespmem:s0+$0x400]  }
0x192: {  	v49 =	vld [tilespmem:s0+$0x410]  }
0x193: {  	v46 =	vld [tilespmem:s0+$0x420]  }
0x194: {  	v43 =	vld [tilespmem:s0+$0x430]  }
0x195: {  	v42 =	vld [tilespmem:s0+$0x440]  }
0x196: {  	v41 =	vld [tilespmem:s0+$0x450]  }
0x197: {  	v39 =	vld [tilespmem:s0+$0x460]  }
0x198: {  	s21 =	sadd.s32 s16, s3;
	v38 =	vld [tilespmem:s0+$0x470]  }
0x199: {  	v37 =	vld [tilespmem:s21+$0x0]  }
0x19a: {  	v28 =	vld [tilespmem:s21+$0x10]  }
0x19b: {  	v29 =	vld [tilespmem:s21+$0x20]  }
0x19c: {  	v27 =	vld [tilespmem:s21+$0x30]  }
0x19d: {  	v36 =	vld [tilespmem:s21+$0x40]  }
0x19e: {  	v35 =	vld [tilespmem:s21+$0x50]  }
0x19f: {  	v34 =	vld [tilespmem:s21+$0x60]  }
0x1a0: {  	s3 =	sadd.s32 s16, s13;
	v32 =	vld [tilespmem:s21+$0x70]  }
0x1a1: {  	v26 =	vld [tilespmem:s3+$0x0]  }
0x1a2: {  	v21 =	vld [tilespmem:s3+$0x10]  }
0x1a3: {  	v20 =	vld [tilespmem:s3+$0x20]  }
0x1a4: {  	v19 =	vld [tilespmem:s3+$0x30]  }
0x1a5: {  	v25 =	vld [tilespmem:s3+$0x40]  }
0x1a6: {  	v24 =	vld [tilespmem:s3+$0x50]  }
0x1a7: {  	v23 =	vld [tilespmem:s3+$0x60]  }
0x1a8: {  	s13 =	sadd.s32 s16, s6;
	v22 =	vld [tilespmem:s3+$0x70]  }
0x1a9: {  	v18 =	vld [tilespmem:s13+$0x0]  }
0x1aa: {  	v13 =	vld [tilespmem:s13+$0x10]  }
0x1ab: {  	v12 =	vld [tilespmem:s13+$0x20]  }
0x1ac: {  	v11 =	vld [tilespmem:s13+$0x30]  }
0x1ad: {  	v17 =	vld [tilespmem:s13+$0x40]  }
0x1ae: {  	v16 =	vld [tilespmem:s13+$0x50]  }
0x1af: {  	v15 =	vld [tilespmem:s13+$0x60]  }
0x1b0: {  	s17 =	sadd.s32 s16, s10;
	v14 =	vld [tilespmem:s13+$0x70]  }
0x1b1: {  	v10 =	vld [tilespmem:s17+$0x0]  }
0x1b2: {  	s18 =	simm.s32 $0x0;
	v6 =	vld [tilespmem:s17+$0x10]  }
0x1b3: {  	v3 =	vld [tilespmem:s17+$0x20];
	s3 =	smul.u32 $0x6000, s18  }
0x1b4: {  	v9 =	vld [tilespmem:s17+$0x30]  }
0x1b5: {  	s19 =	sand.u32 $0x380, s19;
	v7 =	vld [tilespmem:s17+$0x40];
	s3 =	sshra.s32 s3, $0x2  }
0x1b6: {  	v4 =	vld [tilespmem:s17+$0x50];
	s3 =	sor.u32 s19, s3  }
0x1b7: {  	v60 =	vld [tilespmem:s3+$0x15A00]  }
0x1b8: {  	v5 =	vld [tilespmem:s17+$0x60];
	s20 =	sadd.s32 $0x15A00, s3  }
0x1b9: {  	v61 =	vld [tilespmem:s20+$0x40]  }
0x1ba: {  	v62 =	vld [tilespmem:s20+$0x50]  }
0x1bb: {  	v63 =	vld [tilespmem:s20+$0x60]  }
0x1bc: {  	v8 =	vld [tilespmem:s17+$0x70];
	v51 =	vadd.f32 v60, v40  }
0x1bd: {  	v56 =	vld [tilespmem:s20+$0x400]  }
0x1be: {  	v60 =	vld [tilespmem:s20+$0x70];
	[tilespmem:s3+$0x15A00] =	vst v51  }
0x1bf: {  	v61 =	vadd.f32 v61, v44;
	v52 =	vld [tilespmem:s20+$0x410]  }
0x1c0: {  	v53 =	vadd.f32 v62, v45;
	v62 =	vadd.f32 v63, v47;
	v57 =	vld [tilespmem:s20+$0x420]  }
0x1c1: {  	[tilespmem:s20+$0x40] =	vst v61;
	v54 =	vld [tilespmem:s20+$0x430]  }
0x1c2: {  	[tilespmem:s20+$0x60] =	vst v62;
	v61 =	vadd.f32 v56, v50;
	v62 =	vld [tilespmem:s20+$0x450]  }
0x1c3: {  	[tilespmem:s20+$0x50] =	vst v53;
	v53 =	vld [tilespmem:s20+$0x460];
	v63 =	vadd.f32 v60, v48  }
0x1c4: {  	v60 =	vld [tilespmem:s20+$0x440];
	[tilespmem:s20+$0x400] =	vst v61;
	v52 =	vadd.f32 v52, v49  }
0x1c5: {  	v61 =	vld [tilespmem:s20+$0x20];
	[tilespmem:s20+$0x70] =	vst v63;
	v63 =	vadd.f32 v57, v46  }
0x1c6: {  	v57 =	vld [tilespmem:s20+$0x470];
	v59 =	vadd.f32 v54, v43;
	[tilespmem:s20+$0x410] =	vst v52  }
0x1c7: {  	v54 =	vld [tilespmem:s20+$0x10];
	v62 =	vadd.f32 v62, v41;
	[tilespmem:s20+$0x420] =	vst v63  }
0x1c8: {  	v58 =	vadd.f32 v53, v39;
	[tilespmem:s20+$0x430] =	vst v59;
	v63 =	vld [tilespmem:s20+$0x30]  }
0x1c9: {  	v60 =	vadd.f32 v60, v42;
	[tilespmem:s20+$0x450] =	vst v62  }
0x1ca: {  	[tilespmem:s20+$0x460] =	vst v58;
	v61 =	vadd.f32 v61, v31  }
0x1cb: {  	[tilespmem:s20+$0x440] =	vst v60;
	v59 =	vadd.f32 v57, v38  }
0x1cc: {  	[tilespmem:s20+$0x20] =	vst v61;
	v60 =	vadd.f32 v54, v33  }
0x1cd: {  	[tilespmem:s20+$0x470] =	vst v59;
	v62 =	vadd.f32 v63, v30  }
0x1ce: {  	[tilespmem:s20+$0x10] =	vst v60  }
0x1cf: {  	[tilespmem:s20+$0x30] =	vst v62  }
0x1d0: {  	v51 =	vld [tilespmem:s3+$0x16200];
	_ =	sdelay $0x3  }
0x1d1: {  	s21 =	sadd.s32 $0x16200, s3  }
0x1d2: {  	v52 =	vld [tilespmem:s21+$0x40];
	v51 =	vadd.f32 v51, v37  }
0x1d3: {  	v63 =	vld [tilespmem:s21+$0x50]  }
0x1d4: {  	v60 =	vld [tilespmem:s21+$0x60];
	[tilespmem:s3+$0x16200] =	vst v51  }
0x1d5: {  	v51 =	vld [tilespmem:s21+$0x70]  }
0x1d6: {  	v61 =	vld [tilespmem:s21+$0x10]  }
0x1d7: {  	v52 =	vadd.f32 v52, v36;
	v62 =	vld [tilespmem:s21+$0x20]  }
0x1d8: {  	s13 =	simm.s32 $0x0;
	v53 =	vadd.f32 v63, v35;
	v63 =	vld [tilespmem:s21+$0x30]  }
0x1d9: {  	s0 =	smul.u32 $0x6000, s13;
	v59 =	vadd.f32 v60, v34;
	[tilespmem:s21+$0x40] =	vst v52  }
0x1da: {  	s15 =	simm.s32 $0x80;
	[tilespmem:s21+$0x50] =	vst v53;
	v51 =	vadd.f32 v51, v32  }
0x1db: {  	s6 =	sand.u32 $0x380, s15;
	s0 =	sshra.s32 s0, $0x2;
	[tilespmem:s21+$0x60] =	vst v59;
	v60 =	vadd.f32 v61, v28  }
0x1dc: {  	s0 =	sor.u32 s6, s0;
	v61 =	vadd.f32 v62, v29;
	[tilespmem:s21+$0x70] =	vst v51  }
0x1dd: {  	s6 =	sadd.s32 $0x15A00, s0;
	v62 =	vadd.f32 v63, v27;
	[tilespmem:s21+$0x10] =	vst v60  }
0x1de: {  	v57 =	vld [tilespmem:s6+$0x400];
	[tilespmem:s21+$0x20] =	vst v61  }
0x1df: {  	v51 =	vld [tilespmem:s0+$0x15A00];
	[tilespmem:s21+$0x30] =	vst v62  }
0x1e0: {  	v52 =	vld [tilespmem:s3+$0x16600]  }
0x1e1: {  	v63 =	vld [tilespmem:s6+$0x40]  }
0x1e2: {  	v60 =	vld [tilespmem:s6+$0x50]  }
0x1e3: {  	v61 =	vld [tilespmem:s6+$0x60]  }
0x1e4: {  	s16 =	sadd.s32 $0x16600, s3;
	v62 =	vld [tilespmem:s6+$0x70];
	v51 =	vadd.f32 v51, v40  }
0x1e5: {  	v58 =	vld [tilespmem:s16+$0x40];
	v52 =	vadd.f32 v52, v26  }
0x1e6: {  	v59 =	vld [tilespmem:s16+$0x50];
	v54 =	vadd.f32 v63, v44;
	[tilespmem:s0+$0x15A00] =	vst v51  }
0x1e7: {  	v63 =	vadd.f32 v60, v45;
	v51 =	vld [tilespmem:s16+$0x60];
	[tilespmem:s3+$0x16600] =	vst v52  }
0x1e8: {  	v60 =	vadd.f32 v61, v47;
	[tilespmem:s6+$0x40] =	vst v54  }
0x1e9: {  	v61 =	vadd.f32 v62, v48;
	[tilespmem:s6+$0x50] =	vst v63;
	v54 =	vld [tilespmem:s16+$0x70]  }
0x1ea: {  	v57 =	vadd.f32 v57, v50;
	[tilespmem:s6+$0x60] =	vst v60;
	v55 =	vld [tilespmem:s16+$0x10]  }
0x1eb: {  	v62 =	vadd.f32 v58, v25;
	[tilespmem:s6+$0x70] =	vst v61;
	v53 =	vld [tilespmem:s16+$0x20]  }
0x1ec: {  	v63 =	vadd.f32 v59, v24;
	[tilespmem:s6+$0x400] =	vst v57;
	v52 =	vld [tilespmem:s16+$0x30]  }
0x1ed: {  	v60 =	vld [tilespmem:s6+$0x410];
	[tilespmem:s16+$0x40] =	vst v62;
	v51 =	vadd.f32 v51, v23  }
0x1ee: {  	v61 =	vld [tilespmem:s6+$0x420];
	[tilespmem:s16+$0x50] =	vst v63;
	v54 =	vadd.f32 v54, v22  }
0x1ef: {  	v62 =	vld [tilespmem:s6+$0x440];
	[tilespmem:s16+$0x60] =	vst v51;
	v55 =	vadd.f32 v55, v21  }
0x1f0: {  	v63 =	vld [tilespmem:s6+$0x450];
	v53 =	vadd.f32 v53, v20;
	[tilespmem:s16+$0x70] =	vst v54  }
0x1f1: {  	v52 =	vadd.f32 v52, v19;
	[tilespmem:s16+$0x10] =	vst v55  }
0x1f2: {  	v57 =	vld [tilespmem:s6+$0x20];
	[tilespmem:s16+$0x20] =	vst v53  }
0x1f3: {  	v56 =	vadd.f32 v60, v49;
	v53 =	vld [tilespmem:s6+$0x460];
	[tilespmem:s16+$0x30] =	vst v52  }
0x1f4: {  	v60 =	vadd.f32 v61, v46;
	v61 =	vld [tilespmem:s3+$0x16A00]  }
0x1f5: {  	[tilespmem:s6+$0x410] =	vst v56;
	v52 =	vld [tilespmem:s6+$0x470];
	v54 =	vadd.f32 v62, v42;
	v62 =	vadd.f32 v63, v41  }
0x1f6: {  	v56 =	vld [tilespmem:s6+$0x10];
	[tilespmem:s6+$0x420] =	vst v60  }
0x1f7: {  	v51 =	vld [tilespmem:s6+$0x430];
	[tilespmem:s6+$0x450] =	vst v62;
	v62 =	vadd.f32 v57, v31  }
0x1f8: {  	s17 =	sadd.s32 $0x16A00, s3;
	v63 =	vld [tilespmem:s6+$0x30];
	[tilespmem:s6+$0x440] =	vst v54;
	v53 =	vadd.f32 v53, v39  }
0x1f9: {  	v54 =	vld [tilespmem:s17+$0x40];
	[tilespmem:s6+$0x20] =	vst v62;
	v60 =	vadd.f32 v61, v18  }
0x1fa: {  	v52 =	vadd.f32 v52, v38;
	v61 =	vld [tilespmem:s17+$0x50];
	[tilespmem:s6+$0x460] =	vst v53  }
0x1fb: {  	v56 =	vadd.f32 v56, v33;
	v53 =	vld [tilespmem:s17+$0x60];
	[tilespmem:s3+$0x16A00] =	vst v60  }
0x1fc: {  	v51 =	vadd.f32 v51, v43;
	[tilespmem:s6+$0x470] =	vst v52;
	v52 =	vld [tilespmem:s17+$0x70]  }
0x1fd: {  	v55 =	vadd.f32 v63, v30;
	[tilespmem:s6+$0x10] =	vst v56;
	v56 =	vld [tilespmem:s17+$0x10]  }
0x1fe: {  	[tilespmem:s6+$0x430] =	vst v51;
	v54 =	vadd.f32 v54, v17;
	v63 =	vld [tilespmem:s17+$0x20]  }
0x1ff: {  	[tilespmem:s6+$0x30] =	vst v55;
	v60 =	vld [tilespmem:s17+$0x30];
	v61 =	vadd.f32 v61, v16  }
0x200: {  	v62 =	vld [tilespmem:s0+$0x16200];
	[tilespmem:s17+$0x40] =	vst v54;
	v53 =	vadd.f32 v53, v15  }
0x201: {  	[tilespmem:s17+$0x50] =	vst v61;
	v52 =	vadd.f32 v52, v14  }
0x202: {  	v56 =	vadd.f32 v56, v13;
	[tilespmem:s17+$0x60] =	vst v53  }
0x203: {  	s18 =	sadd.s32 $0x16200, s0;
	v51 =	vadd.f32 v63, v12;
	[tilespmem:s17+$0x70] =	vst v52  }
0x204: {  	v55 =	vld [tilespmem:s18+$0x50];
	v59 =	vadd.f32 v60, v11;
	[tilespmem:s17+$0x10] =	vst v56  }
0x205: {  	v61 =	vld [tilespmem:s18+$0x60];
	v60 =	vadd.f32 v62, v37;
	[tilespmem:s17+$0x20] =	vst v51  }
0x206: {  	v63 =	vld [tilespmem:s18+$0x40];
	[tilespmem:s17+$0x30] =	vst v59  }
0x207: {  	[tilespmem:s0+$0x16200] =	vst v60;
	v53 =	vld [tilespmem:s3+$0x16E00]  }
0x208: {  	v51 =	vld [tilespmem:s18+$0x70]  }
0x209: {  	v55 =	vadd.f32 v55, v35;
	v62 =	vld [tilespmem:s18+$0x10]  }
0x20a: {  	v58 =	vld [tilespmem:s18+$0x30];
	v60 =	vadd.f32 v61, v34  }
0x20b: {  	[tilespmem:s18+$0x50] =	vst v55;
	v52 =	vadd.f32 v63, v36;
	v63 =	vld [tilespmem:s18+$0x20]  }
0x20c: {  	s19 =	simm.s32 $0x0;
	[tilespmem:s18+$0x60] =	vst v60;
	v53 =	vadd.f32 v53, v10  }
0x20d: {  	s6 =	smul.u32 $0x6000, s19;
	[tilespmem:s18+$0x40] =	vst v52;
	v51 =	vadd.f32 v51, v32  }
0x20e: {  	s10 =	simm.s32 $0x100;
	v61 =	vadd.f32 v62, v28;
	[tilespmem:s3+$0x16E00] =	vst v53  }
0x20f: {  	s20 =	sand.u32 $0x380, s10;
	s21 =	sshra.s32 s6, $0x2;
	s6 =	sadd.s32 $0x16E00, s3;
	v60 =	vadd.f32 v58, v27;
	[tilespmem:s18+$0x70] =	vst v51  }
0x210: {  	s3 =	sor.u32 s20, s21;
	v62 =	vadd.f32 v63, v29;
	[tilespmem:s18+$0x10] =	vst v61;
	v63 =	vld [tilespmem:s6+$0x30]  }
0x211: {  	[tilespmem:s18+$0x30] =	vst v60;
	s15 =	sadd.s32 $0x15A00, s3;
	v54 =	vld [tilespmem:s3+$0x15A00]  }
0x212: {  	v61 =	vld [tilespmem:s15+$0x40];
	[tilespmem:s18+$0x20] =	vst v62  }
0x213: {  	v52 =	vld [tilespmem:s0+$0x16600]  }
0x214: {  	v53 =	vld [tilespmem:s15+$0x50]  }
0x215: {  	v62 =	vld [tilespmem:s15+$0x60];
	v51 =	vadd.f32 v63, v9  }
0x216: {  	v63 =	vld [tilespmem:s15+$0x70];
	v54 =	vadd.f32 v54, v40  }
0x217: {  	s16 =	sadd.s32 $0x16600, s0;
	v60 =	vld [tilespmem:s15+$0x400];
	v55 =	vadd.f32 v61, v44;
	[tilespmem:s6+$0x30] =	vst v51  }
0x218: {  	v61 =	vld [tilespmem:s16+$0x40];
	[tilespmem:s3+$0x15A00] =	vst v54;
	v52 =	vadd.f32 v52, v26  }
0x219: {  	v53 =	vadd.f32 v53, v45;
	v54 =	vld [tilespmem:s16+$0x50];
	[tilespmem:s15+$0x40] =	vst v55  }
0x21a: {  	v56 =	vadd.f32 v62, v47;
	v55 =	vld [tilespmem:s16+$0x60];
	[tilespmem:s0+$0x16600] =	vst v52  }
0x21b: {  	[tilespmem:s15+$0x50] =	vst v53;
	v62 =	vadd.f32 v63, v48;
	v53 =	vld [tilespmem:s16+$0x70]  }
0x21c: {  	[tilespmem:s15+$0x60] =	vst v56;
	v63 =	vadd.f32 v60, v50;
	v58 =	vld [tilespmem:s16+$0x10]  }
0x21d: {  	v60 =	vld [tilespmem:s16+$0x20];
	v51 =	vadd.f32 v61, v25;
	[tilespmem:s15+$0x70] =	vst v62  }
0x21e: {  	v61 =	vld [tilespmem:s16+$0x30];
	[tilespmem:s15+$0x400] =	vst v63;
	v54 =	vadd.f32 v54, v24  }
0x21f: {  	v56 =	vld [tilespmem:s15+$0x410];
	[tilespmem:s16+$0x40] =	vst v51;
	v62 =	vadd.f32 v55, v23  }
0x220: {  	v57 =	vld [tilespmem:s15+$0x420];
	[tilespmem:s16+$0x50] =	vst v54;
	v63 =	vadd.f32 v53, v22  }
0x221: {  	v54 =	vld [tilespmem:s15+$0x430];
	v58 =	vadd.f32 v58, v21;
	[tilespmem:s16+$0x60] =	vst v62  }
0x222: {  	v53 =	vld [tilespmem:s15+$0x440];
	v52 =	vadd.f32 v60, v20;
	[tilespmem:s16+$0x70] =	vst v63  }
0x223: {  	s13 =	simm.s32 $0x3;
	v55 =	vld [tilespmem:s15+$0x450];
	v51 =	vadd.f32 v61, v19;
	[tilespmem:s16+$0x10] =	vst v58  }
.LBB2_5:
0x224: {  	p0 =	sne.s32 s13, $0x1F;
	v56 =	vadd.f32 v56, v49;
	v58 =	vld [tilespmem:s15+$0x460];
	[tilespmem:s16+$0x20] =	vst v52  }
0x225: {  	v52 =	vadd.f32 v57, v46;
	v57 =	vld [tilespmem:s15+$0x470];
	[tilespmem:s16+$0x30] =	vst v51  }
0x226: {  	[tilespmem:s15+$0x410] =	vst v56;
	v51 =	vadd.f32 v54, v43;
	v54 =	vld [tilespmem:s0+$0x16A00]  }
0x227: {  	v56 =	vld [tilespmem:s15+$0x10];
	[tilespmem:s15+$0x420] =	vst v52;
	v52 =	vadd.f32 v53, v42  }
0x228: {  	v53 =	vld [tilespmem:s15+$0x20];
	[tilespmem:s15+$0x430] =	vst v51;
	v51 =	vadd.f32 v55, v41  }
0x229: {  	s17 =	sadd.s32 $0x16A00, s0;
	v55 =	vld [tilespmem:s15+$0x30];
	[tilespmem:s15+$0x440] =	vst v52;
	v52 =	vadd.f32 v58, v39  }
0x22a: {  	[tilespmem:s15+$0x450] =	vst v51;
	v51 =	vadd.f32 v57, v38;
	v57 =	vld [tilespmem:s17+$0x40]  }
0x22b: {  	[tilespmem:s15+$0x460] =	vst v52;
	v52 =	vadd.f32 v54, v18;
	v54 =	vld [tilespmem:s17+$0x50]  }
0x22c: {  	v56 =	vadd.f32 v56, v33;
	[tilespmem:s15+$0x470] =	vst v51;
	v51 =	vld [tilespmem:s17+$0x60]  }
0x22d: {  	v53 =	vadd.f32 v53, v31;
	[tilespmem:s0+$0x16A00] =	vst v52;
	v52 =	vld [tilespmem:s17+$0x70]  }
0x22e: {  	[tilespmem:s15+$0x10] =	vst v56;
	v55 =	vadd.f32 v55, v30;
	v56 =	vld [tilespmem:s17+$0x10]  }
0x22f: {  	[tilespmem:s15+$0x20] =	vst v53;
	v53 =	vld [tilespmem:s17+$0x20];
	v57 =	vadd.f32 v57, v17  }
0x230: {  	[tilespmem:s15+$0x30] =	vst v55;
	v55 =	vld [tilespmem:s17+$0x30];
	v54 =	vadd.f32 v54, v16  }
0x231: {  	[tilespmem:s17+$0x40] =	vst v57;
	v51 =	vadd.f32 v51, v15;
	v57 =	vld [tilespmem:s6+$0x10]  }
0x232: {  	v58 =	vld [tilespmem:s3+$0x16200];
	[tilespmem:s17+$0x50] =	vst v54;
	v52 =	vadd.f32 v52, v14  }
0x233: {  	v54 =	vadd.f32 v56, v13;
	[tilespmem:s17+$0x60] =	vst v51;
	v51 =	vld [tilespmem:s6+$0x20]  }
0x234: {  	s16 =	sadd.s32 $0x16200, s3;
	v53 =	vadd.f32 v53, v12;
	[tilespmem:s17+$0x70] =	vst v52;
	v52 =	vld [tilespmem:s6+$0x40]  }
0x235: {  	v56 =	vld [tilespmem:s16+$0x40];
	[tilespmem:s17+$0x10] =	vst v54;
	v54 =	vadd.f32 v55, v11  }
0x236: {  	v55 =	vld [tilespmem:s16+$0x50];
	[tilespmem:s17+$0x20] =	vst v53;
	v53 =	vadd.f32 v57, v6  }
0x237: {  	v57 =	vadd.f32 v58, v37;
	v58 =	vld [tilespmem:s16+$0x60];
	[tilespmem:s17+$0x30] =	vst v54  }
0x238: {  	v54 =	vld [tilespmem:s0+$0x16E00];
	[tilespmem:s6+$0x10] =	vst v53;
	v51 =	vadd.f32 v51, v3  }
0x239: {  	[tilespmem:s3+$0x16200] =	vst v57;
	v53 =	vld [tilespmem:s16+$0x70];
	v52 =	vadd.f32 v52, v7  }
0x23a: {  	v57 =	vld [tilespmem:s16+$0x10];
	v56 =	vadd.f32 v56, v36;
	[tilespmem:s6+$0x20] =	vst v51  }
0x23b: {  	v51 =	vld [tilespmem:s16+$0x20];
	v55 =	vadd.f32 v55, v35;
	[tilespmem:s6+$0x40] =	vst v52  }
0x23c: {  	s15 =	sshrl.u32 s13, $0x3;
	v52 =	vld [tilespmem:s16+$0x30];
	[tilespmem:s16+$0x40] =	vst v56;
	v56 =	vadd.f32 v58, v34  }
0x23d: {  	s15 =	smul.u32 $0x6000, s15;
	[tilespmem:s16+$0x50] =	vst v55;
	v54 =	vadd.f32 v54, v10;
	v55 =	vld [tilespmem:s6+$0x50]  }
0x23e: {  	s10 =	sadd.s32 $0x80, s10;
	[tilespmem:s16+$0x60] =	vst v56;
	v53 =	vadd.f32 v53, v32;
	v56 =	vld [tilespmem:s6+$0x60]  }
0x23f: {  	s18 =	sadd.s32 $0x16E00, s0;
	s15 =	sshra.s32 s15, $0x2;
	s17 =	sand.u32 $0x380, s10;
	v57 =	vadd.f32 v57, v28;
	[tilespmem:s0+$0x16E00] =	vst v54;
	v54 =	vld [tilespmem:s6+$0x70]  }
0x240: {  	s0 =	smov.u32 s3;
	s3 =	sor.u32 s17, s15;
	v51 =	vadd.f32 v51, v29;
	[tilespmem:s16+$0x70] =	vst v53;
	v53 =	vld [tilespmem:s18+$0x30]  }
0x241: {  	s15 =	sadd.s32 $0x15A00, s3;
	v58 =	vld [tilespmem:s3+$0x15A00];
	[tilespmem:s16+$0x10] =	vst v57;
	v52 =	vadd.f32 v52, v27  }
0x242: {  	v57 =	vld [tilespmem:s15+$0x40];
	[tilespmem:s16+$0x20] =	vst v51;
	v51 =	vadd.f32 v55, v4  }
0x243: {  	v55 =	vld [tilespmem:s15+$0x50];
	[tilespmem:s16+$0x30] =	vst v52;
	v52 =	vadd.f32 v56, v5  }
0x244: {  	v56 =	vld [tilespmem:s0+$0x16600];
	[tilespmem:s6+$0x50] =	vst v51;
	v51 =	vadd.f32 v54, v8  }
0x245: {  	v54 =	vld [tilespmem:s15+$0x60];
	v53 =	vadd.f32 v53, v9;
	[tilespmem:s6+$0x60] =	vst v52  }
0x246: {  	v52 =	vadd.f32 v58, v40;
	v58 =	vld [tilespmem:s15+$0x70];
	[tilespmem:s6+$0x70] =	vst v51;
	s6 =	smov.u32 s18  }
0x247: {  	s16 =	sadd.s32 $0x16600, s0;
	v51 =	vadd.f32 v57, v44;
	v57 =	vld [tilespmem:s15+$0x400];
	[tilespmem:s6+$0x30] =	vst v53  }
0x248: {  	[tilespmem:s3+$0x15A00] =	vst v52;
	v52 =	vadd.f32 v55, v45;
	v53 =	vld [tilespmem:s16+$0x40]  }
0x249: {  	[tilespmem:s15+$0x40] =	vst v51;
	v51 =	vadd.f32 v56, v26;
	v55 =	vld [tilespmem:s16+$0x50]  }
0x24a: {  	[tilespmem:s15+$0x50] =	vst v52;
	v52 =	vadd.f32 v54, v47;
	v54 =	vld [tilespmem:s16+$0x60]  }
0x24b: {  	v56 =	vadd.f32 v58, v48;
	[tilespmem:s0+$0x16600] =	vst v51;
	v51 =	vld [tilespmem:s16+$0x70]  }
0x24c: {  	[tilespmem:s15+$0x60] =	vst v52;
	v52 =	vadd.f32 v57, v50;
	v58 =	vld [tilespmem:s16+$0x10]  }
0x24d: {  	[tilespmem:s15+$0x70] =	vst v56;
	v59 =	vld [tilespmem:s16+$0x20];
	v53 =	vadd.f32 v53, v25  }
0x24e: {  	[tilespmem:s15+$0x400] =	vst v52;
	v60 =	vld [tilespmem:s16+$0x30];
	v52 =	vadd.f32 v55, v24  }
.Ltmp1:
0x24f: {  	v56 =	vld [tilespmem:s15+$0x410];
	[tilespmem:s16+$0x40] =	vst v53;
	v53 =	vadd.f32 v54, v23;
	(pc) =	sbr.rel @p0 .LBB2_5-.Ltmp1, $4  }
0x250: {  	v57 =	vld [tilespmem:s15+$0x420];
	[tilespmem:s16+$0x50] =	vst v52;
	v51 =	vadd.f32 v51, v22  }
0x251: {  	v54 =	vld [tilespmem:s15+$0x430];
	v58 =	vadd.f32 v58, v21;
	[tilespmem:s16+$0x60] =	vst v53  }
0x252: {  	v53 =	vld [tilespmem:s15+$0x440];
	v52 =	vadd.f32 v59, v20;
	[tilespmem:s16+$0x70] =	vst v51  }
0x253: {  	s13 =	sadd.s32 $0x1, s13;
	v55 =	vld [tilespmem:s15+$0x450];
	[tilespmem:s16+$0x10] =	vst v58;
	v51 =	vadd.f32 v60, v19  }
0x254: {  	v40 =	vadd.f32 v56, v49;
	v44 =	vld [tilespmem:s15+$0x460]  }
0x255: {  	v45 =	vld [tilespmem:s15+$0x470];
	v46 =	vadd.f32 v57, v46  }
0x256: {  	v58 =	vld [tilespmem:s15+$0x10];
	[tilespmem:s15+$0x410] =	vst v40;
	v43 =	vadd.f32 v54, v43  }
0x257: {  	v59 =	vld [tilespmem:s15+$0x20];
	[tilespmem:s15+$0x420] =	vst v46;
	v42 =	vadd.f32 v53, v42  }
0x258: {  	v60 =	vld [tilespmem:s15+$0x30];
	[tilespmem:s15+$0x430] =	vst v43;
	v41 =	vadd.f32 v55, v41  }
0x259: {  	[tilespmem:s15+$0x440] =	vst v42;
	v39 =	vadd.f32 v44, v39  }
0x25a: {  	v38 =	vadd.f32 v45, v38;
	[tilespmem:s15+$0x450] =	vst v41  }
0x25b: {  	v33 =	vadd.f32 v58, v33;
	[tilespmem:s15+$0x460] =	vst v39  }
0x25c: {  	v31 =	vadd.f32 v59, v31;
	[tilespmem:s15+$0x470] =	vst v38  }
0x25d: {  	v30 =	vadd.f32 v60, v30;
	[tilespmem:s15+$0x10] =	vst v33  }
0x25e: {  	[tilespmem:s15+$0x20] =	vst v31  }
0x25f: {  	[tilespmem:s15+$0x30] =	vst v30  }
0x260: {  	v30 =	vld [tilespmem:s3+$0x16200];
	_ =	sdelay $0x3  }
0x261: {  	s10 =	sadd.s32 $0x16200, s3  }
0x262: {  	v31 =	vld [tilespmem:s10+$0x40];
	v30 =	vadd.f32 v30, v37  }
0x263: {  	v33 =	vld [tilespmem:s10+$0x50]  }
0x264: {  	v61 =	vld [tilespmem:s10+$0x60];
	[tilespmem:s3+$0x16200] =	vst v30  }
0x265: {  	v30 =	vld [tilespmem:s10+$0x70]  }
0x266: {  	v38 =	vld [tilespmem:s10+$0x10]  }
0x267: {  	v31 =	vadd.f32 v31, v36;
	v62 =	vld [tilespmem:s10+$0x20]  }
0x268: {  	v33 =	vadd.f32 v33, v35;
	v63 =	vld [tilespmem:s10+$0x30]  }
0x269: {  	v34 =	vadd.f32 v61, v34;
	[tilespmem:s10+$0x40] =	vst v31  }
0x26a: {  	[tilespmem:s10+$0x50] =	vst v33;
	v30 =	vadd.f32 v30, v32  }
0x26b: {  	[tilespmem:s10+$0x60] =	vst v34;
	v28 =	vadd.f32 v38, v28  }
0x26c: {  	v29 =	vadd.f32 v62, v29;
	[tilespmem:s10+$0x70] =	vst v30  }
0x26d: {  	v27 =	vadd.f32 v63, v27;
	[tilespmem:s10+$0x10] =	vst v28  }
0x26e: {  	[tilespmem:s10+$0x20] =	vst v29  }
0x26f: {  	[tilespmem:s10+$0x30] =	vst v27  }
0x270: {  	v27 =	vld [tilespmem:s3+$0x16600];
	_ =	sdelay $0x3  }
0x271: {  	s13 =	sadd.s32 $0x16600, s3  }
0x272: {  	v31 =	vld [tilespmem:s13+$0x40];
	v26 =	vadd.f32 v27, v26  }
0x273: {  	v39 =	vld [tilespmem:s13+$0x50]  }
0x274: {  	v40 =	vld [tilespmem:s13+$0x60];
	[tilespmem:s3+$0x16600] =	vst v26  }
0x275: {  	v26 =	vld [tilespmem:s13+$0x70]  }
0x276: {  	v42 =	vld [tilespmem:s13+$0x10]  }
0x277: {  	[tilespmem:s16+$0x20] =	vst v52;
	v25 =	vadd.f32 v31, v25;
	v43 =	vld [tilespmem:s13+$0x20]  }
0x278: {  	[tilespmem:s16+$0x30] =	vst v51;
	v24 =	vadd.f32 v39, v24;
	v44 =	vld [tilespmem:s13+$0x30]  }
0x279: {  	v36 =	vld [tilespmem:s0+$0x16A00];
	v23 =	vadd.f32 v40, v23;
	[tilespmem:s13+$0x40] =	vst v25  }
0x27a: {  	[tilespmem:s13+$0x50] =	vst v24;
	v22 =	vadd.f32 v26, v22  }
0x27b: {  	[tilespmem:s13+$0x60] =	vst v23;
	v21 =	vadd.f32 v42, v21  }
0x27c: {  	s19 =	sadd.s32 $0x16A00, s0;
	v20 =	vadd.f32 v43, v20;
	[tilespmem:s13+$0x70] =	vst v22  }
0x27d: {  	v37 =	vld [tilespmem:s19+$0x40];
	v19 =	vadd.f32 v44, v19;
	[tilespmem:s13+$0x10] =	vst v21  }
0x27e: {  	v41 =	vld [tilespmem:s19+$0x60];
	v28 =	vadd.f32 v36, v18;
	[tilespmem:s13+$0x20] =	vst v20  }
0x27f: {  	v38 =	vld [tilespmem:s19+$0x50];
	[tilespmem:s13+$0x30] =	vst v19  }
0x280: {  	[tilespmem:s0+$0x16A00] =	vst v28;
	v25 =	vld [tilespmem:s3+$0x16A00]  }
0x281: {  	v45 =	vld [tilespmem:s19+$0x70]  }
0x282: {  	v48 =	vadd.f32 v37, v17;
	v49 =	vld [tilespmem:s19+$0x30]  }
0x283: {  	v51 =	vadd.f32 v41, v15;
	v46 =	vld [tilespmem:s19+$0x10]  }
0x284: {  	s20 =	sadd.s32 $0x16A00, s3;
	v47 =	vld [tilespmem:s19+$0x20];
	v50 =	vadd.f32 v38, v16;
	[tilespmem:s19+$0x40] =	vst v48  }
0x285: {  	[tilespmem:s19+$0x60] =	vst v51;
	v56 =	vld [tilespmem:s20+$0x40];
	v57 =	vadd.f32 v25, v18  }
0x286: {  	[tilespmem:s19+$0x50] =	vst v50;
	v53 =	vadd.f32 v45, v14;
	v58 =	vld [tilespmem:s20+$0x50]  }
0x287: {  	v24 =	vadd.f32 v49, v11;
	v59 =	vld [tilespmem:s20+$0x60];
	[tilespmem:s3+$0x16A00] =	vst v57  }
0x288: {  	[tilespmem:s19+$0x70] =	vst v53;
	v22 =	vadd.f32 v46, v13;
	v62 =	vld [tilespmem:s20+$0x70]  }
0x289: {  	[tilespmem:s19+$0x30] =	vst v24;
	v21 =	vadd.f32 v47, v12;
	v63 =	vld [tilespmem:s20+$0x10]  }
0x28a: {  	[tilespmem:s19+$0x10] =	vst v22;
	v27 =	vadd.f32 v56, v17;
	v26 =	vld [tilespmem:s20+$0x20]  }
0x28b: {  	[tilespmem:s19+$0x20] =	vst v21;
	v29 =	vadd.f32 v58, v16;
	v28 =	vld [tilespmem:s20+$0x30]  }
0x28c: {  	v30 =	vld [tilespmem:s0+$0x16E00];
	v31 =	vadd.f32 v59, v15;
	[tilespmem:s20+$0x40] =	vst v27  }
0x28d: {  	v52 =	vld [tilespmem:s6+$0x10];
	[tilespmem:s20+$0x50] =	vst v29;
	v32 =	vadd.f32 v62, v14  }
0x28e: {  	v54 =	vld [tilespmem:s6+$0x20];
	[tilespmem:s20+$0x60] =	vst v31;
	v33 =	vadd.f32 v63, v13  }
0x28f: {  	v55 =	vld [tilespmem:s6+$0x40];
	v34 =	vadd.f32 v26, v12;
	[tilespmem:s20+$0x70] =	vst v32  }
0x290: {  	v38 =	vld [tilespmem:s6+$0x60];
	v36 =	vadd.f32 v28, v11;
	[tilespmem:s20+$0x10] =	vst v33  }
0x291: {  	v35 =	vld [tilespmem:s6+$0x50];
	v37 =	vadd.f32 v30, v10;
	[tilespmem:s20+$0x20] =	vst v34  }
0x292: {  	v60 =	vadd.f32 v52, v6;
	v39 =	vld [tilespmem:s6+$0x70];
	[tilespmem:s20+$0x30] =	vst v36  }
0x293: {  	s21 =	sadd.s32 $0x16E00, s0;
	v61 =	vadd.f32 v54, v3;
	[tilespmem:s0+$0x16E00] =	vst v37;
	v12 =	vld [tilespmem:s3+$0x16E00]  }
0x294: {  	[tilespmem:s6+$0x10] =	vst v60;
	v20 =	vadd.f32 v55, v7;
	v40 =	vld [tilespmem:s21+$0x10]  }
0x295: {  	[tilespmem:s6+$0x20] =	vst v61;
	v15 =	vadd.f32 v38, v5;
	v41 =	vld [tilespmem:s21+$0x20]  }
0x296: {  	[tilespmem:s6+$0x40] =	vst v20;
	v42 =	vld [tilespmem:s21+$0x40];
	v14 =	vadd.f32 v35, v4  }
0x297: {  	[tilespmem:s6+$0x60] =	vst v15;
	v44 =	vld [tilespmem:s21+$0x50];
	v11 =	vadd.f32 v39, v8  }
0x298: {  	v13 =	vld [tilespmem:s21+$0x30];
	[tilespmem:s6+$0x50] =	vst v14;
	v43 =	vadd.f32 v12, v10  }
0x299: {  	v46 =	vld [tilespmem:s21+$0x60];
	[tilespmem:s6+$0x70] =	vst v11;
	v47 =	vadd.f32 v40, v6  }
0x29a: {  	s10 =	sadd.s32 $0x16E00, s3;
	v48 =	vld [tilespmem:s21+$0x70];
	v49 =	vadd.f32 v41, v3;
	[tilespmem:s3+$0x16E00] =	vst v43  }
0x29b: {  	v14 =	vadd.f32 v42, v7;
	[tilespmem:s21+$0x10] =	vst v47;
	v50 =	vld [tilespmem:s10+$0x30]  }
0x29c: {  	v52 =	vadd.f32 v44, v4;
	[tilespmem:s21+$0x20] =	vst v49;
	v51 =	vld [tilespmem:s10+$0x10]  }
0x29d: {  	[tilespmem:s21+$0x40] =	vst v14;
	v45 =	vadd.f32 v13, v9;
	v53 =	vld [tilespmem:s10+$0x20]  }
0x29e: {  	[tilespmem:s21+$0x50] =	vst v52;
	v13 =	vadd.f32 v46, v5;
	v54 =	vld [tilespmem:s10+$0x40]  }
0x29f: {  	[tilespmem:s21+$0x30] =	vst v45;
	v10 =	vadd.f32 v48, v8;
	v55 =	vld [tilespmem:s10+$0x50]  }
0x2a0: {  	[tilespmem:s21+$0x60] =	vst v13;
	v57 =	vld [tilespmem:s10+$0x60];
	v56 =	vadd.f32 v50, v9  }
0x2a1: {  	[tilespmem:s21+$0x70] =	vst v10;
	v59 =	vld [tilespmem:s10+$0x70];
	v58 =	vadd.f32 v51, v6  }
0x2a2: {  	v3 =	vadd.f32 v53, v3;
	[tilespmem:s10+$0x30] =	vst v56  }
0x2a3: {  	v60 =	vadd.f32 v54, v7;
	[tilespmem:s10+$0x10] =	vst v58  }
0x2a4: {  	s13 =	smul.u32 $0xC0000, s11;
	[tilespmem:s10+$0x20] =	vst v3;
	v3 =	vadd.f32 v55, v4  }
0x2a5: {  	v61 =	vadd.f32 v57, v5;
	[tilespmem:s10+$0x40] =	vst v60  }
0x2a6: {  	s0 =	sadd.s32 s9, s13;
	[tilespmem:s10+$0x50] =	vst v3;
	v3 =	vadd.f32 v59, v8  }
0x2a7: {  	s0 =	sshrl.u32 s0, $0x3;
	[tilespmem:s10+$0x60] =	vst v61  }
0x2a8: {  	s0 =	sadd.s32 s4, s0;
	[tilespmem:s10+$0x70] =	vst v3  }
0x2a9: {  	[hbm4b:s0+s5] =	stream.linear.scatter [tilespmem:s26], [sflag:$0x4], $0x6000, $0x38;
	[tilespmem:$0x1BA00] =	vst v63  }
0x2aa: {  	_ =	swait.ge [sflag:s29], $0x6000  }
0x2ab: {  	[sflag:s29] =	ssyncset.done $0x0  }
0x2ac: {  	s0 =	sshrl.u32 s2, $0x2;
	[sflag:s29] =	ssyncadd.s32 $0xFFFFA000  }
0x2ad: {  	v3 =	vld [tilespmem:s0+$0x40];
	_ =	sdelay $0x4  }
0x2ae: {  	v62 =	vshrl.u32 v3, $0x3  }
0x2af: {  	v4 =	vmul.u32 $0x30, v62  }
0x2b0: {  	v3 =	vand.u32 $0x7, v3  }
0x2b1: {  	v3 =	vor.u32 v3, v4  }
0x2b2: {  	v4 =	vperm.xlane v3, v0;
	_ =	sdelay $0x1  }
0x2b3: {  	v4 =	vadd.s32 v1, v4;
	_ =	sdelay $0x3  }
0x2b4: {  	v3 =	vperm.xlane v3, v2  }
0x2b5: {  	[tilespmem:s14], [sflag:$0x1] =	stream.indirect_vreg.gather [hbm4b:s1+s5], $0x80, v4, vm0, $0xb8;
	[tilespmem:$0x1BA00] =	vst v63  }
0x2b6: {  	s15 =	simm.s32 $0x10200;
	v3 =	vadd.s32 v1, v3  }
0x2b7: {  	[tilespmem:s15], [sflag:$0x1] =	stream.indirect_vreg.gather [hbm4b:s7+s5], $0x80, v4, vm0, $0xb8;
	[tilespmem:$0x1BA00] =	vst v63  }
0x2b8: {  	s16 =	simm.s32 $0x10A00  }
0x2b9: {  	[tilespmem:s16], [sflag:$0x1] =	stream.indirect_vreg.gather [hbm4b:s8+s5], $0x80, v4, vm0, $0xb8;
	[tilespmem:$0x1BA00] =	vst v63  }
0x2ba: {  	s17 =	simm.s32 $0x11200  }
0x2bb: {  	[tilespmem:s17], [sflag:$0x1] =	stream.indirect_vreg.gather [hbm4b:s1+s5], $0x80, v3, vm0, $0xb8;
	[tilespmem:$0x1BA00] =	vst v63  }
0x2bc: {  	s18 =	simm.s32 $0x11A00  }
0x2bd: {  	[tilespmem:s18], [sflag:$0x1] =	stream.indirect_vreg.gather [hbm4b:s7+s5], $0x80, v3, vm0, $0xb8;
	[tilespmem:$0x1BA00] =	vst v63  }
0x2be: {  	s19 =	simm.s32 $0x12200  }
0x2bf: {  	[tilespmem:s19], [sflag:$0x1] =	stream.indirect_vreg.gather [hbm4b:s8+s5], $0x80, v3, vm0, $0xb8;
	[tilespmem:$0x1BA00] =	vst v63  }
0x2c0: {  	v3 =	vld [tilespmem:s0+$0x50];
	_ =	sdelay $0x4  }
0x2c1: {  	v63 =	vshrl.u32 v3, $0x3  }
0x2c2: {  	v4 =	vmul.u32 $0x30, v63  }
0x2c3: {  	v3 =	vand.u32 $0x7, v3  }
0x2c4: {  	v3 =	vor.u32 v3, v4  }
0x2c5: {  	v4 =	vperm.xlane v3, v0;
	_ =	sdelay $0x1  }
0x2c6: {  	v4 =	vadd.s32 v1, v4;
	_ =	sdelay $0x3  }
0x2c7: {  	s20 =	simm.s32 $0x12A00;
	v3 =	vperm.xlane v3, v2  }
0x2c8: {  	[tilespmem:s20], [sflag:$0x1] =	stream.indirect_vreg.gather [hbm4b:s1+s5], $0x80, v4, vm0, $0xb8;
	[tilespmem:$0x1BA00] =	vst v63  }
0x2c9: {  	s21 =	simm.s32 $0x13200;
	v3 =	vadd.s32 v1, v3  }
0x2ca: {  	[tilespmem:s21], [sflag:$0x1] =	stream.indirect_vreg.gather [hbm4b:s7+s5], $0x80, v4, vm0, $0xb8;
	[tilespmem:$0x1BA00] =	vst v63  }
0x2cb: {  	_ = 	snop  }
0x2cc: {  	[tilespmem:s22], [sflag:$0x1] =	stream.indirect_vreg.gather [hbm4b:s8+s5], $0x80, v4, vm0, $0xb8;
	[tilespmem:$0x1BA00] =	vst v63  }
0x2cd: {  	p0 =	seq.s32 s31, $0x25  }
0x2ce: {  	[tilespmem:s23], [sflag:$0x1] =	stream.indirect_vreg.gather [hbm4b:s1+s5], $0x80, v3, vm0, $0xb8;
	[tilespmem:$0x1BA00] =	vst v63  }
.Ltmp2:
0x2cf: {  	_ = 	snop;
	(pc) =	sbr.rel @p0 .LBB2_8-.Ltmp2, $4  }
0x2d0: {  	_ = 	snop  }
0x2d1: {  	[tilespmem:s24], [sflag:$0x1] =	stream.indirect_vreg.gather [hbm4b:s7+s5], $0x80, v3, vm0, $0xb8;
	[tilespmem:$0x1BA00] =	vst v63  }
0x2d2: {  	_ = 	snop  }
0x2d3: {  	[tilespmem:s25], [sflag:$0x1] =	stream.indirect_vreg.gather [hbm4b:s8+s5], $0x80, v3, vm0, $0xb8;
	[tilespmem:$0x1BA00] =	vst v63  }
0x2d4: {  	_ =	swait.ge [sflag:s30], $0x6000  }
0x2d5: {  	[sflag:s30] =	ssyncset.done $0x0  }
0x2d6: {  	[sflag:s30] =	ssyncadd.s32 $0xFFFFA000  }
0x2d7: {  	v3 =	vld [tilespmem:s0+$0x60];
	_ =	sdelay $0x4  }
0x2d8: {  	v4 =	vshrl.u32 v3, $0x3  }
0x2d9: {  	v4 =	vmul.u32 $0x30, v4  }
0x2da: {  	v3 =	vand.u32 $0x7, v3  }
0x2db: {  	v3 =	vor.u32 v3, v4  }
0x2dc: {  	v4 =	vperm.xlane v3, v0;
	_ =	sdelay $0x1  }
0x2dd: {  	v4 =	vadd.s32 v1, v4;
	_ =	sdelay $0x3  }
0x2de: {  	v3 =	vperm.xlane v3, v2  }
0x2df: {  	[tilespmem:s26], [sflag:$0x2] =	stream.indirect_vreg.gather [hbm4b:s1+s5], $0x80, v4, vm0, $0xb8;
	[tilespmem:$0x1BA00] =	vst v63  }
0x2e0: {  	s2 =	simm.s32 $0x16200;
	v3 =	vadd.s32 v1, v3  }
0x2e1: {  	[tilespmem:s2], [sflag:$0x2] =	stream.indirect_vreg.gather [hbm4b:s7+s5], $0x80, v4, vm0, $0xb8;
	[tilespmem:$0x1BA00] =	vst v63  }
0x2e2: {  	s10 =	simm.s32 $0x16A00  }
0x2e3: {  	[tilespmem:s10], [sflag:$0x2] =	stream.indirect_vreg.gather [hbm4b:s8+s5], $0x80, v4, vm0, $0xb8;
	[tilespmem:$0x1BA00] =	vst v63  }
0x2e4: {  	s11 =	simm.s32 $0x17200  }
0x2e5: {  	[tilespmem:s11], [sflag:$0x2] =	stream.indirect_vreg.gather [hbm4b:s1+s5], $0x80, v3, vm0, $0xb8;
	[tilespmem:$0x1BA00] =	vst v63  }
0x2e6: {  	s13 =	simm.s32 $0x17A00  }
0x2e7: {  	[tilespmem:s13], [sflag:$0x2] =	stream.indirect_vreg.gather [hbm4b:s7+s5], $0x80, v3, vm0, $0xb8;
	[tilespmem:$0x1BA00] =	vst v63  }
0x2e8: {  	s15 =	simm.s32 $0x18200  }
0x2e9: {  	[tilespmem:s15], [sflag:$0x2] =	stream.indirect_vreg.gather [hbm4b:s8+s5], $0x80, v3, vm0, $0xb8;
	[tilespmem:$0x1BA00] =	vst v63  }
0x2ea: {  	v3 =	vld [tilespmem:s0+$0x70];
	_ =	sdelay $0x4  }
0x2eb: {  	v63 =	vshrl.u32 v3, $0x3  }
0x2ec: {  	v4 =	vmul.u32 $0x30, v63  }
0x2ed: {  	v3 =	vand.u32 $0x7, v3  }
0x2ee: {  	v3 =	vor.u32 v3, v4  }
0x2ef: {  	v4 =	vperm.xlane v3, v0;
	_ =	sdelay $0x1  }
0x2f0: {  	v4 =	vadd.s32 v1, v4;
	_ =	sdelay $0x3  }
0x2f1: {  	s16 =	simm.s32 $0x18A00;
	v3 =	vperm.xlane v3, v2  }
0x2f2: {  	[tilespmem:s16], [sflag:$0x2] =	stream.indirect_vreg.gather [hbm4b:s1+s5], $0x80, v4, vm0, $0xb8;
	[tilespmem:$0x1BA00] =	vst v63  }
0x2f3: {  	s17 =	simm.s32 $0x19200;
	v3 =	vadd.s32 v1, v3  }
0x2f4: {  	[tilespmem:s17], [sflag:$0x2] =	stream.indirect_vreg.gather [hbm4b:s7+s5], $0x80, v4, vm0, $0xb8;
	[tilespmem:$0x1BA00] =	vst v63  }
0x2f5: {  	s18 =	simm.s32 $0x19A00  }
0x2f6: {  	[tilespmem:s18], [sflag:$0x2] =	stream.indirect_vreg.gather [hbm4b:s8+s5], $0x80, v4, vm0, $0xb8;
	[tilespmem:$0x1BA00] =	vst v63  }
0x2f7: {  	s19 =	simm.s32 $0x1A200  }
0x2f8: {  	[tilespmem:s19], [sflag:$0x2] =	stream.indirect_vreg.gather [hbm4b:s1+s5], $0x80, v3, vm0, $0xb8;
	[tilespmem:$0x1BA00] =	vst v63  }
.Ltmp3:
0x2f9: {  	_ = 	snop;
	(pc) =	sbr.rel .LBB2_2-.Ltmp3, $4  }
0x2fa: {  	s20 =	simm.s32 $0x1AA00  }
0x2fb: {  	[tilespmem:s20], [sflag:$0x2] =	stream.indirect_vreg.gather [hbm4b:s7+s5], $0x80, v3, vm0, $0xb8;
	[tilespmem:$0x1BA00] =	vst v63  }
0x2fc: {  	s21 =	simm.s32 $0x1B200;
	s31 =	sadd.s32 $0x1, s31  }
0x2fd: {  	[tilespmem:s21], [sflag:$0x2] =	stream.indirect_vreg.gather [hbm4b:s8+s5], $0x80, v3, vm0, $0xb8;
	[tilespmem:$0x1BA00] =	vst v63  }
.LBB2_8:
0x2fe: {  	_ =	swait.ge [sflag:s12], $0x6000  }
0x2ff: {  	[sflag:s12] =	ssyncset.done $0x0  }
0x300: {  	[sflag:s12] =	ssyncadd.s32 $0xFFFFA000  }
0x301: {  	v27 =	vld [tilespmem:$0xE400]  }
0x302: {  	v28 =	vld [tilespmem:$0xE410]  }
0x303: {  	v29 =	vld [tilespmem:$0xE420]  }
0x304: {  	v31 =	vld [tilespmem:$0xE430]  }
0x305: {  	v33 =	vld [tilespmem:$0xE440]  }
0x306: {  	v35 =	vld [tilespmem:$0xE450]  }
0x307: {  	v37 =	vld [tilespmem:$0xE460]  }
0x308: {  	v39 =	vld [tilespmem:$0xE470]  }
0x309: {  	v40 =	vld [tilespmem:$0xE800]  }
0x30a: {  	v42 =	vld [tilespmem:$0xE810]  }
0x30b: {  	v44 =	vld [tilespmem:$0xE820]  }
0x30c: {  	v45 =	vld [tilespmem:$0xE830]  }
0x30d: {  	v46 =	vld [tilespmem:$0xE840]  }
0x30e: {  	v47 =	vld [tilespmem:$0xE850]  }
0x30f: {  	v48 =	vld [tilespmem:$0xE860]  }
0x310: {  	v49 =	vld [tilespmem:$0xE870]  }
0x311: {  	v50 =	vld [tilespmem:$0xEC00]  }
0x312: {  	v43 =	vld [tilespmem:$0xEC10]  }
0x313: {  	v41 =	vld [tilespmem:$0xEC20]  }
0x314: {  	v38 =	vld [tilespmem:$0xEC30]  }
0x315: {  	v36 =	vld [tilespmem:$0xEC40]  }
0x316: {  	v34 =	vld [tilespmem:$0xEC50]  }
0x317: {  	v32 =	vld [tilespmem:$0xEC60]  }
0x318: {  	v30 =	vld [tilespmem:$0xEC70]  }
0x319: {  	v26 =	vld [tilespmem:$0xF000]  }
0x31a: {  	v21 =	vld [tilespmem:$0xF010]  }
0x31b: {  	v20 =	vld [tilespmem:$0xF020]  }
0x31c: {  	v19 =	vld [tilespmem:$0xF030]  }
0x31d: {  	v25 =	vld [tilespmem:$0xF040]  }
0x31e: {  	v24 =	vld [tilespmem:$0xF050]  }
0x31f: {  	v23 =	vld [tilespmem:$0xF060]  }
0x320: {  	v22 =	vld [tilespmem:$0xF070]  }
0x321: {  	v18 =	vld [tilespmem:$0xF400]  }
0x322: {  	v13 =	vld [tilespmem:$0xF410]  }
0x323: {  	v12 =	vld [tilespmem:$0xF420]  }
0x324: {  	v11 =	vld [tilespmem:$0xF430]  }
0x325: {  	v17 =	vld [tilespmem:$0xF440]  }
0x326: {  	v16 =	vld [tilespmem:$0xF450]  }
0x327: {  	v15 =	vld [tilespmem:$0xF460]  }
0x328: {  	v14 =	vld [tilespmem:$0xF470]  }
0x329: {  	v10 =	vld [tilespmem:$0xF800]  }
0x32a: {  	v7 =	vld [tilespmem:$0xF810]  }
0x32b: {  	v3 =	vld [tilespmem:$0xF820]  }
0x32c: {  	s0 =	simm.s32 $0x0;
	v9 =	vld [tilespmem:$0xF830]  }
0x32d: {  	s0 =	smul.u32 $0x6000, s0;
	v4 =	vld [tilespmem:$0xF840]  }
0x32e: {  	s2 =	simm.s32 $0x0;
	v5 =	vld [tilespmem:$0xF850]  }
0x32f: {  	s2 =	sand.u32 $0x380, s2;
	v6 =	vld [tilespmem:$0xF860];
	s0 =	sshra.s32 s0, $0x2  }
0x330: {  	v8 =	vld [tilespmem:$0xF870];
	s3 =	sor.u32 s2, s0  }
0x331: {  	v51 =	vld [tilespmem:s3+$0xFA00]  }
0x332: {  	v52 =	vld [tilespmem:s3+$0xFA10]  }
0x333: {  	v53 =	vld [tilespmem:s3+$0xFA20]  }
0x334: {  	v54 =	vld [tilespmem:s3+$0xFA30]  }
0x335: {  	v55 =	vld [tilespmem:s3+$0xFA40]  }
0x336: {  	v56 =	vld [tilespmem:s3+$0xFA50];
	v51 =	vadd.f32 v51, v27  }
0x337: {  	v57 =	vld [tilespmem:s3+$0xFA60];
	v52 =	vadd.f32 v52, v28  }
0x338: {  	v59 =	vadd.f32 v53, v29;
	v53 =	vld [tilespmem:s3+$0xFA70];
	[tilespmem:s3+$0xFA00] =	vst v51  }
0x339: {  	v60 =	vadd.f32 v54, v31;
	v54 =	vld [tilespmem:s3+$0xFE00];
	[tilespmem:s3+$0xFA10] =	vst v52  }
0x33a: {  	v61 =	vadd.f32 v55, v33;
	v55 =	vld [tilespmem:s3+$0xFE10];
	[tilespmem:s3+$0xFA20] =	vst v59  }
0x33b: {  	v62 =	vadd.f32 v56, v35;
	v56 =	vld [tilespmem:s3+$0xFE20];
	[tilespmem:s3+$0xFA30] =	vst v60  }
0x33c: {  	v63 =	vadd.f32 v57, v37;
	v57 =	vld [tilespmem:s3+$0xFE30];
	[tilespmem:s3+$0xFA40] =	vst v61  }
0x33d: {  	[tilespmem:s3+$0xFA50] =	vst v62;
	v60 =	vadd.f32 v53, v39;
	v53 =	vld [tilespmem:s3+$0xFE40]  }
0x33e: {  	[tilespmem:s3+$0xFA60] =	vst v63;
	v61 =	vadd.f32 v54, v40;
	v54 =	vld [tilespmem:s3+$0xFE50]  }
0x33f: {  	v62 =	vadd.f32 v55, v42;
	v55 =	vld [tilespmem:s3+$0xFE60];
	[tilespmem:s3+$0xFA70] =	vst v60  }
0x340: {  	v63 =	vadd.f32 v56, v44;
	[tilespmem:s3+$0xFE00] =	vst v61;
	v60 =	vld [tilespmem:s3+$0xFE70]  }
0x341: {  	[tilespmem:s3+$0xFE10] =	vst v62;
	v61 =	vadd.f32 v57, v45;
	v62 =	vld [tilespmem:s3+$0x10200]  }
0x342: {  	[tilespmem:s3+$0xFE20] =	vst v63;
	v63 =	vadd.f32 v53, v46  }
0x343: {  	[tilespmem:s3+$0xFE30] =	vst v61;
	v58 =	vadd.f32 v54, v47  }
0x344: {  	v59 =	vadd.f32 v55, v48;
	[tilespmem:s3+$0xFE40] =	vst v63  }
0x345: {  	[tilespmem:s3+$0xFE50] =	vst v58;
	v60 =	vadd.f32 v60, v49  }
0x346: {  	[tilespmem:s3+$0xFE60] =	vst v59;
	v61 =	vadd.f32 v62, v50  }
0x347: {  	[tilespmem:s3+$0xFE70] =	vst v60  }
0x348: {  	s2 =	sadd.s32 $0x10200, s3;
	[tilespmem:s3+$0x10200] =	vst v61  }
0x349: {  	v51 =	vld [tilespmem:s2+$0x10]  }
0x34a: {  	v52 =	vld [tilespmem:s2+$0x20]  }
0x34b: {  	v62 =	vld [tilespmem:s2+$0x30]  }
0x34c: {  	v63 =	vld [tilespmem:s2+$0x40]  }
0x34d: {  	s19 =	simm.s32 $0x0;
	v55 =	vld [tilespmem:s2+$0x50]  }
0x34e: {  	s0 =	smul.u32 $0x6000, s19;
	v56 =	vld [tilespmem:s2+$0x60];
	v51 =	vadd.f32 v51, v43  }
0x34f: {  	s6 =	simm.s32 $0x80;
	v60 =	vld [tilespmem:s2+$0x70];
	v52 =	vadd.f32 v52, v41  }
0x350: {  	s6 =	sand.u32 $0x380, s6;
	s0 =	sshra.s32 s0, $0x2;
	v61 =	vadd.f32 v62, v38;
	[tilespmem:s2+$0x10] =	vst v51  }
0x351: {  	s0 =	sor.u32 s6, s0;
	v62 =	vadd.f32 v63, v36;
	[tilespmem:s2+$0x20] =	vst v52  }
0x352: {  	v54 =	vld [tilespmem:s0+$0xFA10];
	v58 =	vadd.f32 v55, v34;
	[tilespmem:s2+$0x30] =	vst v61  }
0x353: {  	v63 =	vld [tilespmem:s0+$0xFA00];
	v59 =	vadd.f32 v56, v32;
	[tilespmem:s2+$0x40] =	vst v62  }
0x354: {  	v60 =	vadd.f32 v60, v30;
	[tilespmem:s2+$0x50] =	vst v58;
	v61 =	vld [tilespmem:s0+$0xFA20]  }
0x355: {  	[tilespmem:s2+$0x60] =	vst v59;
	v62 =	vld [tilespmem:s0+$0xFA40]  }
0x356: {  	[tilespmem:s2+$0x70] =	vst v60;
	v60 =	vld [tilespmem:s0+$0xFA60]  }
0x357: {  	v53 =	vld [tilespmem:s3+$0x10600]  }
0x358: {  	v52 =	vld [tilespmem:s0+$0xFA30]  }
0x359: {  	s20 =	sadd.s32 $0x10600, s3;
	v54 =	vadd.f32 v54, v28  }
0x35a: {  	v58 =	vld [tilespmem:s20+$0x40];
	v51 =	vadd.f32 v63, v27;
	v55 =	vadd.f32 v61, v29  }
0x35b: {  	[tilespmem:s0+$0xFA10] =	vst v54;
	v63 =	vld [tilespmem:s0+$0xFA50];
	v56 =	vadd.f32 v62, v33;
	v62 =	vadd.f32 v60, v37  }
0x35c: {  	v61 =	vld [tilespmem:s20+$0x50];
	v53 =	vadd.f32 v53, v26;
	[tilespmem:s0+$0xFA20] =	vst v55  }
0x35d: {  	v52 =	vadd.f32 v52, v31;
	v55 =	vld [tilespmem:s20+$0x60];
	[tilespmem:s0+$0xFA60] =	vst v62  }
0x35e: {  	v62 =	vld [tilespmem:s0+$0xFE00];
	[tilespmem:s3+$0x10600] =	vst v53  }
0x35f: {  	[tilespmem:s0+$0xFA30] =	vst v52;
	v52 =	vld [tilespmem:s20+$0x70]  }
0x360: {  	v60 =	vadd.f32 v58, v25;
	[tilespmem:s0+$0xFA40] =	vst v56;
	v56 =	vld [tilespmem:s20+$0x10]  }
0x361: {  	[tilespmem:s0+$0xFA00] =	vst v51;
	v51 =	vadd.f32 v63, v35;
	v63 =	vld [tilespmem:s20+$0x20]  }
0x362: {  	v53 =	vld [tilespmem:s20+$0x30];
	[tilespmem:s20+$0x40] =	vst v60;
	v54 =	vadd.f32 v61, v24  }
0x363: {  	[tilespmem:s0+$0xFA50] =	vst v51;
	v61 =	vld [tilespmem:s0+$0xFA70];
	v55 =	vadd.f32 v55, v23  }
0x364: {  	[tilespmem:s20+$0x50] =	vst v54;
	v52 =	vadd.f32 v52, v22  }
0x365: {  	v54 =	vld [tilespmem:s0+$0xFE10];
	v56 =	vadd.f32 v56, v21;
	[tilespmem:s20+$0x60] =	vst v55  }
0x366: {  	v60 =	vld [tilespmem:s0+$0xFE40];
	v51 =	vadd.f32 v63, v20;
	[tilespmem:s20+$0x70] =	vst v52  }
0x367: {  	v55 =	vld [tilespmem:s0+$0xFE20];
	v53 =	vadd.f32 v53, v19;
	[tilespmem:s20+$0x10] =	vst v56  }
0x368: {  	v63 =	vadd.f32 v61, v39;
	v61 =	vadd.f32 v62, v40;
	v62 =	vld [tilespmem:s0+$0xFE50];
	[tilespmem:s20+$0x20] =	vst v51  }
0x369: {  	v52 =	vld [tilespmem:s0+$0xFE30];
	[tilespmem:s20+$0x30] =	vst v53  }
0x36a: {  	v51 =	vld [tilespmem:s0+$0xFE60];
	[tilespmem:s0+$0xFA70] =	vst v63;
	v54 =	vadd.f32 v54, v42  }
0x36b: {  	[tilespmem:s0+$0xFE00] =	vst v61;
	v53 =	vld [tilespmem:s3+$0x10A00];
	v63 =	vadd.f32 v60, v46  }
0x36c: {  	s21 =	simm.s32 $0x0;
	v60 =	vld [tilespmem:s0+$0x10200];
	v55 =	vadd.f32 v55, v44;
	[tilespmem:s0+$0xFE10] =	vst v54  }
0x36d: {  	s2 =	smul.u32 $0x6000, s21;
	v54 =	vld [tilespmem:s0+$0xFE70];
	[tilespmem:s0+$0xFE40] =	vst v63;
	v61 =	vadd.f32 v62, v47  }
0x36e: {  	s10 =	sadd.s32 $0x10A00, s3;
	s6 =	simm.s32 $0x100;
	v52 =	vadd.f32 v52, v45;
	[tilespmem:s0+$0xFE20] =	vst v55  }
0x36f: {  	s13 =	sand.u32 $0x380, s6;
	s2 =	sshra.s32 s2, $0x2;
	v63 =	vld [tilespmem:s10+$0x50];
	v51 =	vadd.f32 v51, v48;
	[tilespmem:s0+$0xFE50] =	vst v61  }
0x370: {  	s2 =	sor.u32 s13, s2;
	v62 =	vld [tilespmem:s10+$0x40];
	v53 =	vadd.f32 v53, v18;
	[tilespmem:s0+$0xFE30] =	vst v52  }
0x371: {  	v57 =	vld [tilespmem:s2+$0xFA20];
	v59 =	vadd.f32 v60, v50;
	[tilespmem:s0+$0xFE60] =	vst v51  }
0x372: {  	v52 =	vld [tilespmem:s10+$0x60];
	v54 =	vadd.f32 v54, v49;
	[tilespmem:s3+$0x10A00] =	vst v53  }
0x373: {  	[tilespmem:s0+$0x10200] =	vst v59;
	v53 =	vld [tilespmem:s10+$0x70]  }
0x374: {  	s11 =	sadd.s32 $0x10200, s0;
	v60 =	vld [tilespmem:s10+$0x10];
	[tilespmem:s0+$0xFE70] =	vst v54  }
0x375: {  	v55 =	vadd.f32 v63, v16;
	v61 =	vadd.f32 v62, v17;
	v62 =	vld [tilespmem:s11+$0x10]  }
0x376: {  	v63 =	vld [tilespmem:s11+$0x20]  }
0x377: {  	[tilespmem:s10+$0x50] =	vst v55;
	v55 =	vld [tilespmem:s11+$0x40];
	v59 =	vadd.f32 v52, v15  }
0x378: {  	[tilespmem:s10+$0x40] =	vst v61;
	v51 =	vld [tilespmem:s11+$0x50];
	v53 =	vadd.f32 v53, v14  }
0x379: {  	v52 =	vld [tilespmem:s11+$0x30];
	v54 =	vadd.f32 v60, v13;
	[tilespmem:s10+$0x60] =	vst v59  }
0x37a: {  	v56 =	vld [tilespmem:s11+$0x60];
	[tilespmem:s10+$0x70] =	vst v53;
	v60 =	vadd.f32 v62, v43  }
0x37b: {  	[tilespmem:s10+$0x10] =	vst v54;
	v61 =	vadd.f32 v63, v41;
	v62 =	vld [tilespmem:s11+$0x70]  }
0x37c: {  	v63 =	vld [tilespmem:s10+$0x20];
	v59 =	vadd.f32 v55, v36;
	[tilespmem:s11+$0x10] =	vst v60  }
0x37d: {  	v53 =	vld [tilespmem:s10+$0x30];
	v51 =	vadd.f32 v51, v34;
	[tilespmem:s11+$0x20] =	vst v61  }
0x37e: {  	v58 =	vld [tilespmem:s2+$0xFE50];
	v52 =	vadd.f32 v52, v38;
	[tilespmem:s11+$0x40] =	vst v59  }
0x37f: {  	v55 =	vld [tilespmem:s2+$0xFA10];
	v61 =	vadd.f32 v56, v32;
	[tilespmem:s11+$0x50] =	vst v51  }
0x380: {  	v60 =	vld [tilespmem:s2+$0xFA00];
	[tilespmem:s11+$0x30] =	vst v52;
	v62 =	vadd.f32 v62, v30  }
0x381: {  	v54 =	vld [tilespmem:s2+$0xFA30];
	[tilespmem:s11+$0x60] =	vst v61;
	v63 =	vadd.f32 v63, v12  }
0x382: {  	v53 =	vadd.f32 v53, v11;
	[tilespmem:s11+$0x70] =	vst v62;
	v62 =	vld [tilespmem:s2+$0xFA40]  }
0x383: {  	[tilespmem:s10+$0x20] =	vst v63;
	v61 =	vld [tilespmem:s0+$0x10600]  }
0x384: {  	v57 =	vadd.f32 v57, v29;
	[tilespmem:s10+$0x30] =	vst v53;
	v63 =	vld [tilespmem:s2+$0xFA50]  }
0x385: {  	s31 =	sadd.s32 $0x10600, s0;
	v60 =	vadd.f32 v60, v27;
	v56 =	vld [tilespmem:s3+$0x10E00]  }
0x386: {  	[tilespmem:s2+$0xFA20] =	vst v57;
	v55 =	vadd.f32 v55, v28;
	v59 =	vld [tilespmem:s31+$0x40]  }
0x387: {  	[tilespmem:s2+$0xFA00] =	vst v60;
	v60 =	vld [tilespmem:s2+$0xFA60];
	v62 =	vadd.f32 v62, v33  }
0x388: {  	[tilespmem:s2+$0xFA10] =	vst v55;
	v57 =	vld [tilespmem:s31+$0x60];
	v52 =	vadd.f32 v61, v26  }
0x389: {  	v54 =	vadd.f32 v54, v31;
	v61 =	vld [tilespmem:s31+$0x50];
	[tilespmem:s2+$0xFA40] =	vst v62  }
0x38a: {  	v51 =	vadd.f32 v63, v35;
	v62 =	vld [tilespmem:s2+$0xFE00];
	[tilespmem:s0+$0x10600] =	vst v52  }
0x38b: {  	[tilespmem:s2+$0xFA30] =	vst v54;
	v56 =	vadd.f32 v56, v10;
	v53 =	vld [tilespmem:s31+$0x70]  }
0x38c: {  	v63 =	vadd.f32 v60, v37;
	[tilespmem:s2+$0xFA50] =	vst v51;
	v54 =	vld [tilespmem:s31+$0x10]  }
0x38d: {  	v60 =	vadd.f32 v59, v25;
	[tilespmem:s3+$0x10E00] =	vst v56;
	v51 =	vld [tilespmem:s31+$0x20]  }
0x38e: {  	v57 =	vadd.f32 v57, v23;
	[tilespmem:s2+$0xFA60] =	vst v63;
	v52 =	vld [tilespmem:s31+$0x30]  }
0x38f: {  	[tilespmem:s31+$0x40] =	vst v60;
	v55 =	vadd.f32 v61, v24;
	v61 =	vld [tilespmem:s2+$0xFA70]  }
0x390: {  	v63 =	vld [tilespmem:s2+$0xFE10];
	[tilespmem:s31+$0x60] =	vst v57;
	v53 =	vadd.f32 v53, v22  }
0x391: {  	v57 =	vld [tilespmem:s2+$0xFE20];
	[tilespmem:s31+$0x50] =	vst v55;
	v54 =	vadd.f32 v54, v21  }
0x392: {  	v51 =	vadd.f32 v51, v20;
	[tilespmem:s31+$0x70] =	vst v53  }
0x393: {  	v58 =	vadd.f32 v58, v47;
	v56 =	vld [tilespmem:s2+$0xFE40];
	s3 =	sadd.s32 $0x10E00, s3;
	v52 =	vadd.f32 v52, v19;
	[tilespmem:s31+$0x10] =	vst v54  }
0x394: {  	v60 =	vadd.f32 v61, v39;
	[tilespmem:s31+$0x20] =	vst v51;
	v61 =	vadd.f32 v62, v40;
	v62 =	vld [tilespmem:s3+$0x30]  }
0x395: {  	v55 =	vadd.f32 v63, v42;
	v53 =	vld [tilespmem:s2+$0xFE30];
	[tilespmem:s31+$0x30] =	vst v52  }
0x396: {  	[tilespmem:s2+$0xFE50] =	vst v58;
	v57 =	vadd.f32 v57, v44;
	v52 =	vld [tilespmem:s0+$0x10A00]  }
0x397: {  	v63 =	vld [tilespmem:s2+$0xFE60];
	[tilespmem:s2+$0xFE10] =	vst v55  }
0x398: {  	[tilespmem:s2+$0xFE20] =	vst v57  }
0x399: {  	[tilespmem:s2+$0xFA70] =	vst v60;
	v60 =	vld [tilespmem:s2+$0xFE70];
	v54 =	vadd.f32 v62, v9  }
0x39a: {  	s11 =	sadd.s32 $0x10A00, s0;
	[tilespmem:s2+$0xFE00] =	vst v61;
	v61 =	vld [tilespmem:s2+$0x10200];
	v53 =	vadd.f32 v53, v45  }
0x39b: {  	v62 =	vadd.f32 v56, v46;
	v56 =	vld [tilespmem:s11+$0x40];
	v52 =	vadd.f32 v52, v18;
	[tilespmem:s3+$0x30] =	vst v54  }
0x39c: {  	v51 =	vadd.f32 v63, v48;
	[tilespmem:s2+$0xFE30] =	vst v53;
	v53 =	vld [tilespmem:s11+$0x50]  }
0x39d: {  	v54 =	vld [tilespmem:s11+$0x60];
	[tilespmem:s0+$0x10A00] =	vst v52  }
0x39e: {  	[tilespmem:s2+$0xFE60] =	vst v51;
	v63 =	vadd.f32 v60, v49;
	v60 =	vld [tilespmem:s11+$0x70]  }
0x39f: {  	[tilespmem:s2+$0xFE40] =	vst v62;
	v61 =	vadd.f32 v61, v50;
	v62 =	vld [tilespmem:s11+$0x10]  }
0x3a0: {  	[tilespmem:s2+$0xFE70] =	vst v63;
	v55 =	vld [tilespmem:s11+$0x20];
	v56 =	vadd.f32 v56, v17  }
0x3a1: {  	[tilespmem:s2+$0x10200] =	vst v61;
	v52 =	vld [tilespmem:s11+$0x30];
	v63 =	vadd.f32 v53, v16  }
0x3a2: {  	[tilespmem:s11+$0x40] =	vst v56;
	v54 =	vadd.f32 v54, v15;
	v53 =	vld [tilespmem:s3+$0x10]  }
0x3a3: {  	v51 =	vld [tilespmem:s3+$0x20];
	[tilespmem:s11+$0x50] =	vst v63;
	v57 =	vadd.f32 v60, v14  }
0x3a4: {  	s10 =	simm.s32 $0x3;
	v56 =	vadd.f32 v62, v13;
	[tilespmem:s11+$0x60] =	vst v54;
	v54 =	vld [tilespmem:s3+$0x40]  }
.LBB2_9:
0x3a5: {  	p0 =	sne.s32 s10, $0x1F;
	s13 =	sadd.s32 $0x10200, s2;
	v55 =	vadd.f32 v55, v12;
	[tilespmem:s11+$0x70] =	vst v57;
	v57 =	vld [tilespmem:s3+$0x50]  }
0x3a6: {  	v58 =	vld [tilespmem:s13+$0x10];
	[tilespmem:s11+$0x10] =	vst v56;
	v52 =	vadd.f32 v52, v11  }
0x3a7: {  	v56 =	vld [tilespmem:s13+$0x20];
	[tilespmem:s11+$0x20] =	vst v55;
	v53 =	vadd.f32 v53, v7  }
0x3a8: {  	v55 =	vld [tilespmem:s13+$0x30];
	[tilespmem:s11+$0x30] =	vst v52;
	v51 =	vadd.f32 v51, v3  }
0x3a9: {  	v52 =	vld [tilespmem:s0+$0x10E00];
	[tilespmem:s3+$0x10] =	vst v53;
	v53 =	vadd.f32 v54, v4  }
0x3aa: {  	v54 =	vld [tilespmem:s13+$0x40];
	[tilespmem:s3+$0x20] =	vst v51;
	v51 =	vadd.f32 v57, v5  }
0x3ab: {  	s11 =	sshrl.u32 s10, $0x3;
	v57 =	vadd.f32 v58, v43;
	v58 =	vld [tilespmem:s13+$0x50];
	[tilespmem:s3+$0x40] =	vst v53  }
0x3ac: {  	s11 =	smul.u32 $0x6000, s11;
	v53 =	vadd.f32 v56, v41;
	v56 =	vld [tilespmem:s13+$0x60];
	[tilespmem:s3+$0x50] =	vst v51  }
0x3ad: {  	s6 =	sadd.s32 $0x80, s6;
	[tilespmem:s13+$0x10] =	vst v57;
	v51 =	vadd.f32 v55, v38;
	v55 =	vld [tilespmem:s13+$0x70]  }
0x3ae: {  	s15 =	sand.u32 $0x380, s6;
	s11 =	sshra.s32 s11, $0x2;
	[tilespmem:s13+$0x20] =	vst v53;
	v52 =	vadd.f32 v52, v10;
	v53 =	vld [tilespmem:s3+$0x60]  }
0x3af: {  	s11 =	sor.u32 s15, s11;
	[tilespmem:s13+$0x30] =	vst v51;
	v51 =	vadd.f32 v54, v36;
	v54 =	vld [tilespmem:s3+$0x70]  }
0x3b0: {  	s15 =	sadd.s32 $0x10E00, s0;
	v57 =	vld [tilespmem:s11+$0xFA00];
	v58 =	vadd.f32 v58, v34;
	[tilespmem:s0+$0x10E00] =	vst v52;
	s0 =	smov.u32 s2;
	s2 =	smov.u32 s11  }
0x3b1: {  	[tilespmem:s13+$0x40] =	vst v51;
	v51 =	vadd.f32 v56, v32;
	v52 =	vld [tilespmem:s15+$0x30]  }
0x3b2: {  	v56 =	vld [tilespmem:s2+$0xFA10];
	[tilespmem:s13+$0x50] =	vst v58;
	v55 =	vadd.f32 v55, v30  }
0x3b3: {  	v58 =	vld [tilespmem:s2+$0xFA20];
	[tilespmem:s13+$0x60] =	vst v51;
	v51 =	vadd.f32 v53, v6  }
0x3b4: {  	v53 =	vld [tilespmem:s2+$0xFA30];
	[tilespmem:s13+$0x70] =	vst v55;
	v54 =	vadd.f32 v54, v8  }
0x3b5: {  	v55 =	vadd.f32 v57, v27;
	v57 =	vld [tilespmem:s0+$0x10600];
	[tilespmem:s3+$0x60] =	vst v51  }
0x3b6: {  	v51 =	vld [tilespmem:s2+$0xFA40];
	v52 =	vadd.f32 v52, v9;
	[tilespmem:s3+$0x70] =	vst v54;
	s3 =	smov.u32 s15  }
0x3b7: {  	[tilespmem:s2+$0xFA00] =	vst v55;
	v54 =	vadd.f32 v56, v28;
	v55 =	vld [tilespmem:s2+$0xFA50]  }
0x3b8: {  	s11 =	sadd.s32 $0x10600, s0;
	v56 =	vadd.f32 v58, v29;
	v58 =	vld [tilespmem:s2+$0xFA60];
	[tilespmem:s3+$0x30] =	vst v52  }
0x3b9: {  	[tilespmem:s2+$0xFA10] =	vst v54;
	v52 =	vadd.f32 v53, v31;
	v53 =	vld [tilespmem:s11+$0x40]  }
0x3ba: {  	[tilespmem:s2+$0xFA20] =	vst v56;
	v54 =	vadd.f32 v57, v26;
	v56 =	vld [tilespmem:s11+$0x50]  }
0x3bb: {  	[tilespmem:s2+$0xFA30] =	vst v52;
	v51 =	vadd.f32 v51, v33;
	v52 =	vld [tilespmem:s11+$0x60]  }
0x3bc: {  	v55 =	vadd.f32 v55, v35;
	[tilespmem:s0+$0x10600] =	vst v54;
	v54 =	vld [tilespmem:s11+$0x70]  }
0x3bd: {  	[tilespmem:s2+$0xFA40] =	vst v51;
	v51 =	vadd.f32 v58, v37;
	v57 =	vld [tilespmem:s11+$0x10]  }
0x3be: {  	[tilespmem:s2+$0xFA50] =	vst v55;
	v55 =	vld [tilespmem:s11+$0x20];
	v53 =	vadd.f32 v53, v25  }
0x3bf: {  	[tilespmem:s2+$0xFA60] =	vst v51;
	v51 =	vld [tilespmem:s11+$0x30];
	v56 =	vadd.f32 v56, v24  }
0x3c0: {  	v58 =	vld [tilespmem:s2+$0xFA70];
	[tilespmem:s11+$0x40] =	vst v53;
	v52 =	vadd.f32 v52, v23  }
0x3c1: {  	v53 =	vld [tilespmem:s2+$0xFE00];
	[tilespmem:s11+$0x50] =	vst v56;
	v54 =	vadd.f32 v54, v22  }
0x3c2: {  	v56 =	vld [tilespmem:s2+$0xFE10];
	v57 =	vadd.f32 v57, v21;
	[tilespmem:s11+$0x60] =	vst v52  }
0x3c3: {  	v52 =	vld [tilespmem:s2+$0xFE20];
	v55 =	vadd.f32 v55, v20;
	[tilespmem:s11+$0x70] =	vst v54  }
0x3c4: {  	v54 =	vld [tilespmem:s2+$0xFE30];
	[tilespmem:s11+$0x10] =	vst v57;
	v51 =	vadd.f32 v51, v19  }
0x3c5: {  	v57 =	vadd.f32 v58, v39;
	v58 =	vld [tilespmem:s2+$0xFE40];
	[tilespmem:s11+$0x20] =	vst v55  }
0x3c6: {  	v53 =	vadd.f32 v53, v40;
	v55 =	vld [tilespmem:s2+$0xFE50];
	[tilespmem:s11+$0x30] =	vst v51  }
0x3c7: {  	[tilespmem:s2+$0xFA70] =	vst v57;
	v51 =	vadd.f32 v56, v42;
	v56 =	vld [tilespmem:s0+$0x10A00]  }
0x3c8: {  	[tilespmem:s2+$0xFE00] =	vst v53;
	v52 =	vadd.f32 v52, v44;
	v53 =	vld [tilespmem:s2+$0xFE60]  }
0x3c9: {  	[tilespmem:s2+$0xFE10] =	vst v51;
	v51 =	vadd.f32 v54, v45;
	v54 =	vld [tilespmem:s2+$0xFE70]  }
0x3ca: {  	s11 =	sadd.s32 $0x10A00, s0;
	[tilespmem:s2+$0xFE20] =	vst v52;
	v52 =	vadd.f32 v58, v46;
	v57 =	vld [tilespmem:s2+$0x10200]  }
0x3cb: {  	[tilespmem:s2+$0xFE30] =	vst v51;
	v51 =	vadd.f32 v55, v47;
	v58 =	vld [tilespmem:s11+$0x40]  }
0x3cc: {  	[tilespmem:s2+$0xFE40] =	vst v52;
	v52 =	vadd.f32 v56, v18;
	v56 =	vld [tilespmem:s11+$0x50]  }
0x3cd: {  	[tilespmem:s2+$0xFE50] =	vst v51;
	v51 =	vadd.f32 v53, v48;
	v53 =	vld [tilespmem:s11+$0x60]  }
0x3ce: {  	v54 =	vadd.f32 v54, v49;
	[tilespmem:s0+$0x10A00] =	vst v52;
	v59 =	vld [tilespmem:s11+$0x70]  }
0x3cf: {  	[tilespmem:s2+$0xFE60] =	vst v51;
	v51 =	vadd.f32 v57, v50;
	v60 =	vld [tilespmem:s11+$0x10]  }
.Ltmp4:
0x3d0: {  	[tilespmem:s2+$0xFE70] =	vst v54;
	v55 =	vld [tilespmem:s11+$0x20];
	v54 =	vadd.f32 v58, v17;
	(pc) =	sbr.rel @p0 .LBB2_9-.Ltmp4, $4  }
0x3d1: {  	[tilespmem:s2+$0x10200] =	vst v51;
	v52 =	vld [tilespmem:s11+$0x30];
	v51 =	vadd.f32 v56, v16  }
0x3d2: {  	[tilespmem:s11+$0x40] =	vst v54;
	v54 =	vadd.f32 v53, v15;
	v53 =	vld [tilespmem:s3+$0x10]  }
0x3d3: {  	[tilespmem:s11+$0x50] =	vst v51;
	v57 =	vadd.f32 v59, v14;
	v51 =	vld [tilespmem:s3+$0x20]  }
0x3d4: {  	s10 =	sadd.s32 $0x1, s10;
	v56 =	vadd.f32 v60, v13;
	[tilespmem:s11+$0x60] =	vst v54;
	v54 =	vld [tilespmem:s3+$0x40]  }
0x3d5: {  	s6 =	sadd.s32 $0x10200, s2  }
0x3d6: {  	v27 =	vld [tilespmem:s6+$0x10]  }
0x3d7: {  	v28 =	vld [tilespmem:s6+$0x20]  }
0x3d8: {  	v29 =	vld [tilespmem:s6+$0x30]  }
0x3d9: {  	v31 =	vld [tilespmem:s6+$0x40]  }
0x3da: {  	v33 =	vld [tilespmem:s6+$0x50]  }
0x3db: {  	v35 =	vld [tilespmem:s6+$0x60];
	v27 =	vadd.f32 v27, v43  }
0x3dc: {  	v37 =	vld [tilespmem:s6+$0x70];
	v28 =	vadd.f32 v28, v41  }
0x3dd: {  	v41 =	vadd.f32 v29, v38;
	[tilespmem:s6+$0x10] =	vst v27  }
0x3de: {  	v42 =	vadd.f32 v31, v36;
	[tilespmem:s6+$0x20] =	vst v28  }
0x3df: {  	v43 =	vadd.f32 v33, v34;
	[tilespmem:s6+$0x30] =	vst v41  }
0x3e0: {  	v44 =	vadd.f32 v35, v32;
	[tilespmem:s6+$0x40] =	vst v42  }
0x3e1: {  	v45 =	vadd.f32 v37, v30;
	[tilespmem:s6+$0x50] =	vst v43  }
0x3e2: {  	[tilespmem:s6+$0x60] =	vst v44  }
0x3e3: {  	[tilespmem:s6+$0x70] =	vst v45  }
0x3e4: {  	v27 =	vld [tilespmem:s2+$0x10600];
	_ =	sdelay $0x3  }
0x3e5: {  	s17 =	sadd.s32 $0x10600, s2  }
0x3e6: {  	v28 =	vld [tilespmem:s17+$0x40];
	v26 =	vadd.f32 v27, v26  }
0x3e7: {  	v46 =	vld [tilespmem:s17+$0x50]  }
0x3e8: {  	v47 =	vld [tilespmem:s17+$0x60];
	[tilespmem:s2+$0x10600] =	vst v26  }
0x3e9: {  	v26 =	vld [tilespmem:s17+$0x70]  }
0x3ea: {  	v48 =	vld [tilespmem:s17+$0x10]  }
0x3eb: {  	v25 =	vadd.f32 v28, v25;
	v49 =	vld [tilespmem:s17+$0x20]  }
0x3ec: {  	v24 =	vadd.f32 v46, v24;
	v50 =	vld [tilespmem:s17+$0x30]  }
0x3ed: {  	v23 =	vadd.f32 v47, v23;
	[tilespmem:s17+$0x40] =	vst v25  }
0x3ee: {  	[tilespmem:s17+$0x50] =	vst v24;
	v22 =	vadd.f32 v26, v22  }
0x3ef: {  	[tilespmem:s17+$0x60] =	vst v23;
	v21 =	vadd.f32 v48, v21  }
0x3f0: {  	v20 =	vadd.f32 v49, v20;
	[tilespmem:s17+$0x70] =	vst v22  }
0x3f1: {  	v19 =	vadd.f32 v50, v19;
	[tilespmem:s17+$0x10] =	vst v21  }
0x3f2: {  	[tilespmem:s17+$0x20] =	vst v20  }
0x3f3: {  	[tilespmem:s17+$0x30] =	vst v19  }
0x3f4: {  	v58 =	vadd.f32 v55, v12;
	[tilespmem:s11+$0x70] =	vst v57;
	v19 =	vld [tilespmem:s2+$0x10A00]  }
0x3f5: {  	[tilespmem:s11+$0x10] =	vst v56;
	v60 =	vadd.f32 v52, v11  }
0x3f6: {  	[tilespmem:s11+$0x20] =	vst v58  }
0x3f7: {  	[tilespmem:s11+$0x30] =	vst v60  }
0x3f8: {  	s18 =	sadd.s32 $0x10A00, s2;
	v34 =	vld [tilespmem:s0+$0x10E00]  }
0x3f9: {  	v23 =	vld [tilespmem:s18+$0x40];
	v18 =	vadd.f32 v19, v18  }
0x3fa: {  	v61 =	vld [tilespmem:s18+$0x50]  }
0x3fb: {  	v63 =	vld [tilespmem:s18+$0x60];
	[tilespmem:s2+$0x10A00] =	vst v18  }
0x3fc: {  	v30 =	vld [tilespmem:s18+$0x70]  }
0x3fd: {  	v37 =	vadd.f32 v34, v10;
	v31 =	vld [tilespmem:s18+$0x10]  }
0x3fe: {  	v17 =	vadd.f32 v23, v17;
	v32 =	vld [tilespmem:s18+$0x20]  }
0x3ff: {  	[tilespmem:s0+$0x10E00] =	vst v37;
	v16 =	vadd.f32 v61, v16;
	v33 =	vld [tilespmem:s18+$0x30]  }
0x400: {  	v15 =	vadd.f32 v63, v15;
	[tilespmem:s18+$0x40] =	vst v17  }
0x401: {  	[tilespmem:s18+$0x50] =	vst v16;
	v14 =	vadd.f32 v30, v14  }
0x402: {  	[tilespmem:s18+$0x60] =	vst v15;
	v13 =	vadd.f32 v31, v13  }
0x403: {  	s19 =	sadd.s32 $0x10E00, s0;
	v35 =	vadd.f32 v32, v12;
	[tilespmem:s18+$0x70] =	vst v14  }
0x404: {  	v40 =	vld [tilespmem:s19+$0x10];
	v36 =	vadd.f32 v33, v11;
	[tilespmem:s18+$0x10] =	vst v13  }
0x405: {  	v42 =	vld [tilespmem:s19+$0x40];
	[tilespmem:s18+$0x20] =	vst v35  }
0x406: {  	v62 =	vadd.f32 v53, v7;
	v43 =	vld [tilespmem:s19+$0x50];
	[tilespmem:s18+$0x30] =	vst v36  }
0x407: {  	v29 =	vadd.f32 v54, v4;
	v11 =	vld [tilespmem:s2+$0x10E00]  }
0x408: {  	[tilespmem:s3+$0x10] =	vst v62;
	v28 =	vadd.f32 v51, v3;
	v41 =	vld [tilespmem:s19+$0x20]  }
0x409: {  	v59 =	vld [tilespmem:s3+$0x50];
	[tilespmem:s3+$0x40] =	vst v29;
	v47 =	vadd.f32 v40, v7  }
0x40a: {  	[tilespmem:s3+$0x20] =	vst v28;
	v51 =	vadd.f32 v42, v4;
	v48 =	vld [tilespmem:s19+$0x70]  }
0x40b: {  	v39 =	vld [tilespmem:s3+$0x70];
	v53 =	vadd.f32 v43, v5;
	[tilespmem:s19+$0x10] =	vst v47  }
0x40c: {  	v38 =	vld [tilespmem:s3+$0x60];
	[tilespmem:s19+$0x40] =	vst v51;
	v44 =	vadd.f32 v11, v10  }
0x40d: {  	v46 =	vld [tilespmem:s19+$0x60];
	[tilespmem:s19+$0x50] =	vst v53;
	v49 =	vadd.f32 v41, v3  }
0x40e: {  	s20 =	sadd.s32 $0x10E00, s2;
	v21 =	vadd.f32 v59, v5;
	v13 =	vld [tilespmem:s19+$0x30];
	[tilespmem:s2+$0x10E00] =	vst v44  }
0x40f: {  	[tilespmem:s19+$0x20] =	vst v49;
	v56 =	vadd.f32 v48, v8;
	v50 =	vld [tilespmem:s20+$0x30]  }
0x410: {  	[tilespmem:s3+$0x50] =	vst v21;
	v12 =	vadd.f32 v39, v8;
	v52 =	vld [tilespmem:s20+$0x10]  }
0x411: {  	[tilespmem:s19+$0x70] =	vst v56;
	v14 =	vadd.f32 v38, v6;
	v54 =	vld [tilespmem:s20+$0x20]  }
0x412: {  	[tilespmem:s3+$0x70] =	vst v12;
	v12 =	vadd.f32 v46, v6;
	v55 =	vld [tilespmem:s20+$0x40]  }
0x413: {  	[tilespmem:s3+$0x60] =	vst v14;
	v45 =	vadd.f32 v13, v9;
	v57 =	vld [tilespmem:s20+$0x50]  }
0x414: {  	[tilespmem:s19+$0x60] =	vst v12;
	v59 =	vld [tilespmem:s20+$0x60];
	v58 =	vadd.f32 v50, v9  }
0x415: {  	[tilespmem:s19+$0x30] =	vst v45;
	v61 =	vld [tilespmem:s20+$0x70];
	v60 =	vadd.f32 v52, v7  }
0x416: {  	v3 =	vadd.f32 v54, v3;
	[tilespmem:s20+$0x30] =	vst v58  }
0x417: {  	v62 =	vadd.f32 v55, v4;
	[tilespmem:s20+$0x10] =	vst v60  }
0x418: {  	[tilespmem:s20+$0x20] =	vst v3;
	v3 =	vadd.f32 v57, v5  }
0x419: {  	v63 =	vadd.f32 v59, v6;
	[tilespmem:s20+$0x40] =	vst v62  }
0x41a: {  	[tilespmem:s20+$0x50] =	vst v3;
	v3 =	vadd.f32 v61, v8  }
0x41b: {  	[tilespmem:s20+$0x60] =	vst v63  }
0x41c: {  	[tilespmem:s20+$0x70] =	vst v3  }
0x41d: {  	s0 =	rddreg [dreg:$0x6]  }
0x41e: {  	[hbm4b:s0+s5] =	stream.linear.scatter [tilespmem:s14], [sflag:$0x3], $0x6000, $0x38;
	[tilespmem:$0x1BA00] =	vst v63  }
0x41f: {  	_ =	swait.ge [sflag:s29], $0x6000  }
0x420: {  	[sflag:s29] =	ssyncset.done $0x0  }
0x421: {  	[sflag:s29] =	ssyncadd.s32 $0xFFFFA000  }
0x422: {  	_ =	swait.ge [sflag:s30], $0x6000  }
0x423: {  	s21 =	rddreg [dreg:$0x8]  }
0x424: {  	s31 =	rddreg [dreg:$0x7];
	s2 =	sadd.s32 $0x1, s21  }
0x425: {  	p0 =	sne.s32 s2, s31  }
.Ltmp5:
0x426: {  	_ = 	snop;
	(pc) =	sbr.rel @p0 .LBB2_1-.Ltmp5, $3  }
0x427: {  	_ =	sdelay $0x1  }
0x428: {  	[sflag:s30] =	ssyncset.done $0x0  }
0x429: {  	[sflag:s30] =	ssyncadd.s32 $0xFFFFA000  }
0x42a: {  	_ =	sfence.sel $0x180000  }
0x42b: {  	[bflag:$0x0] =	sbarrier.arrive $0xFFFF  }
0x42c: {  	_ =	strace $0x90000047  }
0x42d: {  	s0 =	stileid.u32;
	[bflag:$0x2] =	sbarrier.arrive $0xFFFF  }
0x42e: {  	p0 =	sne.s32 s0, $0x0;
	s0 =	rddreg [dreg:$0x4]  }
0x42f: {  	s0 =	sadd.s32 @!p0 $0x100000, s0  }
0x430: {  	[sflag:s0] =	ssyncadd.tile.s32 @!p0 $0x1;
	_ =	shalt  }
.Lfunc_end2:
_tile_overlayer_lowered:
.L_overlay_start_2:
0x431: {  	(tag) =	ssettag $0x2  }
0x432: {  	s0 =	rddreg [dreg:$0x0];
	s2 =	stileid.u32  }
0x433: {  	s1 =	rddreg [dreg:$0x1];
	p0 =	sne.s32 s2, $0x0  }
0x434: {  	s3 =	rddreg [dreg:$0x2];
	[bflag:$0x3] =	sbarrier.arrive $0xFFFF;
	s2 =	simm.s32 @!p0 $0x1C06  }
0x435: {  	[timem:s3], [sflag:s2] =	dma.local @!p0 [hbm:s0], s1  }
0x436: {  	s0 =	simm.s32 @!p0 $0x6  }
0x437: {  	_ =	swait.ge @!p0 [sflag:s0], s1  }
0x438: {  	s1 =	ssub.s32 @!p0 $0x0, s1;
	[sflag:s0] =	ssyncset.done @!p0 $0x0  }
0x439: {  	[sflag:s0] =	ssyncadd.s32 @!p0 s1  }
0x43a: {  	[bflag:$0x3] =	sbarrier.arrive $0xFFFF  }
0x43b: {  	_ =	shalt  }

</sc_bundles>
